<compile_context>
chip_gen: v7x
topology: tpu7x:2x2x1
jax: 0.10.2.dev20260603
libtpu: 0.0.44.dev20260713+nightly
codegen_flags: <defaults>
</compile_context>

<pallas_src>
import functools

import jax
import jax.numpy as jnp
from jax import lax
from jax.experimental import pallas as pl
from jax.experimental.pallas import tpu as pltpu
from jax.experimental.pallas import tpu_sc as plsc

NC = 2
NS = 16
CHUNK = 128


PCH = 128
NBUF = 2


def _make_prop(n, d_half, n_chunks, n_acc, rows_out):
    mesh = plsc.VectorSubcoreMesh(core_axis_name="c", subcore_axis_name="s", num_cores=NC, num_subcores=NS)

    @functools.partial(
        pl.kernel,
        out_type=jax.ShapeDtypeStruct((2 * n, d_half), jnp.float32),
        mesh=mesh,
        scratch_types=[
            pltpu.VMEM((n_chunks // 2, PCH), jnp.int32),
            pltpu.VMEM((n_chunks // 2, PCH), jnp.int32),
            pltpu.VMEM((NBUF, PCH, d_half), jnp.float32),
            pltpu.VMEM_SHARED((n_acc, d_half), jnp.float32),
            [pltpu.SemaphoreType.DMA] * NBUF,
        ],
    )
    def prop(v_hbm, src_hbm, dst_hbm, ztile_hbm, out_hbm,
             src_v, dst_v, buf, acc, gsems):
        c = lax.axis_index("c")
        s = lax.axis_index("s")
        nh = n_chunks // 2
        n_iters = nh // NBUF

        def gather(j, b):
            pltpu.async_copy(v_hbm.at[src_v.at[j]], buf.at[b], gsems[b])

        def drain_scatter(j, b):
            pltpu.make_async_copy(v_hbm.at[src_v.at[j]], buf.at[b],
                                  gsems[b]).wait()
            pltpu.sync_copy(buf.at[b], acc.at[dst_v.at[j]], add=True)

        def body(k, carry):
            j0 = k * NBUF
            gather(j0 + NBUF - 1, NBUF - 1)
            drain_scatter(j0, 0)
            for b in range(NBUF - 1):
                @pl.when(k < n_iters - 1)
                def _(b=b):
                    gather(j0 + NBUF + b, b)
                drain_scatter(j0 + 1 + b, b + 1)
            return carry

        for h in range(2):
            pltpu.sync_copy(src_hbm.at[c, s, pl.ds(h * nh, nh)], src_v)
            pltpu.sync_copy(dst_hbm.at[s, pl.ds(h * nh, nh)], dst_v)
            if h == 0:
                for b in range(NBUF - 1):
                    gather(b, b)
                pltpu.sync_copy(ztile_hbm.at[pl.ds(0, PCH)], buf.at[1])
                zrow = pl.multiple_of(s * (n_acc // NS), 8)
                for k in range(n_acc // NS // PCH):
                    pltpu.sync_copy(buf.at[1],
                                    acc.at[pl.ds(zrow + k * PCH, PCH)])
                plsc.subcore_barrier()
            else:
                for b in range(NBUF - 1):
                    gather(b, b)
            lax.fori_loop(0, n_iters, body, 0)
        plsc.subcore_barrier()
        stripe = n_acc // NS
        last = n - (NS - 1) * stripe
        row0 = pl.multiple_of(s * stripe, 8)
        orow0 = pl.multiple_of(c * n + row0, 8)

        @pl.when(s < NS - 1)
        def _():
            pltpu.sync_copy(acc.at[pl.ds(row0, stripe)],
                            out_hbm.at[pl.ds(orow0, stripe)])

        @pl.when(s == NS - 1)
        def _():
            pltpu.sync_copy(acc.at[pl.ds(row0, last)],
                            out_hbm.at[pl.ds(orow0, last)])

    return prop


def _make_hist(n, n_chunks, n_acc):
    mesh = plsc.VectorSubcoreMesh(core_axis_name="c", subcore_axis_name="s", num_cores=NC, num_subcores=NS)

    @functools.partial(
        pl.kernel,
        out_type=jax.ShapeDtypeStruct((2, n, 128), jnp.float32),
        mesh=mesh,
        scratch_types=[
            pltpu.VMEM((n_chunks, CHUNK), jnp.int32),
            pltpu.VMEM((CHUNK, 128), jnp.float32),
            pltpu.VMEM_SHARED((n_acc, 128), jnp.float32),
            pltpu.SemaphoreType.DMA,
        ],
    )
    def hist(src_hbm, ones_hbm, ztile_hbm, out_hbm, src_v, ones_v, acc, sem):
        c = lax.axis_index("c")
        s = lax.axis_index("s")
        pltpu.sync_copy(src_hbm.at[c, s], src_v)
        zrow = pl.multiple_of(s * (n_acc // NS), 8)
        pltpu.sync_copy(ztile_hbm, ones_v)
        for k in range(n_acc // NS // CHUNK):
            pltpu.sync_copy(ones_v, acc.at[pl.ds(zrow + k * CHUNK, CHUNK)])
        pltpu.sync_copy(ones_hbm, ones_v)
        plsc.subcore_barrier()

        def body(j, carry):
            pltpu.sync_copy(ones_v, acc.at[src_v.at[j]], add=True)
            return carry

        lax.fori_loop(0, n_chunks, body, 0)
        plsc.subcore_barrier()
        stripe = n_acc // NS
        last = n - (NS - 1) * stripe
        row0 = pl.multiple_of(s * stripe, 8)

        @pl.when(s < NS - 1)
        def _():
            pltpu.sync_copy(acc.at[pl.ds(row0, stripe)],
                            out_hbm.at[c].at[pl.ds(row0, stripe)])

        @pl.when(s == NS - 1)
        def _():
            pltpu.sync_copy(acc.at[pl.ds(row0, last)],
                            out_hbm.at[c].at[pl.ds(row0, last)])

    return hist


def _k1_body(hist_ref, x_ref, dinv_ref, xs_ref):
    deg = hist_ref[0, :, 0] + hist_ref[1, :, 0]
    dinv = jnp.where(deg > 0, lax.rsqrt(deg), 0.0)[:, None]
    dinv_ref[...] = dinv
    x = x_ref[...]
    xs_ref[0] = dinv * x[:, :128]
    xs_ref[1] = dinv * x[:, 128:]


def _k2_body(g1_ref, dinv_ref, out_ref):
    dv = dinv_ref[...]
    dv2 = dv * dv
    out_ref[0] = dv2 * g1_ref[0]
    out_ref[1] = dv2 * g1_ref[1]


def _k3_body(x_ref, g1_ref, g2_ref, dinv_ref, w1_ref, b1_ref, w2_ref,
             u0m2_ref, u1d_ref, y3_ref):
    dv = dinv_ref[...]
    g1 = jnp.concatenate([g1_ref[0], g1_ref[1]], axis=1)
    g2 = jnp.concatenate([g2_ref[0], g2_ref[1]], axis=1)
    t1 = -dv * g1
    t2 = (2.0 * dv) * g2
    h = (x_ref[...] @ (w1_ref[0] - w1_ref[2])
         + t1 @ w1_ref[1]
         + t2 @ w1_ref[2]
         + b1_ref[...])
    h = jnp.maximum(h, 0.0)
    u0m2_ref[...] = h @ (w2_ref[0] - w2_ref[2])
    u1 = h @ w2_ref[1]
    u2 = h @ w2_ref[2]
    u1d_ref[0] = dv * u1[:, :128]
    u1d_ref[1] = dv * u1[:, 128:]
    y3_ref[0] = dv * u2[:, :128]
    y3_ref[1] = dv * u2[:, 128:]


def _k5_body(u1d_ref, g3_ref, dinv_ref, z_ref):
    dv = dinv_ref[...]
    dv2 = 2.0 * dv * dv
    z_ref[0] = u1d_ref[0] - dv2 * g3_ref[0]
    z_ref[1] = u1d_ref[1] - dv2 * g3_ref[1]


def _k6_body(u_ref, g4_ref, dinv_ref, b2_ref, out_ref):
    dv = dinv_ref[...]
    g4 = jnp.concatenate([g4_ref[0], g4_ref[1]], axis=1)
    o = u_ref[...] - dv * g4 + b2_ref[...]
    m = jnp.max(o, axis=1, keepdims=True)
    lse = jnp.log(jnp.sum(jnp.exp(o - m), axis=1, keepdims=True))
    out_ref[...] = o - m - lse


def kernel(x, edge_index, W1, b1, W2, b2):
    n, din = x.shape
    e = edge_index.shape[1]
    dhid = W1.shape[2]
    dout = W2.shape[2]
    dh = din // 2

    epad = NC * NS * CHUNK * (-(-e // (NC * NS * CHUNK)))
    nch = epad // (NS * CHUNK)
    nch_h = epad // (NC * NS * CHUNK)
    pad = epad - e
    src = edge_index[0]
    dst = edge_index[1]
    src_p = jnp.concatenate([src, jnp.zeros((pad,), jnp.int32)])
    dst_p = jnp.concatenate([dst, jnp.full((pad,), n, jnp.int32)])
    nchp = epad // (NS * PCH)
    src_r = src_p.reshape(NS, nchp, PCH)
    src_prop = jnp.stack([src_r, src_r + n])
    dst_prop = dst_p.reshape(NS, nchp, PCH)
    src_hist = jnp.concatenate(
        [src, jnp.full((pad,), n, jnp.int32)]).reshape(NC, NS, nch_h, CHUNK)

    n_acc = NS * CHUNK * (-(-n // (NS * CHUNK)))
    rows_out = n // NS
    ztile = jnp.zeros((CHUNK, dh), jnp.float32)
    ones_tile = jnp.ones((CHUNK, 128), jnp.float32)

    prop = _make_prop(n, dh, nchp, n_acc, rows_out)
    hist = _make_hist(n, nch_h, n_acc)

    B = 1000
    grid = (n // B,)
    f32 = jnp.float32

    spec_split = pl.BlockSpec((2, B, dh), lambda i: (0, i, 0))
    spec_rows = lambda w: pl.BlockSpec((B, w), lambda i: (i, 0))
    spec_dinv = pl.BlockSpec((B, 1), lambda i: (i, 0))
    spec_full = lambda shp: pl.BlockSpec(shp, lambda i: (0,) * len(shp))

    k1 = pl.pallas_call(
        _k1_body,
        grid=grid,
        in_specs=[pl.BlockSpec((2, B, 128), lambda i: (0, i, 0)), spec_rows(din)],
        out_specs=[spec_dinv, spec_split],
        out_shape=[jax.ShapeDtypeStruct((n, 1), f32),
                   jax.ShapeDtypeStruct((2, n, dh), f32)],
    )
    k2 = pl.pallas_call(
        _k2_body,
        grid=grid,
        in_specs=[spec_split, spec_dinv],
        out_specs=spec_split,
        out_shape=jax.ShapeDtypeStruct((2, n, dh), f32),
    )
    k3 = pl.pallas_call(
        _k3_body,
        grid=grid,
        in_specs=[spec_rows(din), spec_split, spec_split, spec_dinv,
                  spec_full((3, din, dhid)), spec_full((1, dhid)),
                  spec_full((3, dhid, dout))],
        out_specs=[spec_rows(dout), spec_split, spec_split],
        out_shape=[jax.ShapeDtypeStruct((n, dout), f32),
                   jax.ShapeDtypeStruct((2, n, dh), f32),
                   jax.ShapeDtypeStruct((2, n, dh), f32)],
    )
    k5 = pl.pallas_call(
        _k5_body,
        grid=grid,
        in_specs=[spec_split, spec_split, spec_dinv],
        out_specs=spec_split,
        out_shape=jax.ShapeDtypeStruct((2, n, dh), f32),
    )
    k6 = pl.pallas_call(
        _k6_body,
        grid=grid,
        in_specs=[spec_rows(dout), spec_split, spec_dinv, spec_full((1, dout))],
        out_specs=spec_rows(dout),
        out_shape=jax.ShapeDtypeStruct((n, dout), f32),
    )

    hist_out = hist(src_hist, ones_tile, ztile)
    dinv, xs = k1(hist_out, x)
    g1 = prop(xs.reshape(2 * n, dh), src_prop, dst_prop, ztile)
    g1 = g1.reshape(2, n, dh)
    c2 = k2(g1, dinv)
    g2 = prop(c2.reshape(2 * n, dh), src_prop, dst_prop, ztile)
    g2 = g2.reshape(2, n, dh)
    u0m2, u1d, y3 = k3(x, g1, g2, dinv, W1, b1.reshape(1, dhid), W2)
    g3 = prop(y3.reshape(2 * n, dh), src_prop, dst_prop, ztile)
    g3 = g3.reshape(2, n, dh)
    z = k5(u1d, g3, dinv)
    g4 = prop(z.reshape(2 * n, dh), src_prop, dst_prop, ztile)
    g4 = g4.reshape(2, n, dh)
    return k6(u0m2, g4, dinv, b2.reshape(1, dout))

# --- scband reference (transcript-rebuilt; emitter-appended) ---
"""Pipeline reference for scband-cheb-net-56556129354190 (READ-ONLY COPY).

The authoritative reference and input builder live on the scoring server;
editing this copy changes nothing except your own understanding.
"""

import jax, jax.numpy as jnp
import numpy as np

N_NODES = 10000
N_EDGES = 160000
D_IN = 256
D_HID = 512
D_OUT = 256
K = 3


def _cheb_conv(x, src, dst, w_norm, W, b):
    # ChebConv with sym normalization, lambda_max=2.0 => L_hat = L - I, diag = 0
    n = x.shape[0]
    Tx0 = x
    out = Tx0 @ W[0]
    Tx1 = jax.ops.segment_sum(w_norm[:, None] * Tx0[src], dst, num_segments=n)
    out = out + Tx1 @ W[1]
    Tx2 = 2.0 * jax.ops.segment_sum(w_norm[:, None] * Tx1[src], dst, num_segments=n) - Tx0
    out = out + Tx2 @ W[2]
    return out + b


def setup_inputs(seed: int = 0):
    key = jax.random.key(seed)
    ks = jax.random.split(key, 6)
    x = jax.random.normal(ks[0], (N_NODES, D_IN), dtype=jnp.float32)
    edge_index = jax.random.randint(ks[1], (2, N_EDGES), 0, N_NODES, dtype=jnp.int32)
    W1 = jax.random.normal(ks[2], (K, D_IN, D_HID), dtype=jnp.float32) * (1.0 / np.sqrt(D_IN))
    b1 = jnp.zeros((D_HID,), dtype=jnp.float32)
    W2 = jax.random.normal(ks[3], (K, D_HID, D_OUT), dtype=jnp.float32) * (1.0 / np.sqrt(D_HID))
    b2 = jnp.zeros((D_OUT,), dtype=jnp.float32)
    return {"x": x, "edge_index": edge_index, "W1": W1, "b1": b1, "W2": W2, "b2": b2}


def reference(x, edge_index, W1, b1, W2, b2):
    # eval mode: dropout is identity
    src = edge_index[0]
    dst = edge_index[1]
    n = x.shape[0]
    # get_laplacian 'sym': deg over row (=src), unit edge weights
    deg = jax.ops.segment_sum(jnp.ones((src.shape[0],), dtype=x.dtype), src, num_segments=n)
    dinv = jnp.where(deg > 0, 1.0 / jnp.sqrt(deg), 0.0)
    # scaled Laplacian off-diagonal weights (lambda_max=2 => scale=1, diag cancels to 0)
    w_norm = -dinv[src] * dinv[dst]
    h = _cheb_conv(x, src, dst, w_norm, W1, b1)
    h = jax.nn.relu(h)
    out = _cheb_conv(h, src, dst, w_norm, W2, b2)
    return jax.nn.log_softmax(out, axis=1)

if __name__ == "__main__":
    import jax
    _d = setup_inputs()
    print(jax.jit(kernel)(*tuple(_d.values())))

</pallas_src>

<mosaic_0001>
#map = affine_map<(d0, d1) -> (0, 0)>
#map1 = affine_map<(d0, d1) -> (0, 0, 0, 0)>
#map2 = affine_map<(d0, d1) -> (0, 0, 0)>
module attributes {stable_mosaic.version = 14 : i64} {
  func.func @prop(%arg0: i32, %arg1: i32, %arg2: memref<20000x128xf32, #tpu.memory_space<hbm>>, %arg3: memref<2x16x80x128xi32, #tpu.memory_space<hbm>>, %arg4: memref<16x80x128xi32, #tpu.memory_space<hbm>>, %arg5: memref<128x128xf32, #tpu.memory_space<hbm>>, %arg6: memref<20000x128xf32, #tpu.memory_space<hbm>>, %arg7: memref<40x128xi32, #tpu.memory_space<vmem>>, %arg8: memref<40x128xi32, #tpu.memory_space<vmem>>, %arg9: memref<2x128x128xf32, #tpu.memory_space<vmem>>, %arg10: memref<10240x128xf32, #tpu.memory_space<vmem_shared>>, %arg11: memref<!tpu.dma_semaphore, #tpu.memory_space<semaphore_mem>>, %arg12: memref<!tpu.dma_semaphore, #tpu.memory_space<semaphore_mem>>) attributes {dimension_semantics = [#tpu.dimension_semantics<core_parallel>, #tpu.dimension_semantics<subcore_parallel>], iteration_bounds = array<i64: 2, 16>, scalar_prefetch = 0 : i64, scratch_operands = 6 : i64, tpu.core_type = #tpu.core_type<sc_vector_subcore>, window_params = [{transform_indices = #map}, {transform_indices = #map1}, {transform_indices = #map2}, {transform_indices = #map}, {transform_indices = #map}]} {
    "tpu.region"() ({
      %run_scoped3A_63 = tpu.sem_alloc : memref<!tpu.dma_semaphore, #tpu.memory_space<semaphore_mem>>
      %dma_start3A_64 = arith.constant 0 : i32
      %dma_start3A_65 = arith.constant 0 : i32
      %dma_start3A_66 = tpu.memref_slice %arg3[%arg0, %arg1, %dma_start3A_64, %dma_start3A_65] : memref<2x16x80x128xi32, #tpu.memory_space<hbm>> -> memref<1x1x40x128xi32, #tpu.memory_space<hbm>>
      %dma_start3A_67 = tpu.memref_squeeze %dma_start3A_66 : memref<1x1x40x128xi32, #tpu.memory_space<hbm>> -> memref<40x128xi32, #tpu.memory_space<hbm>>
      %dma_start3A_68 = arith.constant 0 : i32
      %dma_start3A_69 = arith.constant 0 : i32
      %dma_start3A_70 = tpu.memref_slice %arg3[%arg0, %arg1, %dma_start3A_68, %dma_start3A_69] : memref<2x16x80x128xi32, #tpu.memory_space<hbm>> -> memref<1x1x40x128xi32, #tpu.memory_space<hbm>>
      %dma_start3A_71 = tpu.memref_squeeze %dma_start3A_70 : memref<1x1x40x128xi32, #tpu.memory_space<hbm>> -> memref<40x128xi32, #tpu.memory_space<hbm>>
      tpu.enqueue_dma source(%dma_start3A_71 : memref<40x128xi32, #tpu.memory_space<hbm>>) target(%arg7 : memref<40x128xi32, #tpu.memory_space<vmem>>) target_semaphore(%run_scoped3A_63 : memref<!tpu.dma_semaphore, #tpu.memory_space<semaphore_mem>>)
      %dma_wait3A = arith.constant 0 : i32
      %dma_wait3A_72 = arith.constant 0 : i32
      %dma_wait3A_73 = tpu.memref_slice %arg3[%arg0, %arg1, %dma_wait3A, %dma_wait3A_72] : memref<2x16x80x128xi32, #tpu.memory_space<hbm>> -> memref<1x1x40x128xi32, #tpu.memory_space<hbm>>
      %dma_wait3A_74 = tpu.memref_squeeze %dma_wait3A_73 : memref<1x1x40x128xi32, #tpu.memory_space<hbm>> -> memref<40x128xi32, #tpu.memory_space<hbm>>
      %dma_wait3A_75 = arith.constant 0 : i32
      %dma_wait3A_76 = arith.constant 0 : i32
      %dma_wait3A_77 = tpu.memref_slice %arg3[%arg0, %arg1, %dma_wait3A_75, %dma_wait3A_76] : memref<2x16x80x128xi32, #tpu.memory_space<hbm>> -> memref<1x1x40x128xi32, #tpu.memory_space<hbm>>
      %dma_wait3A_78 = tpu.memref_squeeze %dma_wait3A_77 : memref<1x1x40x128xi32, #tpu.memory_space<hbm>> -> memref<40x128xi32, #tpu.memory_space<hbm>>
      tpu.wait_dma2 semaphore(%run_scoped3A_63 : memref<!tpu.dma_semaphore, #tpu.memory_space<semaphore_mem>>) src(%dma_wait3A_78 : memref<40x128xi32, #tpu.memory_space<hbm>>) dst(%arg7 : memref<40x128xi32, #tpu.memory_space<vmem>>)
      tpu.yield
    }) : () -> ()
    "tpu.region"() ({
      %run_scoped3A_63 = tpu.sem_alloc : memref<!tpu.dma_semaphore, #tpu.memory_space<semaphore_mem>>
      %dma_start3A_64 = arith.constant 0 : i32
      %dma_start3A_65 = arith.constant 0 : i32
      %dma_start3A_66 = tpu.memref_slice %arg4[%arg1, %dma_start3A_64, %dma_start3A_65] : memref<16x80x128xi32, #tpu.memory_space<hbm>> -> memref<1x40x128xi32, #tpu.memory_space<hbm>>
      %dma_start3A_67 = tpu.memref_squeeze %dma_start3A_66 : memref<1x40x128xi32, #tpu.memory_space<hbm>> -> memref<40x128xi32, #tpu.memory_space<hbm>>
      %dma_start3A_68 = arith.constant 0 : i32
      %dma_start3A_69 = arith.constant 0 : i32
      %dma_start3A_70 = tpu.memref_slice %arg4[%arg1, %dma_start3A_68, %dma_start3A_69] : memref<16x80x128xi32, #tpu.memory_space<hbm>> -> memref<1x40x128xi32, #tpu.memory_space<hbm>>
      %dma_start3A_71 = tpu.memref_squeeze %dma_start3A_70 : memref<1x40x128xi32, #tpu.memory_space<hbm>> -> memref<40x128xi32, #tpu.memory_space<hbm>>
      tpu.enqueue_dma source(%dma_start3A_71 : memref<40x128xi32, #tpu.memory_space<hbm>>) target(%arg8 : memref<40x128xi32, #tpu.memory_space<vmem>>) target_semaphore(%run_scoped3A_63 : memref<!tpu.dma_semaphore, #tpu.memory_space<semaphore_mem>>)
      %dma_wait3A = arith.constant 0 : i32
      %dma_wait3A_72 = arith.constant 0 : i32
      %dma_wait3A_73 = tpu.memref_slice %arg4[%arg1, %dma_wait3A, %dma_wait3A_72] : memref<16x80x128xi32, #tpu.memory_space<hbm>> -> memref<1x40x128xi32, #tpu.memory_space<hbm>>
      %dma_wait3A_74 = tpu.memref_squeeze %dma_wait3A_73 : memref<1x40x128xi32, #tpu.memory_space<hbm>> -> memref<40x128xi32, #tpu.memory_space<hbm>>
      %dma_wait3A_75 = arith.constant 0 : i32
      %dma_wait3A_76 = arith.constant 0 : i32
      %dma_wait3A_77 = tpu.memref_slice %arg4[%arg1, %dma_wait3A_75, %dma_wait3A_76] : memref<16x80x128xi32, #tpu.memory_space<hbm>> -> memref<1x40x128xi32, #tpu.memory_space<hbm>>
      %dma_wait3A_78 = tpu.memref_squeeze %dma_wait3A_77 : memref<1x40x128xi32, #tpu.memory_space<hbm>> -> memref<40x128xi32, #tpu.memory_space<hbm>>
      tpu.wait_dma2 semaphore(%run_scoped3A_63 : memref<!tpu.dma_semaphore, #tpu.memory_space<semaphore_mem>>) src(%dma_wait3A_78 : memref<40x128xi32, #tpu.memory_space<hbm>>) dst(%arg8 : memref<40x128xi32, #tpu.memory_space<vmem>>)
      tpu.yield
    }) : () -> ()
    %dma_start3A = arith.constant 0 : i32
    %dma_start3A_0 = arith.constant 0 : i32
    %dma_start3A_1 = arith.constant 0 : i32
    %dma_start3A_2 = arith.constant 0 : i32
    %dma_start3A_3 = tpu.memref_slice %arg9[%dma_start3A_0, %dma_start3A_1, %dma_start3A_2] : memref<2x128x128xf32, #tpu.memory_space<vmem>> -> memref<1x128x128xf32, #tpu.memory_space<vmem>>
    %dma_start3A_4 = tpu.memref_squeeze %dma_start3A_3 : memref<1x128x128xf32, #tpu.memory_space<vmem>> -> memref<128x128xf32, #tpu.memory_space<vmem>>
    %dma_start3A_5 = arith.constant 0 : i32
    %dma_start3A_6 = tpu.memref_slice %arg7[%dma_start3A, %dma_start3A_5] : memref<40x128xi32, #tpu.memory_space<vmem>> -> memref<1x128xi32, #tpu.memory_space<vmem>>
    %dma_start3A_7 = tpu.memref_squeeze %dma_start3A_6 : memref<1x128xi32, #tpu.memory_space<vmem>> -> memref<128xi32, #tpu.memory_space<vmem>>
    %dma_start3A_8 = arith.constant 0 : i32
    %dma_start3A_9 = arith.constant 0 : i32
    %dma_start3A_10 = tpu.memref_slice %arg2[%dma_start3A_8, %dma_start3A_9] : memref<20000x128xf32, #tpu.memory_space<hbm>> -> memref<20000x128xf32, #tpu.memory_space<hbm>>
    tpu.enqueue_indirect_dma source(%dma_start3A_10 : memref<20000x128xf32, #tpu.memory_space<hbm>>) target(%dma_start3A_4 : memref<128x128xf32, #tpu.memory_space<vmem>>) offsets(%dma_start3A_7 : memref<128xi32, #tpu.memory_space<vmem>>) semaphore(%arg11 : memref<!tpu.dma_semaphore, #tpu.memory_space<semaphore_mem>>)
    %run_scoped3A = arith.constant 1 : i32
    "tpu.region"() ({
      %run_scoped3A_63 = tpu.sem_alloc : memref<!tpu.dma_semaphore, #tpu.memory_space<semaphore_mem>>
      %dma_start3A_64 = arith.constant 0 : i32
      %dma_start3A_65 = arith.constant 0 : i32
      %dma_start3A_66 = tpu.memref_slice %arg9[%run_scoped3A, %dma_start3A_64, %dma_start3A_65] : memref<2x128x128xf32, #tpu.memory_space<vmem>> -> memref<1x128x128xf32, #tpu.memory_space<vmem>>
      %dma_start3A_67 = tpu.memref_squeeze %dma_start3A_66 : memref<1x128x128xf32, #tpu.memory_space<vmem>> -> memref<128x128xf32, #tpu.memory_space<vmem>>
      %dma_start3A_68 = arith.constant 0 : i32
      %dma_start3A_69 = arith.constant 0 : i32
      %dma_start3A_70 = tpu.memref_slice %arg5[%dma_start3A_68, %dma_start3A_69] : memref<128x128xf32, #tpu.memory_space<hbm>> -> memref<128x128xf32, #tpu.memory_space<hbm>>
      %dma_start3A_71 = arith.constant 0 : i32
      %dma_start3A_72 = arith.constant 0 : i32
      %dma_start3A_73 = tpu.memref_slice %arg9[%run_scoped3A, %dma_start3A_71, %dma_start3A_72] : memref<2x128x128xf32, #tpu.memory_space<vmem>> -> memref<1x128x128xf32, #tpu.memory_space<vmem>>
      %dma_start3A_74 = tpu.memref_squeeze %dma_start3A_73 : memref<1x128x128xf32, #tpu.memory_space<vmem>> -> memref<128x128xf32, #tpu.memory_space<vmem>>
      %dma_start3A_75 = arith.constant 0 : i32
      %dma_start3A_76 = arith.constant 0 : i32
      %dma_start3A_77 = tpu.memref_slice %arg5[%dma_start3A_75, %dma_start3A_76] : memref<128x128xf32, #tpu.memory_space<hbm>> -> memref<128x128xf32, #tpu.memory_space<hbm>>
      tpu.enqueue_dma source(%dma_start3A_77 : memref<128x128xf32, #tpu.memory_space<hbm>>) target(%dma_start3A_74 : memref<128x128xf32, #tpu.memory_space<vmem>>) target_semaphore(%run_scoped3A_63 : memref<!tpu.dma_semaphore, #tpu.memory_space<semaphore_mem>>)
      %dma_wait3A = arith.constant 0 : i32
      %dma_wait3A_78 = arith.constant 0 : i32
      %dma_wait3A_79 = tpu.memref_slice %arg9[%run_scoped3A, %dma_wait3A, %dma_wait3A_78] : memref<2x128x128xf32, #tpu.memory_space<vmem>> -> memref<1x128x128xf32, #tpu.memory_space<vmem>>
      %dma_wait3A_80 = tpu.memref_squeeze %dma_wait3A_79 : memref<1x128x128xf32, #tpu.memory_space<vmem>> -> memref<128x128xf32, #tpu.memory_space<vmem>>
      %dma_wait3A_81 = arith.constant 0 : i32
      %dma_wait3A_82 = arith.constant 0 : i32
      %dma_wait3A_83 = tpu.memref_slice %arg5[%dma_wait3A_81, %dma_wait3A_82] : memref<128x128xf32, #tpu.memory_space<hbm>> -> memref<128x128xf32, #tpu.memory_space<hbm>>
      %dma_wait3A_84 = arith.constant 0 : i32
      %dma_wait3A_85 = arith.constant 0 : i32
      %dma_wait3A_86 = tpu.memref_slice %arg9[%run_scoped3A, %dma_wait3A_84, %dma_wait3A_85] : memref<2x128x128xf32, #tpu.memory_space<vmem>> -> memref<1x128x128xf32, #tpu.memory_space<vmem>>
      %dma_wait3A_87 = tpu.memref_squeeze %dma_wait3A_86 : memref<1x128x128xf32, #tpu.memory_space<vmem>> -> memref<128x128xf32, #tpu.memory_space<vmem>>
      %dma_wait3A_88 = arith.constant 0 : i32
      %dma_wait3A_89 = arith.constant 0 : i32
      %dma_wait3A_90 = tpu.memref_slice %arg5[%dma_wait3A_88, %dma_wait3A_89] : memref<128x128xf32, #tpu.memory_space<hbm>> -> memref<128x128xf32, #tpu.memory_space<hbm>>
      tpu.wait_dma2 semaphore(%run_scoped3A_63 : memref<!tpu.dma_semaphore, #tpu.memory_space<semaphore_mem>>) src(%dma_wait3A_90 : memref<128x128xf32, #tpu.memory_space<hbm>>) dst(%dma_wait3A_87 : memref<128x128xf32, #tpu.memory_space<vmem>>)
      tpu.yield
    }) : () -> ()
    %mul3A = arith.constant 640 : i32
    %mul3A_11 = arith.muli %arg1, %mul3A : i32
    %multiple_of3A = tpu.assume_multiple %mul3A_11, 8 : i32
    %add3A = arith.constant 0 : i32
    %add3A_12 = arith.addi %multiple_of3A, %add3A : i32
    %run_scoped3A_13 = arith.constant 1 : i32
    "tpu.region"() ({
      %run_scoped3A_63 = tpu.sem_alloc : memref<!tpu.dma_semaphore, #tpu.memory_space<semaphore_mem>>
      %dma_start3A_64 = arith.constant 0 : i32
      %dma_start3A_65 = arith.constant 0 : i32
      %dma_start3A_66 = tpu.memref_slice %arg9[%run_scoped3A_13, %dma_start3A_64, %dma_start3A_65] : memref<2x128x128xf32, #tpu.memory_space<vmem>> -> memref<1x128x128xf32, #tpu.memory_space<vmem>>
      %dma_start3A_67 = tpu.memref_squeeze %dma_start3A_66 : memref<1x128x128xf32, #tpu.memory_space<vmem>> -> memref<128x128xf32, #tpu.memory_space<vmem>>
      %dma_start3A_68 = arith.constant 0 : i32
      %dma_start3A_69 = tpu.memref_slice %arg10[%add3A_12, %dma_start3A_68] : memref<10240x128xf32, #tpu.memory_space<vmem_shared>> -> memref<128x128xf32, #tpu.memory_space<vmem_shared>>
      %dma_start3A_70 = arith.constant 0 : i32
      %dma_start3A_71 = tpu.memref_slice %arg10[%add3A_12, %dma_start3A_70] : memref<10240x128xf32, #tpu.memory_space<vmem_shared>> -> memref<128x128xf32, #tpu.memory_space<vmem_shared>>
      %dma_start3A_72 = arith.constant 0 : i32
      %dma_start3A_73 = arith.constant 0 : i32
      %dma_start3A_74 = tpu.memref_slice %arg9[%run_scoped3A_13, %dma_start3A_72, %dma_start3A_73] : memref<2x128x128xf32, #tpu.memory_space<vmem>> -> memref<1x128x128xf32, #tpu.memory_space<vmem>>
      %dma_start3A_75 = tpu.memref_squeeze %dma_start3A_74 : memref<1x128x128xf32, #tpu.memory_space<vmem>> -> memref<128x128xf32, #tpu.memory_space<vmem>>
      tpu.enqueue_dma source(%dma_start3A_75 : memref<128x128xf32, #tpu.memory_space<vmem>>) target(%dma_start3A_71 : memref<128x128xf32, #tpu.memory_space<vmem_shared>>) target_semaphore(%run_scoped3A_63 : memref<!tpu.dma_semaphore, #tpu.memory_space<semaphore_mem>>)
      %dma_wait3A = arith.constant 0 : i32
      %dma_wait3A_76 = arith.constant 0 : i32
      %dma_wait3A_77 = tpu.memref_slice %arg9[%run_scoped3A_13, %dma_wait3A, %dma_wait3A_76] : memref<2x128x128xf32, #tpu.memory_space<vmem>> -> memref<1x128x128xf32, #tpu.memory_space<vmem>>
      %dma_wait3A_78 = tpu.memref_squeeze %dma_wait3A_77 : memref<1x128x128xf32, #tpu.memory_space<vmem>> -> memref<128x128xf32, #tpu.memory_space<vmem>>
      %dma_wait3A_79 = arith.constant 0 : i32
      %dma_wait3A_80 = tpu.memref_slice %arg10[%add3A_12, %dma_wait3A_79] : memref<10240x128xf32, #tpu.memory_space<vmem_shared>> -> memref<128x128xf32, #tpu.memory_space<vmem_shared>>
      %dma_wait3A_81 = arith.constant 0 : i32
      %dma_wait3A_82 = tpu.memref_slice %arg10[%add3A_12, %dma_wait3A_81] : memref<10240x128xf32, #tpu.memory_space<vmem_shared>> -> memref<128x128xf32, #tpu.memory_space<vmem_shared>>
      %dma_wait3A_83 = arith.constant 0 : i32
      %dma_wait3A_84 = arith.constant 0 : i32
      %dma_wait3A_85 = tpu.memref_slice %arg9[%run_scoped3A_13, %dma_wait3A_83, %dma_wait3A_84] : memref<2x128x128xf32, #tpu.memory_space<vmem>> -> memref<1x128x128xf32, #tpu.memory_space<vmem>>
      %dma_wait3A_86 = tpu.memref_squeeze %dma_wait3A_85 : memref<1x128x128xf32, #tpu.memory_space<vmem>> -> memref<128x128xf32, #tpu.memory_space<vmem>>
      tpu.wait_dma2 semaphore(%run_scoped3A_63 : memref<!tpu.dma_semaphore, #tpu.memory_space<semaphore_mem>>) src(%dma_wait3A_86 : memref<128x128xf32, #tpu.memory_space<vmem>>) dst(%dma_wait3A_82 : memref<128x128xf32, #tpu.memory_space<vmem_shared>>)
      tpu.yield
    }) : () -> ()
    %add3A_14 = arith.constant 128 : i32
    %add3A_15 = arith.addi %multiple_of3A, %add3A_14 : i32
    %run_scoped3A_16 = arith.constant 1 : i32
    "tpu.region"() ({
      %run_scoped3A_63 = tpu.sem_alloc : memref<!tpu.dma_semaphore, #tpu.memory_space<semaphore_mem>>
      %dma_start3A_64 = arith.constant 0 : i32
      %dma_start3A_65 = arith.constant 0 : i32
      %dma_start3A_66 = tpu.memref_slice %arg9[%run_scoped3A_16, %dma_start3A_64, %dma_start3A_65] : memref<2x128x128xf32, #tpu.memory_space<vmem>> -> memref<1x128x128xf32, #tpu.memory_space<vmem>>
      %dma_start3A_67 = tpu.memref_squeeze %dma_start3A_66 : memref<1x128x128xf32, #tpu.memory_space<vmem>> -> memref<128x128xf32, #tpu.memory_space<vmem>>
      %dma_start3A_68 = arith.constant 0 : i32
      %dma_start3A_69 = tpu.memref_slice %arg10[%add3A_15, %dma_start3A_68] : memref<10240x128xf32, #tpu.memory_space<vmem_shared>> -> memref<128x128xf32, #tpu.memory_space<vmem_shared>>
      %dma_start3A_70 = arith.constant 0 : i32
      %dma_start3A_71 = tpu.memref_slice %arg10[%add3A_15, %dma_start3A_70] : memref<10240x128xf32, #tpu.memory_space<vmem_shared>> -> memref<128x128xf32, #tpu.memory_space<vmem_shared>>
      %dma_start3A_72 = arith.constant 0 : i32
      %dma_start3A_73 = arith.constant 0 : i32
      %dma_start3A_74 = tpu.memref_slice %arg9[%run_scoped3A_16, %dma_start3A_72, %dma_start3A_73] : memref<2x128x128xf32, #tpu.memory_space<vmem>> -> memref<1x128x128xf32, #tpu.memory_space<vmem>>
      %dma_start3A_75 = tpu.memref_squeeze %dma_start3A_74 : memref<1x128x128xf32, #tpu.memory_space<vmem>> -> memref<128x128xf32, #tpu.memory_space<vmem>>
      tpu.enqueue_dma source(%dma_start3A_75 : memref<128x128xf32, #tpu.memory_space<vmem>>) target(%dma_start3A_71 : memref<128x128xf32, #tpu.memory_space<vmem_shared>>) target_semaphore(%run_scoped3A_63 : memref<!tpu.dma_semaphore, #tpu.memory_space<semaphore_mem>>)
      %dma_wait3A = arith.constant 0 : i32
      %dma_wait3A_76 = arith.constant 0 : i32
      %dma_wait3A_77 = tpu.memref_slice %arg9[%run_scoped3A_16, %dma_wait3A, %dma_wait3A_76] : memref<2x128x128xf32, #tpu.memory_space<vmem>> -> memref<1x128x128xf32, #tpu.memory_space<vmem>>
      %dma_wait3A_78 = tpu.memref_squeeze %dma_wait3A_77 : memref<1x128x128xf32, #tpu.memory_space<vmem>> -> memref<128x128xf32, #tpu.memory_space<vmem>>
      %dma_wait3A_79 = arith.constant 0 : i32
      %dma_wait3A_80 = tpu.memref_slice %arg10[%add3A_15, %dma_wait3A_79] : memref<10240x128xf32, #tpu.memory_space<vmem_shared>> -> memref<128x128xf32, #tpu.memory_space<vmem_shared>>
      %dma_wait3A_81 = arith.constant 0 : i32
      %dma_wait3A_82 = tpu.memref_slice %arg10[%add3A_15, %dma_wait3A_81] : memref<10240x128xf32, #tpu.memory_space<vmem_shared>> -> memref<128x128xf32, #tpu.memory_space<vmem_shared>>
      %dma_wait3A_83 = arith.constant 0 : i32
      %dma_wait3A_84 = arith.constant 0 : i32
      %dma_wait3A_85 = tpu.memref_slice %arg9[%run_scoped3A_16, %dma_wait3A_83, %dma_wait3A_84] : memref<2x128x128xf32, #tpu.memory_space<vmem>> -> memref<1x128x128xf32, #tpu.memory_space<vmem>>
      %dma_wait3A_86 = tpu.memref_squeeze %dma_wait3A_85 : memref<1x128x128xf32, #tpu.memory_space<vmem>> -> memref<128x128xf32, #tpu.memory_space<vmem>>
      tpu.wait_dma2 semaphore(%run_scoped3A_63 : memref<!tpu.dma_semaphore, #tpu.memory_space<semaphore_mem>>) src(%dma_wait3A_86 : memref<128x128xf32, #tpu.memory_space<vmem>>) dst(%dma_wait3A_82 : memref<128x128xf32, #tpu.memory_space<vmem_shared>>)
      tpu.yield
    }) : () -> ()
    %add3A_17 = arith.constant 256 : i32
    %add3A_18 = arith.addi %multiple_of3A, %add3A_17 : i32
    %run_scoped3A_19 = arith.constant 1 : i32
    "tpu.region"() ({
      %run_scoped3A_63 = tpu.sem_alloc : memref<!tpu.dma_semaphore, #tpu.memory_space<semaphore_mem>>
      %dma_start3A_64 = arith.constant 0 : i32
      %dma_start3A_65 = arith.constant 0 : i32
      %dma_start3A_66 = tpu.memref_slice %arg9[%run_scoped3A_19, %dma_start3A_64, %dma_start3A_65] : memref<2x128x128xf32, #tpu.memory_space<vmem>> -> memref<1x128x128xf32, #tpu.memory_space<vmem>>
      %dma_start3A_67 = tpu.memref_squeeze %dma_start3A_66 : memref<1x128x128xf32, #tpu.memory_space<vmem>> -> memref<128x128xf32, #tpu.memory_space<vmem>>
      %dma_start3A_68 = arith.constant 0 : i32
      %dma_start3A_69 = tpu.memref_slice %arg10[%add3A_18, %dma_start3A_68] : memref<10240x128xf32, #tpu.memory_space<vmem_shared>> -> memref<128x128xf32, #tpu.memory_space<vmem_shared>>
      %dma_start3A_70 = arith.constant 0 : i32
      %dma_start3A_71 = tpu.memref_slice %arg10[%add3A_18, %dma_start3A_70] : memref<10240x128xf32, #tpu.memory_space<vmem_shared>> -> memref<128x128xf32, #tpu.memory_space<vmem_shared>>
      %dma_start3A_72 = arith.constant 0 : i32
      %dma_start3A_73 = arith.constant 0 : i32
      %dma_start3A_74 = tpu.memref_slice %arg9[%run_scoped3A_19, %dma_start3A_72, %dma_start3A_73] : memref<2x128x128xf32, #tpu.memory_space<vmem>> -> memref<1x128x128xf32, #tpu.memory_space<vmem>>
      %dma_start3A_75 = tpu.memref_squeeze %dma_start3A_74 : memref<1x128x128xf32, #tpu.memory_space<vmem>> -> memref<128x128xf32, #tpu.memory_space<vmem>>
      tpu.enqueue_dma source(%dma_start3A_75 : memref<128x128xf32, #tpu.memory_space<vmem>>) target(%dma_start3A_71 : memref<128x128xf32, #tpu.memory_space<vmem_shared>>) target_semaphore(%run_scoped3A_63 : memref<!tpu.dma_semaphore, #tpu.memory_space<semaphore_mem>>)
      %dma_wait3A = arith.constant 0 : i32
      %dma_wait3A_76 = arith.constant 0 : i32
      %dma_wait3A_77 = tpu.memref_slice %arg9[%run_scoped3A_19, %dma_wait3A, %dma_wait3A_76] : memref<2x128x128xf32, #tpu.memory_space<vmem>> -> memref<1x128x128xf32, #tpu.memory_space<vmem>>
      %dma_wait3A_78 = tpu.memref_squeeze %dma_wait3A_77 : memref<1x128x128xf32, #tpu.memory_space<vmem>> -> memref<128x128xf32, #tpu.memory_space<vmem>>
      %dma_wait3A_79 = arith.constant 0 : i32
      %dma_wait3A_80 = tpu.memref_slice %arg10[%add3A_18, %dma_wait3A_79] : memref<10240x128xf32, #tpu.memory_space<vmem_shared>> -> memref<128x128xf32, #tpu.memory_space<vmem_shared>>
      %dma_wait3A_81 = arith.constant 0 : i32
      %dma_wait3A_82 = tpu.memref_slice %arg10[%add3A_18, %dma_wait3A_81] : memref<10240x128xf32, #tpu.memory_space<vmem_shared>> -> memref<128x128xf32, #tpu.memory_space<vmem_shared>>
      %dma_wait3A_83 = arith.constant 0 : i32
      %dma_wait3A_84 = arith.constant 0 : i32
      %dma_wait3A_85 = tpu.memref_slice %arg9[%run_scoped3A_19, %dma_wait3A_83, %dma_wait3A_84] : memref<2x128x128xf32, #tpu.memory_space<vmem>> -> memref<1x128x128xf32, #tpu.memory_space<vmem>>
      %dma_wait3A_86 = tpu.memref_squeeze %dma_wait3A_85 : memref<1x128x128xf32, #tpu.memory_space<vmem>> -> memref<128x128xf32, #tpu.memory_space<vmem>>
      tpu.wait_dma2 semaphore(%run_scoped3A_63 : memref<!tpu.dma_semaphore, #tpu.memory_space<semaphore_mem>>) src(%dma_wait3A_86 : memref<128x128xf32, #tpu.memory_space<vmem>>) dst(%dma_wait3A_82 : memref<128x128xf32, #tpu.memory_space<vmem_shared>>)
      tpu.yield
    }) : () -> ()
    %add3A_20 = arith.constant 384 : i32
    %add3A_21 = arith.addi %multiple_of3A, %add3A_20 : i32
    %run_scoped3A_22 = arith.constant 1 : i32
    "tpu.region"() ({
      %run_scoped3A_63 = tpu.sem_alloc : memref<!tpu.dma_semaphore, #tpu.memory_space<semaphore_mem>>
      %dma_start3A_64 = arith.constant 0 : i32
      %dma_start3A_65 = arith.constant 0 : i32
      %dma_start3A_66 = tpu.memref_slice %arg9[%run_scoped3A_22, %dma_start3A_64, %dma_start3A_65] : memref<2x128x128xf32, #tpu.memory_space<vmem>> -> memref<1x128x128xf32, #tpu.memory_space<vmem>>
      %dma_start3A_67 = tpu.memref_squeeze %dma_start3A_66 : memref<1x128x128xf32, #tpu.memory_space<vmem>> -> memref<128x128xf32, #tpu.memory_space<vmem>>
      %dma_start3A_68 = arith.constant 0 : i32
      %dma_start3A_69 = tpu.memref_slice %arg10[%add3A_21, %dma_start3A_68] : memref<10240x128xf32, #tpu.memory_space<vmem_shared>> -> memref<128x128xf32, #tpu.memory_space<vmem_shared>>
      %dma_start3A_70 = arith.constant 0 : i32
      %dma_start3A_71 = tpu.memref_slice %arg10[%add3A_21, %dma_start3A_70] : memref<10240x128xf32, #tpu.memory_space<vmem_shared>> -> memref<128x128xf32, #tpu.memory_space<vmem_shared>>
      %dma_start3A_72 = arith.constant 0 : i32
      %dma_start3A_73 = arith.constant 0 : i32
      %dma_start3A_74 = tpu.memref_slice %arg9[%run_scoped3A_22, %dma_start3A_72, %dma_start3A_73] : memref<2x128x128xf32, #tpu.memory_space<vmem>> -> memref<1x128x128xf32, #tpu.memory_space<vmem>>
      %dma_start3A_75 = tpu.memref_squeeze %dma_start3A_74 : memref<1x128x128xf32, #tpu.memory_space<vmem>> -> memref<128x128xf32, #tpu.memory_space<vmem>>
      tpu.enqueue_dma source(%dma_start3A_75 : memref<128x128xf32, #tpu.memory_space<vmem>>) target(%dma_start3A_71 : memref<128x128xf32, #tpu.memory_space<vmem_shared>>) target_semaphore(%run_scoped3A_63 : memref<!tpu.dma_semaphore, #tpu.memory_space<semaphore_mem>>)
      %dma_wait3A = arith.constant 0 : i32
      %dma_wait3A_76 = arith.constant 0 : i32
      %dma_wait3A_77 = tpu.memref_slice %arg9[%run_scoped3A_22, %dma_wait3A, %dma_wait3A_76] : memref<2x128x128xf32, #tpu.memory_space<vmem>> -> memref<1x128x128xf32, #tpu.memory_space<vmem>>
      %dma_wait3A_78 = tpu.memref_squeeze %dma_wait3A_77 : memref<1x128x128xf32, #tpu.memory_space<vmem>> -> memref<128x128xf32, #tpu.memory_space<vmem>>
      %dma_wait3A_79 = arith.constant 0 : i32
      %dma_wait3A_80 = tpu.memref_slice %arg10[%add3A_21, %dma_wait3A_79] : memref<10240x128xf32, #tpu.memory_space<vmem_shared>> -> memref<128x128xf32, #tpu.memory_space<vmem_shared>>
      %dma_wait3A_81 = arith.constant 0 : i32
      %dma_wait3A_82 = tpu.memref_slice %arg10[%add3A_21, %dma_wait3A_81] : memref<10240x128xf32, #tpu.memory_space<vmem_shared>> -> memref<128x128xf32, #tpu.memory_space<vmem_shared>>
      %dma_wait3A_83 = arith.constant 0 : i32
      %dma_wait3A_84 = arith.constant 0 : i32
      %dma_wait3A_85 = tpu.memref_slice %arg9[%run_scoped3A_22, %dma_wait3A_83, %dma_wait3A_84] : memref<2x128x128xf32, #tpu.memory_space<vmem>> -> memref<1x128x128xf32, #tpu.memory_space<vmem>>
      %dma_wait3A_86 = tpu.memref_squeeze %dma_wait3A_85 : memref<1x128x128xf32, #tpu.memory_space<vmem>> -> memref<128x128xf32, #tpu.memory_space<vmem>>
      tpu.wait_dma2 semaphore(%run_scoped3A_63 : memref<!tpu.dma_semaphore, #tpu.memory_space<semaphore_mem>>) src(%dma_wait3A_86 : memref<128x128xf32, #tpu.memory_space<vmem>>) dst(%dma_wait3A_82 : memref<128x128xf32, #tpu.memory_space<vmem_shared>>)
      tpu.yield
    }) : () -> ()
    %add3A_23 = arith.constant 512 : i32
    %add3A_24 = arith.addi %multiple_of3A, %add3A_23 : i32
    %run_scoped3A_25 = arith.constant 1 : i32
    "tpu.region"() ({
      %run_scoped3A_63 = tpu.sem_alloc : memref<!tpu.dma_semaphore, #tpu.memory_space<semaphore_mem>>
      %dma_start3A_64 = arith.constant 0 : i32
      %dma_start3A_65 = arith.constant 0 : i32
      %dma_start3A_66 = tpu.memref_slice %arg9[%run_scoped3A_25, %dma_start3A_64, %dma_start3A_65] : memref<2x128x128xf32, #tpu.memory_space<vmem>> -> memref<1x128x128xf32, #tpu.memory_space<vmem>>
      %dma_start3A_67 = tpu.memref_squeeze %dma_start3A_66 : memref<1x128x128xf32, #tpu.memory_space<vmem>> -> memref<128x128xf32, #tpu.memory_space<vmem>>
      %dma_start3A_68 = arith.constant 0 : i32
      %dma_start3A_69 = tpu.memref_slice %arg10[%add3A_24, %dma_start3A_68] : memref<10240x128xf32, #tpu.memory_space<vmem_shared>> -> memref<128x128xf32, #tpu.memory_space<vmem_shared>>
      %dma_start3A_70 = arith.constant 0 : i32
      %dma_start3A_71 = tpu.memref_slice %arg10[%add3A_24, %dma_start3A_70] : memref<10240x128xf32, #tpu.memory_space<vmem_shared>> -> memref<128x128xf32, #tpu.memory_space<vmem_shared>>
      %dma_start3A_72 = arith.constant 0 : i32
      %dma_start3A_73 = arith.constant 0 : i32
      %dma_start3A_74 = tpu.memref_slice %arg9[%run_scoped3A_25, %dma_start3A_72, %dma_start3A_73] : memref<2x128x128xf32, #tpu.memory_space<vmem>> -> memref<1x128x128xf32, #tpu.memory_space<vmem>>
      %dma_start3A_75 = tpu.memref_squeeze %dma_start3A_74 : memref<1x128x128xf32, #tpu.memory_space<vmem>> -> memref<128x128xf32, #tpu.memory_space<vmem>>
      tpu.enqueue_dma source(%dma_start3A_75 : memref<128x128xf32, #tpu.memory_space<vmem>>) target(%dma_start3A_71 : memref<128x128xf32, #tpu.memory_space<vmem_shared>>) target_semaphore(%run_scoped3A_63 : memref<!tpu.dma_semaphore, #tpu.memory_space<semaphore_mem>>)
      %dma_wait3A = arith.constant 0 : i32
      %dma_wait3A_76 = arith.constant 0 : i32
      %dma_wait3A_77 = tpu.memref_slice %arg9[%run_scoped3A_25, %dma_wait3A, %dma_wait3A_76] : memref<2x128x128xf32, #tpu.memory_space<vmem>> -> memref<1x128x128xf32, #tpu.memory_space<vmem>>
      %dma_wait3A_78 = tpu.memref_squeeze %dma_wait3A_77 : memref<1x128x128xf32, #tpu.memory_space<vmem>> -> memref<128x128xf32, #tpu.memory_space<vmem>>
      %dma_wait3A_79 = arith.constant 0 : i32
      %dma_wait3A_80 = tpu.memref_slice %arg10[%add3A_24, %dma_wait3A_79] : memref<10240x128xf32, #tpu.memory_space<vmem_shared>> -> memref<128x128xf32, #tpu.memory_space<vmem_shared>>
      %dma_wait3A_81 = arith.constant 0 : i32
      %dma_wait3A_82 = tpu.memref_slice %arg10[%add3A_24, %dma_wait3A_81] : memref<10240x128xf32, #tpu.memory_space<vmem_shared>> -> memref<128x128xf32, #tpu.memory_space<vmem_shared>>
      %dma_wait3A_83 = arith.constant 0 : i32
      %dma_wait3A_84 = arith.constant 0 : i32
      %dma_wait3A_85 = tpu.memref_slice %arg9[%run_scoped3A_25, %dma_wait3A_83, %dma_wait3A_84] : memref<2x128x128xf32, #tpu.memory_space<vmem>> -> memref<1x128x128xf32, #tpu.memory_space<vmem>>
      %dma_wait3A_86 = tpu.memref_squeeze %dma_wait3A_85 : memref<1x128x128xf32, #tpu.memory_space<vmem>> -> memref<128x128xf32, #tpu.memory_space<vmem>>
      tpu.wait_dma2 semaphore(%run_scoped3A_63 : memref<!tpu.dma_semaphore, #tpu.memory_space<semaphore_mem>>) src(%dma_wait3A_86 : memref<128x128xf32, #tpu.memory_space<vmem>>) dst(%dma_wait3A_82 : memref<128x128xf32, #tpu.memory_space<vmem_shared>>)
      tpu.yield
    }) : () -> ()
    %barrier3A = arith.constant 0 : index
    tpu.barrier barrier_id(%barrier3A)
    %scan3A = arith.constant 0 : i32
    %scan3A_26 = arith.constant 0 : i32
    %scan3A_27 = arith.constant 20 : i32
    %scan3A_28 = arith.addi %scan3A_26, %scan3A_27 : i32
    %scan3A_29 = arith.constant 1 : i32
    scf.for %scan3A_63 = %scan3A_26 to %scan3A_28 step %scan3A_29  : i32 {
      %mul3A_64 = arith.constant 2 : i32
      %mul3A_65 = arith.muli %scan3A_63, %mul3A_64 : i32
      %add3A_66 = arith.constant 2 : i32
      %add3A_67 = arith.addi %mul3A_65, %add3A_66 : i32
      %sub3A = arith.constant 1 : i32
      %sub3A_68 = arith.subi %add3A_67, %sub3A : i32
      %dma_start3A_69 = arith.constant 1 : i32
      %dma_start3A_70 = arith.constant 0 : i32
      %dma_start3A_71 = arith.constant 0 : i32
      %dma_start3A_72 = tpu.memref_slice %arg9[%dma_start3A_69, %dma_start3A_70, %dma_start3A_71] : memref<2x128x128xf32, #tpu.memory_space<vmem>> -> memref<1x128x128xf32, #tpu.memory_space<vmem>>
      %dma_start3A_73 = tpu.memref_squeeze %dma_start3A_72 : memref<1x128x128xf32, #tpu.memory_space<vmem>> -> memref<128x128xf32, #tpu.memory_space<vmem>>
      %dma_start3A_74 = arith.constant 0 : i32
      %dma_start3A_75 = tpu.memref_slice %arg7[%sub3A_68, %dma_start3A_74] : memref<40x128xi32, #tpu.memory_space<vmem>> -> memref<1x128xi32, #tpu.memory_space<vmem>>
      %dma_start3A_76 = tpu.memref_squeeze %dma_start3A_75 : memref<1x128xi32, #tpu.memory_space<vmem>> -> memref<128xi32, #tpu.memory_space<vmem>>
      %dma_start3A_77 = arith.constant 0 : i32
      %dma_start3A_78 = arith.constant 0 : i32
      %dma_start3A_79 = tpu.memref_slice %arg2[%dma_start3A_77, %dma_start3A_78] : memref<20000x128xf32, #tpu.memory_space<hbm>> -> memref<20000x128xf32, #tpu.memory_space<hbm>>
      tpu.enqueue_indirect_dma source(%dma_start3A_79 : memref<20000x128xf32, #tpu.memory_space<hbm>>) target(%dma_start3A_73 : memref<128x128xf32, #tpu.memory_space<vmem>>) offsets(%dma_start3A_76 : memref<128xi32, #tpu.memory_space<vmem>>) semaphore(%arg12 : memref<!tpu.dma_semaphore, #tpu.memory_space<semaphore_mem>>)
      %dma_wait3A = arith.constant 0 : i32
      %dma_wait3A_80 = arith.constant 0 : i32
      %dma_wait3A_81 = arith.constant 0 : i32
      %dma_wait3A_82 = tpu.memref_slice %arg9[%dma_wait3A, %dma_wait3A_80, %dma_wait3A_81] : memref<2x128x128xf32, #tpu.memory_space<vmem>> -> memref<1x128x128xf32, #tpu.memory_space<vmem>>
      %dma_wait3A_83 = tpu.memref_squeeze %dma_wait3A_82 : memref<1x128x128xf32, #tpu.memory_space<vmem>> -> memref<128x128xf32, #tpu.memory_space<vmem>>
      %dma_wait3A_84 = arith.constant 0 : i32
      %dma_wait3A_85 = tpu.memref_slice %arg7[%mul3A_65, %dma_wait3A_84] : memref<40x128xi32, #tpu.memory_space<vmem>> -> memref<1x128xi32, #tpu.memory_space<vmem>>
      %dma_wait3A_86 = tpu.memref_squeeze %dma_wait3A_85 : memref<1x128xi32, #tpu.memory_space<vmem>> -> memref<128xi32, #tpu.memory_space<vmem>>
      %dma_wait3A_87 = arith.constant 0 : i32
      %dma_wait3A_88 = arith.constant 0 : i32
      %dma_wait3A_89 = tpu.memref_slice %arg2[%dma_wait3A_87, %dma_wait3A_88] : memref<20000x128xf32, #tpu.memory_space<hbm>> -> memref<20000x128xf32, #tpu.memory_space<hbm>>
      tpu.wait_indirect_dma semaphore(%arg11 : memref<!tpu.dma_semaphore, #tpu.memory_space<semaphore_mem>>) src(%dma_wait3A_89 : memref<20000x128xf32, #tpu.memory_space<hbm>>) dst(%dma_wait3A_83 : memref<128x128xf32, #tpu.memory_space<vmem>>)
      %run_scoped3A_90 = arith.constant 0 : i32
      "tpu.region"() ({
        %run_scoped3A_112 = tpu.sem_alloc : memref<!tpu.dma_semaphore, #tpu.memory_space<semaphore_mem>>
        %dma_start3A_113 = arith.constant 0 : i32
        %dma_start3A_114 = arith.constant 0 : i32
        %dma_start3A_115 = tpu.memref_slice %arg9[%run_scoped3A_90, %dma_start3A_113, %dma_start3A_114] : memref<2x128x128xf32, #tpu.memory_space<vmem>> -> memref<1x128x128xf32, #tpu.memory_space<vmem>>
        %dma_start3A_116 = tpu.memref_squeeze %dma_start3A_115 : memref<1x128x128xf32, #tpu.memory_space<vmem>> -> memref<128x128xf32, #tpu.memory_space<vmem>>
        %dma_start3A_117 = arith.constant 0 : i32
        %dma_start3A_118 = tpu.memref_slice %arg8[%mul3A_65, %dma_start3A_117] : memref<40x128xi32, #tpu.memory_space<vmem>> -> memref<1x128xi32, #tpu.memory_space<vmem>>
        %dma_start3A_119 = tpu.memref_squeeze %dma_start3A_118 : memref<1x128xi32, #tpu.memory_space<vmem>> -> memref<128xi32, #tpu.memory_space<vmem>>
        %dma_start3A_120 = arith.constant 0 : i32
        %dma_start3A_121 = arith.constant 0 : i32
        %dma_start3A_122 = tpu.memref_slice %arg10[%dma_start3A_120, %dma_start3A_121] : memref<10240x128xf32, #tpu.memory_space<vmem_shared>> -> memref<10240x128xf32, #tpu.memory_space<vmem_shared>>
        tpu.enqueue_indirect_dma source(%dma_start3A_116 : memref<128x128xf32, #tpu.memory_space<vmem>>) target(%dma_start3A_122 : memref<10240x128xf32, #tpu.memory_space<vmem_shared>>) offsets(%dma_start3A_119 : memref<128xi32, #tpu.memory_space<vmem>>) semaphore(%run_scoped3A_112 : memref<!tpu.dma_semaphore, #tpu.memory_space<semaphore_mem>>) {add = true}
        %dma_wait3A_123 = arith.constant 0 : i32
        %dma_wait3A_124 = arith.constant 0 : i32
        %dma_wait3A_125 = tpu.memref_slice %arg9[%run_scoped3A_90, %dma_wait3A_123, %dma_wait3A_124] : memref<2x128x128xf32, #tpu.memory_space<vmem>> -> memref<1x128x128xf32, #tpu.memory_space<vmem>>
        %dma_wait3A_126 = tpu.memref_squeeze %dma_wait3A_125 : memref<1x128x128xf32, #tpu.memory_space<vmem>> -> memref<128x128xf32, #tpu.memory_space<vmem>>
        %dma_wait3A_127 = arith.constant 0 : i32
        %dma_wait3A_128 = tpu.memref_slice %arg8[%mul3A_65, %dma_wait3A_127] : memref<40x128xi32, #tpu.memory_space<vmem>> -> memref<1x128xi32, #tpu.memory_space<vmem>>
        %dma_wait3A_129 = tpu.memref_squeeze %dma_wait3A_128 : memref<1x128xi32, #tpu.memory_space<vmem>> -> memref<128xi32, #tpu.memory_space<vmem>>
        %dma_wait3A_130 = arith.constant 0 : i32
        %dma_wait3A_131 = arith.constant 0 : i32
        %dma_wait3A_132 = tpu.memref_slice %arg10[%dma_wait3A_130, %dma_wait3A_131] : memref<10240x128xf32, #tpu.memory_space<vmem_shared>> -> memref<10240x128xf32, #tpu.memory_space<vmem_shared>>
        tpu.wait_indirect_dma semaphore(%run_scoped3A_112 : memref<!tpu.dma_semaphore, #tpu.memory_space<semaphore_mem>>) src(%dma_wait3A_126 : memref<128x128xf32, #tpu.memory_space<vmem>>) dst(%dma_wait3A_132 : memref<10240x128xf32, #tpu.memory_space<vmem_shared>>)
        tpu.yield
      }) : () -> ()
      %lt3A_91 = arith.constant 19 : i32
      %lt3A_92 = arith.cmpi slt, %scan3A_63, %lt3A_91 : i32
      %convert_element_type3A_93 = arith.extui %lt3A_92 : i1 to i32
      %cond3A_94 = arith.constant 0 : i32
      %cond3A_95 = arith.cmpi ne, %convert_element_type3A_93, %cond3A_94 : i32
      scf.if %cond3A_95 {
        %add3A_112 = arith.constant 2 : i32
        %add3A_113 = arith.addi %mul3A_65, %add3A_112 : i32
        %add3A_114 = arith.constant 0 : i32
        %add3A_115 = arith.addi %add3A_113, %add3A_114 : i32
        %dma_start3A_116 = arith.constant 0 : i32
        %dma_start3A_117 = arith.constant 0 : i32
        %dma_start3A_118 = arith.constant 0 : i32
        %dma_start3A_119 = tpu.memref_slice %arg9[%dma_start3A_116, %dma_start3A_117, %dma_start3A_118] : memref<2x128x128xf32, #tpu.memory_space<vmem>> -> memref<1x128x128xf32, #tpu.memory_space<vmem>>
        %dma_start3A_120 = tpu.memref_squeeze %dma_start3A_119 : memref<1x128x128xf32, #tpu.memory_space<vmem>> -> memref<128x128xf32, #tpu.memory_space<vmem>>
        %dma_start3A_121 = arith.constant 0 : i32
        %dma_start3A_122 = tpu.memref_slice %arg7[%add3A_115, %dma_start3A_121] : memref<40x128xi32, #tpu.memory_space<vmem>> -> memref<1x128xi32, #tpu.memory_space<vmem>>
        %dma_start3A_123 = tpu.memref_squeeze %dma_start3A_122 : memref<1x128xi32, #tpu.memory_space<vmem>> -> memref<128xi32, #tpu.memory_space<vmem>>
        %dma_start3A_124 = arith.constant 0 : i32
        %dma_start3A_125 = arith.constant 0 : i32
        %dma_start3A_126 = tpu.memref_slice %arg2[%dma_start3A_124, %dma_start3A_125] : memref<20000x128xf32, #tpu.memory_space<hbm>> -> memref<20000x128xf32, #tpu.memory_space<hbm>>
        tpu.enqueue_indirect_dma source(%dma_start3A_126 : memref<20000x128xf32, #tpu.memory_space<hbm>>) target(%dma_start3A_120 : memref<128x128xf32, #tpu.memory_space<vmem>>) offsets(%dma_start3A_123 : memref<128xi32, #tpu.memory_space<vmem>>) semaphore(%arg11 : memref<!tpu.dma_semaphore, #tpu.memory_space<semaphore_mem>>)
      } else {
      }
      %add3A_96 = arith.constant 1 : i32
      %add3A_97 = arith.addi %mul3A_65, %add3A_96 : i32
      %add3A_98 = arith.constant 0 : i32
      %add3A_99 = arith.addi %add3A_97, %add3A_98 : i32
      %dma_wait3A_100 = arith.constant 1 : i32
      %dma_wait3A_101 = arith.constant 0 : i32
      %dma_wait3A_102 = arith.constant 0 : i32
      %dma_wait3A_103 = tpu.memref_slice %arg9[%dma_wait3A_100, %dma_wait3A_101, %dma_wait3A_102] : memref<2x128x128xf32, #tpu.memory_space<vmem>> -> memref<1x128x128xf32, #tpu.memory_space<vmem>>
      %dma_wait3A_104 = tpu.memref_squeeze %dma_wait3A_103 : memref<1x128x128xf32, #tpu.memory_space<vmem>> -> memref<128x128xf32, #tpu.memory_space<vmem>>
      %dma_wait3A_105 = arith.constant 0 : i32
      %dma_wait3A_106 = tpu.memref_slice %arg7[%add3A_99, %dma_wait3A_105] : memref<40x128xi32, #tpu.memory_space<vmem>> -> memref<1x128xi32, #tpu.memory_space<vmem>>
      %dma_wait3A_107 = tpu.memref_squeeze %dma_wait3A_106 : memref<1x128xi32, #tpu.memory_space<vmem>> -> memref<128xi32, #tpu.memory_space<vmem>>
      %dma_wait3A_108 = arith.constant 0 : i32
      %dma_wait3A_109 = arith.constant 0 : i32
      %dma_wait3A_110 = tpu.memref_slice %arg2[%dma_wait3A_108, %dma_wait3A_109] : memref<20000x128xf32, #tpu.memory_space<hbm>> -> memref<20000x128xf32, #tpu.memory_space<hbm>>
      tpu.wait_indirect_dma semaphore(%arg12 : memref<!tpu.dma_semaphore, #tpu.memory_space<semaphore_mem>>) src(%dma_wait3A_110 : memref<20000x128xf32, #tpu.memory_space<hbm>>) dst(%dma_wait3A_104 : memref<128x128xf32, #tpu.memory_space<vmem>>)
      %run_scoped3A_111 = arith.constant 1 : i32
      "tpu.region"() ({
        %run_scoped3A_112 = tpu.sem_alloc : memref<!tpu.dma_semaphore, #tpu.memory_space<semaphore_mem>>
        %dma_start3A_113 = arith.constant 0 : i32
        %dma_start3A_114 = arith.constant 0 : i32
        %dma_start3A_115 = tpu.memref_slice %arg9[%run_scoped3A_111, %dma_start3A_113, %dma_start3A_114] : memref<2x128x128xf32, #tpu.memory_space<vmem>> -> memref<1x128x128xf32, #tpu.memory_space<vmem>>
        %dma_start3A_116 = tpu.memref_squeeze %dma_start3A_115 : memref<1x128x128xf32, #tpu.memory_space<vmem>> -> memref<128x128xf32, #tpu.memory_space<vmem>>
        %dma_start3A_117 = arith.constant 0 : i32
        %dma_start3A_118 = tpu.memref_slice %arg8[%add3A_99, %dma_start3A_117] : memref<40x128xi32, #tpu.memory_space<vmem>> -> memref<1x128xi32, #tpu.memory_space<vmem>>
        %dma_start3A_119 = tpu.memref_squeeze %dma_start3A_118 : memref<1x128xi32, #tpu.memory_space<vmem>> -> memref<128xi32, #tpu.memory_space<vmem>>
        %dma_start3A_120 = arith.constant 0 : i32
        %dma_start3A_121 = arith.constant 0 : i32
        %dma_start3A_122 = tpu.memref_slice %arg10[%dma_start3A_120, %dma_start3A_121] : memref<10240x128xf32, #tpu.memory_space<vmem_shared>> -> memref<10240x128xf32, #tpu.memory_space<vmem_shared>>
        tpu.enqueue_indirect_dma source(%dma_start3A_116 : memref<128x128xf32, #tpu.memory_space<vmem>>) target(%dma_start3A_122 : memref<10240x128xf32, #tpu.memory_space<vmem_shared>>) offsets(%dma_start3A_119 : memref<128xi32, #tpu.memory_space<vmem>>) semaphore(%run_scoped3A_112 : memref<!tpu.dma_semaphore, #tpu.memory_space<semaphore_mem>>) {add = true}
        %dma_wait3A_123 = arith.constant 0 : i32
        %dma_wait3A_124 = arith.constant 0 : i32
        %dma_wait3A_125 = tpu.memref_slice %arg9[%run_scoped3A_111, %dma_wait3A_123, %dma_wait3A_124] : memref<2x128x128xf32, #tpu.memory_space<vmem>> -> memref<1x128x128xf32, #tpu.memory_space<vmem>>
        %dma_wait3A_126 = tpu.memref_squeeze %dma_wait3A_125 : memref<1x128x128xf32, #tpu.memory_space<vmem>> -> memref<128x128xf32, #tpu.memory_space<vmem>>
        %dma_wait3A_127 = arith.constant 0 : i32
        %dma_wait3A_128 = tpu.memref_slice %arg8[%add3A_99, %dma_wait3A_127] : memref<40x128xi32, #tpu.memory_space<vmem>> -> memref<1x128xi32, #tpu.memory_space<vmem>>
        %dma_wait3A_129 = tpu.memref_squeeze %dma_wait3A_128 : memref<1x128xi32, #tpu.memory_space<vmem>> -> memref<128xi32, #tpu.memory_space<vmem>>
        %dma_wait3A_130 = arith.constant 0 : i32
        %dma_wait3A_131 = arith.constant 0 : i32
        %dma_wait3A_132 = tpu.memref_slice %arg10[%dma_wait3A_130, %dma_wait3A_131] : memref<10240x128xf32, #tpu.memory_space<vmem_shared>> -> memref<10240x128xf32, #tpu.memory_space<vmem_shared>>
        tpu.wait_indirect_dma semaphore(%run_scoped3A_112 : memref<!tpu.dma_semaphore, #tpu.memory_space<semaphore_mem>>) src(%dma_wait3A_126 : memref<128x128xf32, #tpu.memory_space<vmem>>) dst(%dma_wait3A_132 : memref<10240x128xf32, #tpu.memory_space<vmem_shared>>)
        tpu.yield
      }) : () -> ()
    }
    %scan3A_30 = arith.constant 20 : i32
    "tpu.region"() ({
      %run_scoped3A_63 = tpu.sem_alloc : memref<!tpu.dma_semaphore, #tpu.memory_space<semaphore_mem>>
      %dma_start3A_64 = arith.constant 40 : i32
      %dma_start3A_65 = arith.constant 0 : i32
      %dma_start3A_66 = tpu.memref_slice %arg3[%arg0, %arg1, %dma_start3A_64, %dma_start3A_65] : memref<2x16x80x128xi32, #tpu.memory_space<hbm>> -> memref<1x1x40x128xi32, #tpu.memory_space<hbm>>
      %dma_start3A_67 = tpu.memref_squeeze %dma_start3A_66 : memref<1x1x40x128xi32, #tpu.memory_space<hbm>> -> memref<40x128xi32, #tpu.memory_space<hbm>>
      %dma_start3A_68 = arith.constant 40 : i32
      %dma_start3A_69 = arith.constant 0 : i32
      %dma_start3A_70 = tpu.memref_slice %arg3[%arg0, %arg1, %dma_start3A_68, %dma_start3A_69] : memref<2x16x80x128xi32, #tpu.memory_space<hbm>> -> memref<1x1x40x128xi32, #tpu.memory_space<hbm>>
      %dma_start3A_71 = tpu.memref_squeeze %dma_start3A_70 : memref<1x1x40x128xi32, #tpu.memory_space<hbm>> -> memref<40x128xi32, #tpu.memory_space<hbm>>
      tpu.enqueue_dma source(%dma_start3A_71 : memref<40x128xi32, #tpu.memory_space<hbm>>) target(%arg7 : memref<40x128xi32, #tpu.memory_space<vmem>>) target_semaphore(%run_scoped3A_63 : memref<!tpu.dma_semaphore, #tpu.memory_space<semaphore_mem>>)
      %dma_wait3A = arith.constant 40 : i32
      %dma_wait3A_72 = arith.constant 0 : i32
      %dma_wait3A_73 = tpu.memref_slice %arg3[%arg0, %arg1, %dma_wait3A, %dma_wait3A_72] : memref<2x16x80x128xi32, #tpu.memory_space<hbm>> -> memref<1x1x40x128xi32, #tpu.memory_space<hbm>>
      %dma_wait3A_74 = tpu.memref_squeeze %dma_wait3A_73 : memref<1x1x40x128xi32, #tpu.memory_space<hbm>> -> memref<40x128xi32, #tpu.memory_space<hbm>>
      %dma_wait3A_75 = arith.constant 40 : i32
      %dma_wait3A_76 = arith.constant 0 : i32
      %dma_wait3A_77 = tpu.memref_slice %arg3[%arg0, %arg1, %dma_wait3A_75, %dma_wait3A_76] : memref<2x16x80x128xi32, #tpu.memory_space<hbm>> -> memref<1x1x40x128xi32, #tpu.memory_space<hbm>>
      %dma_wait3A_78 = tpu.memref_squeeze %dma_wait3A_77 : memref<1x1x40x128xi32, #tpu.memory_space<hbm>> -> memref<40x128xi32, #tpu.memory_space<hbm>>
      tpu.wait_dma2 semaphore(%run_scoped3A_63 : memref<!tpu.dma_semaphore, #tpu.memory_space<semaphore_mem>>) src(%dma_wait3A_78 : memref<40x128xi32, #tpu.memory_space<hbm>>) dst(%arg7 : memref<40x128xi32, #tpu.memory_space<vmem>>)
      tpu.yield
    }) : () -> ()
    "tpu.region"() ({
      %run_scoped3A_63 = tpu.sem_alloc : memref<!tpu.dma_semaphore, #tpu.memory_space<semaphore_mem>>
      %dma_start3A_64 = arith.constant 40 : i32
      %dma_start3A_65 = arith.constant 0 : i32
      %dma_start3A_66 = tpu.memref_slice %arg4[%arg1, %dma_start3A_64, %dma_start3A_65] : memref<16x80x128xi32, #tpu.memory_space<hbm>> -> memref<1x40x128xi32, #tpu.memory_space<hbm>>
      %dma_start3A_67 = tpu.memref_squeeze %dma_start3A_66 : memref<1x40x128xi32, #tpu.memory_space<hbm>> -> memref<40x128xi32, #tpu.memory_space<hbm>>
      %dma_start3A_68 = arith.constant 40 : i32
      %dma_start3A_69 = arith.constant 0 : i32
      %dma_start3A_70 = tpu.memref_slice %arg4[%arg1, %dma_start3A_68, %dma_start3A_69] : memref<16x80x128xi32, #tpu.memory_space<hbm>> -> memref<1x40x128xi32, #tpu.memory_space<hbm>>
      %dma_start3A_71 = tpu.memref_squeeze %dma_start3A_70 : memref<1x40x128xi32, #tpu.memory_space<hbm>> -> memref<40x128xi32, #tpu.memory_space<hbm>>
      tpu.enqueue_dma source(%dma_start3A_71 : memref<40x128xi32, #tpu.memory_space<hbm>>) target(%arg8 : memref<40x128xi32, #tpu.memory_space<vmem>>) target_semaphore(%run_scoped3A_63 : memref<!tpu.dma_semaphore, #tpu.memory_space<semaphore_mem>>)
      %dma_wait3A = arith.constant 40 : i32
      %dma_wait3A_72 = arith.constant 0 : i32
      %dma_wait3A_73 = tpu.memref_slice %arg4[%arg1, %dma_wait3A, %dma_wait3A_72] : memref<16x80x128xi32, #tpu.memory_space<hbm>> -> memref<1x40x128xi32, #tpu.memory_space<hbm>>
      %dma_wait3A_74 = tpu.memref_squeeze %dma_wait3A_73 : memref<1x40x128xi32, #tpu.memory_space<hbm>> -> memref<40x128xi32, #tpu.memory_space<hbm>>
      %dma_wait3A_75 = arith.constant 40 : i32
      %dma_wait3A_76 = arith.constant 0 : i32
      %dma_wait3A_77 = tpu.memref_slice %arg4[%arg1, %dma_wait3A_75, %dma_wait3A_76] : memref<16x80x128xi32, #tpu.memory_space<hbm>> -> memref<1x40x128xi32, #tpu.memory_space<hbm>>
      %dma_wait3A_78 = tpu.memref_squeeze %dma_wait3A_77 : memref<1x40x128xi32, #tpu.memory_space<hbm>> -> memref<40x128xi32, #tpu.memory_space<hbm>>
      tpu.wait_dma2 semaphore(%run_scoped3A_63 : memref<!tpu.dma_semaphore, #tpu.memory_space<semaphore_mem>>) src(%dma_wait3A_78 : memref<40x128xi32, #tpu.memory_space<hbm>>) dst(%arg8 : memref<40x128xi32, #tpu.memory_space<vmem>>)
      tpu.yield
    }) : () -> ()
    %dma_start3A_31 = arith.constant 0 : i32
    %dma_start3A_32 = arith.constant 0 : i32
    %dma_start3A_33 = arith.constant 0 : i32
    %dma_start3A_34 = arith.constant 0 : i32
    %dma_start3A_35 = tpu.memref_slice %arg9[%dma_start3A_32, %dma_start3A_33, %dma_start3A_34] : memref<2x128x128xf32, #tpu.memory_space<vmem>> -> memref<1x128x128xf32, #tpu.memory_space<vmem>>
    %dma_start3A_36 = tpu.memref_squeeze %dma_start3A_35 : memref<1x128x128xf32, #tpu.memory_space<vmem>> -> memref<128x128xf32, #tpu.memory_space<vmem>>
    %dma_start3A_37 = arith.constant 0 : i32
    %dma_start3A_38 = tpu.memref_slice %arg7[%dma_start3A_31, %dma_start3A_37] : memref<40x128xi32, #tpu.memory_space<vmem>> -> memref<1x128xi32, #tpu.memory_space<vmem>>
    %dma_start3A_39 = tpu.memref_squeeze %dma_start3A_38 : memref<1x128xi32, #tpu.memory_space<vmem>> -> memref<128xi32, #tpu.memory_space<vmem>>
    %dma_start3A_40 = arith.constant 0 : i32
    %dma_start3A_41 = arith.constant 0 : i32
    %dma_start3A_42 = tpu.memref_slice %arg2[%dma_start3A_40, %dma_start3A_41] : memref<20000x128xf32, #tpu.memory_space<hbm>> -> memref<20000x128xf32, #tpu.memory_space<hbm>>
    tpu.enqueue_indirect_dma source(%dma_start3A_42 : memref<20000x128xf32, #tpu.memory_space<hbm>>) target(%dma_start3A_36 : memref<128x128xf32, #tpu.memory_space<vmem>>) offsets(%dma_start3A_39 : memref<128xi32, #tpu.memory_space<vmem>>) semaphore(%arg11 : memref<!tpu.dma_semaphore, #tpu.memory_space<semaphore_mem>>)
    %scan3A_43 = arith.constant 0 : i32
    %scan3A_44 = arith.constant 0 : i32
    %scan3A_45 = arith.constant 20 : i32
    %scan3A_46 = arith.addi %scan3A_44, %scan3A_45 : i32
    %scan3A_47 = arith.constant 1 : i32
    scf.for %scan3A_63 = %scan3A_44 to %scan3A_46 step %scan3A_47  : i32 {
      %mul3A_64 = arith.constant 2 : i32
      %mul3A_65 = arith.muli %scan3A_63, %mul3A_64 : i32
      %add3A_66 = arith.constant 2 : i32
      %add3A_67 = arith.addi %mul3A_65, %add3A_66 : i32
      %sub3A = arith.constant 1 : i32
      %sub3A_68 = arith.subi %add3A_67, %sub3A : i32
      %dma_start3A_69 = arith.constant 1 : i32
      %dma_start3A_70 = arith.constant 0 : i32
      %dma_start3A_71 = arith.constant 0 : i32
      %dma_start3A_72 = tpu.memref_slice %arg9[%dma_start3A_69, %dma_start3A_70, %dma_start3A_71] : memref<2x128x128xf32, #tpu.memory_space<vmem>> -> memref<1x128x128xf32, #tpu.memory_space<vmem>>
      %dma_start3A_73 = tpu.memref_squeeze %dma_start3A_72 : memref<1x128x128xf32, #tpu.memory_space<vmem>> -> memref<128x128xf32, #tpu.memory_space<vmem>>
      %dma_start3A_74 = arith.constant 0 : i32
      %dma_start3A_75 = tpu.memref_slice %arg7[%sub3A_68, %dma_start3A_74] : memref<40x128xi32, #tpu.memory_space<vmem>> -> memref<1x128xi32, #tpu.memory_space<vmem>>
      %dma_start3A_76 = tpu.memref_squeeze %dma_start3A_75 : memref<1x128xi32, #tpu.memory_space<vmem>> -> memref<128xi32, #tpu.memory_space<vmem>>
      %dma_start3A_77 = arith.constant 0 : i32
      %dma_start3A_78 = arith.constant 0 : i32
      %dma_start3A_79 = tpu.memref_slice %arg2[%dma_start3A_77, %dma_start3A_78] : memref<20000x128xf32, #tpu.memory_space<hbm>> -> memref<20000x128xf32, #tpu.memory_space<hbm>>
      tpu.enqueue_indirect_dma source(%dma_start3A_79 : memref<20000x128xf32, #tpu.memory_space<hbm>>) target(%dma_start3A_73 : memref<128x128xf32, #tpu.memory_space<vmem>>) offsets(%dma_start3A_76 : memref<128xi32, #tpu.memory_space<vmem>>) semaphore(%arg12 : memref<!tpu.dma_semaphore, #tpu.memory_space<semaphore_mem>>)
      %dma_wait3A = arith.constant 0 : i32
      %dma_wait3A_80 = arith.constant 0 : i32
      %dma_wait3A_81 = arith.constant 0 : i32
      %dma_wait3A_82 = tpu.memref_slice %arg9[%dma_wait3A, %dma_wait3A_80, %dma_wait3A_81] : memref<2x128x128xf32, #tpu.memory_space<vmem>> -> memref<1x128x128xf32, #tpu.memory_space<vmem>>
      %dma_wait3A_83 = tpu.memref_squeeze %dma_wait3A_82 : memref<1x128x128xf32, #tpu.memory_space<vmem>> -> memref<128x128xf32, #tpu.memory_space<vmem>>
      %dma_wait3A_84 = arith.constant 0 : i32
      %dma_wait3A_85 = tpu.memref_slice %arg7[%mul3A_65, %dma_wait3A_84] : memref<40x128xi32, #tpu.memory_space<vmem>> -> memref<1x128xi32, #tpu.memory_space<vmem>>
      %dma_wait3A_86 = tpu.memref_squeeze %dma_wait3A_85 : memref<1x128xi32, #tpu.memory_space<vmem>> -> memref<128xi32, #tpu.memory_space<vmem>>
      %dma_wait3A_87 = arith.constant 0 : i32
      %dma_wait3A_88 = arith.constant 0 : i32
      %dma_wait3A_89 = tpu.memref_slice %arg2[%dma_wait3A_87, %dma_wait3A_88] : memref<20000x128xf32, #tpu.memory_space<hbm>> -> memref<20000x128xf32, #tpu.memory_space<hbm>>
      tpu.wait_indirect_dma semaphore(%arg11 : memref<!tpu.dma_semaphore, #tpu.memory_space<semaphore_mem>>) src(%dma_wait3A_89 : memref<20000x128xf32, #tpu.memory_space<hbm>>) dst(%dma_wait3A_83 : memref<128x128xf32, #tpu.memory_space<vmem>>)
      %run_scoped3A_90 = arith.constant 0 : i32
      "tpu.region"() ({
        %run_scoped3A_112 = tpu.sem_alloc : memref<!tpu.dma_semaphore, #tpu.memory_space<semaphore_mem>>
        %dma_start3A_113 = arith.constant 0 : i32
        %dma_start3A_114 = arith.constant 0 : i32
        %dma_start3A_115 = tpu.memref_slice %arg9[%run_scoped3A_90, %dma_start3A_113, %dma_start3A_114] : memref<2x128x128xf32, #tpu.memory_space<vmem>> -> memref<1x128x128xf32, #tpu.memory_space<vmem>>
        %dma_start3A_116 = tpu.memref_squeeze %dma_start3A_115 : memref<1x128x128xf32, #tpu.memory_space<vmem>> -> memref<128x128xf32, #tpu.memory_space<vmem>>
        %dma_start3A_117 = arith.constant 0 : i32
        %dma_start3A_118 = tpu.memref_slice %arg8[%mul3A_65, %dma_start3A_117] : memref<40x128xi32, #tpu.memory_space<vmem>> -> memref<1x128xi32, #tpu.memory_space<vmem>>
        %dma_start3A_119 = tpu.memref_squeeze %dma_start3A_118 : memref<1x128xi32, #tpu.memory_space<vmem>> -> memref<128xi32, #tpu.memory_space<vmem>>
        %dma_start3A_120 = arith.constant 0 : i32
        %dma_start3A_121 = arith.constant 0 : i32
        %dma_start3A_122 = tpu.memref_slice %arg10[%dma_start3A_120, %dma_start3A_121] : memref<10240x128xf32, #tpu.memory_space<vmem_shared>> -> memref<10240x128xf32, #tpu.memory_space<vmem_shared>>
        tpu.enqueue_indirect_dma source(%dma_start3A_116 : memref<128x128xf32, #tpu.memory_space<vmem>>) target(%dma_start3A_122 : memref<10240x128xf32, #tpu.memory_space<vmem_shared>>) offsets(%dma_start3A_119 : memref<128xi32, #tpu.memory_space<vmem>>) semaphore(%run_scoped3A_112 : memref<!tpu.dma_semaphore, #tpu.memory_space<semaphore_mem>>) {add = true}
        %dma_wait3A_123 = arith.constant 0 : i32
        %dma_wait3A_124 = arith.constant 0 : i32
        %dma_wait3A_125 = tpu.memref_slice %arg9[%run_scoped3A_90, %dma_wait3A_123, %dma_wait3A_124] : memref<2x128x128xf32, #tpu.memory_space<vmem>> -> memref<1x128x128xf32, #tpu.memory_space<vmem>>
        %dma_wait3A_126 = tpu.memref_squeeze %dma_wait3A_125 : memref<1x128x128xf32, #tpu.memory_space<vmem>> -> memref<128x128xf32, #tpu.memory_space<vmem>>
        %dma_wait3A_127 = arith.constant 0 : i32
        %dma_wait3A_128 = tpu.memref_slice %arg8[%mul3A_65, %dma_wait3A_127] : memref<40x128xi32, #tpu.memory_space<vmem>> -> memref<1x128xi32, #tpu.memory_space<vmem>>
        %dma_wait3A_129 = tpu.memref_squeeze %dma_wait3A_128 : memref<1x128xi32, #tpu.memory_space<vmem>> -> memref<128xi32, #tpu.memory_space<vmem>>
        %dma_wait3A_130 = arith.constant 0 : i32
        %dma_wait3A_131 = arith.constant 0 : i32
        %dma_wait3A_132 = tpu.memref_slice %arg10[%dma_wait3A_130, %dma_wait3A_131] : memref<10240x128xf32, #tpu.memory_space<vmem_shared>> -> memref<10240x128xf32, #tpu.memory_space<vmem_shared>>
        tpu.wait_indirect_dma semaphore(%run_scoped3A_112 : memref<!tpu.dma_semaphore, #tpu.memory_space<semaphore_mem>>) src(%dma_wait3A_126 : memref<128x128xf32, #tpu.memory_space<vmem>>) dst(%dma_wait3A_132 : memref<10240x128xf32, #tpu.memory_space<vmem_shared>>)
        tpu.yield
      }) : () -> ()
      %lt3A_91 = arith.constant 19 : i32
      %lt3A_92 = arith.cmpi slt, %scan3A_63, %lt3A_91 : i32
      %convert_element_type3A_93 = arith.extui %lt3A_92 : i1 to i32
      %cond3A_94 = arith.constant 0 : i32
      %cond3A_95 = arith.cmpi ne, %convert_element_type3A_93, %cond3A_94 : i32
      scf.if %cond3A_95 {
        %add3A_112 = arith.constant 2 : i32
        %add3A_113 = arith.addi %mul3A_65, %add3A_112 : i32
        %add3A_114 = arith.constant 0 : i32
        %add3A_115 = arith.addi %add3A_113, %add3A_114 : i32
        %dma_start3A_116 = arith.constant 0 : i32
        %dma_start3A_117 = arith.constant 0 : i32
        %dma_start3A_118 = arith.constant 0 : i32
        %dma_start3A_119 = tpu.memref_slice %arg9[%dma_start3A_116, %dma_start3A_117, %dma_start3A_118] : memref<2x128x128xf32, #tpu.memory_space<vmem>> -> memref<1x128x128xf32, #tpu.memory_space<vmem>>
        %dma_start3A_120 = tpu.memref_squeeze %dma_start3A_119 : memref<1x128x128xf32, #tpu.memory_space<vmem>> -> memref<128x128xf32, #tpu.memory_space<vmem>>
        %dma_start3A_121 = arith.constant 0 : i32
        %dma_start3A_122 = tpu.memref_slice %arg7[%add3A_115, %dma_start3A_121] : memref<40x128xi32, #tpu.memory_space<vmem>> -> memref<1x128xi32, #tpu.memory_space<vmem>>
        %dma_start3A_123 = tpu.memref_squeeze %dma_start3A_122 : memref<1x128xi32, #tpu.memory_space<vmem>> -> memref<128xi32, #tpu.memory_space<vmem>>
        %dma_start3A_124 = arith.constant 0 : i32
        %dma_start3A_125 = arith.constant 0 : i32
        %dma_start3A_126 = tpu.memref_slice %arg2[%dma_start3A_124, %dma_start3A_125] : memref<20000x128xf32, #tpu.memory_space<hbm>> -> memref<20000x128xf32, #tpu.memory_space<hbm>>
        tpu.enqueue_indirect_dma source(%dma_start3A_126 : memref<20000x128xf32, #tpu.memory_space<hbm>>) target(%dma_start3A_120 : memref<128x128xf32, #tpu.memory_space<vmem>>) offsets(%dma_start3A_123 : memref<128xi32, #tpu.memory_space<vmem>>) semaphore(%arg11 : memref<!tpu.dma_semaphore, #tpu.memory_space<semaphore_mem>>)
      } else {
      }
      %add3A_96 = arith.constant 1 : i32
      %add3A_97 = arith.addi %mul3A_65, %add3A_96 : i32
      %add3A_98 = arith.constant 0 : i32
      %add3A_99 = arith.addi %add3A_97, %add3A_98 : i32
      %dma_wait3A_100 = arith.constant 1 : i32
      %dma_wait3A_101 = arith.constant 0 : i32
      %dma_wait3A_102 = arith.constant 0 : i32
      %dma_wait3A_103 = tpu.memref_slice %arg9[%dma_wait3A_100, %dma_wait3A_101, %dma_wait3A_102] : memref<2x128x128xf32, #tpu.memory_space<vmem>> -> memref<1x128x128xf32, #tpu.memory_space<vmem>>
      %dma_wait3A_104 = tpu.memref_squeeze %dma_wait3A_103 : memref<1x128x128xf32, #tpu.memory_space<vmem>> -> memref<128x128xf32, #tpu.memory_space<vmem>>
      %dma_wait3A_105 = arith.constant 0 : i32
      %dma_wait3A_106 = tpu.memref_slice %arg7[%add3A_99, %dma_wait3A_105] : memref<40x128xi32, #tpu.memory_space<vmem>> -> memref<1x128xi32, #tpu.memory_space<vmem>>
      %dma_wait3A_107 = tpu.memref_squeeze %dma_wait3A_106 : memref<1x128xi32, #tpu.memory_space<vmem>> -> memref<128xi32, #tpu.memory_space<vmem>>
      %dma_wait3A_108 = arith.constant 0 : i32
      %dma_wait3A_109 = arith.constant 0 : i32
      %dma_wait3A_110 = tpu.memref_slice %arg2[%dma_wait3A_108, %dma_wait3A_109] : memref<20000x128xf32, #tpu.memory_space<hbm>> -> memref<20000x128xf32, #tpu.memory_space<hbm>>
      tpu.wait_indirect_dma semaphore(%arg12 : memref<!tpu.dma_semaphore, #tpu.memory_space<semaphore_mem>>) src(%dma_wait3A_110 : memref<20000x128xf32, #tpu.memory_space<hbm>>) dst(%dma_wait3A_104 : memref<128x128xf32, #tpu.memory_space<vmem>>)
      %run_scoped3A_111 = arith.constant 1 : i32
      "tpu.region"() ({
        %run_scoped3A_112 = tpu.sem_alloc : memref<!tpu.dma_semaphore, #tpu.memory_space<semaphore_mem>>
        %dma_start3A_113 = arith.constant 0 : i32
        %dma_start3A_114 = arith.constant 0 : i32
        %dma_start3A_115 = tpu.memref_slice %arg9[%run_scoped3A_111, %dma_start3A_113, %dma_start3A_114] : memref<2x128x128xf32, #tpu.memory_space<vmem>> -> memref<1x128x128xf32, #tpu.memory_space<vmem>>
        %dma_start3A_116 = tpu.memref_squeeze %dma_start3A_115 : memref<1x128x128xf32, #tpu.memory_space<vmem>> -> memref<128x128xf32, #tpu.memory_space<vmem>>
        %dma_start3A_117 = arith.constant 0 : i32
        %dma_start3A_118 = tpu.memref_slice %arg8[%add3A_99, %dma_start3A_117] : memref<40x128xi32, #tpu.memory_space<vmem>> -> memref<1x128xi32, #tpu.memory_space<vmem>>
        %dma_start3A_119 = tpu.memref_squeeze %dma_start3A_118 : memref<1x128xi32, #tpu.memory_space<vmem>> -> memref<128xi32, #tpu.memory_space<vmem>>
        %dma_start3A_120 = arith.constant 0 : i32
        %dma_start3A_121 = arith.constant 0 : i32
        %dma_start3A_122 = tpu.memref_slice %arg10[%dma_start3A_120, %dma_start3A_121] : memref<10240x128xf32, #tpu.memory_space<vmem_shared>> -> memref<10240x128xf32, #tpu.memory_space<vmem_shared>>
        tpu.enqueue_indirect_dma source(%dma_start3A_116 : memref<128x128xf32, #tpu.memory_space<vmem>>) target(%dma_start3A_122 : memref<10240x128xf32, #tpu.memory_space<vmem_shared>>) offsets(%dma_start3A_119 : memref<128xi32, #tpu.memory_space<vmem>>) semaphore(%run_scoped3A_112 : memref<!tpu.dma_semaphore, #tpu.memory_space<semaphore_mem>>) {add = true}
        %dma_wait3A_123 = arith.constant 0 : i32
        %dma_wait3A_124 = arith.constant 0 : i32
        %dma_wait3A_125 = tpu.memref_slice %arg9[%run_scoped3A_111, %dma_wait3A_123, %dma_wait3A_124] : memref<2x128x128xf32, #tpu.memory_space<vmem>> -> memref<1x128x128xf32, #tpu.memory_space<vmem>>
        %dma_wait3A_126 = tpu.memref_squeeze %dma_wait3A_125 : memref<1x128x128xf32, #tpu.memory_space<vmem>> -> memref<128x128xf32, #tpu.memory_space<vmem>>
        %dma_wait3A_127 = arith.constant 0 : i32
        %dma_wait3A_128 = tpu.memref_slice %arg8[%add3A_99, %dma_wait3A_127] : memref<40x128xi32, #tpu.memory_space<vmem>> -> memref<1x128xi32, #tpu.memory_space<vmem>>
        %dma_wait3A_129 = tpu.memref_squeeze %dma_wait3A_128 : memref<1x128xi32, #tpu.memory_space<vmem>> -> memref<128xi32, #tpu.memory_space<vmem>>
        %dma_wait3A_130 = arith.constant 0 : i32
        %dma_wait3A_131 = arith.constant 0 : i32
        %dma_wait3A_132 = tpu.memref_slice %arg10[%dma_wait3A_130, %dma_wait3A_131] : memref<10240x128xf32, #tpu.memory_space<vmem_shared>> -> memref<10240x128xf32, #tpu.memory_space<vmem_shared>>
        tpu.wait_indirect_dma semaphore(%run_scoped3A_112 : memref<!tpu.dma_semaphore, #tpu.memory_space<semaphore_mem>>) src(%dma_wait3A_126 : memref<128x128xf32, #tpu.memory_space<vmem>>) dst(%dma_wait3A_132 : memref<10240x128xf32, #tpu.memory_space<vmem_shared>>)
        tpu.yield
      }) : () -> ()
    }
    %scan3A_48 = arith.constant 20 : i32
    %barrier3A_49 = arith.constant 0 : index
    tpu.barrier barrier_id(%barrier3A_49)
    %mul3A_50 = arith.constant 640 : i32
    %mul3A_51 = arith.muli %arg1, %mul3A_50 : i32
    %multiple_of3A_52 = tpu.assume_multiple %mul3A_51, 8 : i32
    %mul3A_53 = arith.constant 10000 : i32
    %mul3A_54 = arith.muli %arg0, %mul3A_53 : i32
    %add3A_55 = arith.addi %mul3A_54, %multiple_of3A_52 : i32
    %multiple_of3A_56 = tpu.assume_multiple %add3A_55, 8 : i32
    %lt3A = arith.constant 15 : i32
    %lt3A_57 = arith.cmpi slt, %arg1, %lt3A : i32
    %convert_element_type3A = arith.extui %lt3A_57 : i1 to i32
    %cond3A = arith.constant 0 : i32
    %cond3A_58 = arith.cmpi ne, %convert_element_type3A, %cond3A : i32
    scf.if %cond3A_58 {
      "tpu.region"() ({
        %run_scoped3A_63 = tpu.sem_alloc : memref<!tpu.dma_semaphore, #tpu.memory_space<semaphore_mem>>
        %dma_start3A_64 = arith.constant 0 : i32
        %dma_start3A_65 = tpu.memref_slice %arg6[%multiple_of3A_56, %dma_start3A_64] : memref<20000x128xf32, #tpu.memory_space<hbm>> -> memref<640x128xf32, #tpu.memory_space<hbm>>
        %dma_start3A_66 = arith.constant 0 : i32
        %dma_start3A_67 = tpu.memref_slice %arg10[%multiple_of3A_52, %dma_start3A_66] : memref<10240x128xf32, #tpu.memory_space<vmem_shared>> -> memref<640x128xf32, #tpu.memory_space<vmem_shared>>
        tpu.enqueue_dma source(%dma_start3A_67 : memref<640x128xf32, #tpu.memory_space<vmem_shared>>) target(%dma_start3A_65 : memref<640x128xf32, #tpu.memory_space<hbm>>) target_semaphore(%run_scoped3A_63 : memref<!tpu.dma_semaphore, #tpu.memory_space<semaphore_mem>>)
        %dma_wait3A = arith.constant 0 : i32
        %dma_wait3A_68 = tpu.memref_slice %arg6[%multiple_of3A_56, %dma_wait3A] : memref<20000x128xf32, #tpu.memory_space<hbm>> -> memref<640x128xf32, #tpu.memory_space<hbm>>
        %dma_wait3A_69 = arith.constant 0 : i32
        %dma_wait3A_70 = tpu.memref_slice %arg10[%multiple_of3A_52, %dma_wait3A_69] : memref<10240x128xf32, #tpu.memory_space<vmem_shared>> -> memref<640x128xf32, #tpu.memory_space<vmem_shared>>
        tpu.wait_dma2 semaphore(%run_scoped3A_63 : memref<!tpu.dma_semaphore, #tpu.memory_space<semaphore_mem>>) src(%dma_wait3A_70 : memref<640x128xf32, #tpu.memory_space<vmem_shared>>) dst(%dma_wait3A_68 : memref<640x128xf32, #tpu.memory_space<hbm>>)
        tpu.yield
      }) : () -> ()
    } else {
    }
    %eq3A = arith.constant 15 : i32
    %eq3A_59 = arith.cmpi eq, %arg1, %eq3A : i32
    %convert_element_type3A_60 = arith.extui %eq3A_59 : i1 to i32
    %cond3A_61 = arith.constant 0 : i32
    %cond3A_62 = arith.cmpi ne, %convert_element_type3A_60, %cond3A_61 : i32
    scf.if %cond3A_62 {
      "tpu.region"() ({
        %run_scoped3A_63 = tpu.sem_alloc : memref<!tpu.dma_semaphore, #tpu.memory_space<semaphore_mem>>
        %dma_start3A_64 = arith.constant 0 : i32
        %dma_start3A_65 = tpu.memref_slice %arg6[%multiple_of3A_56, %dma_start3A_64] : memref<20000x128xf32, #tpu.memory_space<hbm>> -> memref<400x128xf32, #tpu.memory_space<hbm>>
        %dma_start3A_66 = arith.constant 0 : i32
        %dma_start3A_67 = tpu.memref_slice %arg10[%multiple_of3A_52, %dma_start3A_66] : memref<10240x128xf32, #tpu.memory_space<vmem_shared>> -> memref<400x128xf32, #tpu.memory_space<vmem_shared>>
        tpu.enqueue_dma source(%dma_start3A_67 : memref<400x128xf32, #tpu.memory_space<vmem_shared>>) target(%dma_start3A_65 : memref<400x128xf32, #tpu.memory_space<hbm>>) target_semaphore(%run_scoped3A_63 : memref<!tpu.dma_semaphore, #tpu.memory_space<semaphore_mem>>)
        %dma_wait3A = arith.constant 0 : i32
        %dma_wait3A_68 = tpu.memref_slice %arg6[%multiple_of3A_56, %dma_wait3A] : memref<20000x128xf32, #tpu.memory_space<hbm>> -> memref<400x128xf32, #tpu.memory_space<hbm>>
        %dma_wait3A_69 = arith.constant 0 : i32
        %dma_wait3A_70 = tpu.memref_slice %arg10[%multiple_of3A_52, %dma_wait3A_69] : memref<10240x128xf32, #tpu.memory_space<vmem_shared>> -> memref<400x128xf32, #tpu.memory_space<vmem_shared>>
        tpu.wait_dma2 semaphore(%run_scoped3A_63 : memref<!tpu.dma_semaphore, #tpu.memory_space<semaphore_mem>>) src(%dma_wait3A_70 : memref<400x128xf32, #tpu.memory_space<vmem_shared>>) dst(%dma_wait3A_68 : memref<400x128xf32, #tpu.memory_space<hbm>>)
        tpu.yield
      }) : () -> ()
    } else {
    }
    return
  }
}

#map = affine_map<(d0, d1) -> (0, 0)>
#map1 = affine_map<(d0, d1) -> (0, 0, 0, 0)>
#map2 = affine_map<(d0, d1) -> (0, 0, 0)>
module attributes {stable_mosaic.version = 14 : i64} {
  func.func @prop(%arg0: i32, %arg1: i32, %arg2: memref<20000x128xf32, #tpu.memory_space<hbm>>, %arg3: memref<2x16x80x128xi32, #tpu.memory_space<hbm>>, %arg4: memref<16x80x128xi32, #tpu.memory_space<hbm>>, %arg5: memref<128x128xf32, #tpu.memory_space<hbm>>, %arg6: memref<20000x128xf32, #tpu.memory_space<hbm>>, %arg7: memref<40x128xi32, #tpu.memory_space<vmem>>, %arg8: memref<40x128xi32, #tpu.memory_space<vmem>>, %arg9: memref<2x128x128xf32, #tpu.memory_space<vmem>>, %arg10: memref<10240x128xf32, #tpu.memory_space<vmem_shared>>, %arg11: memref<!tpu.dma_semaphore, #tpu.memory_space<semaphore_mem>>, %arg12: memref<!tpu.dma_semaphore, #tpu.memory_space<semaphore_mem>>) attributes {dimension_semantics = [#tpu.dimension_semantics<core_parallel>, #tpu.dimension_semantics<subcore_parallel>], iteration_bounds = array<i64: 2, 16>, scalar_prefetch = 0 : i64, scratch_operands = 6 : i64, tpu.core_type = #tpu.core_type<sc_vector_subcore>, window_params = [{transform_indices = #map}, {transform_indices = #map1}, {transform_indices = #map2}, {transform_indices = #map}, {transform_indices = #map}]} {
    "tpu.region"() ({
      %run_scoped3A_63 = tpu.sem_alloc : memref<!tpu.dma_semaphore, #tpu.memory_space<semaphore_mem>>
      %dma_start3A_64 = arith.constant 0 : i32
      %dma_start3A_65 = arith.constant 0 : i32
      %dma_start3A_66 = tpu.memref_slice %arg3[%arg0, %arg1, %dma_start3A_64, %dma_start3A_65] : memref<2x16x80x128xi32, #tpu.memory_space<hbm>> -> memref<1x1x40x128xi32, #tpu.memory_space<hbm>>
      %dma_start3A_67 = tpu.memref_squeeze %dma_start3A_66 : memref<1x1x40x128xi32, #tpu.memory_space<hbm>> -> memref<40x128xi32, #tpu.memory_space<hbm>>
      %dma_start3A_68 = arith.constant 0 : i32
      %dma_start3A_69 = arith.constant 0 : i32
      %dma_start3A_70 = tpu.memref_slice %arg3[%arg0, %arg1, %dma_start3A_68, %dma_start3A_69] : memref<2x16x80x128xi32, #tpu.memory_space<hbm>> -> memref<1x1x40x128xi32, #tpu.memory_space<hbm>>
      %dma_start3A_71 = tpu.memref_squeeze %dma_start3A_70 : memref<1x1x40x128xi32, #tpu.memory_space<hbm>> -> memref<40x128xi32, #tpu.memory_space<hbm>>
      tpu.enqueue_dma source(%dma_start3A_71 : memref<40x128xi32, #tpu.memory_space<hbm>>) target(%arg7 : memref<40x128xi32, #tpu.memory_space<vmem>>) target_semaphore(%run_scoped3A_63 : memref<!tpu.dma_semaphore, #tpu.memory_space<semaphore_mem>>)
      %dma_wait3A = arith.constant 0 : i32
      %dma_wait3A_72 = arith.constant 0 : i32
      %dma_wait3A_73 = tpu.memref_slice %arg3[%arg0, %arg1, %dma_wait3A, %dma_wait3A_72] : memref<2x16x80x128xi32, #tpu.memory_space<hbm>> -> memref<1x1x40x128xi32, #tpu.memory_space<hbm>>
      %dma_wait3A_74 = tpu.memref_squeeze %dma_wait3A_73 : memref<1x1x40x128xi32, #tpu.memory_space<hbm>> -> memref<40x128xi32, #tpu.memory_space<hbm>>
      %dma_wait3A_75 = arith.constant 0 : i32
      %dma_wait3A_76 = arith.constant 0 : i32
      %dma_wait3A_77 = tpu.memref_slice %arg3[%arg0, %arg1, %dma_wait3A_75, %dma_wait3A_76] : memref<2x16x80x128xi32, #tpu.memory_space<hbm>> -> memref<1x1x40x128xi32, #tpu.memory_space<hbm>>
      %dma_wait3A_78 = tpu.memref_squeeze %dma_wait3A_77 : memref<1x1x40x128xi32, #tpu.memory_space<hbm>> -> memref<40x128xi32, #tpu.memory_space<hbm>>
      tpu.wait_dma2 semaphore(%run_scoped3A_63 : memref<!tpu.dma_semaphore, #tpu.memory_space<semaphore_mem>>) src(%dma_wait3A_78 : memref<40x128xi32, #tpu.memory_space<hbm>>) dst(%arg7 : memref<40x128xi32, #tpu.memory_space<vmem>>)
      tpu.yield
    }) : () -> ()
    "tpu.region"() ({
      %run_scoped3A_63 = tpu.sem_alloc : memref<!tpu.dma_semaphore, #tpu.memory_space<semaphore_mem>>
      %dma_start3A_64 = arith.constant 0 : i32
      %dma_start3A_65 = arith.constant 0 : i32
      %dma_start3A_66 = tpu.memref_slice %arg4[%arg1, %dma_start3A_64, %dma_start3A_65] : memref<16x80x128xi32, #tpu.memory_space<hbm>> -> memref<1x40x128xi32, #tpu.memory_space<hbm>>
      %dma_start3A_67 = tpu.memref_squeeze %dma_start3A_66 : memref<1x40x128xi32, #tpu.memory_space<hbm>> -> memref<40x128xi32, #tpu.memory_space<hbm>>
      %dma_start3A_68 = arith.constant 0 : i32
      %dma_start3A_69 = arith.constant 0 : i32
      %dma_start3A_70 = tpu.memref_slice %arg4[%arg1, %dma_start3A_68, %dma_start3A_69] : memref<16x80x128xi32, #tpu.memory_space<hbm>> -> memref<1x40x128xi32, #tpu.memory_space<hbm>>
      %dma_start3A_71 = tpu.memref_squeeze %dma_start3A_70 : memref<1x40x128xi32, #tpu.memory_space<hbm>> -> memref<40x128xi32, #tpu.memory_space<hbm>>
      tpu.enqueue_dma source(%dma_start3A_71 : memref<40x128xi32, #tpu.memory_space<hbm>>) target(%arg8 : memref<40x128xi32, #tpu.memory_space<vmem>>) target_semaphore(%run_scoped3A_63 : memref<!tpu.dma_semaphore, #tpu.memory_space<semaphore_mem>>)
      %dma_wait3A = arith.constant 0 : i32
      %dma_wait3A_72 = arith.constant 0 : i32
      %dma_wait3A_73 = tpu.memref_slice %arg4[%arg1, %dma_wait3A, %dma_wait3A_72] : memref<16x80x128xi32, #tpu.memory_space<hbm>> -> memref<1x40x128xi32, #tpu.memory_space<hbm>>
      %dma_wait3A_74 = tpu.memref_squeeze %dma_wait3A_73 : memref<1x40x128xi32, #tpu.memory_space<hbm>> -> memref<40x128xi32, #tpu.memory_space<hbm>>
      %dma_wait3A_75 = arith.constant 0 : i32
      %dma_wait3A_76 = arith.constant 0 : i32
      %dma_wait3A_77 = tpu.memref_slice %arg4[%arg1, %dma_wait3A_75, %dma_wait3A_76] : memref<16x80x128xi32, #tpu.memory_space<hbm>> -> memref<1x40x128xi32, #tpu.memory_space<hbm>>
      %dma_wait3A_78 = tpu.memref_squeeze %dma_wait3A_77 : memref<1x40x128xi32, #tpu.memory_space<hbm>> -> memref<40x128xi32, #tpu.memory_space<hbm>>
      tpu.wait_dma2 semaphore(%run_scoped3A_63 : memref<!tpu.dma_semaphore, #tpu.memory_space<semaphore_mem>>) src(%dma_wait3A_78 : memref<40x128xi32, #tpu.memory_space<hbm>>) dst(%arg8 : memref<40x128xi32, #tpu.memory_space<vmem>>)
      tpu.yield
    }) : () -> ()
    %dma_start3A = arith.constant 0 : i32
    %dma_start3A_0 = arith.constant 0 : i32
    %dma_start3A_1 = arith.constant 0 : i32
    %dma_start3A_2 = arith.constant 0 : i32
    %dma_start3A_3 = tpu.memref_slice %arg9[%dma_start3A_0, %dma_start3A_1, %dma_start3A_2] : memref<2x128x128xf32, #tpu.memory_space<vmem>> -> memref<1x128x128xf32, #tpu.memory_space<vmem>>
    %dma_start3A_4 = tpu.memref_squeeze %dma_start3A_3 : memref<1x128x128xf32, #tpu.memory_space<vmem>> -> memref<128x128xf32, #tpu.memory_space<vmem>>
    %dma_start3A_5 = arith.constant 0 : i32
    %dma_start3A_6 = tpu.memref_slice %arg7[%dma_start3A, %dma_start3A_5] : memref<40x128xi32, #tpu.memory_space<vmem>> -> memref<1x128xi32, #tpu.memory_space<vmem>>
    %dma_start3A_7 = tpu.memref_squeeze %dma_start3A_6 : memref<1x128xi32, #tpu.memory_space<vmem>> -> memref<128xi32, #tpu.memory_space<vmem>>
    %dma_start3A_8 = arith.constant 0 : i32
    %dma_start3A_9 = arith.constant 0 : i32
    %dma_start3A_10 = tpu.memref_slice %arg2[%dma_start3A_8, %dma_start3A_9] : memref<20000x128xf32, #tpu.memory_space<hbm>> -> memref<20000x128xf32, #tpu.memory_space<hbm>>
    tpu.enqueue_indirect_dma source(%dma_start3A_10 : memref<20000x128xf32, #tpu.memory_space<hbm>>) target(%dma_start3A_4 : memref<128x128xf32, #tpu.memory_space<vmem>>) offsets(%dma_start3A_7 : memref<128xi32, #tpu.memory_space<vmem>>) semaphore(%arg11 : memref<!tpu.dma_semaphore, #tpu.memory_space<semaphore_mem>>)
    %run_scoped3A = arith.constant 1 : i32
    "tpu.region"() ({
      %run_scoped3A_63 = tpu.sem_alloc : memref<!tpu.dma_semaphore, #tpu.memory_space<semaphore_mem>>
      %dma_start3A_64 = arith.constant 0 : i32
      %dma_start3A_65 = arith.constant 0 : i32
      %dma_start3A_66 = tpu.memref_slice %arg9[%run_scoped3A, %dma_start3A_64, %dma_start3A_65] : memref<2x128x128xf32, #tpu.memory_space<vmem>> -> memref<1x128x128xf32, #tpu.memory_space<vmem>>
      %dma_start3A_67 = tpu.memref_squeeze %dma_start3A_66 : memref<1x128x128xf32, #tpu.memory_space<vmem>> -> memref<128x128xf32, #tpu.memory_space<vmem>>
      %dma_start3A_68 = arith.constant 0 : i32
      %dma_start3A_69 = arith.constant 0 : i32
      %dma_start3A_70 = tpu.memref_slice %arg5[%dma_start3A_68, %dma_start3A_69] : memref<128x128xf32, #tpu.memory_space<hbm>> -> memref<128x128xf32, #tpu.memory_space<hbm>>
      %dma_start3A_71 = arith.constant 0 : i32
      %dma_start3A_72 = arith.constant 0 : i32
      %dma_start3A_73 = tpu.memref_slice %arg9[%run_scoped3A, %dma_start3A_71, %dma_start3A_72] : memref<2x128x128xf32, #tpu.memory_space<vmem>> -> memref<1x128x128xf32, #tpu.memory_space<vmem>>
      %dma_start3A_74 = tpu.memref_squeeze %dma_start3A_73 : memref<1x128x128xf32, #tpu.memory_space<vmem>> -> memref<128x128xf32, #tpu.memory_space<vmem>>
      %dma_start3A_75 = arith.constant 0 : i32
      %dma_start3A_76 = arith.constant 0 : i32
      %dma_start3A_77 = tpu.memref_slice %arg5[%dma_start3A_75, %dma_start3A_76] : memref<128x128xf32, #tpu.memory_space<hbm>> -> memref<128x128xf32, #tpu.memory_space<hbm>>
      tpu.enqueue_dma source(%dma_start3A_77 : memref<128x128xf32, #tpu.memory_space<hbm>>) target(%dma_start3A_74 : memref<128x128xf32, #tpu.memory_space<vmem>>) target_semaphore(%run_scoped3A_63 : memref<!tpu.dma_semaphore, #tpu.memory_space<semaphore_mem>>)
      %dma_wait3A = arith.constant 0 : i32
      %dma_wait3A_78 = arith.constant 0 : i32
      %dma_wait3A_79 = tpu.memref_slice %arg9[%run_scoped3A, %dma_wait3A, %dma_wait3A_78] : memref<2x128x128xf32, #tpu.memory_space<vmem>> -> memref<1x128x128xf32, #tpu.memory_space<vmem>>
      %dma_wait3A_80 = tpu.memref_squeeze %dma_wait3A_79 : memref<1x128x128xf32, #tpu.memory_space<vmem>> -> memref<128x128xf32, #tpu.memory_space<vmem>>
      %dma_wait3A_81 = arith.constant 0 : i32
      %dma_wait3A_82 = arith.constant 0 : i32
      %dma_wait3A_83 = tpu.memref_slice %arg5[%dma_wait3A_81, %dma_wait3A_82] : memref<128x128xf32, #tpu.memory_space<hbm>> -> memref<128x128xf32, #tpu.memory_space<hbm>>
      %dma_wait3A_84 = arith.constant 0 : i32
      %dma_wait3A_85 = arith.constant 0 : i32
      %dma_wait3A_86 = tpu.memref_slice %arg9[%run_scoped3A, %dma_wait3A_84, %dma_wait3A_85] : memref<2x128x128xf32, #tpu.memory_space<vmem>> -> memref<1x128x128xf32, #tpu.memory_space<vmem>>
      %dma_wait3A_87 = tpu.memref_squeeze %dma_wait3A_86 : memref<1x128x128xf32, #tpu.memory_space<vmem>> -> memref<128x128xf32, #tpu.memory_space<vmem>>
      %dma_wait3A_88 = arith.constant 0 : i32
      %dma_wait3A_89 = arith.constant 0 : i32
      %dma_wait3A_90 = tpu.memref_slice %arg5[%dma_wait3A_88, %dma_wait3A_89] : memref<128x128xf32, #tpu.memory_space<hbm>> -> memref<128x128xf32, #tpu.memory_space<hbm>>
      tpu.wait_dma2 semaphore(%run_scoped3A_63 : memref<!tpu.dma_semaphore, #tpu.memory_space<semaphore_mem>>) src(%dma_wait3A_90 : memref<128x128xf32, #tpu.memory_space<hbm>>) dst(%dma_wait3A_87 : memref<128x128xf32, #tpu.memory_space<vmem>>)
      tpu.yield
    }) : () -> ()
    %mul3A = arith.constant 640 : i32
    %mul3A_11 = arith.muli %arg1, %mul3A : i32
    %multiple_of3A = tpu.assume_multiple %mul3A_11, 8 : i32
    %add3A = arith.constant 0 : i32
    %add3A_12 = arith.addi %multiple_of3A, %add3A : i32
    %run_scoped3A_13 = arith.constant 1 : i32
    "tpu.region"() ({
      %run_scoped3A_63 = tpu.sem_alloc : memref<!tpu.dma_semaphore, #tpu.memory_space<semaphore_mem>>
      %dma_start3A_64 = arith.constant 0 : i32
      %dma_start3A_65 = arith.constant 0 : i32
      %dma_start3A_66 = tpu.memref_slice %arg9[%run_scoped3A_13, %dma_start3A_64, %dma_start3A_65] : memref<2x128x128xf32, #tpu.memory_space<vmem>> -> memref<1x128x128xf32, #tpu.memory_space<vmem>>
      %dma_start3A_67 = tpu.memref_squeeze %dma_start3A_66 : memref<1x128x128xf32, #tpu.memory_space<vmem>> -> memref<128x128xf32, #tpu.memory_space<vmem>>
      %dma_start3A_68 = arith.constant 0 : i32
      %dma_start3A_69 = tpu.memref_slice %arg10[%add3A_12, %dma_start3A_68] : memref<10240x128xf32, #tpu.memory_space<vmem_shared>> -> memref<128x128xf32, #tpu.memory_space<vmem_shared>>
      %dma_start3A_70 = arith.constant 0 : i32
      %dma_start3A_71 = tpu.memref_slice %arg10[%add3A_12, %dma_start3A_70] : memref<10240x128xf32, #tpu.memory_space<vmem_shared>> -> memref<128x128xf32, #tpu.memory_space<vmem_shared>>
      %dma_start3A_72 = arith.constant 0 : i32
      %dma_start3A_73 = arith.constant 0 : i32
      %dma_start3A_74 = tpu.memref_slice %arg9[%run_scoped3A_13, %dma_start3A_72, %dma_start3A_73] : memref<2x128x128xf32, #tpu.memory_space<vmem>> -> memref<1x128x128xf32, #tpu.memory_space<vmem>>
      %dma_start3A_75 = tpu.memref_squeeze %dma_start3A_74 : memref<1x128x128xf32, #tpu.memory_space<vmem>> -> memref<128x128xf32, #tpu.memory_space<vmem>>
      tpu.enqueue_dma source(%dma_start3A_75 : memref<128x128xf32, #tpu.memory_space<vmem>>) target(%dma_start3A_71 : memref<128x128xf32, #tpu.memory_space<vmem_shared>>) target_semaphore(%run_scoped3A_63 : memref<!tpu.dma_semaphore, #tpu.memory_space<semaphore_mem>>)
      %dma_wait3A = arith.constant 0 : i32
      %dma_wait3A_76 = arith.constant 0 : i32
      %dma_wait3A_77 = tpu.memref_slice %arg9[%run_scoped3A_13, %dma_wait3A, %dma_wait3A_76] : memref<2x128x128xf32, #tpu.memory_space<vmem>> -> memref<1x128x128xf32, #tpu.memory_space<vmem>>
      %dma_wait3A_78 = tpu.memref_squeeze %dma_wait3A_77 : memref<1x128x128xf32, #tpu.memory_space<vmem>> -> memref<128x128xf32, #tpu.memory_space<vmem>>
      %dma_wait3A_79 = arith.constant 0 : i32
      %dma_wait3A_80 = tpu.memref_slice %arg10[%add3A_12, %dma_wait3A_79] : memref<10240x128xf32, #tpu.memory_space<vmem_shared>> -> memref<128x128xf32, #tpu.memory_space<vmem_shared>>
      %dma_wait3A_81 = arith.constant 0 : i32
      %dma_wait3A_82 = tpu.memref_slice %arg10[%add3A_12, %dma_wait3A_81] : memref<10240x128xf32, #tpu.memory_space<vmem_shared>> -> memref<128x128xf32, #tpu.memory_space<vmem_shared>>
      %dma_wait3A_83 = arith.constant 0 : i32
      %dma_wait3A_84 = arith.constant 0 : i32
      %dma_wait3A_85 = tpu.memref_slice %arg9[%run_scoped3A_13, %dma_wait3A_83, %dma_wait3A_84] : memref<2x128x128xf32, #tpu.memory_space<vmem>> -> memref<1x128x128xf32, #tpu.memory_space<vmem>>
      %dma_wait3A_86 = tpu.memref_squeeze %dma_wait3A_85 : memref<1x128x128xf32, #tpu.memory_space<vmem>> -> memref<128x128xf32, #tpu.memory_space<vmem>>
      tpu.wait_dma2 semaphore(%run_scoped3A_63 : memref<!tpu.dma_semaphore, #tpu.memory_space<semaphore_mem>>) src(%dma_wait3A_86 : memref<128x128xf32, #tpu.memory_space<vmem>>) dst(%dma_wait3A_82 : memref<128x128xf32, #tpu.memory_space<vmem_shared>>)
      tpu.yield
    }) : () -> ()
    %add3A_14 = arith.constant 128 : i32
    %add3A_15 = arith.addi %multiple_of3A, %add3A_14 : i32
    %run_scoped3A_16 = arith.constant 1 : i32
    "tpu.region"() ({
      %run_scoped3A_63 = tpu.sem_alloc : memref<!tpu.dma_semaphore, #tpu.memory_space<semaphore_mem>>
      %dma_start3A_64 = arith.constant 0 : i32
      %dma_start3A_65 = arith.constant 0 : i32
      %dma_start3A_66 = tpu.memref_slice %arg9[%run_scoped3A_16, %dma_start3A_64, %dma_start3A_65] : memref<2x128x128xf32, #tpu.memory_space<vmem>> -> memref<1x128x128xf32, #tpu.memory_space<vmem>>
      %dma_start3A_67 = tpu.memref_squeeze %dma_start3A_66 : memref<1x128x128xf32, #tpu.memory_space<vmem>> -> memref<128x128xf32, #tpu.memory_space<vmem>>
      %dma_start3A_68 = arith.constant 0 : i32
      %dma_start3A_69 = tpu.memref_slice %arg10[%add3A_15, %dma_start3A_68] : memref<10240x128xf32, #tpu.memory_space<vmem_shared>> -> memref<128x128xf32, #tpu.memory_space<vmem_shared>>
      %dma_start3A_70 = arith.constant 0 : i32
      %dma_start3A_71 = tpu.memref_slice %arg10[%add3A_15, %dma_start3A_70] : memref<10240x128xf32, #tpu.memory_space<vmem_shared>> -> memref<128x128xf32, #tpu.memory_space<vmem_shared>>
      %dma_start3A_72 = arith.constant 0 : i32
      %dma_start3A_73 = arith.constant 0 : i32
      %dma_start3A_74 = tpu.memref_slice %arg9[%run_scoped3A_16, %dma_start3A_72, %dma_start3A_73] : memref<2x128x128xf32, #tpu.memory_space<vmem>> -> memref<1x128x128xf32, #tpu.memory_space<vmem>>
      %dma_start3A_75 = tpu.memref_squeeze %dma_start3A_74 : memref<1x128x128xf32, #tpu.memory_space<vmem>> -> memref<128x128xf32, #tpu.memory_space<vmem>>
      tpu.enqueue_dma source(%dma_start3A_75 : memref<128x128xf32, #tpu.memory_space<vmem>>) target(%dma_start3A_71 : memref<128x128xf32, #tpu.memory_space<vmem_shared>>) target_semaphore(%run_scoped3A_63 : memref<!tpu.dma_semaphore, #tpu.memory_space<semaphore_mem>>)
      %dma_wait3A = arith.constant 0 : i32
      %dma_wait3A_76 = arith.constant 0 : i32
      %dma_wait3A_77 = tpu.memref_slice %arg9[%run_scoped3A_16, %dma_wait3A, %dma_wait3A_76] : memref<2x128x128xf32, #tpu.memory_space<vmem>> -> memref<1x128x128xf32, #tpu.memory_space<vmem>>
      %dma_wait3A_78 = tpu.memref_squeeze %dma_wait3A_77 : memref<1x128x128xf32, #tpu.memory_space<vmem>> -> memref<128x128xf32, #tpu.memory_space<vmem>>
      %dma_wait3A_79 = arith.constant 0 : i32
      %dma_wait3A_80 = tpu.memref_slice %arg10[%add3A_15, %dma_wait3A_79] : memref<10240x128xf32, #tpu.memory_space<vmem_shared>> -> memref<128x128xf32, #tpu.memory_space<vmem_shared>>
      %dma_wait3A_81 = arith.constant 0 : i32
      %dma_wait3A_82 = tpu.memref_slice %arg10[%add3A_15, %dma_wait3A_81] : memref<10240x128xf32, #tpu.memory_space<vmem_shared>> -> memref<128x128xf32, #tpu.memory_space<vmem_shared>>
      %dma_wait3A_83 = arith.constant 0 : i32
      %dma_wait3A_84 = arith.constant 0 : i32
      %dma_wait3A_85 = tpu.memref_slice %arg9[%run_scoped3A_16, %dma_wait3A_83, %dma_wait3A_84] : memref<2x128x128xf32, #tpu.memory_space<vmem>> -> memref<1x128x128xf32, #tpu.memory_space<vmem>>
      %dma_wait3A_86 = tpu.memref_squeeze %dma_wait3A_85 : memref<1x128x128xf32, #tpu.memory_space<vmem>> -> memref<128x128xf32, #tpu.memory_space<vmem>>
      tpu.wait_dma2 semaphore(%run_scoped3A_63 : memref<!tpu.dma_semaphore, #tpu.memory_space<semaphore_mem>>) src(%dma_wait3A_86 : memref<128x128xf32, #tpu.memory_space<vmem>>) dst(%dma_wait3A_82 : memref<128x128xf32, #tpu.memory_space<vmem_shared>>)
      tpu.yield
    }) : () -> ()
    %add3A_17 = arith.constant 256 : i32
    %add3A_18 = arith.addi %multiple_of3A, %add3A_17 : i32
    %run_scoped3A_19 = arith.constant 1 : i32
    "tpu.region"() ({
      %run_scoped3A_63 = tpu.sem_alloc : memref<!tpu.dma_semaphore, #tpu.memory_space<semaphore_mem>>
      %dma_start3A_64 = arith.constant 0 : i32
      %dma_start3A_65 = arith.constant 0 : i32
      %dma_start3A_66 = tpu.memref_slice %arg9[%run_scoped3A_19, %dma_start3A_64, %dma_start3A_65] : memref<2x128x128xf32, #tpu.memory_space<vmem>> -> memref<1x128x128xf32, #tpu.memory_space<vmem>>
      %dma_start3A_67 = tpu.memref_squeeze %dma_start3A_66 : memref<1x128x128xf32, #tpu.memory_space<vmem>> -> memref<128x128xf32, #tpu.memory_space<vmem>>
      %dma_start3A_68 = arith.constant 0 : i32
      %dma_start3A_69 = tpu.memref_slice %arg10[%add3A_18, %dma_start3A_68] : memref<10240x128xf32, #tpu.memory_space<vmem_shared>> -> memref<128x128xf32, #tpu.memory_space<vmem_shared>>
      %dma_start3A_70 = arith.constant 0 : i32
      %dma_start3A_71 = tpu.memref_slice %arg10[%add3A_18, %dma_start3A_70] : memref<10240x128xf32, #tpu.memory_space<vmem_shared>> -> memref<128x128xf32, #tpu.memory_space<vmem_shared>>
      %dma_start3A_72 = arith.constant 0 : i32
      %dma_start3A_73 = arith.constant 0 : i32
      %dma_start3A_74 = tpu.memref_slice %arg9[%run_scoped3A_19, %dma_start3A_72, %dma_start3A_73] : memref<2x128x128xf32, #tpu.memory_space<vmem>> -> memref<1x128x128xf32, #tpu.memory_space<vmem>>
      %dma_start3A_75 = tpu.memref_squeeze %dma_start3A_74 : memref<1x128x128xf32, #tpu.memory_space<vmem>> -> memref<128x128xf32, #tpu.memory_space<vmem>>
      tpu.enqueue_dma source(%dma_start3A_75 : memref<128x128xf32, #tpu.memory_space<vmem>>) target(%dma_start3A_71 : memref<128x128xf32, #tpu.memory_space<vmem_shared>>) target_semaphore(%run_scoped3A_63 : memref<!tpu.dma_semaphore, #tpu.memory_space<semaphore_mem>>)
      %dma_wait3A = arith.constant 0 : i32
      %dma_wait3A_76 = arith.constant 0 : i32
      %dma_wait3A_77 = tpu.memref_slice %arg9[%run_scoped3A_19, %dma_wait3A, %dma_wait3A_76] : memref<2x128x128xf32, #tpu.memory_space<vmem>> -> memref<1x128x128xf32, #tpu.memory_space<vmem>>
      %dma_wait3A_78 = tpu.memref_squeeze %dma_wait3A_77 : memref<1x128x128xf32, #tpu.memory_space<vmem>> -> memref<128x128xf32, #tpu.memory_space<vmem>>
      %dma_wait3A_79 = arith.constant 0 : i32
      %dma_wait3A_80 = tpu.memref_slice %arg10[%add3A_18, %dma_wait3A_79] : memref<10240x128xf32, #tpu.memory_space<vmem_shared>> -> memref<128x128xf32, #tpu.memory_space<vmem_shared>>
      %dma_wait3A_81 = arith.constant 0 : i32
      %dma_wait3A_82 = tpu.memref_slice %arg10[%add3A_18, %dma_wait3A_81] : memref<10240x128xf32, #tpu.memory_space<vmem_shared>> -> memref<128x128xf32, #tpu.memory_space<vmem_shared>>
      %dma_wait3A_83 = arith.constant 0 : i32
      %dma_wait3A_84 = arith.constant 0 : i32
      %dma_wait3A_85 = tpu.memref_slice %arg9[%run_scoped3A_19, %dma_wait3A_83, %dma_wait3A_84] : memref<2x128x128xf32, #tpu.memory_space<vmem>> -> memref<1x128x128xf32, #tpu.memory_space<vmem>>
      %dma_wait3A_86 = tpu.memref_squeeze %dma_wait3A_85 : memref<1x128x128xf32, #tpu.memory_space<vmem>> -> memref<128x128xf32, #tpu.memory_space<vmem>>
      tpu.wait_dma2 semaphore(%run_scoped3A_63 : memref<!tpu.dma_semaphore, #tpu.memory_space<semaphore_mem>>) src(%dma_wait3A_86 : memref<128x128xf32, #tpu.memory_space<vmem>>) dst(%dma_wait3A_82 : memref<128x128xf32, #tpu.memory_space<vmem_shared>>)
      tpu.yield
    }) : () -> ()
    %add3A_20 = arith.constant 384 : i32
    %add3A_21 = arith.addi %multiple_of3A, %add3A_20 : i32
    %run_scoped3A_22 = arith.constant 1 : i32
    "tpu.region"() ({
      %run_scoped3A_63 = tpu.sem_alloc : memref<!tpu.dma_semaphore, #tpu.memory_space<semaphore_mem>>
      %dma_start3A_64 = arith.constant 0 : i32
      %dma_start3A_65 = arith.constant 0 : i32
      %dma_start3A_66 = tpu.memref_slice %arg9[%run_scoped3A_22, %dma_start3A_64, %dma_start3A_65] : memref<2x128x128xf32, #tpu.memory_space<vmem>> -> memref<1x128x128xf32, #tpu.memory_space<vmem>>
      %dma_start3A_67 = tpu.memref_squeeze %dma_start3A_66 : memref<1x128x128xf32, #tpu.memory_space<vmem>> -> memref<128x128xf32, #tpu.memory_space<vmem>>
      %dma_start3A_68 = arith.constant 0 : i32
      %dma_start3A_69 = tpu.memref_slice %arg10[%add3A_21, %dma_start3A_68] : memref<10240x128xf32, #tpu.memory_space<vmem_shared>> -> memref<128x128xf32, #tpu.memory_space<vmem_shared>>
      %dma_start3A_70 = arith.constant 0 : i32
      %dma_start3A_71 = tpu.memref_slice %arg10[%add3A_21, %dma_start3A_70] : memref<10240x128xf32, #tpu.memory_space<vmem_shared>> -> memref<128x128xf32, #tpu.memory_space<vmem_shared>>
      %dma_start3A_72 = arith.constant 0 : i32
      %dma_start3A_73 = arith.constant 0 : i32
      %dma_start3A_74 = tpu.memref_slice %arg9[%run_scoped3A_22, %dma_start3A_72, %dma_start3A_73] : memref<2x128x128xf32, #tpu.memory_space<vmem>> -> memref<1x128x128xf32, #tpu.memory_space<vmem>>
      %dma_start3A_75 = tpu.memref_squeeze %dma_start3A_74 : memref<1x128x128xf32, #tpu.memory_space<vmem>> -> memref<128x128xf32, #tpu.memory_space<vmem>>
      tpu.enqueue_dma source(%dma_start3A_75 : memref<128x128xf32, #tpu.memory_space<vmem>>) target(%dma_start3A_71 : memref<128x128xf32, #tpu.memory_space<vmem_shared>>) target_semaphore(%run_scoped3A_63 : memref<!tpu.dma_semaphore, #tpu.memory_space<semaphore_mem>>)
      %dma_wait3A = arith.constant 0 : i32
      %dma_wait3A_76 = arith.constant 0 : i32
      %dma_wait3A_77 = tpu.memref_slice %arg9[%run_scoped3A_22, %dma_wait3A, %dma_wait3A_76] : memref<2x128x128xf32, #tpu.memory_space<vmem>> -> memref<1x128x128xf32, #tpu.memory_space<vmem>>
      %dma_wait3A_78 = tpu.memref_squeeze %dma_wait3A_77 : memref<1x128x128xf32, #tpu.memory_space<vmem>> -> memref<128x128xf32, #tpu.memory_space<vmem>>
      %dma_wait3A_79 = arith.constant 0 : i32
      %dma_wait3A_80 = tpu.memref_slice %arg10[%add3A_21, %dma_wait3A_79] : memref<10240x128xf32, #tpu.memory_space<vmem_shared>> -> memref<128x128xf32, #tpu.memory_space<vmem_shared>>
      %dma_wait3A_81 = arith.constant 0 : i32
      %dma_wait3A_82 = tpu.memref_slice %arg10[%add3A_21, %dma_wait3A_81] : memref<10240x128xf32, #tpu.memory_space<vmem_shared>> -> memref<128x128xf32, #tpu.memory_space<vmem_shared>>
      %dma_wait3A_83 = arith.constant 0 : i32
      %dma_wait3A_84 = arith.constant 0 : i32
      %dma_wait3A_85 = tpu.memref_slice %arg9[%run_scoped3A_22, %dma_wait3A_83, %dma_wait3A_84] : memref<2x128x128xf32, #tpu.memory_space<vmem>> -> memref<1x128x128xf32, #tpu.memory_space<vmem>>
      %dma_wait3A_86 = tpu.memref_squeeze %dma_wait3A_85 : memref<1x128x128xf32, #tpu.memory_space<vmem>> -> memref<128x128xf32, #tpu.memory_space<vmem>>
      tpu.wait_dma2 semaphore(%run_scoped3A_63 : memref<!tpu.dma_semaphore, #tpu.memory_space<semaphore_mem>>) src(%dma_wait3A_86 : memref<128x128xf32, #tpu.memory_space<vmem>>) dst(%dma_wait3A_82 : memref<128x128xf32, #tpu.memory_space<vmem_shared>>)
      tpu.yield
    }) : () -> ()
    %add3A_23 = arith.constant 512 : i32
    %add3A_24 = arith.addi %multiple_of3A, %add3A_23 : i32
    %run_scoped3A_25 = arith.constant 1 : i32
    "tpu.region"() ({
      %run_scoped3A_63 = tpu.sem_alloc : memref<!tpu.dma_semaphore, #tpu.memory_space<semaphore_mem>>
      %dma_start3A_64 = arith.constant 0 : i32
      %dma_start3A_65 = arith.constant 0 : i32
      %dma_start3A_66 = tpu.memref_slice %arg9[%run_scoped3A_25, %dma_start3A_64, %dma_start3A_65] : memref<2x128x128xf32, #tpu.memory_space<vmem>> -> memref<1x128x128xf32, #tpu.memory_space<vmem>>
      %dma_start3A_67 = tpu.memref_squeeze %dma_start3A_66 : memref<1x128x128xf32, #tpu.memory_space<vmem>> -> memref<128x128xf32, #tpu.memory_space<vmem>>
      %dma_start3A_68 = arith.constant 0 : i32
      %dma_start3A_69 = tpu.memref_slice %arg10[%add3A_24, %dma_start3A_68] : memref<10240x128xf32, #tpu.memory_space<vmem_shared>> -> memref<128x128xf32, #tpu.memory_space<vmem_shared>>
      %dma_start3A_70 = arith.constant 0 : i32
      %dma_start3A_71 = tpu.memref_slice %arg10[%add3A_24, %dma_start3A_70] : memref<10240x128xf32, #tpu.memory_space<vmem_shared>> -> memref<128x128xf32, #tpu.memory_space<vmem_shared>>
      %dma_start3A_72 = arith.constant 0 : i32
      %dma_start3A_73 = arith.constant 0 : i32
      %dma_start3A_74 = tpu.memref_slice %arg9[%run_scoped3A_25, %dma_start3A_72, %dma_start3A_73] : memref<2x128x128xf32, #tpu.memory_space<vmem>> -> memref<1x128x128xf32, #tpu.memory_space<vmem>>
      %dma_start3A_75 = tpu.memref_squeeze %dma_start3A_74 : memref<1x128x128xf32, #tpu.memory_space<vmem>> -> memref<128x128xf32, #tpu.memory_space<vmem>>
      tpu.enqueue_dma source(%dma_start3A_75 : memref<128x128xf32, #tpu.memory_space<vmem>>) target(%dma_start3A_71 : memref<128x128xf32, #tpu.memory_space<vmem_shared>>) target_semaphore(%run_scoped3A_63 : memref<!tpu.dma_semaphore, #tpu.memory_space<semaphore_mem>>)
      %dma_wait3A = arith.constant 0 : i32
      %dma_wait3A_76 = arith.constant 0 : i32
      %dma_wait3A_77 = tpu.memref_slice %arg9[%run_scoped3A_25, %dma_wait3A, %dma_wait3A_76] : memref<2x128x128xf32, #tpu.memory_space<vmem>> -> memref<1x128x128xf32, #tpu.memory_space<vmem>>
      %dma_wait3A_78 = tpu.memref_squeeze %dma_wait3A_77 : memref<1x128x128xf32, #tpu.memory_space<vmem>> -> memref<128x128xf32, #tpu.memory_space<vmem>>
      %dma_wait3A_79 = arith.constant 0 : i32
      %dma_wait3A_80 = tpu.memref_slice %arg10[%add3A_24, %dma_wait3A_79] : memref<10240x128xf32, #tpu.memory_space<vmem_shared>> -> memref<128x128xf32, #tpu.memory_space<vmem_shared>>
      %dma_wait3A_81 = arith.constant 0 : i32
      %dma_wait3A_82 = tpu.memref_slice %arg10[%add3A_24, %dma_wait3A_81] : memref<10240x128xf32, #tpu.memory_space<vmem_shared>> -> memref<128x128xf32, #tpu.memory_space<vmem_shared>>
      %dma_wait3A_83 = arith.constant 0 : i32
      %dma_wait3A_84 = arith.constant 0 : i32
      %dma_wait3A_85 = tpu.memref_slice %arg9[%run_scoped3A_25, %dma_wait3A_83, %dma_wait3A_84] : memref<2x128x128xf32, #tpu.memory_space<vmem>> -> memref<1x128x128xf32, #tpu.memory_space<vmem>>
      %dma_wait3A_86 = tpu.memref_squeeze %dma_wait3A_85 : memref<1x128x128xf32, #tpu.memory_space<vmem>> -> memref<128x128xf32, #tpu.memory_space<vmem>>
      tpu.wait_dma2 semaphore(%run_scoped3A_63 : memref<!tpu.dma_semaphore, #tpu.memory_space<semaphore_mem>>) src(%dma_wait3A_86 : memref<128x128xf32, #tpu.memory_space<vmem>>) dst(%dma_wait3A_82 : memref<128x128xf32, #tpu.memory_space<vmem_shared>>)
      tpu.yield
    }) : () -> ()
    %barrier3A = arith.constant 0 : index
    tpu.barrier barrier_id(%barrier3A)
    %scan3A = arith.constant 0 : i32
    %scan3A_26 = arith.constant 0 : i32
    %scan3A_27 = arith.constant 20 : i32
    %scan3A_28 = arith.addi %scan3A_26, %scan3A_27 : i32
    %scan3A_29 = arith.constant 1 : i32
    scf.for %scan3A_63 = %scan3A_26 to %scan3A_28 step %scan3A_29  : i32 {
      %mul3A_64 = arith.constant 2 : i32
      %mul3A_65 = arith.muli %scan3A_63, %mul3A_64 : i32
      %add3A_66 = arith.constant 2 : i32
      %add3A_67 = arith.addi %mul3A_65, %add3A_66 : i32
      %sub3A = arith.constant 1 : i32
      %sub3A_68 = arith.subi %add3A_67, %sub3A : i32
      %dma_start3A_69 = arith.constant 1 : i32
      %dma_start3A_70 = arith.constant 0 : i32
      %dma_start3A_71 = arith.constant 0 : i32
      %dma_start3A_72 = tpu.memref_slice %arg9[%dma_start3A_69, %dma_start3A_70, %dma_start3A_71] : memref<2x128x128xf32, #tpu.memory_space<vmem>> -> memref<1x128x128xf32, #tpu.memory_space<vmem>>
      %dma_start3A_73 = tpu.memref_squeeze %dma_start3A_72 : memref<1x128x128xf32, #tpu.memory_space<vmem>> -> memref<128x128xf32, #tpu.memory_space<vmem>>
      %dma_start3A_74 = arith.constant 0 : i32
      %dma_start3A_75 = tpu.memref_slice %arg7[%sub3A_68, %dma_start3A_74] : memref<40x128xi32, #tpu.memory_space<vmem>> -> memref<1x128xi32, #tpu.memory_space<vmem>>
      %dma_start3A_76 = tpu.memref_squeeze %dma_start3A_75 : memref<1x128xi32, #tpu.memory_space<vmem>> -> memref<128xi32, #tpu.memory_space<vmem>>
      %dma_start3A_77 = arith.constant 0 : i32
      %dma_start3A_78 = arith.constant 0 : i32
      %dma_start3A_79 = tpu.memref_slice %arg2[%dma_start3A_77, %dma_start3A_78] : memref<20000x128xf32, #tpu.memory_space<hbm>> -> memref<20000x128xf32, #tpu.memory_space<hbm>>
      tpu.enqueue_indirect_dma source(%dma_start3A_79 : memref<20000x128xf32, #tpu.memory_space<hbm>>) target(%dma_start3A_73 : memref<128x128xf32, #tpu.memory_space<vmem>>) offsets(%dma_start3A_76 : memref<128xi32, #tpu.memory_space<vmem>>) semaphore(%arg12 : memref<!tpu.dma_semaphore, #tpu.memory_space<semaphore_mem>>)
      %dma_wait3A = arith.constant 0 : i32
      %dma_wait3A_80 = arith.constant 0 : i32
      %dma_wait3A_81 = arith.constant 0 : i32
      %dma_wait3A_82 = tpu.memref_slice %arg9[%dma_wait3A, %dma_wait3A_80, %dma_wait3A_81] : memref<2x128x128xf32, #tpu.memory_space<vmem>> -> memref<1x128x128xf32, #tpu.memory_space<vmem>>
      %dma_wait3A_83 = tpu.memref_squeeze %dma_wait3A_82 : memref<1x128x128xf32, #tpu.memory_space<vmem>> -> memref<128x128xf32, #tpu.memory_space<vmem>>
      %dma_wait3A_84 = arith.constant 0 : i32
      %dma_wait3A_85 = tpu.memref_slice %arg7[%mul3A_65, %dma_wait3A_84] : memref<40x128xi32, #tpu.memory_space<vmem>> -> memref<1x128xi32, #tpu.memory_space<vmem>>
      %dma_wait3A_86 = tpu.memref_squeeze %dma_wait3A_85 : memref<1x128xi32, #tpu.memory_space<vmem>> -> memref<128xi32, #tpu.memory_space<vmem>>
      %dma_wait3A_87 = arith.constant 0 : i32
      %dma_wait3A_88 = arith.constant 0 : i32
      %dma_wait3A_89 = tpu.memref_slice %arg2[%dma_wait3A_87, %dma_wait3A_88] : memref<20000x128xf32, #tpu.memory_space<hbm>> -> memref<20000x128xf32, #tpu.memory_space<hbm>>
      tpu.wait_indirect_dma semaphore(%arg11 : memref<!tpu.dma_semaphore, #tpu.memory_space<semaphore_mem>>) src(%dma_wait3A_89 : memref<20000x128xf32, #tpu.memory_space<hbm>>) dst(%dma_wait3A_83 : memref<128x128xf32, #tpu.memory_space<vmem>>)
      %run_scoped3A_90 = arith.constant 0 : i32
      "tpu.region"() ({
        %run_scoped3A_112 = tpu.sem_alloc : memref<!tpu.dma_semaphore, #tpu.memory_space<semaphore_mem>>
        %dma_start3A_113 = arith.constant 0 : i32
        %dma_start3A_114 = arith.constant 0 : i32
        %dma_start3A_115 = tpu.memref_slice %arg9[%run_scoped3A_90, %dma_start3A_113, %dma_start3A_114] : memref<2x128x128xf32, #tpu.memory_space<vmem>> -> memref<1x128x128xf32, #tpu.memory_space<vmem>>
        %dma_start3A_116 = tpu.memref_squeeze %dma_start3A_115 : memref<1x128x128xf32, #tpu.memory_space<vmem>> -> memref<128x128xf32, #tpu.memory_space<vmem>>
        %dma_start3A_117 = arith.constant 0 : i32
        %dma_start3A_118 = tpu.memref_slice %arg8[%mul3A_65, %dma_start3A_117] : memref<40x128xi32, #tpu.memory_space<vmem>> -> memref<1x128xi32, #tpu.memory_space<vmem>>
        %dma_start3A_119 = tpu.memref_squeeze %dma_start3A_118 : memref<1x128xi32, #tpu.memory_space<vmem>> -> memref<128xi32, #tpu.memory_space<vmem>>
        %dma_start3A_120 = arith.constant 0 : i32
        %dma_start3A_121 = arith.constant 0 : i32
        %dma_start3A_122 = tpu.memref_slice %arg10[%dma_start3A_120, %dma_start3A_121] : memref<10240x128xf32, #tpu.memory_space<vmem_shared>> -> memref<10240x128xf32, #tpu.memory_space<vmem_shared>>
        tpu.enqueue_indirect_dma source(%dma_start3A_116 : memref<128x128xf32, #tpu.memory_space<vmem>>) target(%dma_start3A_122 : memref<10240x128xf32, #tpu.memory_space<vmem_shared>>) offsets(%dma_start3A_119 : memref<128xi32, #tpu.memory_space<vmem>>) semaphore(%run_scoped3A_112 : memref<!tpu.dma_semaphore, #tpu.memory_space<semaphore_mem>>) {add = true}
        %dma_wait3A_123 = arith.constant 0 : i32
        %dma_wait3A_124 = arith.constant 0 : i32
        %dma_wait3A_125 = tpu.memref_slice %arg9[%run_scoped3A_90, %dma_wait3A_123, %dma_wait3A_124] : memref<2x128x128xf32, #tpu.memory_space<vmem>> -> memref<1x128x128xf32, #tpu.memory_space<vmem>>
        %dma_wait3A_126 = tpu.memref_squeeze %dma_wait3A_125 : memref<1x128x128xf32, #tpu.memory_space<vmem>> -> memref<128x128xf32, #tpu.memory_space<vmem>>
        %dma_wait3A_127 = arith.constant 0 : i32
        %dma_wait3A_128 = tpu.memref_slice %arg8[%mul3A_65, %dma_wait3A_127] : memref<40x128xi32, #tpu.memory_space<vmem>> -> memref<1x128xi32, #tpu.memory_space<vmem>>
        %dma_wait3A_129 = tpu.memref_squeeze %dma_wait3A_128 : memref<1x128xi32, #tpu.memory_space<vmem>> -> memref<128xi32, #tpu.memory_space<vmem>>
        %dma_wait3A_130 = arith.constant 0 : i32
        %dma_wait3A_131 = arith.constant 0 : i32
        %dma_wait3A_132 = tpu.memref_slice %arg10[%dma_wait3A_130, %dma_wait3A_131] : memref<10240x128xf32, #tpu.memory_space<vmem_shared>> -> memref<10240x128xf32, #tpu.memory_space<vmem_shared>>
        tpu.wait_indirect_dma semaphore(%run_scoped3A_112 : memref<!tpu.dma_semaphore, #tpu.memory_space<semaphore_mem>>) src(%dma_wait3A_126 : memref<128x128xf32, #tpu.memory_space<vmem>>) dst(%dma_wait3A_132 : memref<10240x128xf32, #tpu.memory_space<vmem_shared>>)
        tpu.yield
      }) : () -> ()
      %lt3A_91 = arith.constant 19 : i32
      %lt3A_92 = arith.cmpi slt, %scan3A_63, %lt3A_91 : i32
      %convert_element_type3A_93 = arith.extui %lt3A_92 : i1 to i32
      %cond3A_94 = arith.constant 0 : i32
      %cond3A_95 = arith.cmpi ne, %convert_element_type3A_93, %cond3A_94 : i32
      scf.if %cond3A_95 {
        %add3A_112 = arith.constant 2 : i32
        %add3A_113 = arith.addi %mul3A_65, %add3A_112 : i32
        %add3A_114 = arith.constant 0 : i32
        %add3A_115 = arith.addi %add3A_113, %add3A_114 : i32
        %dma_start3A_116 = arith.constant 0 : i32
        %dma_start3A_117 = arith.constant 0 : i32
        %dma_start3A_118 = arith.constant 0 : i32
        %dma_start3A_119 = tpu.memref_slice %arg9[%dma_start3A_116, %dma_start3A_117, %dma_start3A_118] : memref<2x128x128xf32, #tpu.memory_space<vmem>> -> memref<1x128x128xf32, #tpu.memory_space<vmem>>
        %dma_start3A_120 = tpu.memref_squeeze %dma_start3A_119 : memref<1x128x128xf32, #tpu.memory_space<vmem>> -> memref<128x128xf32, #tpu.memory_space<vmem>>
        %dma_start3A_121 = arith.constant 0 : i32
        %dma_start3A_122 = tpu.memref_slice %arg7[%add3A_115, %dma_start3A_121] : memref<40x128xi32, #tpu.memory_space<vmem>> -> memref<1x128xi32, #tpu.memory_space<vmem>>
        %dma_start3A_123 = tpu.memref_squeeze %dma_start3A_122 : memref<1x128xi32, #tpu.memory_space<vmem>> -> memref<128xi32, #tpu.memory_space<vmem>>
        %dma_start3A_124 = arith.constant 0 : i32
        %dma_start3A_125 = arith.constant 0 : i32
        %dma_start3A_126 = tpu.memref_slice %arg2[%dma_start3A_124, %dma_start3A_125] : memref<20000x128xf32, #tpu.memory_space<hbm>> -> memref<20000x128xf32, #tpu.memory_space<hbm>>
        tpu.enqueue_indirect_dma source(%dma_start3A_126 : memref<20000x128xf32, #tpu.memory_space<hbm>>) target(%dma_start3A_120 : memref<128x128xf32, #tpu.memory_space<vmem>>) offsets(%dma_start3A_123 : memref<128xi32, #tpu.memory_space<vmem>>) semaphore(%arg11 : memref<!tpu.dma_semaphore, #tpu.memory_space<semaphore_mem>>)
      } else {
      }
      %add3A_96 = arith.constant 1 : i32
      %add3A_97 = arith.addi %mul3A_65, %add3A_96 : i32
      %add3A_98 = arith.constant 0 : i32
      %add3A_99 = arith.addi %add3A_97, %add3A_98 : i32
      %dma_wait3A_100 = arith.constant 1 : i32
      %dma_wait3A_101 = arith.constant 0 : i32
      %dma_wait3A_102 = arith.constant 0 : i32
      %dma_wait3A_103 = tpu.memref_slice %arg9[%dma_wait3A_100, %dma_wait3A_101, %dma_wait3A_102] : memref<2x128x128xf32, #tpu.memory_space<vmem>> -> memref<1x128x128xf32, #tpu.memory_space<vmem>>
      %dma_wait3A_104 = tpu.memref_squeeze %dma_wait3A_103 : memref<1x128x128xf32, #tpu.memory_space<vmem>> -> memref<128x128xf32, #tpu.memory_space<vmem>>
      %dma_wait3A_105 = arith.constant 0 : i32
      %dma_wait3A_106 = tpu.memref_slice %arg7[%add3A_99, %dma_wait3A_105] : memref<40x128xi32, #tpu.memory_space<vmem>> -> memref<1x128xi32, #tpu.memory_space<vmem>>
      %dma_wait3A_107 = tpu.memref_squeeze %dma_wait3A_106 : memref<1x128xi32, #tpu.memory_space<vmem>> -> memref<128xi32, #tpu.memory_space<vmem>>
      %dma_wait3A_108 = arith.constant 0 : i32
      %dma_wait3A_109 = arith.constant 0 : i32
      %dma_wait3A_110 = tpu.memref_slice %arg2[%dma_wait3A_108, %dma_wait3A_109] : memref<20000x128xf32, #tpu.memory_space<hbm>> -> memref<20000x128xf32, #tpu.memory_space<hbm>>
      tpu.wait_indirect_dma semaphore(%arg12 : memref<!tpu.dma_semaphore, #tpu.memory_space<semaphore_mem>>) src(%dma_wait3A_110 : memref<20000x128xf32, #tpu.memory_space<hbm>>) dst(%dma_wait3A_104 : memref<128x128xf32, #tpu.memory_space<vmem>>)
      %run_scoped3A_111 = arith.constant 1 : i32
      "tpu.region"() ({
        %run_scoped3A_112 = tpu.sem_alloc : memref<!tpu.dma_semaphore, #tpu.memory_space<semaphore_mem>>
        %dma_start3A_113 = arith.constant 0 : i32
        %dma_start3A_114 = arith.constant 0 : i32
        %dma_start3A_115 = tpu.memref_slice %arg9[%run_scoped3A_111, %dma_start3A_113, %dma_start3A_114] : memref<2x128x128xf32, #tpu.memory_space<vmem>> -> memref<1x128x128xf32, #tpu.memory_space<vmem>>
        %dma_start3A_116 = tpu.memref_squeeze %dma_start3A_115 : memref<1x128x128xf32, #tpu.memory_space<vmem>> -> memref<128x128xf32, #tpu.memory_space<vmem>>
        %dma_start3A_117 = arith.constant 0 : i32
        %dma_start3A_118 = tpu.memref_slice %arg8[%add3A_99, %dma_start3A_117] : memref<40x128xi32, #tpu.memory_space<vmem>> -> memref<1x128xi32, #tpu.memory_space<vmem>>
        %dma_start3A_119 = tpu.memref_squeeze %dma_start3A_118 : memref<1x128xi32, #tpu.memory_space<vmem>> -> memref<128xi32, #tpu.memory_space<vmem>>
        %dma_start3A_120 = arith.constant 0 : i32
        %dma_start3A_121 = arith.constant 0 : i32
        %dma_start3A_122 = tpu.memref_slice %arg10[%dma_start3A_120, %dma_start3A_121] : memref<10240x128xf32, #tpu.memory_space<vmem_shared>> -> memref<10240x128xf32, #tpu.memory_space<vmem_shared>>
        tpu.enqueue_indirect_dma source(%dma_start3A_116 : memref<128x128xf32, #tpu.memory_space<vmem>>) target(%dma_start3A_122 : memref<10240x128xf32, #tpu.memory_space<vmem_shared>>) offsets(%dma_start3A_119 : memref<128xi32, #tpu.memory_space<vmem>>) semaphore(%run_scoped3A_112 : memref<!tpu.dma_semaphore, #tpu.memory_space<semaphore_mem>>) {add = true}
        %dma_wait3A_123 = arith.constant 0 : i32
        %dma_wait3A_124 = arith.constant 0 : i32
        %dma_wait3A_125 = tpu.memref_slice %arg9[%run_scoped3A_111, %dma_wait3A_123, %dma_wait3A_124] : memref<2x128x128xf32, #tpu.memory_space<vmem>> -> memref<1x128x128xf32, #tpu.memory_space<vmem>>
        %dma_wait3A_126 = tpu.memref_squeeze %dma_wait3A_125 : memref<1x128x128xf32, #tpu.memory_space<vmem>> -> memref<128x128xf32, #tpu.memory_space<vmem>>
        %dma_wait3A_127 = arith.constant 0 : i32
        %dma_wait3A_128 = tpu.memref_slice %arg8[%add3A_99, %dma_wait3A_127] : memref<40x128xi32, #tpu.memory_space<vmem>> -> memref<1x128xi32, #tpu.memory_space<vmem>>
        %dma_wait3A_129 = tpu.memref_squeeze %dma_wait3A_128 : memref<1x128xi32, #tpu.memory_space<vmem>> -> memref<128xi32, #tpu.memory_space<vmem>>
        %dma_wait3A_130 = arith.constant 0 : i32
        %dma_wait3A_131 = arith.constant 0 : i32
        %dma_wait3A_132 = tpu.memref_slice %arg10[%dma_wait3A_130, %dma_wait3A_131] : memref<10240x128xf32, #tpu.memory_space<vmem_shared>> -> memref<10240x128xf32, #tpu.memory_space<vmem_shared>>
        tpu.wait_indirect_dma semaphore(%run_scoped3A_112 : memref<!tpu.dma_semaphore, #tpu.memory_space<semaphore_mem>>) src(%dma_wait3A_126 : memref<128x128xf32, #tpu.memory_space<vmem>>) dst(%dma_wait3A_132 : memref<10240x128xf32, #tpu.memory_space<vmem_shared>>)
        tpu.yield
      }) : () -> ()
    }
    %scan3A_30 = arith.constant 20 : i32
    "tpu.region"() ({
      %run_scoped3A_63 = tpu.sem_alloc : memref<!tpu.dma_semaphore, #tpu.memory_space<semaphore_mem>>
      %dma_start3A_64 = arith.constant 40 : i32
      %dma_start3A_65 = arith.constant 0 : i32
      %dma_start3A_66 = tpu.memref_slice %arg3[%arg0, %arg1, %dma_start3A_64, %dma_start3A_65] : memref<2x16x80x128xi32, #tpu.memory_space<hbm>> -> memref<1x1x40x128xi32, #tpu.memory_space<hbm>>
      %dma_start3A_67 = tpu.memref_squeeze %dma_start3A_66 : memref<1x1x40x128xi32, #tpu.memory_space<hbm>> -> memref<40x128xi32, #tpu.memory_space<hbm>>
      %dma_start3A_68 = arith.constant 40 : i32
      %dma_start3A_69 = arith.constant 0 : i32
      %dma_start3A_70 = tpu.memref_slice %arg3[%arg0, %arg1, %dma_start3A_68, %dma_start3A_69] : memref<2x16x80x128xi32, #tpu.memory_space<hbm>> -> memref<1x1x40x128xi32, #tpu.memory_space<hbm>>
      %dma_start3A_71 = tpu.memref_squeeze %dma_start3A_70 : memref<1x1x40x128xi32, #tpu.memory_space<hbm>> -> memref<40x128xi32, #tpu.memory_space<hbm>>
      tpu.enqueue_dma source(%dma_start3A_71 : memref<40x128xi32, #tpu.memory_space<hbm>>) target(%arg7 : memref<40x128xi32, #tpu.memory_space<vmem>>) target_semaphore(%run_scoped3A_63 : memref<!tpu.dma_semaphore, #tpu.memory_space<semaphore_mem>>)
      %dma_wait3A = arith.constant 40 : i32
      %dma_wait3A_72 = arith.constant 0 : i32
      %dma_wait3A_73 = tpu.memref_slice %arg3[%arg0, %arg1, %dma_wait3A, %dma_wait3A_72] : memref<2x16x80x128xi32, #tpu.memory_space<hbm>> -> memref<1x1x40x128xi32, #tpu.memory_space<hbm>>
      %dma_wait3A_74 = tpu.memref_squeeze %dma_wait3A_73 : memref<1x1x40x128xi32, #tpu.memory_space<hbm>> -> memref<40x128xi32, #tpu.memory_space<hbm>>
      %dma_wait3A_75 = arith.constant 40 : i32
      %dma_wait3A_76 = arith.constant 0 : i32
      %dma_wait3A_77 = tpu.memref_slice %arg3[%arg0, %arg1, %dma_wait3A_75, %dma_wait3A_76] : memref<2x16x80x128xi32, #tpu.memory_space<hbm>> -> memref<1x1x40x128xi32, #tpu.memory_space<hbm>>
      %dma_wait3A_78 = tpu.memref_squeeze %dma_wait3A_77 : memref<1x1x40x128xi32, #tpu.memory_space<hbm>> -> memref<40x128xi32, #tpu.memory_space<hbm>>
      tpu.wait_dma2 semaphore(%run_scoped3A_63 : memref<!tpu.dma_semaphore, #tpu.memory_space<semaphore_mem>>) src(%dma_wait3A_78 : memref<40x128xi32, #tpu.memory_space<hbm>>) dst(%arg7 : memref<40x128xi32, #tpu.memory_space<vmem>>)
      tpu.yield
    }) : () -> ()
    "tpu.region"() ({
      %run_scoped3A_63 = tpu.sem_alloc : memref<!tpu.dma_semaphore, #tpu.memory_space<semaphore_mem>>
      %dma_start3A_64 = arith.constant 40 : i32
      %dma_start3A_65 = arith.constant 0 : i32
      %dma_start3A_66 = tpu.memref_slice %arg4[%arg1, %dma_start3A_64, %dma_start3A_65] : memref<16x80x128xi32, #tpu.memory_space<hbm>> -> memref<1x40x128xi32, #tpu.memory_space<hbm>>
      %dma_start3A_67 = tpu.memref_squeeze %dma_start3A_66 : memref<1x40x128xi32, #tpu.memory_space<hbm>> -> memref<40x128xi32, #tpu.memory_space<hbm>>
      %dma_start3A_68 = arith.constant 40 : i32
      %dma_start3A_69 = arith.constant 0 : i32
      %dma_start3A_70 = tpu.memref_slice %arg4[%arg1, %dma_start3A_68, %dma_start3A_69] : memref<16x80x128xi32, #tpu.memory_space<hbm>> -> memref<1x40x128xi32, #tpu.memory_space<hbm>>
      %dma_start3A_71 = tpu.memref_squeeze %dma_start3A_70 : memref<1x40x128xi32, #tpu.memory_space<hbm>> -> memref<40x128xi32, #tpu.memory_space<hbm>>
      tpu.enqueue_dma source(%dma_start3A_71 : memref<40x128xi32, #tpu.memory_space<hbm>>) target(%arg8 : memref<40x128xi32, #tpu.memory_space<vmem>>) target_semaphore(%run_scoped3A_63 : memref<!tpu.dma_semaphore, #tpu.memory_space<semaphore_mem>>)
      %dma_wait3A = arith.constant 40 : i32
      %dma_wait3A_72 = arith.constant 0 : i32
      %dma_wait3A_73 = tpu.memref_slice %arg4[%arg1, %dma_wait3A, %dma_wait3A_72] : memref<16x80x128xi32, #tpu.memory_space<hbm>> -> memref<1x40x128xi32, #tpu.memory_space<hbm>>
      %dma_wait3A_74 = tpu.memref_squeeze %dma_wait3A_73 : memref<1x40x128xi32, #tpu.memory_space<hbm>> -> memref<40x128xi32, #tpu.memory_space<hbm>>
      %dma_wait3A_75 = arith.constant 40 : i32
      %dma_wait3A_76 = arith.constant 0 : i32
      %dma_wait3A_77 = tpu.memref_slice %arg4[%arg1, %dma_wait3A_75, %dma_wait3A_76] : memref<16x80x128xi32, #tpu.memory_space<hbm>> -> memref<1x40x128xi32, #tpu.memory_space<hbm>>
      %dma_wait3A_78 = tpu.memref_squeeze %dma_wait3A_77 : memref<1x40x128xi32, #tpu.memory_space<hbm>> -> memref<40x128xi32, #tpu.memory_space<hbm>>
      tpu.wait_dma2 semaphore(%run_scoped3A_63 : memref<!tpu.dma_semaphore, #tpu.memory_space<semaphore_mem>>) src(%dma_wait3A_78 : memref<40x128xi32, #tpu.memory_space<hbm>>) dst(%arg8 : memref<40x128xi32, #tpu.memory_space<vmem>>)
      tpu.yield
    }) : () -> ()
    %dma_start3A_31 = arith.constant 0 : i32
    %dma_start3A_32 = arith.constant 0 : i32
    %dma_start3A_33 = arith.constant 0 : i32
    %dma_start3A_34 = arith.constant 0 : i32
    %dma_start3A_35 = tpu.memref_slice %arg9[%dma_start3A_32, %dma_start3A_33, %dma_start3A_34] : memref<2x128x128xf32, #tpu.memory_space<vmem>> -> memref<1x128x128xf32, #tpu.memory_space<vmem>>
    %dma_start3A_36 = tpu.memref_squeeze %dma_start3A_35 : memref<1x128x128xf32, #tpu.memory_space<vmem>> -> memref<128x128xf32, #tpu.memory_space<vmem>>
    %dma_start3A_37 = arith.constant 0 : i32
    %dma_start3A_38 = tpu.memref_slice %arg7[%dma_start3A_31, %dma_start3A_37] : memref<40x128xi32, #tpu.memory_space<vmem>> -> memref<1x128xi32, #tpu.memory_space<vmem>>
    %dma_start3A_39 = tpu.memref_squeeze %dma_start3A_38 : memref<1x128xi32, #tpu.memory_space<vmem>> -> memref<128xi32, #tpu.memory_space<vmem>>
    %dma_start3A_40 = arith.constant 0 : i32
    %dma_start3A_41 = arith.constant 0 : i32
    %dma_start3A_42 = tpu.memref_slice %arg2[%dma_start3A_40, %dma_start3A_41] : memref<20000x128xf32, #tpu.memory_space<hbm>> -> memref<20000x128xf32, #tpu.memory_space<hbm>>
    tpu.enqueue_indirect_dma source(%dma_start3A_42 : memref<20000x128xf32, #tpu.memory_space<hbm>>) target(%dma_start3A_36 : memref<128x128xf32, #tpu.memory_space<vmem>>) offsets(%dma_start3A_39 : memref<128xi32, #tpu.memory_space<vmem>>) semaphore(%arg11 : memref<!tpu.dma_semaphore, #tpu.memory_space<semaphore_mem>>)
    %scan3A_43 = arith.constant 0 : i32
    %scan3A_44 = arith.constant 0 : i32
    %scan3A_45 = arith.constant 20 : i32
    %scan3A_46 = arith.addi %scan3A_44, %scan3A_45 : i32
    %scan3A_47 = arith.constant 1 : i32
    scf.for %scan3A_63 = %scan3A_44 to %scan3A_46 step %scan3A_47  : i32 {
      %mul3A_64 = arith.constant 2 : i32
      %mul3A_65 = arith.muli %scan3A_63, %mul3A_64 : i32
      %add3A_66 = arith.constant 2 : i32
      %add3A_67 = arith.addi %mul3A_65, %add3A_66 : i32
      %sub3A = arith.constant 1 : i32
      %sub3A_68 = arith.subi %add3A_67, %sub3A : i32
      %dma_start3A_69 = arith.constant 1 : i32
      %dma_start3A_70 = arith.constant 0 : i32
      %dma_start3A_71 = arith.constant 0 : i32
      %dma_start3A_72 = tpu.memref_slice %arg9[%dma_start3A_69, %dma_start3A_70, %dma_start3A_71] : memref<2x128x128xf32, #tpu.memory_space<vmem>> -> memref<1x128x128xf32, #tpu.memory_space<vmem>>
      %dma_start3A_73 = tpu.memref_squeeze %dma_start3A_72 : memref<1x128x128xf32, #tpu.memory_space<vmem>> -> memref<128x128xf32, #tpu.memory_space<vmem>>
      %dma_start3A_74 = arith.constant 0 : i32
      %dma_start3A_75 = tpu.memref_slice %arg7[%sub3A_68, %dma_start3A_74] : memref<40x128xi32, #tpu.memory_space<vmem>> -> memref<1x128xi32, #tpu.memory_space<vmem>>
      %dma_start3A_76 = tpu.memref_squeeze %dma_start3A_75 : memref<1x128xi32, #tpu.memory_space<vmem>> -> memref<128xi32, #tpu.memory_space<vmem>>
      %dma_start3A_77 = arith.constant 0 : i32
      %dma_start3A_78 = arith.constant 0 : i32
      %dma_start3A_79 = tpu.memref_slice %arg2[%dma_start3A_77, %dma_start3A_78] : memref<20000x128xf32, #tpu.memory_space<hbm>> -> memref<20000x128xf32, #tpu.memory_space<hbm>>
      tpu.enqueue_indirect_dma source(%dma_start3A_79 : memref<20000x128xf32, #tpu.memory_space<hbm>>) target(%dma_start3A_73 : memref<128x128xf32, #tpu.memory_space<vmem>>) offsets(%dma_start3A_76 : memref<128xi32, #tpu.memory_space<vmem>>) semaphore(%arg12 : memref<!tpu.dma_semaphore, #tpu.memory_space<semaphore_mem>>)
      %dma_wait3A = arith.constant 0 : i32
      %dma_wait3A_80 = arith.constant 0 : i32
      %dma_wait3A_81 = arith.constant 0 : i32
      %dma_wait3A_82 = tpu.memref_slice %arg9[%dma_wait3A, %dma_wait3A_80, %dma_wait3A_81] : memref<2x128x128xf32, #tpu.memory_space<vmem>> -> memref<1x128x128xf32, #tpu.memory_space<vmem>>
      %dma_wait3A_83 = tpu.memref_squeeze %dma_wait3A_82 : memref<1x128x128xf32, #tpu.memory_space<vmem>> -> memref<128x128xf32, #tpu.memory_space<vmem>>
      %dma_wait3A_84 = arith.constant 0 : i32
      %dma_wait3A_85 = tpu.memref_slice %arg7[%mul3A_65, %dma_wait3A_84] : memref<40x128xi32, #tpu.memory_space<vmem>> -> memref<1x128xi32, #tpu.memory_space<vmem>>
      %dma_wait3A_86 = tpu.memref_squeeze %dma_wait3A_85 : memref<1x128xi32, #tpu.memory_space<vmem>> -> memref<128xi32, #tpu.memory_space<vmem>>
      %dma_wait3A_87 = arith.constant 0 : i32
      %dma_wait3A_88 = arith.constant 0 : i32
      %dma_wait3A_89 = tpu.memref_slice %arg2[%dma_wait3A_87, %dma_wait3A_88] : memref<20000x128xf32, #tpu.memory_space<hbm>> -> memref<20000x128xf32, #tpu.memory_space<hbm>>
      tpu.wait_indirect_dma semaphore(%arg11 : memref<!tpu.dma_semaphore, #tpu.memory_space<semaphore_mem>>) src(%dma_wait3A_89 : memref<20000x128xf32, #tpu.memory_space<hbm>>) dst(%dma_wait3A_83 : memref<128x128xf32, #tpu.memory_space<vmem>>)
      %run_scoped3A_90 = arith.constant 0 : i32
      "tpu.region"() ({
        %run_scoped3A_112 = tpu.sem_alloc : memref<!tpu.dma_semaphore, #tpu.memory_space<semaphore_mem>>
        %dma_start3A_113 = arith.constant 0 : i32
        %dma_start3A_114 = arith.constant 0 : i32
        %dma_start3A_115 = tpu.memref_slice %arg9[%run_scoped3A_90, %dma_start3A_113, %dma_start3A_114] : memref<2x128x128xf32, #tpu.memory_space<vmem>> -> memref<1x128x128xf32, #tpu.memory_space<vmem>>
        %dma_start3A_116 = tpu.memref_squeeze %dma_start3A_115 : memref<1x128x128xf32, #tpu.memory_space<vmem>> -> memref<128x128xf32, #tpu.memory_space<vmem>>
        %dma_start3A_117 = arith.constant 0 : i32
        %dma_start3A_118 = tpu.memref_slice %arg8[%mul3A_65, %dma_start3A_117] : memref<40x128xi32, #tpu.memory_space<vmem>> -> memref<1x128xi32, #tpu.memory_space<vmem>>
        %dma_start3A_119 = tpu.memref_squeeze %dma_start3A_118 : memref<1x128xi32, #tpu.memory_space<vmem>> -> memref<128xi32, #tpu.memory_space<vmem>>
        %dma_start3A_120 = arith.constant 0 : i32
        %dma_start3A_121 = arith.constant 0 : i32
        %dma_start3A_122 = tpu.memref_slice %arg10[%dma_start3A_120, %dma_start3A_121] : memref<10240x128xf32, #tpu.memory_space<vmem_shared>> -> memref<10240x128xf32, #tpu.memory_space<vmem_shared>>
        tpu.enqueue_indirect_dma source(%dma_start3A_116 : memref<128x128xf32, #tpu.memory_space<vmem>>) target(%dma_start3A_122 : memref<10240x128xf32, #tpu.memory_space<vmem_shared>>) offsets(%dma_start3A_119 : memref<128xi32, #tpu.memory_space<vmem>>) semaphore(%run_scoped3A_112 : memref<!tpu.dma_semaphore, #tpu.memory_space<semaphore_mem>>) {add = true}
        %dma_wait3A_123 = arith.constant 0 : i32
        %dma_wait3A_124 = arith.constant 0 : i32
        %dma_wait3A_125 = tpu.memref_slice %arg9[%run_scoped3A_90, %dma_wait3A_123, %dma_wait3A_124] : memref<2x128x128xf32, #tpu.memory_space<vmem>> -> memref<1x128x128xf32, #tpu.memory_space<vmem>>
        %dma_wait3A_126 = tpu.memref_squeeze %dma_wait3A_125 : memref<1x128x128xf32, #tpu.memory_space<vmem>> -> memref<128x128xf32, #tpu.memory_space<vmem>>
        %dma_wait3A_127 = arith.constant 0 : i32
        %dma_wait3A_128 = tpu.memref_slice %arg8[%mul3A_65, %dma_wait3A_127] : memref<40x128xi32, #tpu.memory_space<vmem>> -> memref<1x128xi32, #tpu.memory_space<vmem>>
        %dma_wait3A_129 = tpu.memref_squeeze %dma_wait3A_128 : memref<1x128xi32, #tpu.memory_space<vmem>> -> memref<128xi32, #tpu.memory_space<vmem>>
        %dma_wait3A_130 = arith.constant 0 : i32
        %dma_wait3A_131 = arith.constant 0 : i32
        %dma_wait3A_132 = tpu.memref_slice %arg10[%dma_wait3A_130, %dma_wait3A_131] : memref<10240x128xf32, #tpu.memory_space<vmem_shared>> -> memref<10240x128xf32, #tpu.memory_space<vmem_shared>>
        tpu.wait_indirect_dma semaphore(%run_scoped3A_112 : memref<!tpu.dma_semaphore, #tpu.memory_space<semaphore_mem>>) src(%dma_wait3A_126 : memref<128x128xf32, #tpu.memory_space<vmem>>) dst(%dma_wait3A_132 : memref<10240x128xf32, #tpu.memory_space<vmem_shared>>)
        tpu.yield
      }) : () -> ()
      %lt3A_91 = arith.constant 19 : i32
      %lt3A_92 = arith.cmpi slt, %scan3A_63, %lt3A_91 : i32
      %convert_element_type3A_93 = arith.extui %lt3A_92 : i1 to i32
      %cond3A_94 = arith.constant 0 : i32
      %cond3A_95 = arith.cmpi ne, %convert_element_type3A_93, %cond3A_94 : i32
      scf.if %cond3A_95 {
        %add3A_112 = arith.constant 2 : i32
        %add3A_113 = arith.addi %mul3A_65, %add3A_112 : i32
        %add3A_114 = arith.constant 0 : i32
        %add3A_115 = arith.addi %add3A_113, %add3A_114 : i32
        %dma_start3A_116 = arith.constant 0 : i32
        %dma_start3A_117 = arith.constant 0 : i32
        %dma_start3A_118 = arith.constant 0 : i32
        %dma_start3A_119 = tpu.memref_slice %arg9[%dma_start3A_116, %dma_start3A_117, %dma_start3A_118] : memref<2x128x128xf32, #tpu.memory_space<vmem>> -> memref<1x128x128xf32, #tpu.memory_space<vmem>>
        %dma_start3A_120 = tpu.memref_squeeze %dma_start3A_119 : memref<1x128x128xf32, #tpu.memory_space<vmem>> -> memref<128x128xf32, #tpu.memory_space<vmem>>
        %dma_start3A_121 = arith.constant 0 : i32
        %dma_start3A_122 = tpu.memref_slice %arg7[%add3A_115, %dma_start3A_121] : memref<40x128xi32, #tpu.memory_space<vmem>> -> memref<1x128xi32, #tpu.memory_space<vmem>>
        %dma_start3A_123 = tpu.memref_squeeze %dma_start3A_122 : memref<1x128xi32, #tpu.memory_space<vmem>> -> memref<128xi32, #tpu.memory_space<vmem>>
        %dma_start3A_124 = arith.constant 0 : i32
        %dma_start3A_125 = arith.constant 0 : i32
        %dma_start3A_126 = tpu.memref_slice %arg2[%dma_start3A_124, %dma_start3A_125] : memref<20000x128xf32, #tpu.memory_space<hbm>> -> memref<20000x128xf32, #tpu.memory_space<hbm>>
        tpu.enqueue_indirect_dma source(%dma_start3A_126 : memref<20000x128xf32, #tpu.memory_space<hbm>>) target(%dma_start3A_120 : memref<128x128xf32, #tpu.memory_space<vmem>>) offsets(%dma_start3A_123 : memref<128xi32, #tpu.memory_space<vmem>>) semaphore(%arg11 : memref<!tpu.dma_semaphore, #tpu.memory_space<semaphore_mem>>)
      } else {
      }
      %add3A_96 = arith.constant 1 : i32
      %add3A_97 = arith.addi %mul3A_65, %add3A_96 : i32
      %add3A_98 = arith.constant 0 : i32
      %add3A_99 = arith.addi %add3A_97, %add3A_98 : i32
      %dma_wait3A_100 = arith.constant 1 : i32
      %dma_wait3A_101 = arith.constant 0 : i32
      %dma_wait3A_102 = arith.constant 0 : i32
      %dma_wait3A_103 = tpu.memref_slice %arg9[%dma_wait3A_100, %dma_wait3A_101, %dma_wait3A_102] : memref<2x128x128xf32, #tpu.memory_space<vmem>> -> memref<1x128x128xf32, #tpu.memory_space<vmem>>
      %dma_wait3A_104 = tpu.memref_squeeze %dma_wait3A_103 : memref<1x128x128xf32, #tpu.memory_space<vmem>> -> memref<128x128xf32, #tpu.memory_space<vmem>>
      %dma_wait3A_105 = arith.constant 0 : i32
      %dma_wait3A_106 = tpu.memref_slice %arg7[%add3A_99, %dma_wait3A_105] : memref<40x128xi32, #tpu.memory_space<vmem>> -> memref<1x128xi32, #tpu.memory_space<vmem>>
      %dma_wait3A_107 = tpu.memref_squeeze %dma_wait3A_106 : memref<1x128xi32, #tpu.memory_space<vmem>> -> memref<128xi32, #tpu.memory_space<vmem>>
      %dma_wait3A_108 = arith.constant 0 : i32
      %dma_wait3A_109 = arith.constant 0 : i32
      %dma_wait3A_110 = tpu.memref_slice %arg2[%dma_wait3A_108, %dma_wait3A_109] : memref<20000x128xf32, #tpu.memory_space<hbm>> -> memref<20000x128xf32, #tpu.memory_space<hbm>>
      tpu.wait_indirect_dma semaphore(%arg12 : memref<!tpu.dma_semaphore, #tpu.memory_space<semaphore_mem>>) src(%dma_wait3A_110 : memref<20000x128xf32, #tpu.memory_space<hbm>>) dst(%dma_wait3A_104 : memref<128x128xf32, #tpu.memory_space<vmem>>)
      %run_scoped3A_111 = arith.constant 1 : i32
      "tpu.region"() ({
        %run_scoped3A_112 = tpu.sem_alloc : memref<!tpu.dma_semaphore, #tpu.memory_space<semaphore_mem>>
        %dma_start3A_113 = arith.constant 0 : i32
        %dma_start3A_114 = arith.constant 0 : i32
        %dma_start3A_115 = tpu.memref_slice %arg9[%run_scoped3A_111, %dma_start3A_113, %dma_start3A_114] : memref<2x128x128xf32, #tpu.memory_space<vmem>> -> memref<1x128x128xf32, #tpu.memory_space<vmem>>
        %dma_start3A_116 = tpu.memref_squeeze %dma_start3A_115 : memref<1x128x128xf32, #tpu.memory_space<vmem>> -> memref<128x128xf32, #tpu.memory_space<vmem>>
        %dma_start3A_117 = arith.constant 0 : i32
        %dma_start3A_118 = tpu.memref_slice %arg8[%add3A_99, %dma_start3A_117] : memref<40x128xi32, #tpu.memory_space<vmem>> -> memref<1x128xi32, #tpu.memory_space<vmem>>
        %dma_start3A_119 = tpu.memref_squeeze %dma_start3A_118 : memref<1x128xi32, #tpu.memory_space<vmem>> -> memref<128xi32, #tpu.memory_space<vmem>>
        %dma_start3A_120 = arith.constant 0 : i32
        %dma_start3A_121 = arith.constant 0 : i32
        %dma_start3A_122 = tpu.memref_slice %arg10[%dma_start3A_120, %dma_start3A_121] : memref<10240x128xf32, #tpu.memory_space<vmem_shared>> -> memref<10240x128xf32, #tpu.memory_space<vmem_shared>>
        tpu.enqueue_indirect_dma source(%dma_start3A_116 : memref<128x128xf32, #tpu.memory_space<vmem>>) target(%dma_start3A_122 : memref<10240x128xf32, #tpu.memory_space<vmem_shared>>) offsets(%dma_start3A_119 : memref<128xi32, #tpu.memory_space<vmem>>) semaphore(%run_scoped3A_112 : memref<!tpu.dma_semaphore, #tpu.memory_space<semaphore_mem>>) {add = true}
        %dma_wait3A_123 = arith.constant 0 : i32
        %dma_wait3A_124 = arith.constant 0 : i32
        %dma_wait3A_125 = tpu.memref_slice %arg9[%run_scoped3A_111, %dma_wait3A_123, %dma_wait3A_124] : memref<2x128x128xf32, #tpu.memory_space<vmem>> -> memref<1x128x128xf32, #tpu.memory_space<vmem>>
        %dma_wait3A_126 = tpu.memref_squeeze %dma_wait3A_125 : memref<1x128x128xf32, #tpu.memory_space<vmem>> -> memref<128x128xf32, #tpu.memory_space<vmem>>
        %dma_wait3A_127 = arith.constant 0 : i32
        %dma_wait3A_128 = tpu.memref_slice %arg8[%add3A_99, %dma_wait3A_127] : memref<40x128xi32, #tpu.memory_space<vmem>> -> memref<1x128xi32, #tpu.memory_space<vmem>>
        %dma_wait3A_129 = tpu.memref_squeeze %dma_wait3A_128 : memref<1x128xi32, #tpu.memory_space<vmem>> -> memref<128xi32, #tpu.memory_space<vmem>>
        %dma_wait3A_130 = arith.constant 0 : i32
        %dma_wait3A_131 = arith.constant 0 : i32
        %dma_wait3A_132 = tpu.memref_slice %arg10[%dma_wait3A_130, %dma_wait3A_131] : memref<10240x128xf32, #tpu.memory_space<vmem_shared>> -> memref<10240x128xf32, #tpu.memory_space<vmem_shared>>
        tpu.wait_indirect_dma semaphore(%run_scoped3A_112 : memref<!tpu.dma_semaphore, #tpu.memory_space<semaphore_mem>>) src(%dma_wait3A_126 : memref<128x128xf32, #tpu.memory_space<vmem>>) dst(%dma_wait3A_132 : memref<10240x128xf32, #tpu.memory_space<vmem_shared>>)
        tpu.yield
      }) : () -> ()
    }
    %scan3A_48 = arith.constant 20 : i32
    %barrier3A_49 = arith.constant 0 : index
    tpu.barrier barrier_id(%barrier3A_49)
    %mul3A_50 = arith.constant 640 : i32
    %mul3A_51 = arith.muli %arg1, %mul3A_50 : i32
    %multiple_of3A_52 = tpu.assume_multiple %mul3A_51, 8 : i32
    %mul3A_53 = arith.constant 10000 : i32
    %mul3A_54 = arith.muli %arg0, %mul3A_53 : i32
    %add3A_55 = arith.addi %mul3A_54, %multiple_of3A_52 : i32
    %multiple_of3A_56 = tpu.assume_multiple %add3A_55, 8 : i32
    %lt3A = arith.constant 15 : i32
    %lt3A_57 = arith.cmpi slt, %arg1, %lt3A : i32
    %convert_element_type3A = arith.extui %lt3A_57 : i1 to i32
    %cond3A = arith.constant 0 : i32
    %cond3A_58 = arith.cmpi ne, %convert_element_type3A, %cond3A : i32
    scf.if %cond3A_58 {
      "tpu.region"() ({
        %run_scoped3A_63 = tpu.sem_alloc : memref<!tpu.dma_semaphore, #tpu.memory_space<semaphore_mem>>
        %dma_start3A_64 = arith.constant 0 : i32
        %dma_start3A_65 = tpu.memref_slice %arg6[%multiple_of3A_56, %dma_start3A_64] : memref<20000x128xf32, #tpu.memory_space<hbm>> -> memref<640x128xf32, #tpu.memory_space<hbm>>
        %dma_start3A_66 = arith.constant 0 : i32
        %dma_start3A_67 = tpu.memref_slice %arg10[%multiple_of3A_52, %dma_start3A_66] : memref<10240x128xf32, #tpu.memory_space<vmem_shared>> -> memref<640x128xf32, #tpu.memory_space<vmem_shared>>
        tpu.enqueue_dma source(%dma_start3A_67 : memref<640x128xf32, #tpu.memory_space<vmem_shared>>) target(%dma_start3A_65 : memref<640x128xf32, #tpu.memory_space<hbm>>) target_semaphore(%run_scoped3A_63 : memref<!tpu.dma_semaphore, #tpu.memory_space<semaphore_mem>>)
        %dma_wait3A = arith.constant 0 : i32
        %dma_wait3A_68 = tpu.memref_slice %arg6[%multiple_of3A_56, %dma_wait3A] : memref<20000x128xf32, #tpu.memory_space<hbm>> -> memref<640x128xf32, #tpu.memory_space<hbm>>
        %dma_wait3A_69 = arith.constant 0 : i32
        %dma_wait3A_70 = tpu.memref_slice %arg10[%multiple_of3A_52, %dma_wait3A_69] : memref<10240x128xf32, #tpu.memory_space<vmem_shared>> -> memref<640x128xf32, #tpu.memory_space<vmem_shared>>
        tpu.wait_dma2 semaphore(%run_scoped3A_63 : memref<!tpu.dma_semaphore, #tpu.memory_space<semaphore_mem>>) src(%dma_wait3A_70 : memref<640x128xf32, #tpu.memory_space<vmem_shared>>) dst(%dma_wait3A_68 : memref<640x128xf32, #tpu.memory_space<hbm>>)
        tpu.yield
      }) : () -> ()
    } else {
    }
    %eq3A = arith.constant 15 : i32
    %eq3A_59 = arith.cmpi eq, %arg1, %eq3A : i32
    %convert_element_type3A_60 = arith.extui %eq3A_59 : i1 to i32
    %cond3A_61 = arith.constant 0 : i32
    %cond3A_62 = arith.cmpi ne, %convert_element_type3A_60, %cond3A_61 : i32
    scf.if %cond3A_62 {
      "tpu.region"() ({
        %run_scoped3A_63 = tpu.sem_alloc : memref<!tpu.dma_semaphore, #tpu.memory_space<semaphore_mem>>
        %dma_start3A_64 = arith.constant 0 : i32
        %dma_start3A_65 = tpu.memref_slice %arg6[%multiple_of3A_56, %dma_start3A_64] : memref<20000x128xf32, #tpu.memory_space<hbm>> -> memref<400x128xf32, #tpu.memory_space<hbm>>
        %dma_start3A_66 = arith.constant 0 : i32
        %dma_start3A_67 = tpu.memref_slice %arg10[%multiple_of3A_52, %dma_start3A_66] : memref<10240x128xf32, #tpu.memory_space<vmem_shared>> -> memref<400x128xf32, #tpu.memory_space<vmem_shared>>
        tpu.enqueue_dma source(%dma_start3A_67 : memref<400x128xf32, #tpu.memory_space<vmem_shared>>) target(%dma_start3A_65 : memref<400x128xf32, #tpu.memory_space<hbm>>) target_semaphore(%run_scoped3A_63 : memref<!tpu.dma_semaphore, #tpu.memory_space<semaphore_mem>>)
        %dma_wait3A = arith.constant 0 : i32
        %dma_wait3A_68 = tpu.memref_slice %arg6[%multiple_of3A_56, %dma_wait3A] : memref<20000x128xf32, #tpu.memory_space<hbm>> -> memref<400x128xf32, #tpu.memory_space<hbm>>
        %dma_wait3A_69 = arith.constant 0 : i32
        %dma_wait3A_70 = tpu.memref_slice %arg10[%multiple_of3A_52, %dma_wait3A_69] : memref<10240x128xf32, #tpu.memory_space<vmem_shared>> -> memref<400x128xf32, #tpu.memory_space<vmem_shared>>
        tpu.wait_dma2 semaphore(%run_scoped3A_63 : memref<!tpu.dma_semaphore, #tpu.memory_space<semaphore_mem>>) src(%dma_wait3A_70 : memref<400x128xf32, #tpu.memory_space<vmem_shared>>) dst(%dma_wait3A_68 : memref<400x128xf32, #tpu.memory_space<hbm>>)
        tpu.yield
      }) : () -> ()
    } else {
    }
    return
  }
}

#map = affine_map<(d0, d1) -> (0, 0, 0, 0)>
#map1 = affine_map<(d0, d1) -> (0, 0)>
#map2 = affine_map<(d0, d1) -> (0, 0, 0)>
module attributes {stable_mosaic.version = 14 : i64} {
  func.func @hist(%arg0: i32, %arg1: i32, %arg2: memref<2x16x40x128xi32, #tpu.memory_space<hbm>>, %arg3: memref<128x128xf32, #tpu.memory_space<hbm>>, %arg4: memref<128x128xf32, #tpu.memory_space<hbm>>, %arg5: memref<2x10000x128xf32, #tpu.memory_space<hbm>>, %arg6: memref<40x128xi32, #tpu.memory_space<vmem>>, %arg7: memref<128x128xf32, #tpu.memory_space<vmem>>, %arg8: memref<10240x128xf32, #tpu.memory_space<vmem_shared>>, %arg9: memref<!tpu.dma_semaphore, #tpu.memory_space<semaphore_mem>>) attributes {dimension_semantics = [#tpu.dimension_semantics<core_parallel>, #tpu.dimension_semantics<subcore_parallel>], iteration_bounds = array<i64: 2, 16>, scalar_prefetch = 0 : i64, scratch_operands = 4 : i64, tpu.core_type = #tpu.core_type<sc_vector_subcore>, window_params = [{transform_indices = #map}, {transform_indices = #map1}, {transform_indices = #map1}, {transform_indices = #map2}]} {
    "tpu.region"() ({
      %run_scoped3A = tpu.sem_alloc : memref<!tpu.dma_semaphore, #tpu.memory_space<semaphore_mem>>
      %dma_start3A = arith.constant 0 : i32
      %dma_start3A_25 = arith.constant 0 : i32
      %dma_start3A_26 = tpu.memref_slice %arg2[%arg0, %arg1, %dma_start3A, %dma_start3A_25] : memref<2x16x40x128xi32, #tpu.memory_space<hbm>> -> memref<1x1x40x128xi32, #tpu.memory_space<hbm>>
      %dma_start3A_27 = tpu.memref_squeeze %dma_start3A_26 : memref<1x1x40x128xi32, #tpu.memory_space<hbm>> -> memref<40x128xi32, #tpu.memory_space<hbm>>
      %dma_start3A_28 = arith.constant 0 : i32
      %dma_start3A_29 = arith.constant 0 : i32
      %dma_start3A_30 = tpu.memref_slice %arg2[%arg0, %arg1, %dma_start3A_28, %dma_start3A_29] : memref<2x16x40x128xi32, #tpu.memory_space<hbm>> -> memref<1x1x40x128xi32, #tpu.memory_space<hbm>>
      %dma_start3A_31 = tpu.memref_squeeze %dma_start3A_30 : memref<1x1x40x128xi32, #tpu.memory_space<hbm>> -> memref<40x128xi32, #tpu.memory_space<hbm>>
      tpu.enqueue_dma source(%dma_start3A_31 : memref<40x128xi32, #tpu.memory_space<hbm>>) target(%arg6 : memref<40x128xi32, #tpu.memory_space<vmem>>) target_semaphore(%run_scoped3A : memref<!tpu.dma_semaphore, #tpu.memory_space<semaphore_mem>>)
      %dma_wait3A = arith.constant 0 : i32
      %dma_wait3A_32 = arith.constant 0 : i32
      %dma_wait3A_33 = tpu.memref_slice %arg2[%arg0, %arg1, %dma_wait3A, %dma_wait3A_32] : memref<2x16x40x128xi32, #tpu.memory_space<hbm>> -> memref<1x1x40x128xi32, #tpu.memory_space<hbm>>
      %dma_wait3A_34 = tpu.memref_squeeze %dma_wait3A_33 : memref<1x1x40x128xi32, #tpu.memory_space<hbm>> -> memref<40x128xi32, #tpu.memory_space<hbm>>
      %dma_wait3A_35 = arith.constant 0 : i32
      %dma_wait3A_36 = arith.constant 0 : i32
      %dma_wait3A_37 = tpu.memref_slice %arg2[%arg0, %arg1, %dma_wait3A_35, %dma_wait3A_36] : memref<2x16x40x128xi32, #tpu.memory_space<hbm>> -> memref<1x1x40x128xi32, #tpu.memory_space<hbm>>
      %dma_wait3A_38 = tpu.memref_squeeze %dma_wait3A_37 : memref<1x1x40x128xi32, #tpu.memory_space<hbm>> -> memref<40x128xi32, #tpu.memory_space<hbm>>
      tpu.wait_dma2 semaphore(%run_scoped3A : memref<!tpu.dma_semaphore, #tpu.memory_space<semaphore_mem>>) src(%dma_wait3A_38 : memref<40x128xi32, #tpu.memory_space<hbm>>) dst(%arg6 : memref<40x128xi32, #tpu.memory_space<vmem>>)
      tpu.yield
    }) : () -> ()
    %mul3A = arith.constant 640 : i32
    %mul3A_0 = arith.muli %arg1, %mul3A : i32
    %multiple_of3A = tpu.assume_multiple %mul3A_0, 8 : i32
    "tpu.region"() ({
      %run_scoped3A = tpu.sem_alloc : memref<!tpu.dma_semaphore, #tpu.memory_space<semaphore_mem>>
      tpu.enqueue_dma source(%arg4 : memref<128x128xf32, #tpu.memory_space<hbm>>) target(%arg7 : memref<128x128xf32, #tpu.memory_space<vmem>>) target_semaphore(%run_scoped3A : memref<!tpu.dma_semaphore, #tpu.memory_space<semaphore_mem>>)
      tpu.wait_dma2 semaphore(%run_scoped3A : memref<!tpu.dma_semaphore, #tpu.memory_space<semaphore_mem>>) src(%arg4 : memref<128x128xf32, #tpu.memory_space<hbm>>) dst(%arg7 : memref<128x128xf32, #tpu.memory_space<vmem>>)
      tpu.yield
    }) : () -> ()
    %add3A = arith.constant 0 : i32
    %add3A_1 = arith.addi %multiple_of3A, %add3A : i32
    "tpu.region"() ({
      %run_scoped3A = tpu.sem_alloc : memref<!tpu.dma_semaphore, #tpu.memory_space<semaphore_mem>>
      %dma_start3A = arith.constant 0 : i32
      %dma_start3A_25 = tpu.memref_slice %arg8[%add3A_1, %dma_start3A] : memref<10240x128xf32, #tpu.memory_space<vmem_shared>> -> memref<128x128xf32, #tpu.memory_space<vmem_shared>>
      %dma_start3A_26 = arith.constant 0 : i32
      %dma_start3A_27 = tpu.memref_slice %arg8[%add3A_1, %dma_start3A_26] : memref<10240x128xf32, #tpu.memory_space<vmem_shared>> -> memref<128x128xf32, #tpu.memory_space<vmem_shared>>
      tpu.enqueue_dma source(%arg7 : memref<128x128xf32, #tpu.memory_space<vmem>>) target(%dma_start3A_27 : memref<128x128xf32, #tpu.memory_space<vmem_shared>>) target_semaphore(%run_scoped3A : memref<!tpu.dma_semaphore, #tpu.memory_space<semaphore_mem>>)
      %dma_wait3A = arith.constant 0 : i32
      %dma_wait3A_28 = tpu.memref_slice %arg8[%add3A_1, %dma_wait3A] : memref<10240x128xf32, #tpu.memory_space<vmem_shared>> -> memref<128x128xf32, #tpu.memory_space<vmem_shared>>
      %dma_wait3A_29 = arith.constant 0 : i32
      %dma_wait3A_30 = tpu.memref_slice %arg8[%add3A_1, %dma_wait3A_29] : memref<10240x128xf32, #tpu.memory_space<vmem_shared>> -> memref<128x128xf32, #tpu.memory_space<vmem_shared>>
      tpu.wait_dma2 semaphore(%run_scoped3A : memref<!tpu.dma_semaphore, #tpu.memory_space<semaphore_mem>>) src(%arg7 : memref<128x128xf32, #tpu.memory_space<vmem>>) dst(%dma_wait3A_30 : memref<128x128xf32, #tpu.memory_space<vmem_shared>>)
      tpu.yield
    }) : () -> ()
    %add3A_2 = arith.constant 128 : i32
    %add3A_3 = arith.addi %multiple_of3A, %add3A_2 : i32
    "tpu.region"() ({
      %run_scoped3A = tpu.sem_alloc : memref<!tpu.dma_semaphore, #tpu.memory_space<semaphore_mem>>
      %dma_start3A = arith.constant 0 : i32
      %dma_start3A_25 = tpu.memref_slice %arg8[%add3A_3, %dma_start3A] : memref<10240x128xf32, #tpu.memory_space<vmem_shared>> -> memref<128x128xf32, #tpu.memory_space<vmem_shared>>
      %dma_start3A_26 = arith.constant 0 : i32
      %dma_start3A_27 = tpu.memref_slice %arg8[%add3A_3, %dma_start3A_26] : memref<10240x128xf32, #tpu.memory_space<vmem_shared>> -> memref<128x128xf32, #tpu.memory_space<vmem_shared>>
      tpu.enqueue_dma source(%arg7 : memref<128x128xf32, #tpu.memory_space<vmem>>) target(%dma_start3A_27 : memref<128x128xf32, #tpu.memory_space<vmem_shared>>) target_semaphore(%run_scoped3A : memref<!tpu.dma_semaphore, #tpu.memory_space<semaphore_mem>>)
      %dma_wait3A = arith.constant 0 : i32
      %dma_wait3A_28 = tpu.memref_slice %arg8[%add3A_3, %dma_wait3A] : memref<10240x128xf32, #tpu.memory_space<vmem_shared>> -> memref<128x128xf32, #tpu.memory_space<vmem_shared>>
      %dma_wait3A_29 = arith.constant 0 : i32
      %dma_wait3A_30 = tpu.memref_slice %arg8[%add3A_3, %dma_wait3A_29] : memref<10240x128xf32, #tpu.memory_space<vmem_shared>> -> memref<128x128xf32, #tpu.memory_space<vmem_shared>>
      tpu.wait_dma2 semaphore(%run_scoped3A : memref<!tpu.dma_semaphore, #tpu.memory_space<semaphore_mem>>) src(%arg7 : memref<128x128xf32, #tpu.memory_space<vmem>>) dst(%dma_wait3A_30 : memref<128x128xf32, #tpu.memory_space<vmem_shared>>)
      tpu.yield
    }) : () -> ()
    %add3A_4 = arith.constant 256 : i32
    %add3A_5 = arith.addi %multiple_of3A, %add3A_4 : i32
    "tpu.region"() ({
      %run_scoped3A = tpu.sem_alloc : memref<!tpu.dma_semaphore, #tpu.memory_space<semaphore_mem>>
      %dma_start3A = arith.constant 0 : i32
      %dma_start3A_25 = tpu.memref_slice %arg8[%add3A_5, %dma_start3A] : memref<10240x128xf32, #tpu.memory_space<vmem_shared>> -> memref<128x128xf32, #tpu.memory_space<vmem_shared>>
      %dma_start3A_26 = arith.constant 0 : i32
      %dma_start3A_27 = tpu.memref_slice %arg8[%add3A_5, %dma_start3A_26] : memref<10240x128xf32, #tpu.memory_space<vmem_shared>> -> memref<128x128xf32, #tpu.memory_space<vmem_shared>>
      tpu.enqueue_dma source(%arg7 : memref<128x128xf32, #tpu.memory_space<vmem>>) target(%dma_start3A_27 : memref<128x128xf32, #tpu.memory_space<vmem_shared>>) target_semaphore(%run_scoped3A : memref<!tpu.dma_semaphore, #tpu.memory_space<semaphore_mem>>)
      %dma_wait3A = arith.constant 0 : i32
      %dma_wait3A_28 = tpu.memref_slice %arg8[%add3A_5, %dma_wait3A] : memref<10240x128xf32, #tpu.memory_space<vmem_shared>> -> memref<128x128xf32, #tpu.memory_space<vmem_shared>>
      %dma_wait3A_29 = arith.constant 0 : i32
      %dma_wait3A_30 = tpu.memref_slice %arg8[%add3A_5, %dma_wait3A_29] : memref<10240x128xf32, #tpu.memory_space<vmem_shared>> -> memref<128x128xf32, #tpu.memory_space<vmem_shared>>
      tpu.wait_dma2 semaphore(%run_scoped3A : memref<!tpu.dma_semaphore, #tpu.memory_space<semaphore_mem>>) src(%arg7 : memref<128x128xf32, #tpu.memory_space<vmem>>) dst(%dma_wait3A_30 : memref<128x128xf32, #tpu.memory_space<vmem_shared>>)
      tpu.yield
    }) : () -> ()
    %add3A_6 = arith.constant 384 : i32
    %add3A_7 = arith.addi %multiple_of3A, %add3A_6 : i32
    "tpu.region"() ({
      %run_scoped3A = tpu.sem_alloc : memref<!tpu.dma_semaphore, #tpu.memory_space<semaphore_mem>>
      %dma_start3A = arith.constant 0 : i32
      %dma_start3A_25 = tpu.memref_slice %arg8[%add3A_7, %dma_start3A] : memref<10240x128xf32, #tpu.memory_space<vmem_shared>> -> memref<128x128xf32, #tpu.memory_space<vmem_shared>>
      %dma_start3A_26 = arith.constant 0 : i32
      %dma_start3A_27 = tpu.memref_slice %arg8[%add3A_7, %dma_start3A_26] : memref<10240x128xf32, #tpu.memory_space<vmem_shared>> -> memref<128x128xf32, #tpu.memory_space<vmem_shared>>
      tpu.enqueue_dma source(%arg7 : memref<128x128xf32, #tpu.memory_space<vmem>>) target(%dma_start3A_27 : memref<128x128xf32, #tpu.memory_space<vmem_shared>>) target_semaphore(%run_scoped3A : memref<!tpu.dma_semaphore, #tpu.memory_space<semaphore_mem>>)
      %dma_wait3A = arith.constant 0 : i32
      %dma_wait3A_28 = tpu.memref_slice %arg8[%add3A_7, %dma_wait3A] : memref<10240x128xf32, #tpu.memory_space<vmem_shared>> -> memref<128x128xf32, #tpu.memory_space<vmem_shared>>
      %dma_wait3A_29 = arith.constant 0 : i32
      %dma_wait3A_30 = tpu.memref_slice %arg8[%add3A_7, %dma_wait3A_29] : memref<10240x128xf32, #tpu.memory_space<vmem_shared>> -> memref<128x128xf32, #tpu.memory_space<vmem_shared>>
      tpu.wait_dma2 semaphore(%run_scoped3A : memref<!tpu.dma_semaphore, #tpu.memory_space<semaphore_mem>>) src(%arg7 : memref<128x128xf32, #tpu.memory_space<vmem>>) dst(%dma_wait3A_30 : memref<128x128xf32, #tpu.memory_space<vmem_shared>>)
      tpu.yield
    }) : () -> ()
    %add3A_8 = arith.constant 512 : i32
    %add3A_9 = arith.addi %multiple_of3A, %add3A_8 : i32
    "tpu.region"() ({
      %run_scoped3A = tpu.sem_alloc : memref<!tpu.dma_semaphore, #tpu.memory_space<semaphore_mem>>
      %dma_start3A = arith.constant 0 : i32
      %dma_start3A_25 = tpu.memref_slice %arg8[%add3A_9, %dma_start3A] : memref<10240x128xf32, #tpu.memory_space<vmem_shared>> -> memref<128x128xf32, #tpu.memory_space<vmem_shared>>
      %dma_start3A_26 = arith.constant 0 : i32
      %dma_start3A_27 = tpu.memref_slice %arg8[%add3A_9, %dma_start3A_26] : memref<10240x128xf32, #tpu.memory_space<vmem_shared>> -> memref<128x128xf32, #tpu.memory_space<vmem_shared>>
      tpu.enqueue_dma source(%arg7 : memref<128x128xf32, #tpu.memory_space<vmem>>) target(%dma_start3A_27 : memref<128x128xf32, #tpu.memory_space<vmem_shared>>) target_semaphore(%run_scoped3A : memref<!tpu.dma_semaphore, #tpu.memory_space<semaphore_mem>>)
      %dma_wait3A = arith.constant 0 : i32
      %dma_wait3A_28 = tpu.memref_slice %arg8[%add3A_9, %dma_wait3A] : memref<10240x128xf32, #tpu.memory_space<vmem_shared>> -> memref<128x128xf32, #tpu.memory_space<vmem_shared>>
      %dma_wait3A_29 = arith.constant 0 : i32
      %dma_wait3A_30 = tpu.memref_slice %arg8[%add3A_9, %dma_wait3A_29] : memref<10240x128xf32, #tpu.memory_space<vmem_shared>> -> memref<128x128xf32, #tpu.memory_space<vmem_shared>>
      tpu.wait_dma2 semaphore(%run_scoped3A : memref<!tpu.dma_semaphore, #tpu.memory_space<semaphore_mem>>) src(%arg7 : memref<128x128xf32, #tpu.memory_space<vmem>>) dst(%dma_wait3A_30 : memref<128x128xf32, #tpu.memory_space<vmem_shared>>)
      tpu.yield
    }) : () -> ()
    "tpu.region"() ({
      %run_scoped3A = tpu.sem_alloc : memref<!tpu.dma_semaphore, #tpu.memory_space<semaphore_mem>>
      tpu.enqueue_dma source(%arg3 : memref<128x128xf32, #tpu.memory_space<hbm>>) target(%arg7 : memref<128x128xf32, #tpu.memory_space<vmem>>) target_semaphore(%run_scoped3A : memref<!tpu.dma_semaphore, #tpu.memory_space<semaphore_mem>>)
      tpu.wait_dma2 semaphore(%run_scoped3A : memref<!tpu.dma_semaphore, #tpu.memory_space<semaphore_mem>>) src(%arg3 : memref<128x128xf32, #tpu.memory_space<hbm>>) dst(%arg7 : memref<128x128xf32, #tpu.memory_space<vmem>>)
      tpu.yield
    }) : () -> ()
    %barrier3A = arith.constant 0 : index
    tpu.barrier barrier_id(%barrier3A)
    %scan3A = arith.constant 0 : i32
    %scan3A_10 = arith.constant 0 : i32
    %scan3A_11 = arith.constant 40 : i32
    %scan3A_12 = arith.addi %scan3A_10, %scan3A_11 : i32
    %scan3A_13 = arith.constant 1 : i32
    scf.for %scan3A_25 = %scan3A_10 to %scan3A_12 step %scan3A_13  : i32 {
      "tpu.region"() ({
        %run_scoped3A = tpu.sem_alloc : memref<!tpu.dma_semaphore, #tpu.memory_space<semaphore_mem>>
        %dma_start3A = arith.constant 0 : i32
        %dma_start3A_26 = tpu.memref_slice %arg6[%scan3A_25, %dma_start3A] : memref<40x128xi32, #tpu.memory_space<vmem>> -> memref<1x128xi32, #tpu.memory_space<vmem>>
        %dma_start3A_27 = tpu.memref_squeeze %dma_start3A_26 : memref<1x128xi32, #tpu.memory_space<vmem>> -> memref<128xi32, #tpu.memory_space<vmem>>
        %dma_start3A_28 = arith.constant 0 : i32
        %dma_start3A_29 = arith.constant 0 : i32
        %dma_start3A_30 = tpu.memref_slice %arg8[%dma_start3A_28, %dma_start3A_29] : memref<10240x128xf32, #tpu.memory_space<vmem_shared>> -> memref<10240x128xf32, #tpu.memory_space<vmem_shared>>
        tpu.enqueue_indirect_dma source(%arg7 : memref<128x128xf32, #tpu.memory_space<vmem>>) target(%dma_start3A_30 : memref<10240x128xf32, #tpu.memory_space<vmem_shared>>) offsets(%dma_start3A_27 : memref<128xi32, #tpu.memory_space<vmem>>) semaphore(%run_scoped3A : memref<!tpu.dma_semaphore, #tpu.memory_space<semaphore_mem>>) {add = true}
        %dma_wait3A = arith.constant 0 : i32
        %dma_wait3A_31 = tpu.memref_slice %arg6[%scan3A_25, %dma_wait3A] : memref<40x128xi32, #tpu.memory_space<vmem>> -> memref<1x128xi32, #tpu.memory_space<vmem>>
        %dma_wait3A_32 = tpu.memref_squeeze %dma_wait3A_31 : memref<1x128xi32, #tpu.memory_space<vmem>> -> memref<128xi32, #tpu.memory_space<vmem>>
        %dma_wait3A_33 = arith.constant 0 : i32
        %dma_wait3A_34 = arith.constant 0 : i32
        %dma_wait3A_35 = tpu.memref_slice %arg8[%dma_wait3A_33, %dma_wait3A_34] : memref<10240x128xf32, #tpu.memory_space<vmem_shared>> -> memref<10240x128xf32, #tpu.memory_space<vmem_shared>>
        tpu.wait_indirect_dma semaphore(%run_scoped3A : memref<!tpu.dma_semaphore, #tpu.memory_space<semaphore_mem>>) src(%arg7 : memref<128x128xf32, #tpu.memory_space<vmem>>) dst(%dma_wait3A_35 : memref<10240x128xf32, #tpu.memory_space<vmem_shared>>)
        tpu.yield
      }) : () -> ()
    }
    %scan3A_14 = arith.constant 40 : i32
    %barrier3A_15 = arith.constant 0 : index
    tpu.barrier barrier_id(%barrier3A_15)
    %mul3A_16 = arith.constant 640 : i32
    %mul3A_17 = arith.muli %arg1, %mul3A_16 : i32
    %multiple_of3A_18 = tpu.assume_multiple %mul3A_17, 8 : i32
    %lt3A = arith.constant 15 : i32
    %lt3A_19 = arith.cmpi slt, %arg1, %lt3A : i32
    %convert_element_type3A = arith.extui %lt3A_19 : i1 to i32
    %cond3A = arith.constant 0 : i32
    %cond3A_20 = arith.cmpi ne, %convert_element_type3A, %cond3A : i32
    scf.if %cond3A_20 {
      "tpu.region"() ({
        %run_scoped3A = tpu.sem_alloc : memref<!tpu.dma_semaphore, #tpu.memory_space<semaphore_mem>>
        %dma_start3A = arith.constant 0 : i32
        %dma_start3A_25 = arith.constant 0 : i32
        %dma_start3A_26 = tpu.memref_slice %arg5[%arg0, %dma_start3A, %dma_start3A_25] : memref<2x10000x128xf32, #tpu.memory_space<hbm>> -> memref<1x10000x128xf32, #tpu.memory_space<hbm>>
        %dma_start3A_27 = tpu.memref_squeeze %dma_start3A_26 : memref<1x10000x128xf32, #tpu.memory_space<hbm>> -> memref<10000x128xf32, #tpu.memory_space<hbm>>
        %dma_start3A_28 = arith.constant 0 : i32
        %dma_start3A_29 = tpu.memref_slice %dma_start3A_27[%multiple_of3A_18, %dma_start3A_28] : memref<10000x128xf32, #tpu.memory_space<hbm>> -> memref<640x128xf32, #tpu.memory_space<hbm>>
        %dma_start3A_30 = arith.constant 0 : i32
        %dma_start3A_31 = tpu.memref_slice %arg8[%multiple_of3A_18, %dma_start3A_30] : memref<10240x128xf32, #tpu.memory_space<vmem_shared>> -> memref<640x128xf32, #tpu.memory_space<vmem_shared>>
        tpu.enqueue_dma source(%dma_start3A_31 : memref<640x128xf32, #tpu.memory_space<vmem_shared>>) target(%dma_start3A_29 : memref<640x128xf32, #tpu.memory_space<hbm>>) target_semaphore(%run_scoped3A : memref<!tpu.dma_semaphore, #tpu.memory_space<semaphore_mem>>)
        %dma_wait3A = arith.constant 0 : i32
        %dma_wait3A_32 = arith.constant 0 : i32
        %dma_wait3A_33 = tpu.memref_slice %arg5[%arg0, %dma_wait3A, %dma_wait3A_32] : memref<2x10000x128xf32, #tpu.memory_space<hbm>> -> memref<1x10000x128xf32, #tpu.memory_space<hbm>>
        %dma_wait3A_34 = tpu.memref_squeeze %dma_wait3A_33 : memref<1x10000x128xf32, #tpu.memory_space<hbm>> -> memref<10000x128xf32, #tpu.memory_space<hbm>>
        %dma_wait3A_35 = arith.constant 0 : i32
        %dma_wait3A_36 = tpu.memref_slice %dma_wait3A_34[%multiple_of3A_18, %dma_wait3A_35] : memref<10000x128xf32, #tpu.memory_space<hbm>> -> memref<640x128xf32, #tpu.memory_space<hbm>>
        %dma_wait3A_37 = arith.constant 0 : i32
        %dma_wait3A_38 = tpu.memref_slice %arg8[%multiple_of3A_18, %dma_wait3A_37] : memref<10240x128xf32, #tpu.memory_space<vmem_shared>> -> memref<640x128xf32, #tpu.memory_space<vmem_shared>>
        tpu.wait_dma2 semaphore(%run_scoped3A : memref<!tpu.dma_semaphore, #tpu.memory_space<semaphore_mem>>) src(%dma_wait3A_38 : memref<640x128xf32, #tpu.memory_space<vmem_shared>>) dst(%dma_wait3A_36 : memref<640x128xf32, #tpu.memory_space<hbm>>)
        tpu.yield
      }) : () -> ()
    } else {
    }
    %eq3A = arith.constant 15 : i32
    %eq3A_21 = arith.cmpi eq, %arg1, %eq3A : i32
    %convert_element_type3A_22 = arith.extui %eq3A_21 : i1 to i32
    %cond3A_23 = arith.constant 0 : i32
    %cond3A_24 = arith.cmpi ne, %convert_element_type3A_22, %cond3A_23 : i32
    scf.if %cond3A_24 {
      "tpu.region"() ({
        %run_scoped3A = tpu.sem_alloc : memref<!tpu.dma_semaphore, #tpu.memory_space<semaphore_mem>>
        %dma_start3A = arith.constant 0 : i32
        %dma_start3A_25 = arith.constant 0 : i32
        %dma_start3A_26 = tpu.memref_slice %arg5[%arg0, %dma_start3A, %dma_start3A_25] : memref<2x10000x128xf32, #tpu.memory_space<hbm>> -> memref<1x10000x128xf32, #tpu.memory_space<hbm>>
        %dma_start3A_27 = tpu.memref_squeeze %dma_start3A_26 : memref<1x10000x128xf32, #tpu.memory_space<hbm>> -> memref<10000x128xf32, #tpu.memory_space<hbm>>
        %dma_start3A_28 = arith.constant 0 : i32
        %dma_start3A_29 = tpu.memref_slice %dma_start3A_27[%multiple_of3A_18, %dma_start3A_28] : memref<10000x128xf32, #tpu.memory_space<hbm>> -> memref<400x128xf32, #tpu.memory_space<hbm>>
        %dma_start3A_30 = arith.constant 0 : i32
        %dma_start3A_31 = tpu.memref_slice %arg8[%multiple_of3A_18, %dma_start3A_30] : memref<10240x128xf32, #tpu.memory_space<vmem_shared>> -> memref<400x128xf32, #tpu.memory_space<vmem_shared>>
        tpu.enqueue_dma source(%dma_start3A_31 : memref<400x128xf32, #tpu.memory_space<vmem_shared>>) target(%dma_start3A_29 : memref<400x128xf32, #tpu.memory_space<hbm>>) target_semaphore(%run_scoped3A : memref<!tpu.dma_semaphore, #tpu.memory_space<semaphore_mem>>)
        %dma_wait3A = arith.constant 0 : i32
        %dma_wait3A_32 = arith.constant 0 : i32
        %dma_wait3A_33 = tpu.memref_slice %arg5[%arg0, %dma_wait3A, %dma_wait3A_32] : memref<2x10000x128xf32, #tpu.memory_space<hbm>> -> memref<1x10000x128xf32, #tpu.memory_space<hbm>>
        %dma_wait3A_34 = tpu.memref_squeeze %dma_wait3A_33 : memref<1x10000x128xf32, #tpu.memory_space<hbm>> -> memref<10000x128xf32, #tpu.memory_space<hbm>>
        %dma_wait3A_35 = arith.constant 0 : i32
        %dma_wait3A_36 = tpu.memref_slice %dma_wait3A_34[%multiple_of3A_18, %dma_wait3A_35] : memref<10000x128xf32, #tpu.memory_space<hbm>> -> memref<400x128xf32, #tpu.memory_space<hbm>>
        %dma_wait3A_37 = arith.constant 0 : i32
        %dma_wait3A_38 = tpu.memref_slice %arg8[%multiple_of3A_18, %dma_wait3A_37] : memref<10240x128xf32, #tpu.memory_space<vmem_shared>> -> memref<400x128xf32, #tpu.memory_space<vmem_shared>>
        tpu.wait_dma2 semaphore(%run_scoped3A : memref<!tpu.dma_semaphore, #tpu.memory_space<semaphore_mem>>) src(%dma_wait3A_38 : memref<400x128xf32, #tpu.memory_space<vmem_shared>>) dst(%dma_wait3A_36 : memref<400x128xf32, #tpu.memory_space<hbm>>)
        tpu.yield
      }) : () -> ()
    } else {
    }
    return
  }
}

#map = affine_map<(d0, d1) -> (0, 0)>
#map1 = affine_map<(d0, d1) -> (0, 0, 0, 0)>
#map2 = affine_map<(d0, d1) -> (0, 0, 0)>
module attributes {stable_mosaic.version = 14 : i64} {
  func.func @prop(%arg0: i32, %arg1: i32, %arg2: memref<20000x128xf32, #tpu.memory_space<hbm>>, %arg3: memref<2x16x80x128xi32, #tpu.memory_space<hbm>>, %arg4: memref<16x80x128xi32, #tpu.memory_space<hbm>>, %arg5: memref<128x128xf32, #tpu.memory_space<hbm>>, %arg6: memref<20000x128xf32, #tpu.memory_space<hbm>>, %arg7: memref<40x128xi32, #tpu.memory_space<vmem>>, %arg8: memref<40x128xi32, #tpu.memory_space<vmem>>, %arg9: memref<2x128x128xf32, #tpu.memory_space<vmem>>, %arg10: memref<10240x128xf32, #tpu.memory_space<vmem_shared>>, %arg11: memref<!tpu.dma_semaphore, #tpu.memory_space<semaphore_mem>>, %arg12: memref<!tpu.dma_semaphore, #tpu.memory_space<semaphore_mem>>) attributes {dimension_semantics = [#tpu.dimension_semantics<core_parallel>, #tpu.dimension_semantics<subcore_parallel>], iteration_bounds = array<i64: 2, 16>, scalar_prefetch = 0 : i64, scratch_operands = 6 : i64, tpu.core_type = #tpu.core_type<sc_vector_subcore>, window_params = [{transform_indices = #map}, {transform_indices = #map1}, {transform_indices = #map2}, {transform_indices = #map}, {transform_indices = #map}]} {
    "tpu.region"() ({
      %run_scoped3A_63 = tpu.sem_alloc : memref<!tpu.dma_semaphore, #tpu.memory_space<semaphore_mem>>
      %dma_start3A_64 = arith.constant 0 : i32
      %dma_start3A_65 = arith.constant 0 : i32
      %dma_start3A_66 = tpu.memref_slice %arg3[%arg0, %arg1, %dma_start3A_64, %dma_start3A_65] : memref<2x16x80x128xi32, #tpu.memory_space<hbm>> -> memref<1x1x40x128xi32, #tpu.memory_space<hbm>>
      %dma_start3A_67 = tpu.memref_squeeze %dma_start3A_66 : memref<1x1x40x128xi32, #tpu.memory_space<hbm>> -> memref<40x128xi32, #tpu.memory_space<hbm>>
      %dma_start3A_68 = arith.constant 0 : i32
      %dma_start3A_69 = arith.constant 0 : i32
      %dma_start3A_70 = tpu.memref_slice %arg3[%arg0, %arg1, %dma_start3A_68, %dma_start3A_69] : memref<2x16x80x128xi32, #tpu.memory_space<hbm>> -> memref<1x1x40x128xi32, #tpu.memory_space<hbm>>
      %dma_start3A_71 = tpu.memref_squeeze %dma_start3A_70 : memref<1x1x40x128xi32, #tpu.memory_space<hbm>> -> memref<40x128xi32, #tpu.memory_space<hbm>>
      tpu.enqueue_dma source(%dma_start3A_71 : memref<40x128xi32, #tpu.memory_space<hbm>>) target(%arg7 : memref<40x128xi32, #tpu.memory_space<vmem>>) target_semaphore(%run_scoped3A_63 : memref<!tpu.dma_semaphore, #tpu.memory_space<semaphore_mem>>)
      %dma_wait3A = arith.constant 0 : i32
      %dma_wait3A_72 = arith.constant 0 : i32
      %dma_wait3A_73 = tpu.memref_slice %arg3[%arg0, %arg1, %dma_wait3A, %dma_wait3A_72] : memref<2x16x80x128xi32, #tpu.memory_space<hbm>> -> memref<1x1x40x128xi32, #tpu.memory_space<hbm>>
      %dma_wait3A_74 = tpu.memref_squeeze %dma_wait3A_73 : memref<1x1x40x128xi32, #tpu.memory_space<hbm>> -> memref<40x128xi32, #tpu.memory_space<hbm>>
      %dma_wait3A_75 = arith.constant 0 : i32
      %dma_wait3A_76 = arith.constant 0 : i32
      %dma_wait3A_77 = tpu.memref_slice %arg3[%arg0, %arg1, %dma_wait3A_75, %dma_wait3A_76] : memref<2x16x80x128xi32, #tpu.memory_space<hbm>> -> memref<1x1x40x128xi32, #tpu.memory_space<hbm>>
      %dma_wait3A_78 = tpu.memref_squeeze %dma_wait3A_77 : memref<1x1x40x128xi32, #tpu.memory_space<hbm>> -> memref<40x128xi32, #tpu.memory_space<hbm>>
      tpu.wait_dma2 semaphore(%run_scoped3A_63 : memref<!tpu.dma_semaphore, #tpu.memory_space<semaphore_mem>>) src(%dma_wait3A_78 : memref<40x128xi32, #tpu.memory_space<hbm>>) dst(%arg7 : memref<40x128xi32, #tpu.memory_space<vmem>>)
      tpu.yield
    }) : () -> ()
    "tpu.region"() ({
      %run_scoped3A_63 = tpu.sem_alloc : memref<!tpu.dma_semaphore, #tpu.memory_space<semaphore_mem>>
      %dma_start3A_64 = arith.constant 0 : i32
      %dma_start3A_65 = arith.constant 0 : i32
      %dma_start3A_66 = tpu.memref_slice %arg4[%arg1, %dma_start3A_64, %dma_start3A_65] : memref<16x80x128xi32, #tpu.memory_space<hbm>> -> memref<1x40x128xi32, #tpu.memory_space<hbm>>
      %dma_start3A_67 = tpu.memref_squeeze %dma_start3A_66 : memref<1x40x128xi32, #tpu.memory_space<hbm>> -> memref<40x128xi32, #tpu.memory_space<hbm>>
      %dma_start3A_68 = arith.constant 0 : i32
      %dma_start3A_69 = arith.constant 0 : i32
      %dma_start3A_70 = tpu.memref_slice %arg4[%arg1, %dma_start3A_68, %dma_start3A_69] : memref<16x80x128xi32, #tpu.memory_space<hbm>> -> memref<1x40x128xi32, #tpu.memory_space<hbm>>
      %dma_start3A_71 = tpu.memref_squeeze %dma_start3A_70 : memref<1x40x128xi32, #tpu.memory_space<hbm>> -> memref<40x128xi32, #tpu.memory_space<hbm>>
      tpu.enqueue_dma source(%dma_start3A_71 : memref<40x128xi32, #tpu.memory_space<hbm>>) target(%arg8 : memref<40x128xi32, #tpu.memory_space<vmem>>) target_semaphore(%run_scoped3A_63 : memref<!tpu.dma_semaphore, #tpu.memory_space<semaphore_mem>>)
      %dma_wait3A = arith.constant 0 : i32
      %dma_wait3A_72 = arith.constant 0 : i32
      %dma_wait3A_73 = tpu.memref_slice %arg4[%arg1, %dma_wait3A, %dma_wait3A_72] : memref<16x80x128xi32, #tpu.memory_space<hbm>> -> memref<1x40x128xi32, #tpu.memory_space<hbm>>
      %dma_wait3A_74 = tpu.memref_squeeze %dma_wait3A_73 : memref<1x40x128xi32, #tpu.memory_space<hbm>> -> memref<40x128xi32, #tpu.memory_space<hbm>>
      %dma_wait3A_75 = arith.constant 0 : i32
      %dma_wait3A_76 = arith.constant 0 : i32
      %dma_wait3A_77 = tpu.memref_slice %arg4[%arg1, %dma_wait3A_75, %dma_wait3A_76] : memref<16x80x128xi32, #tpu.memory_space<hbm>> -> memref<1x40x128xi32, #tpu.memory_space<hbm>>
      %dma_wait3A_78 = tpu.memref_squeeze %dma_wait3A_77 : memref<1x40x128xi32, #tpu.memory_space<hbm>> -> memref<40x128xi32, #tpu.memory_space<hbm>>
      tpu.wait_dma2 semaphore(%run_scoped3A_63 : memref<!tpu.dma_semaphore, #tpu.memory_space<semaphore_mem>>) src(%dma_wait3A_78 : memref<40x128xi32, #tpu.memory_space<hbm>>) dst(%arg8 : memref<40x128xi32, #tpu.memory_space<vmem>>)
      tpu.yield
    }) : () -> ()
    %dma_start3A = arith.constant 0 : i32
    %dma_start3A_0 = arith.constant 0 : i32
    %dma_start3A_1 = arith.constant 0 : i32
    %dma_start3A_2 = arith.constant 0 : i32
    %dma_start3A_3 = tpu.memref_slice %arg9[%dma_start3A_0, %dma_start3A_1, %dma_start3A_2] : memref<2x128x128xf32, #tpu.memory_space<vmem>> -> memref<1x128x128xf32, #tpu.memory_space<vmem>>
    %dma_start3A_4 = tpu.memref_squeeze %dma_start3A_3 : memref<1x128x128xf32, #tpu.memory_space<vmem>> -> memref<128x128xf32, #tpu.memory_space<vmem>>
    %dma_start3A_5 = arith.constant 0 : i32
    %dma_start3A_6 = tpu.memref_slice %arg7[%dma_start3A, %dma_start3A_5] : memref<40x128xi32, #tpu.memory_space<vmem>> -> memref<1x128xi32, #tpu.memory_space<vmem>>
    %dma_start3A_7 = tpu.memref_squeeze %dma_start3A_6 : memref<1x128xi32, #tpu.memory_space<vmem>> -> memref<128xi32, #tpu.memory_space<vmem>>
    %dma_start3A_8 = arith.constant 0 : i32
    %dma_start3A_9 = arith.constant 0 : i32
    %dma_start3A_10 = tpu.memref_slice %arg2[%dma_start3A_8, %dma_start3A_9] : memref<20000x128xf32, #tpu.memory_space<hbm>> -> memref<20000x128xf32, #tpu.memory_space<hbm>>
    tpu.enqueue_indirect_dma source(%dma_start3A_10 : memref<20000x128xf32, #tpu.memory_space<hbm>>) target(%dma_start3A_4 : memref<128x128xf32, #tpu.memory_space<vmem>>) offsets(%dma_start3A_7 : memref<128xi32, #tpu.memory_space<vmem>>) semaphore(%arg11 : memref<!tpu.dma_semaphore, #tpu.memory_space<semaphore_mem>>)
    %run_scoped3A = arith.constant 1 : i32
    "tpu.region"() ({
      %run_scoped3A_63 = tpu.sem_alloc : memref<!tpu.dma_semaphore, #tpu.memory_space<semaphore_mem>>
      %dma_start3A_64 = arith.constant 0 : i32
      %dma_start3A_65 = arith.constant 0 : i32
      %dma_start3A_66 = tpu.memref_slice %arg9[%run_scoped3A, %dma_start3A_64, %dma_start3A_65] : memref<2x128x128xf32, #tpu.memory_space<vmem>> -> memref<1x128x128xf32, #tpu.memory_space<vmem>>
      %dma_start3A_67 = tpu.memref_squeeze %dma_start3A_66 : memref<1x128x128xf32, #tpu.memory_space<vmem>> -> memref<128x128xf32, #tpu.memory_space<vmem>>
      %dma_start3A_68 = arith.constant 0 : i32
      %dma_start3A_69 = arith.constant 0 : i32
      %dma_start3A_70 = tpu.memref_slice %arg5[%dma_start3A_68, %dma_start3A_69] : memref<128x128xf32, #tpu.memory_space<hbm>> -> memref<128x128xf32, #tpu.memory_space<hbm>>
      %dma_start3A_71 = arith.constant 0 : i32
      %dma_start3A_72 = arith.constant 0 : i32
      %dma_start3A_73 = tpu.memref_slice %arg9[%run_scoped3A, %dma_start3A_71, %dma_start3A_72] : memref<2x128x128xf32, #tpu.memory_space<vmem>> -> memref<1x128x128xf32, #tpu.memory_space<vmem>>
      %dma_start3A_74 = tpu.memref_squeeze %dma_start3A_73 : memref<1x128x128xf32, #tpu.memory_space<vmem>> -> memref<128x128xf32, #tpu.memory_space<vmem>>
      %dma_start3A_75 = arith.constant 0 : i32
      %dma_start3A_76 = arith.constant 0 : i32
      %dma_start3A_77 = tpu.memref_slice %arg5[%dma_start3A_75, %dma_start3A_76] : memref<128x128xf32, #tpu.memory_space<hbm>> -> memref<128x128xf32, #tpu.memory_space<hbm>>
      tpu.enqueue_dma source(%dma_start3A_77 : memref<128x128xf32, #tpu.memory_space<hbm>>) target(%dma_start3A_74 : memref<128x128xf32, #tpu.memory_space<vmem>>) target_semaphore(%run_scoped3A_63 : memref<!tpu.dma_semaphore, #tpu.memory_space<semaphore_mem>>)
      %dma_wait3A = arith.constant 0 : i32
      %dma_wait3A_78 = arith.constant 0 : i32
      %dma_wait3A_79 = tpu.memref_slice %arg9[%run_scoped3A, %dma_wait3A, %dma_wait3A_78] : memref<2x128x128xf32, #tpu.memory_space<vmem>> -> memref<1x128x128xf32, #tpu.memory_space<vmem>>
      %dma_wait3A_80 = tpu.memref_squeeze %dma_wait3A_79 : memref<1x128x128xf32, #tpu.memory_space<vmem>> -> memref<128x128xf32, #tpu.memory_space<vmem>>
      %dma_wait3A_81 = arith.constant 0 : i32
      %dma_wait3A_82 = arith.constant 0 : i32
      %dma_wait3A_83 = tpu.memref_slice %arg5[%dma_wait3A_81, %dma_wait3A_82] : memref<128x128xf32, #tpu.memory_space<hbm>> -> memref<128x128xf32, #tpu.memory_space<hbm>>
      %dma_wait3A_84 = arith.constant 0 : i32
      %dma_wait3A_85 = arith.constant 0 : i32
      %dma_wait3A_86 = tpu.memref_slice %arg9[%run_scoped3A, %dma_wait3A_84, %dma_wait3A_85] : memref<2x128x128xf32, #tpu.memory_space<vmem>> -> memref<1x128x128xf32, #tpu.memory_space<vmem>>
      %dma_wait3A_87 = tpu.memref_squeeze %dma_wait3A_86 : memref<1x128x128xf32, #tpu.memory_space<vmem>> -> memref<128x128xf32, #tpu.memory_space<vmem>>
      %dma_wait3A_88 = arith.constant 0 : i32
      %dma_wait3A_89 = arith.constant 0 : i32
      %dma_wait3A_90 = tpu.memref_slice %arg5[%dma_wait3A_88, %dma_wait3A_89] : memref<128x128xf32, #tpu.memory_space<hbm>> -> memref<128x128xf32, #tpu.memory_space<hbm>>
      tpu.wait_dma2 semaphore(%run_scoped3A_63 : memref<!tpu.dma_semaphore, #tpu.memory_space<semaphore_mem>>) src(%dma_wait3A_90 : memref<128x128xf32, #tpu.memory_space<hbm>>) dst(%dma_wait3A_87 : memref<128x128xf32, #tpu.memory_space<vmem>>)
      tpu.yield
    }) : () -> ()
    %mul3A = arith.constant 640 : i32
    %mul3A_11 = arith.muli %arg1, %mul3A : i32
    %multiple_of3A = tpu.assume_multiple %mul3A_11, 8 : i32
    %add3A = arith.constant 0 : i32
    %add3A_12 = arith.addi %multiple_of3A, %add3A : i32
    %run_scoped3A_13 = arith.constant 1 : i32
    "tpu.region"() ({
      %run_scoped3A_63 = tpu.sem_alloc : memref<!tpu.dma_semaphore, #tpu.memory_space<semaphore_mem>>
      %dma_start3A_64 = arith.constant 0 : i32
      %dma_start3A_65 = arith.constant 0 : i32
      %dma_start3A_66 = tpu.memref_slice %arg9[%run_scoped3A_13, %dma_start3A_64, %dma_start3A_65] : memref<2x128x128xf32, #tpu.memory_space<vmem>> -> memref<1x128x128xf32, #tpu.memory_space<vmem>>
      %dma_start3A_67 = tpu.memref_squeeze %dma_start3A_66 : memref<1x128x128xf32, #tpu.memory_space<vmem>> -> memref<128x128xf32, #tpu.memory_space<vmem>>
      %dma_start3A_68 = arith.constant 0 : i32
      %dma_start3A_69 = tpu.memref_slice %arg10[%add3A_12, %dma_start3A_68] : memref<10240x128xf32, #tpu.memory_space<vmem_shared>> -> memref<128x128xf32, #tpu.memory_space<vmem_shared>>
      %dma_start3A_70 = arith.constant 0 : i32
      %dma_start3A_71 = tpu.memref_slice %arg10[%add3A_12, %dma_start3A_70] : memref<10240x128xf32, #tpu.memory_space<vmem_shared>> -> memref<128x128xf32, #tpu.memory_space<vmem_shared>>
      %dma_start3A_72 = arith.constant 0 : i32
      %dma_start3A_73 = arith.constant 0 : i32
      %dma_start3A_74 = tpu.memref_slice %arg9[%run_scoped3A_13, %dma_start3A_72, %dma_start3A_73] : memref<2x128x128xf32, #tpu.memory_space<vmem>> -> memref<1x128x128xf32, #tpu.memory_space<vmem>>
      %dma_start3A_75 = tpu.memref_squeeze %dma_start3A_74 : memref<1x128x128xf32, #tpu.memory_space<vmem>> -> memref<128x128xf32, #tpu.memory_space<vmem>>
      tpu.enqueue_dma source(%dma_start3A_75 : memref<128x128xf32, #tpu.memory_space<vmem>>) target(%dma_start3A_71 : memref<128x128xf32, #tpu.memory_space<vmem_shared>>) target_semaphore(%run_scoped3A_63 : memref<!tpu.dma_semaphore, #tpu.memory_space<semaphore_mem>>)
      %dma_wait3A = arith.constant 0 : i32
      %dma_wait3A_76 = arith.constant 0 : i32
      %dma_wait3A_77 = tpu.memref_slice %arg9[%run_scoped3A_13, %dma_wait3A, %dma_wait3A_76] : memref<2x128x128xf32, #tpu.memory_space<vmem>> -> memref<1x128x128xf32, #tpu.memory_space<vmem>>
      %dma_wait3A_78 = tpu.memref_squeeze %dma_wait3A_77 : memref<1x128x128xf32, #tpu.memory_space<vmem>> -> memref<128x128xf32, #tpu.memory_space<vmem>>
      %dma_wait3A_79 = arith.constant 0 : i32
      %dma_wait3A_80 = tpu.memref_slice %arg10[%add3A_12, %dma_wait3A_79] : memref<10240x128xf32, #tpu.memory_space<vmem_shared>> -> memref<128x128xf32, #tpu.memory_space<vmem_shared>>
      %dma_wait3A_81 = arith.constant 0 : i32
      %dma_wait3A_82 = tpu.memref_slice %arg10[%add3A_12, %dma_wait3A_81] : memref<10240x128xf32, #tpu.memory_space<vmem_shared>> -> memref<128x128xf32, #tpu.memory_space<vmem_shared>>
      %dma_wait3A_83 = arith.constant 0 : i32
      %dma_wait3A_84 = arith.constant 0 : i32
      %dma_wait3A_85 = tpu.memref_slice %arg9[%run_scoped3A_13, %dma_wait3A_83, %dma_wait3A_84] : memref<2x128x128xf32, #tpu.memory_space<vmem>> -> memref<1x128x128xf32, #tpu.memory_space<vmem>>
      %dma_wait3A_86 = tpu.memref_squeeze %dma_wait3A_85 : memref<1x128x128xf32, #tpu.memory_space<vmem>> -> memref<128x128xf32, #tpu.memory_space<vmem>>
      tpu.wait_dma2 semaphore(%run_scoped3A_63 : memref<!tpu.dma_semaphore, #tpu.memory_space<semaphore_mem>>) src(%dma_wait3A_86 : memref<128x128xf32, #tpu.memory_space<vmem>>) dst(%dma_wait3A_82 : memref<128x128xf32, #tpu.memory_space<vmem_shared>>)
      tpu.yield
    }) : () -> ()
    %add3A_14 = arith.constant 128 : i32
    %add3A_15 = arith.addi %multiple_of3A, %add3A_14 : i32
    %run_scoped3A_16 = arith.constant 1 : i32
    "tpu.region"() ({
      %run_scoped3A_63 = tpu.sem_alloc : memref<!tpu.dma_semaphore, #tpu.memory_space<semaphore_mem>>
      %dma_start3A_64 = arith.constant 0 : i32
      %dma_start3A_65 = arith.constant 0 : i32
      %dma_start3A_66 = tpu.memref_slice %arg9[%run_scoped3A_16, %dma_start3A_64, %dma_start3A_65] : memref<2x128x128xf32, #tpu.memory_space<vmem>> -> memref<1x128x128xf32, #tpu.memory_space<vmem>>
      %dma_start3A_67 = tpu.memref_squeeze %dma_start3A_66 : memref<1x128x128xf32, #tpu.memory_space<vmem>> -> memref<128x128xf32, #tpu.memory_space<vmem>>
      %dma_start3A_68 = arith.constant 0 : i32
      %dma_start3A_69 = tpu.memref_slice %arg10[%add3A_15, %dma_start3A_68] : memref<10240x128xf32, #tpu.memory_space<vmem_shared>> -> memref<128x128xf32, #tpu.memory_space<vmem_shared>>
      %dma_start3A_70 = arith.constant 0 : i32
      %dma_start3A_71 = tpu.memref_slice %arg10[%add3A_15, %dma_start3A_70] : memref<10240x128xf32, #tpu.memory_space<vmem_shared>> -> memref<128x128xf32, #tpu.memory_space<vmem_shared>>
      %dma_start3A_72 = arith.constant 0 : i32
      %dma_start3A_73 = arith.constant 0 : i32
      %dma_start3A_74 = tpu.memref_slice %arg9[%run_scoped3A_16, %dma_start3A_72, %dma_start3A_73] : memref<2x128x128xf32, #tpu.memory_space<vmem>> -> memref<1x128x128xf32, #tpu.memory_space<vmem>>
      %dma_start3A_75 = tpu.memref_squeeze %dma_start3A_74 : memref<1x128x128xf32, #tpu.memory_space<vmem>> -> memref<128x128xf32, #tpu.memory_space<vmem>>
      tpu.enqueue_dma source(%dma_start3A_75 : memref<128x128xf32, #tpu.memory_space<vmem>>) target(%dma_start3A_71 : memref<128x128xf32, #tpu.memory_space<vmem_shared>>) target_semaphore(%run_scoped3A_63 : memref<!tpu.dma_semaphore, #tpu.memory_space<semaphore_mem>>)
      %dma_wait3A = arith.constant 0 : i32
      %dma_wait3A_76 = arith.constant 0 : i32
      %dma_wait3A_77 = tpu.memref_slice %arg9[%run_scoped3A_16, %dma_wait3A, %dma_wait3A_76] : memref<2x128x128xf32, #tpu.memory_space<vmem>> -> memref<1x128x128xf32, #tpu.memory_space<vmem>>
      %dma_wait3A_78 = tpu.memref_squeeze %dma_wait3A_77 : memref<1x128x128xf32, #tpu.memory_space<vmem>> -> memref<128x128xf32, #tpu.memory_space<vmem>>
      %dma_wait3A_79 = arith.constant 0 : i32
      %dma_wait3A_80 = tpu.memref_slice %arg10[%add3A_15, %dma_wait3A_79] : memref<10240x128xf32, #tpu.memory_space<vmem_shared>> -> memref<128x128xf32, #tpu.memory_space<vmem_shared>>
      %dma_wait3A_81 = arith.constant 0 : i32
      %dma_wait3A_82 = tpu.memref_slice %arg10[%add3A_15, %dma_wait3A_81] : memref<10240x128xf32, #tpu.memory_space<vmem_shared>> -> memref<128x128xf32, #tpu.memory_space<vmem_shared>>
      %dma_wait3A_83 = arith.constant 0 : i32
      %dma_wait3A_84 = arith.constant 0 : i32
      %dma_wait3A_85 = tpu.memref_slice %arg9[%run_scoped3A_16, %dma_wait3A_83, %dma_wait3A_84] : memref<2x128x128xf32, #tpu.memory_space<vmem>> -> memref<1x128x128xf32, #tpu.memory_space<vmem>>
      %dma_wait3A_86 = tpu.memref_squeeze %dma_wait3A_85 : memref<1x128x128xf32, #tpu.memory_space<vmem>> -> memref<128x128xf32, #tpu.memory_space<vmem>>
      tpu.wait_dma2 semaphore(%run_scoped3A_63 : memref<!tpu.dma_semaphore, #tpu.memory_space<semaphore_mem>>) src(%dma_wait3A_86 : memref<128x128xf32, #tpu.memory_space<vmem>>) dst(%dma_wait3A_82 : memref<128x128xf32, #tpu.memory_space<vmem_shared>>)
      tpu.yield
    }) : () -> ()
    %add3A_17 = arith.constant 256 : i32
    %add3A_18 = arith.addi %multiple_of3A, %add3A_17 : i32
    %run_scoped3A_19 = arith.constant 1 : i32
    "tpu.region"() ({
      %run_scoped3A_63 = tpu.sem_alloc : memref<!tpu.dma_semaphore, #tpu.memory_space<semaphore_mem>>
      %dma_start3A_64 = arith.constant 0 : i32
      %dma_start3A_65 = arith.constant 0 : i32
      %dma_start3A_66 = tpu.memref_slice %arg9[%run_scoped3A_19, %dma_start3A_64, %dma_start3A_65] : memref<2x128x128xf32, #tpu.memory_space<vmem>> -> memref<1x128x128xf32, #tpu.memory_space<vmem>>
      %dma_start3A_67 = tpu.memref_squeeze %dma_start3A_66 : memref<1x128x128xf32, #tpu.memory_space<vmem>> -> memref<128x128xf32, #tpu.memory_space<vmem>>
      %dma_start3A_68 = arith.constant 0 : i32
      %dma_start3A_69 = tpu.memref_slice %arg10[%add3A_18, %dma_start3A_68] : memref<10240x128xf32, #tpu.memory_space<vmem_shared>> -> memref<128x128xf32, #tpu.memory_space<vmem_shared>>
      %dma_start3A_70 = arith.constant 0 : i32
      %dma_start3A_71 = tpu.memref_slice %arg10[%add3A_18, %dma_start3A_70] : memref<10240x128xf32, #tpu.memory_space<vmem_shared>> -> memref<128x128xf32, #tpu.memory_space<vmem_shared>>
      %dma_start3A_72 = arith.constant 0 : i32
      %dma_start3A_73 = arith.constant 0 : i32
      %dma_start3A_74 = tpu.memref_slice %arg9[%run_scoped3A_19, %dma_start3A_72, %dma_start3A_73] : memref<2x128x128xf32, #tpu.memory_space<vmem>> -> memref<1x128x128xf32, #tpu.memory_space<vmem>>
      %dma_start3A_75 = tpu.memref_squeeze %dma_start3A_74 : memref<1x128x128xf32, #tpu.memory_space<vmem>> -> memref<128x128xf32, #tpu.memory_space<vmem>>
      tpu.enqueue_dma source(%dma_start3A_75 : memref<128x128xf32, #tpu.memory_space<vmem>>) target(%dma_start3A_71 : memref<128x128xf32, #tpu.memory_space<vmem_shared>>) target_semaphore(%run_scoped3A_63 : memref<!tpu.dma_semaphore, #tpu.memory_space<semaphore_mem>>)
      %dma_wait3A = arith.constant 0 : i32
      %dma_wait3A_76 = arith.constant 0 : i32
      %dma_wait3A_77 = tpu.memref_slice %arg9[%run_scoped3A_19, %dma_wait3A, %dma_wait3A_76] : memref<2x128x128xf32, #tpu.memory_space<vmem>> -> memref<1x128x128xf32, #tpu.memory_space<vmem>>
      %dma_wait3A_78 = tpu.memref_squeeze %dma_wait3A_77 : memref<1x128x128xf32, #tpu.memory_space<vmem>> -> memref<128x128xf32, #tpu.memory_space<vmem>>
      %dma_wait3A_79 = arith.constant 0 : i32
      %dma_wait3A_80 = tpu.memref_slice %arg10[%add3A_18, %dma_wait3A_79] : memref<10240x128xf32, #tpu.memory_space<vmem_shared>> -> memref<128x128xf32, #tpu.memory_space<vmem_shared>>
      %dma_wait3A_81 = arith.constant 0 : i32
      %dma_wait3A_82 = tpu.memref_slice %arg10[%add3A_18, %dma_wait3A_81] : memref<10240x128xf32, #tpu.memory_space<vmem_shared>> -> memref<128x128xf32, #tpu.memory_space<vmem_shared>>
      %dma_wait3A_83 = arith.constant 0 : i32
      %dma_wait3A_84 = arith.constant 0 : i32
      %dma_wait3A_85 = tpu.memref_slice %arg9[%run_scoped3A_19, %dma_wait3A_83, %dma_wait3A_84] : memref<2x128x128xf32, #tpu.memory_space<vmem>> -> memref<1x128x128xf32, #tpu.memory_space<vmem>>
      %dma_wait3A_86 = tpu.memref_squeeze %dma_wait3A_85 : memref<1x128x128xf32, #tpu.memory_space<vmem>> -> memref<128x128xf32, #tpu.memory_space<vmem>>
      tpu.wait_dma2 semaphore(%run_scoped3A_63 : memref<!tpu.dma_semaphore, #tpu.memory_space<semaphore_mem>>) src(%dma_wait3A_86 : memref<128x128xf32, #tpu.memory_space<vmem>>) dst(%dma_wait3A_82 : memref<128x128xf32, #tpu.memory_space<vmem_shared>>)
      tpu.yield
    }) : () -> ()
    %add3A_20 = arith.constant 384 : i32
    %add3A_21 = arith.addi %multiple_of3A, %add3A_20 : i32
    %run_scoped3A_22 = arith.constant 1 : i32
    "tpu.region"() ({
      %run_scoped3A_63 = tpu.sem_alloc : memref<!tpu.dma_semaphore, #tpu.memory_space<semaphore_mem>>
      %dma_start3A_64 = arith.constant 0 : i32
      %dma_start3A_65 = arith.constant 0 : i32
      %dma_start3A_66 = tpu.memref_slice %arg9[%run_scoped3A_22, %dma_start3A_64, %dma_start3A_65] : memref<2x128x128xf32, #tpu.memory_space<vmem>> -> memref<1x128x128xf32, #tpu.memory_space<vmem>>
      %dma_start3A_67 = tpu.memref_squeeze %dma_start3A_66 : memref<1x128x128xf32, #tpu.memory_space<vmem>> -> memref<128x128xf32, #tpu.memory_space<vmem>>
      %dma_start3A_68 = arith.constant 0 : i32
      %dma_start3A_69 = tpu.memref_slice %arg10[%add3A_21, %dma_start3A_68] : memref<10240x128xf32, #tpu.memory_space<vmem_shared>> -> memref<128x128xf32, #tpu.memory_space<vmem_shared>>
      %dma_start3A_70 = arith.constant 0 : i32
      %dma_start3A_71 = tpu.memref_slice %arg10[%add3A_21, %dma_start3A_70] : memref<10240x128xf32, #tpu.memory_space<vmem_shared>> -> memref<128x128xf32, #tpu.memory_space<vmem_shared>>
      %dma_start3A_72 = arith.constant 0 : i32
      %dma_start3A_73 = arith.constant 0 : i32
      %dma_start3A_74 = tpu.memref_slice %arg9[%run_scoped3A_22, %dma_start3A_72, %dma_start3A_73] : memref<2x128x128xf32, #tpu.memory_space<vmem>> -> memref<1x128x128xf32, #tpu.memory_space<vmem>>
      %dma_start3A_75 = tpu.memref_squeeze %dma_start3A_74 : memref<1x128x128xf32, #tpu.memory_space<vmem>> -> memref<128x128xf32, #tpu.memory_space<vmem>>
      tpu.enqueue_dma source(%dma_start3A_75 : memref<128x128xf32, #tpu.memory_space<vmem>>) target(%dma_start3A_71 : memref<128x128xf32, #tpu.memory_space<vmem_shared>>) target_semaphore(%run_scoped3A_63 : memref<!tpu.dma_semaphore, #tpu.memory_space<semaphore_mem>>)
      %dma_wait3A = arith.constant 0 : i32
      %dma_wait3A_76 = arith.constant 0 : i32
      %dma_wait3A_77 = tpu.memref_slice %arg9[%run_scoped3A_22, %dma_wait3A, %dma_wait3A_76] : memref<2x128x128xf32, #tpu.memory_space<vmem>> -> memref<1x128x128xf32, #tpu.memory_space<vmem>>
      %dma_wait3A_78 = tpu.memref_squeeze %dma_wait3A_77 : memref<1x128x128xf32, #tpu.memory_space<vmem>> -> memref<128x128xf32, #tpu.memory_space<vmem>>
      %dma_wait3A_79 = arith.constant 0 : i32
      %dma_wait3A_80 = tpu.memref_slice %arg10[%add3A_21, %dma_wait3A_79] : memref<10240x128xf32, #tpu.memory_space<vmem_shared>> -> memref<128x128xf32, #tpu.memory_space<vmem_shared>>
      %dma_wait3A_81 = arith.constant 0 : i32
      %dma_wait3A_82 = tpu.memref_slice %arg10[%add3A_21, %dma_wait3A_81] : memref<10240x128xf32, #tpu.memory_space<vmem_shared>> -> memref<128x128xf32, #tpu.memory_space<vmem_shared>>
      %dma_wait3A_83 = arith.constant 0 : i32
      %dma_wait3A_84 = arith.constant 0 : i32
      %dma_wait3A_85 = tpu.memref_slice %arg9[%run_scoped3A_22, %dma_wait3A_83, %dma_wait3A_84] : memref<2x128x128xf32, #tpu.memory_space<vmem>> -> memref<1x128x128xf32, #tpu.memory_space<vmem>>
      %dma_wait3A_86 = tpu.memref_squeeze %dma_wait3A_85 : memref<1x128x128xf32, #tpu.memory_space<vmem>> -> memref<128x128xf32, #tpu.memory_space<vmem>>
      tpu.wait_dma2 semaphore(%run_scoped3A_63 : memref<!tpu.dma_semaphore, #tpu.memory_space<semaphore_mem>>) src(%dma_wait3A_86 : memref<128x128xf32, #tpu.memory_space<vmem>>) dst(%dma_wait3A_82 : memref<128x128xf32, #tpu.memory_space<vmem_shared>>)
      tpu.yield
    }) : () -> ()
    %add3A_23 = arith.constant 512 : i32
    %add3A_24 = arith.addi %multiple_of3A, %add3A_23 : i32
    %run_scoped3A_25 = arith.constant 1 : i32
    "tpu.region"() ({
      %run_scoped3A_63 = tpu.sem_alloc : memref<!tpu.dma_semaphore, #tpu.memory_space<semaphore_mem>>
      %dma_start3A_64 = arith.constant 0 : i32
      %dma_start3A_65 = arith.constant 0 : i32
      %dma_start3A_66 = tpu.memref_slice %arg9[%run_scoped3A_25, %dma_start3A_64, %dma_start3A_65] : memref<2x128x128xf32, #tpu.memory_space<vmem>> -> memref<1x128x128xf32, #tpu.memory_space<vmem>>
      %dma_start3A_67 = tpu.memref_squeeze %dma_start3A_66 : memref<1x128x128xf32, #tpu.memory_space<vmem>> -> memref<128x128xf32, #tpu.memory_space<vmem>>
      %dma_start3A_68 = arith.constant 0 : i32
      %dma_start3A_69 = tpu.memref_slice %arg10[%add3A_24, %dma_start3A_68] : memref<10240x128xf32, #tpu.memory_space<vmem_shared>> -> memref<128x128xf32, #tpu.memory_space<vmem_shared>>
      %dma_start3A_70 = arith.constant 0 : i32
      %dma_start3A_71 = tpu.memref_slice %arg10[%add3A_24, %dma_start3A_70] : memref<10240x128xf32, #tpu.memory_space<vmem_shared>> -> memref<128x128xf32, #tpu.memory_space<vmem_shared>>
      %dma_start3A_72 = arith.constant 0 : i32
      %dma_start3A_73 = arith.constant 0 : i32
      %dma_start3A_74 = tpu.memref_slice %arg9[%run_scoped3A_25, %dma_start3A_72, %dma_start3A_73] : memref<2x128x128xf32, #tpu.memory_space<vmem>> -> memref<1x128x128xf32, #tpu.memory_space<vmem>>
      %dma_start3A_75 = tpu.memref_squeeze %dma_start3A_74 : memref<1x128x128xf32, #tpu.memory_space<vmem>> -> memref<128x128xf32, #tpu.memory_space<vmem>>
      tpu.enqueue_dma source(%dma_start3A_75 : memref<128x128xf32, #tpu.memory_space<vmem>>) target(%dma_start3A_71 : memref<128x128xf32, #tpu.memory_space<vmem_shared>>) target_semaphore(%run_scoped3A_63 : memref<!tpu.dma_semaphore, #tpu.memory_space<semaphore_mem>>)
      %dma_wait3A = arith.constant 0 : i32
      %dma_wait3A_76 = arith.constant 0 : i32
      %dma_wait3A_77 = tpu.memref_slice %arg9[%run_scoped3A_25, %dma_wait3A, %dma_wait3A_76] : memref<2x128x128xf32, #tpu.memory_space<vmem>> -> memref<1x128x128xf32, #tpu.memory_space<vmem>>
      %dma_wait3A_78 = tpu.memref_squeeze %dma_wait3A_77 : memref<1x128x128xf32, #tpu.memory_space<vmem>> -> memref<128x128xf32, #tpu.memory_space<vmem>>
      %dma_wait3A_79 = arith.constant 0 : i32
      %dma_wait3A_80 = tpu.memref_slice %arg10[%add3A_24, %dma_wait3A_79] : memref<10240x128xf32, #tpu.memory_space<vmem_shared>> -> memref<128x128xf32, #tpu.memory_space<vmem_shared>>
      %dma_wait3A_81 = arith.constant 0 : i32
      %dma_wait3A_82 = tpu.memref_slice %arg10[%add3A_24, %dma_wait3A_81] : memref<10240x128xf32, #tpu.memory_space<vmem_shared>> -> memref<128x128xf32, #tpu.memory_space<vmem_shared>>
      %dma_wait3A_83 = arith.constant 0 : i32
      %dma_wait3A_84 = arith.constant 0 : i32
      %dma_wait3A_85 = tpu.memref_slice %arg9[%run_scoped3A_25, %dma_wait3A_83, %dma_wait3A_84] : memref<2x128x128xf32, #tpu.memory_space<vmem>> -> memref<1x128x128xf32, #tpu.memory_space<vmem>>
      %dma_wait3A_86 = tpu.memref_squeeze %dma_wait3A_85 : memref<1x128x128xf32, #tpu.memory_space<vmem>> -> memref<128x128xf32, #tpu.memory_space<vmem>>
      tpu.wait_dma2 semaphore(%run_scoped3A_63 : memref<!tpu.dma_semaphore, #tpu.memory_space<semaphore_mem>>) src(%dma_wait3A_86 : memref<128x128xf32, #tpu.memory_space<vmem>>) dst(%dma_wait3A_82 : memref<128x128xf32, #tpu.memory_space<vmem_shared>>)
      tpu.yield
    }) : () -> ()
    %barrier3A = arith.constant 0 : index
    tpu.barrier barrier_id(%barrier3A)
    %scan3A = arith.constant 0 : i32
    %scan3A_26 = arith.constant 0 : i32
    %scan3A_27 = arith.constant 20 : i32
    %scan3A_28 = arith.addi %scan3A_26, %scan3A_27 : i32
    %scan3A_29 = arith.constant 1 : i32
    scf.for %scan3A_63 = %scan3A_26 to %scan3A_28 step %scan3A_29  : i32 {
      %mul3A_64 = arith.constant 2 : i32
      %mul3A_65 = arith.muli %scan3A_63, %mul3A_64 : i32
      %add3A_66 = arith.constant 2 : i32
      %add3A_67 = arith.addi %mul3A_65, %add3A_66 : i32
      %sub3A = arith.constant 1 : i32
      %sub3A_68 = arith.subi %add3A_67, %sub3A : i32
      %dma_start3A_69 = arith.constant 1 : i32
      %dma_start3A_70 = arith.constant 0 : i32
      %dma_start3A_71 = arith.constant 0 : i32
      %dma_start3A_72 = tpu.memref_slice %arg9[%dma_start3A_69, %dma_start3A_70, %dma_start3A_71] : memref<2x128x128xf32, #tpu.memory_space<vmem>> -> memref<1x128x128xf32, #tpu.memory_space<vmem>>
      %dma_start3A_73 = tpu.memref_squeeze %dma_start3A_72 : memref<1x128x128xf32, #tpu.memory_space<vmem>> -> memref<128x128xf32, #tpu.memory_space<vmem>>
      %dma_start3A_74 = arith.constant 0 : i32
      %dma_start3A_75 = tpu.memref_slice %arg7[%sub3A_68, %dma_start3A_74] : memref<40x128xi32, #tpu.memory_space<vmem>> -> memref<1x128xi32, #tpu.memory_space<vmem>>
      %dma_start3A_76 = tpu.memref_squeeze %dma_start3A_75 : memref<1x128xi32, #tpu.memory_space<vmem>> -> memref<128xi32, #tpu.memory_space<vmem>>
      %dma_start3A_77 = arith.constant 0 : i32
      %dma_start3A_78 = arith.constant 0 : i32
      %dma_start3A_79 = tpu.memref_slice %arg2[%dma_start3A_77, %dma_start3A_78] : memref<20000x128xf32, #tpu.memory_space<hbm>> -> memref<20000x128xf32, #tpu.memory_space<hbm>>
      tpu.enqueue_indirect_dma source(%dma_start3A_79 : memref<20000x128xf32, #tpu.memory_space<hbm>>) target(%dma_start3A_73 : memref<128x128xf32, #tpu.memory_space<vmem>>) offsets(%dma_start3A_76 : memref<128xi32, #tpu.memory_space<vmem>>) semaphore(%arg12 : memref<!tpu.dma_semaphore, #tpu.memory_space<semaphore_mem>>)
      %dma_wait3A = arith.constant 0 : i32
      %dma_wait3A_80 = arith.constant 0 : i32
      %dma_wait3A_81 = arith.constant 0 : i32
      %dma_wait3A_82 = tpu.memref_slice %arg9[%dma_wait3A, %dma_wait3A_80, %dma_wait3A_81] : memref<2x128x128xf32, #tpu.memory_space<vmem>> -> memref<1x128x128xf32, #tpu.memory_space<vmem>>
      %dma_wait3A_83 = tpu.memref_squeeze %dma_wait3A_82 : memref<1x128x128xf32, #tpu.memory_space<vmem>> -> memref<128x128xf32, #tpu.memory_space<vmem>>
      %dma_wait3A_84 = arith.constant 0 : i32
      %dma_wait3A_85 = tpu.memref_slice %arg7[%mul3A_65, %dma_wait3A_84] : memref<40x128xi32, #tpu.memory_space<vmem>> -> memref<1x128xi32, #tpu.memory_space<vmem>>
      %dma_wait3A_86 = tpu.memref_squeeze %dma_wait3A_85 : memref<1x128xi32, #tpu.memory_space<vmem>> -> memref<128xi32, #tpu.memory_space<vmem>>
      %dma_wait3A_87 = arith.constant 0 : i32
      %dma_wait3A_88 = arith.constant 0 : i32
      %dma_wait3A_89 = tpu.memref_slice %arg2[%dma_wait3A_87, %dma_wait3A_88] : memref<20000x128xf32, #tpu.memory_space<hbm>> -> memref<20000x128xf32, #tpu.memory_space<hbm>>
      tpu.wait_indirect_dma semaphore(%arg11 : memref<!tpu.dma_semaphore, #tpu.memory_space<semaphore_mem>>) src(%dma_wait3A_89 : memref<20000x128xf32, #tpu.memory_space<hbm>>) dst(%dma_wait3A_83 : memref<128x128xf32, #tpu.memory_space<vmem>>)
      %run_scoped3A_90 = arith.constant 0 : i32
      "tpu.region"() ({
        %run_scoped3A_112 = tpu.sem_alloc : memref<!tpu.dma_semaphore, #tpu.memory_space<semaphore_mem>>
        %dma_start3A_113 = arith.constant 0 : i32
        %dma_start3A_114 = arith.constant 0 : i32
        %dma_start3A_115 = tpu.memref_slice %arg9[%run_scoped3A_90, %dma_start3A_113, %dma_start3A_114] : memref<2x128x128xf32, #tpu.memory_space<vmem>> -> memref<1x128x128xf32, #tpu.memory_space<vmem>>
        %dma_start3A_116 = tpu.memref_squeeze %dma_start3A_115 : memref<1x128x128xf32, #tpu.memory_space<vmem>> -> memref<128x128xf32, #tpu.memory_space<vmem>>
        %dma_start3A_117 = arith.constant 0 : i32
        %dma_start3A_118 = tpu.memref_slice %arg8[%mul3A_65, %dma_start3A_117] : memref<40x128xi32, #tpu.memory_space<vmem>> -> memref<1x128xi32, #tpu.memory_space<vmem>>
        %dma_start3A_119 = tpu.memref_squeeze %dma_start3A_118 : memref<1x128xi32, #tpu.memory_space<vmem>> -> memref<128xi32, #tpu.memory_space<vmem>>
        %dma_start3A_120 = arith.constant 0 : i32
        %dma_start3A_121 = arith.constant 0 : i32
        %dma_start3A_122 = tpu.memref_slice %arg10[%dma_start3A_120, %dma_start3A_121] : memref<10240x128xf32, #tpu.memory_space<vmem_shared>> -> memref<10240x128xf32, #tpu.memory_space<vmem_shared>>
        tpu.enqueue_indirect_dma source(%dma_start3A_116 : memref<128x128xf32, #tpu.memory_space<vmem>>) target(%dma_start3A_122 : memref<10240x128xf32, #tpu.memory_space<vmem_shared>>) offsets(%dma_start3A_119 : memref<128xi32, #tpu.memory_space<vmem>>) semaphore(%run_scoped3A_112 : memref<!tpu.dma_semaphore, #tpu.memory_space<semaphore_mem>>) {add = true}
        %dma_wait3A_123 = arith.constant 0 : i32
        %dma_wait3A_124 = arith.constant 0 : i32
        %dma_wait3A_125 = tpu.memref_slice %arg9[%run_scoped3A_90, %dma_wait3A_123, %dma_wait3A_124] : memref<2x128x128xf32, #tpu.memory_space<vmem>> -> memref<1x128x128xf32, #tpu.memory_space<vmem>>
        %dma_wait3A_126 = tpu.memref_squeeze %dma_wait3A_125 : memref<1x128x128xf32, #tpu.memory_space<vmem>> -> memref<128x128xf32, #tpu.memory_space<vmem>>
        %dma_wait3A_127 = arith.constant 0 : i32
        %dma_wait3A_128 = tpu.memref_slice %arg8[%mul3A_65, %dma_wait3A_127] : memref<40x128xi32, #tpu.memory_space<vmem>> -> memref<1x128xi32, #tpu.memory_space<vmem>>
        %dma_wait3A_129 = tpu.memref_squeeze %dma_wait3A_128 : memref<1x128xi32, #tpu.memory_space<vmem>> -> memref<128xi32, #tpu.memory_space<vmem>>
        %dma_wait3A_130 = arith.constant 0 : i32
        %dma_wait3A_131 = arith.constant 0 : i32
        %dma_wait3A_132 = tpu.memref_slice %arg10[%dma_wait3A_130, %dma_wait3A_131] : memref<10240x128xf32, #tpu.memory_space<vmem_shared>> -> memref<10240x128xf32, #tpu.memory_space<vmem_shared>>
        tpu.wait_indirect_dma semaphore(%run_scoped3A_112 : memref<!tpu.dma_semaphore, #tpu.memory_space<semaphore_mem>>) src(%dma_wait3A_126 : memref<128x128xf32, #tpu.memory_space<vmem>>) dst(%dma_wait3A_132 : memref<10240x128xf32, #tpu.memory_space<vmem_shared>>)
        tpu.yield
      }) : () -> ()
      %lt3A_91 = arith.constant 19 : i32
      %lt3A_92 = arith.cmpi slt, %scan3A_63, %lt3A_91 : i32
      %convert_element_type3A_93 = arith.extui %lt3A_92 : i1 to i32
      %cond3A_94 = arith.constant 0 : i32
      %cond3A_95 = arith.cmpi ne, %convert_element_type3A_93, %cond3A_94 : i32
      scf.if %cond3A_95 {
        %add3A_112 = arith.constant 2 : i32
        %add3A_113 = arith.addi %mul3A_65, %add3A_112 : i32
        %add3A_114 = arith.constant 0 : i32
        %add3A_115 = arith.addi %add3A_113, %add3A_114 : i32
        %dma_start3A_116 = arith.constant 0 : i32
        %dma_start3A_117 = arith.constant 0 : i32
        %dma_start3A_118 = arith.constant 0 : i32
        %dma_start3A_119 = tpu.memref_slice %arg9[%dma_start3A_116, %dma_start3A_117, %dma_start3A_118] : memref<2x128x128xf32, #tpu.memory_space<vmem>> -> memref<1x128x128xf32, #tpu.memory_space<vmem>>
        %dma_start3A_120 = tpu.memref_squeeze %dma_start3A_119 : memref<1x128x128xf32, #tpu.memory_space<vmem>> -> memref<128x128xf32, #tpu.memory_space<vmem>>
        %dma_start3A_121 = arith.constant 0 : i32
        %dma_start3A_122 = tpu.memref_slice %arg7[%add3A_115, %dma_start3A_121] : memref<40x128xi32, #tpu.memory_space<vmem>> -> memref<1x128xi32, #tpu.memory_space<vmem>>
        %dma_start3A_123 = tpu.memref_squeeze %dma_start3A_122 : memref<1x128xi32, #tpu.memory_space<vmem>> -> memref<128xi32, #tpu.memory_space<vmem>>
        %dma_start3A_124 = arith.constant 0 : i32
        %dma_start3A_125 = arith.constant 0 : i32
        %dma_start3A_126 = tpu.memref_slice %arg2[%dma_start3A_124, %dma_start3A_125] : memref<20000x128xf32, #tpu.memory_space<hbm>> -> memref<20000x128xf32, #tpu.memory_space<hbm>>
        tpu.enqueue_indirect_dma source(%dma_start3A_126 : memref<20000x128xf32, #tpu.memory_space<hbm>>) target(%dma_start3A_120 : memref<128x128xf32, #tpu.memory_space<vmem>>) offsets(%dma_start3A_123 : memref<128xi32, #tpu.memory_space<vmem>>) semaphore(%arg11 : memref<!tpu.dma_semaphore, #tpu.memory_space<semaphore_mem>>)
      } else {
      }
      %add3A_96 = arith.constant 1 : i32
      %add3A_97 = arith.addi %mul3A_65, %add3A_96 : i32
      %add3A_98 = arith.constant 0 : i32
      %add3A_99 = arith.addi %add3A_97, %add3A_98 : i32
      %dma_wait3A_100 = arith.constant 1 : i32
      %dma_wait3A_101 = arith.constant 0 : i32
      %dma_wait3A_102 = arith.constant 0 : i32
      %dma_wait3A_103 = tpu.memref_slice %arg9[%dma_wait3A_100, %dma_wait3A_101, %dma_wait3A_102] : memref<2x128x128xf32, #tpu.memory_space<vmem>> -> memref<1x128x128xf32, #tpu.memory_space<vmem>>
      %dma_wait3A_104 = tpu.memref_squeeze %dma_wait3A_103 : memref<1x128x128xf32, #tpu.memory_space<vmem>> -> memref<128x128xf32, #tpu.memory_space<vmem>>
      %dma_wait3A_105 = arith.constant 0 : i32
      %dma_wait3A_106 = tpu.memref_slice %arg7[%add3A_99, %dma_wait3A_105] : memref<40x128xi32, #tpu.memory_space<vmem>> -> memref<1x128xi32, #tpu.memory_space<vmem>>
      %dma_wait3A_107 = tpu.memref_squeeze %dma_wait3A_106 : memref<1x128xi32, #tpu.memory_space<vmem>> -> memref<128xi32, #tpu.memory_space<vmem>>
      %dma_wait3A_108 = arith.constant 0 : i32
      %dma_wait3A_109 = arith.constant 0 : i32
      %dma_wait3A_110 = tpu.memref_slice %arg2[%dma_wait3A_108, %dma_wait3A_109] : memref<20000x128xf32, #tpu.memory_space<hbm>> -> memref<20000x128xf32, #tpu.memory_space<hbm>>
      tpu.wait_indirect_dma semaphore(%arg12 : memref<!tpu.dma_semaphore, #tpu.memory_space<semaphore_mem>>) src(%dma_wait3A_110 : memref<20000x128xf32, #tpu.memory_space<hbm>>) dst(%dma_wait3A_104 : memref<128x128xf32, #tpu.memory_space<vmem>>)
      %run_scoped3A_111 = arith.constant 1 : i32
      "tpu.region"() ({
        %run_scoped3A_112 = tpu.sem_alloc : memref<!tpu.dma_semaphore, #tpu.memory_space<semaphore_mem>>
        %dma_start3A_113 = arith.constant 0 : i32
        %dma_start3A_114 = arith.constant 0 : i32
        %dma_start3A_115 = tpu.memref_slice %arg9[%run_scoped3A_111, %dma_start3A_113, %dma_start3A_114] : memref<2x128x128xf32, #tpu.memory_space<vmem>> -> memref<1x128x128xf32, #tpu.memory_space<vmem>>
        %dma_start3A_116 = tpu.memref_squeeze %dma_start3A_115 : memref<1x128x128xf32, #tpu.memory_space<vmem>> -> memref<128x128xf32, #tpu.memory_space<vmem>>
        %dma_start3A_117 = arith.constant 0 : i32
        %dma_start3A_118 = tpu.memref_slice %arg8[%add3A_99, %dma_start3A_117] : memref<40x128xi32, #tpu.memory_space<vmem>> -> memref<1x128xi32, #tpu.memory_space<vmem>>
        %dma_start3A_119 = tpu.memref_squeeze %dma_start3A_118 : memref<1x128xi32, #tpu.memory_space<vmem>> -> memref<128xi32, #tpu.memory_space<vmem>>
        %dma_start3A_120 = arith.constant 0 : i32
        %dma_start3A_121 = arith.constant 0 : i32
        %dma_start3A_122 = tpu.memref_slice %arg10[%dma_start3A_120, %dma_start3A_121] : memref<10240x128xf32, #tpu.memory_space<vmem_shared>> -> memref<10240x128xf32, #tpu.memory_space<vmem_shared>>
        tpu.enqueue_indirect_dma source(%dma_start3A_116 : memref<128x128xf32, #tpu.memory_space<vmem>>) target(%dma_start3A_122 : memref<10240x128xf32, #tpu.memory_space<vmem_shared>>) offsets(%dma_start3A_119 : memref<128xi32, #tpu.memory_space<vmem>>) semaphore(%run_scoped3A_112 : memref<!tpu.dma_semaphore, #tpu.memory_space<semaphore_mem>>) {add = true}
        %dma_wait3A_123 = arith.constant 0 : i32
        %dma_wait3A_124 = arith.constant 0 : i32
        %dma_wait3A_125 = tpu.memref_slice %arg9[%run_scoped3A_111, %dma_wait3A_123, %dma_wait3A_124] : memref<2x128x128xf32, #tpu.memory_space<vmem>> -> memref<1x128x128xf32, #tpu.memory_space<vmem>>
        %dma_wait3A_126 = tpu.memref_squeeze %dma_wait3A_125 : memref<1x128x128xf32, #tpu.memory_space<vmem>> -> memref<128x128xf32, #tpu.memory_space<vmem>>
        %dma_wait3A_127 = arith.constant 0 : i32
        %dma_wait3A_128 = tpu.memref_slice %arg8[%add3A_99, %dma_wait3A_127] : memref<40x128xi32, #tpu.memory_space<vmem>> -> memref<1x128xi32, #tpu.memory_space<vmem>>
        %dma_wait3A_129 = tpu.memref_squeeze %dma_wait3A_128 : memref<1x128xi32, #tpu.memory_space<vmem>> -> memref<128xi32, #tpu.memory_space<vmem>>
        %dma_wait3A_130 = arith.constant 0 : i32
        %dma_wait3A_131 = arith.constant 0 : i32
        %dma_wait3A_132 = tpu.memref_slice %arg10[%dma_wait3A_130, %dma_wait3A_131] : memref<10240x128xf32, #tpu.memory_space<vmem_shared>> -> memref<10240x128xf32, #tpu.memory_space<vmem_shared>>
        tpu.wait_indirect_dma semaphore(%run_scoped3A_112 : memref<!tpu.dma_semaphore, #tpu.memory_space<semaphore_mem>>) src(%dma_wait3A_126 : memref<128x128xf32, #tpu.memory_space<vmem>>) dst(%dma_wait3A_132 : memref<10240x128xf32, #tpu.memory_space<vmem_shared>>)
        tpu.yield
      }) : () -> ()
    }
    %scan3A_30 = arith.constant 20 : i32
    "tpu.region"() ({
      %run_scoped3A_63 = tpu.sem_alloc : memref<!tpu.dma_semaphore, #tpu.memory_space<semaphore_mem>>
      %dma_start3A_64 = arith.constant 40 : i32
      %dma_start3A_65 = arith.constant 0 : i32
      %dma_start3A_66 = tpu.memref_slice %arg3[%arg0, %arg1, %dma_start3A_64, %dma_start3A_65] : memref<2x16x80x128xi32, #tpu.memory_space<hbm>> -> memref<1x1x40x128xi32, #tpu.memory_space<hbm>>
      %dma_start3A_67 = tpu.memref_squeeze %dma_start3A_66 : memref<1x1x40x128xi32, #tpu.memory_space<hbm>> -> memref<40x128xi32, #tpu.memory_space<hbm>>
      %dma_start3A_68 = arith.constant 40 : i32
      %dma_start3A_69 = arith.constant 0 : i32
      %dma_start3A_70 = tpu.memref_slice %arg3[%arg0, %arg1, %dma_start3A_68, %dma_start3A_69] : memref<2x16x80x128xi32, #tpu.memory_space<hbm>> -> memref<1x1x40x128xi32, #tpu.memory_space<hbm>>
      %dma_start3A_71 = tpu.memref_squeeze %dma_start3A_70 : memref<1x1x40x128xi32, #tpu.memory_space<hbm>> -> memref<40x128xi32, #tpu.memory_space<hbm>>
      tpu.enqueue_dma source(%dma_start3A_71 : memref<40x128xi32, #tpu.memory_space<hbm>>) target(%arg7 : memref<40x128xi32, #tpu.memory_space<vmem>>) target_semaphore(%run_scoped3A_63 : memref<!tpu.dma_semaphore, #tpu.memory_space<semaphore_mem>>)
      %dma_wait3A = arith.constant 40 : i32
      %dma_wait3A_72 = arith.constant 0 : i32
      %dma_wait3A_73 = tpu.memref_slice %arg3[%arg0, %arg1, %dma_wait3A, %dma_wait3A_72] : memref<2x16x80x128xi32, #tpu.memory_space<hbm>> -> memref<1x1x40x128xi32, #tpu.memory_space<hbm>>
      %dma_wait3A_74 = tpu.memref_squeeze %dma_wait3A_73 : memref<1x1x40x128xi32, #tpu.memory_space<hbm>> -> memref<40x128xi32, #tpu.memory_space<hbm>>
      %dma_wait3A_75 = arith.constant 40 : i32
      %dma_wait3A_76 = arith.constant 0 : i32
      %dma_wait3A_77 = tpu.memref_slice %arg3[%arg0, %arg1, %dma_wait3A_75, %dma_wait3A_76] : memref<2x16x80x128xi32, #tpu.memory_space<hbm>> -> memref<1x1x40x128xi32, #tpu.memory_space<hbm>>
      %dma_wait3A_78 = tpu.memref_squeeze %dma_wait3A_77 : memref<1x1x40x128xi32, #tpu.memory_space<hbm>> -> memref<40x128xi32, #tpu.memory_space<hbm>>
      tpu.wait_dma2 semaphore(%run_scoped3A_63 : memref<!tpu.dma_semaphore, #tpu.memory_space<semaphore_mem>>) src(%dma_wait3A_78 : memref<40x128xi32, #tpu.memory_space<hbm>>) dst(%arg7 : memref<40x128xi32, #tpu.memory_space<vmem>>)
      tpu.yield
    }) : () -> ()
    "tpu.region"() ({
      %run_scoped3A_63 = tpu.sem_alloc : memref<!tpu.dma_semaphore, #tpu.memory_space<semaphore_mem>>
      %dma_start3A_64 = arith.constant 40 : i32
      %dma_start3A_65 = arith.constant 0 : i32
      %dma_start3A_66 = tpu.memref_slice %arg4[%arg1, %dma_start3A_64, %dma_start3A_65] : memref<16x80x128xi32, #tpu.memory_space<hbm>> -> memref<1x40x128xi32, #tpu.memory_space<hbm>>
      %dma_start3A_67 = tpu.memref_squeeze %dma_start3A_66 : memref<1x40x128xi32, #tpu.memory_space<hbm>> -> memref<40x128xi32, #tpu.memory_space<hbm>>
      %dma_start3A_68 = arith.constant 40 : i32
      %dma_start3A_69 = arith.constant 0 : i32
      %dma_start3A_70 = tpu.memref_slice %arg4[%arg1, %dma_start3A_68, %dma_start3A_69] : memref<16x80x128xi32, #tpu.memory_space<hbm>> -> memref<1x40x128xi32, #tpu.memory_space<hbm>>
      %dma_start3A_71 = tpu.memref_squeeze %dma_start3A_70 : memref<1x40x128xi32, #tpu.memory_space<hbm>> -> memref<40x128xi32, #tpu.memory_space<hbm>>
      tpu.enqueue_dma source(%dma_start3A_71 : memref<40x128xi32, #tpu.memory_space<hbm>>) target(%arg8 : memref<40x128xi32, #tpu.memory_space<vmem>>) target_semaphore(%run_scoped3A_63 : memref<!tpu.dma_semaphore, #tpu.memory_space<semaphore_mem>>)
      %dma_wait3A = arith.constant 40 : i32
      %dma_wait3A_72 = arith.constant 0 : i32
      %dma_wait3A_73 = tpu.memref_slice %arg4[%arg1, %dma_wait3A, %dma_wait3A_72] : memref<16x80x128xi32, #tpu.memory_space<hbm>> -> memref<1x40x128xi32, #tpu.memory_space<hbm>>
      %dma_wait3A_74 = tpu.memref_squeeze %dma_wait3A_73 : memref<1x40x128xi32, #tpu.memory_space<hbm>> -> memref<40x128xi32, #tpu.memory_space<hbm>>
      %dma_wait3A_75 = arith.constant 40 : i32
      %dma_wait3A_76 = arith.constant 0 : i32
      %dma_wait3A_77 = tpu.memref_slice %arg4[%arg1, %dma_wait3A_75, %dma_wait3A_76] : memref<16x80x128xi32, #tpu.memory_space<hbm>> -> memref<1x40x128xi32, #tpu.memory_space<hbm>>
      %dma_wait3A_78 = tpu.memref_squeeze %dma_wait3A_77 : memref<1x40x128xi32, #tpu.memory_space<hbm>> -> memref<40x128xi32, #tpu.memory_space<hbm>>
      tpu.wait_dma2 semaphore(%run_scoped3A_63 : memref<!tpu.dma_semaphore, #tpu.memory_space<semaphore_mem>>) src(%dma_wait3A_78 : memref<40x128xi32, #tpu.memory_space<hbm>>) dst(%arg8 : memref<40x128xi32, #tpu.memory_space<vmem>>)
      tpu.yield
    }) : () -> ()
    %dma_start3A_31 = arith.constant 0 : i32
    %dma_start3A_32 = arith.constant 0 : i32
    %dma_start3A_33 = arith.constant 0 : i32
    %dma_start3A_34 = arith.constant 0 : i32
    %dma_start3A_35 = tpu.memref_slice %arg9[%dma_start3A_32, %dma_start3A_33, %dma_start3A_34] : memref<2x128x128xf32, #tpu.memory_space<vmem>> -> memref<1x128x128xf32, #tpu.memory_space<vmem>>
    %dma_start3A_36 = tpu.memref_squeeze %dma_start3A_35 : memref<1x128x128xf32, #tpu.memory_space<vmem>> -> memref<128x128xf32, #tpu.memory_space<vmem>>
    %dma_start3A_37 = arith.constant 0 : i32
    %dma_start3A_38 = tpu.memref_slice %arg7[%dma_start3A_31, %dma_start3A_37] : memref<40x128xi32, #tpu.memory_space<vmem>> -> memref<1x128xi32, #tpu.memory_space<vmem>>
    %dma_start3A_39 = tpu.memref_squeeze %dma_start3A_38 : memref<1x128xi32, #tpu.memory_space<vmem>> -> memref<128xi32, #tpu.memory_space<vmem>>
    %dma_start3A_40 = arith.constant 0 : i32
    %dma_start3A_41 = arith.constant 0 : i32
    %dma_start3A_42 = tpu.memref_slice %arg2[%dma_start3A_40, %dma_start3A_41] : memref<20000x128xf32, #tpu.memory_space<hbm>> -> memref<20000x128xf32, #tpu.memory_space<hbm>>
    tpu.enqueue_indirect_dma source(%dma_start3A_42 : memref<20000x128xf32, #tpu.memory_space<hbm>>) target(%dma_start3A_36 : memref<128x128xf32, #tpu.memory_space<vmem>>) offsets(%dma_start3A_39 : memref<128xi32, #tpu.memory_space<vmem>>) semaphore(%arg11 : memref<!tpu.dma_semaphore, #tpu.memory_space<semaphore_mem>>)
    %scan3A_43 = arith.constant 0 : i32
    %scan3A_44 = arith.constant 0 : i32
    %scan3A_45 = arith.constant 20 : i32
    %scan3A_46 = arith.addi %scan3A_44, %scan3A_45 : i32
    %scan3A_47 = arith.constant 1 : i32
    scf.for %scan3A_63 = %scan3A_44 to %scan3A_46 step %scan3A_47  : i32 {
      %mul3A_64 = arith.constant 2 : i32
      %mul3A_65 = arith.muli %scan3A_63, %mul3A_64 : i32
      %add3A_66 = arith.constant 2 : i32
      %add3A_67 = arith.addi %mul3A_65, %add3A_66 : i32
      %sub3A = arith.constant 1 : i32
      %sub3A_68 = arith.subi %add3A_67, %sub3A : i32
      %dma_start3A_69 = arith.constant 1 : i32
      %dma_start3A_70 = arith.constant 0 : i32
      %dma_start3A_71 = arith.constant 0 : i32
      %dma_start3A_72 = tpu.memref_slice %arg9[%dma_start3A_69, %dma_start3A_70, %dma_start3A_71] : memref<2x128x128xf32, #tpu.memory_space<vmem>> -> memref<1x128x128xf32, #tpu.memory_space<vmem>>
      %dma_start3A_73 = tpu.memref_squeeze %dma_start3A_72 : memref<1x128x128xf32, #tpu.memory_space<vmem>> -> memref<128x128xf32, #tpu.memory_space<vmem>>
      %dma_start3A_74 = arith.constant 0 : i32
      %dma_start3A_75 = tpu.memref_slice %arg7[%sub3A_68, %dma_start3A_74] : memref<40x128xi32, #tpu.memory_space<vmem>> -> memref<1x128xi32, #tpu.memory_space<vmem>>
      %dma_start3A_76 = tpu.memref_squeeze %dma_start3A_75 : memref<1x128xi32, #tpu.memory_space<vmem>> -> memref<128xi32, #tpu.memory_space<vmem>>
      %dma_start3A_77 = arith.constant 0 : i32
      %dma_start3A_78 = arith.constant 0 : i32
      %dma_start3A_79 = tpu.memref_slice %arg2[%dma_start3A_77, %dma_start3A_78] : memref<20000x128xf32, #tpu.memory_space<hbm>> -> memref<20000x128xf32, #tpu.memory_space<hbm>>
      tpu.enqueue_indirect_dma source(%dma_start3A_79 : memref<20000x128xf32, #tpu.memory_space<hbm>>) target(%dma_start3A_73 : memref<128x128xf32, #tpu.memory_space<vmem>>) offsets(%dma_start3A_76 : memref<128xi32, #tpu.memory_space<vmem>>) semaphore(%arg12 : memref<!tpu.dma_semaphore, #tpu.memory_space<semaphore_mem>>)
      %dma_wait3A = arith.constant 0 : i32
      %dma_wait3A_80 = arith.constant 0 : i32
      %dma_wait3A_81 = arith.constant 0 : i32
      %dma_wait3A_82 = tpu.memref_slice %arg9[%dma_wait3A, %dma_wait3A_80, %dma_wait3A_81] : memref<2x128x128xf32, #tpu.memory_space<vmem>> -> memref<1x128x128xf32, #tpu.memory_space<vmem>>
      %dma_wait3A_83 = tpu.memref_squeeze %dma_wait3A_82 : memref<1x128x128xf32, #tpu.memory_space<vmem>> -> memref<128x128xf32, #tpu.memory_space<vmem>>
      %dma_wait3A_84 = arith.constant 0 : i32
      %dma_wait3A_85 = tpu.memref_slice %arg7[%mul3A_65, %dma_wait3A_84] : memref<40x128xi32, #tpu.memory_space<vmem>> -> memref<1x128xi32, #tpu.memory_space<vmem>>
      %dma_wait3A_86 = tpu.memref_squeeze %dma_wait3A_85 : memref<1x128xi32, #tpu.memory_space<vmem>> -> memref<128xi32, #tpu.memory_space<vmem>>
      %dma_wait3A_87 = arith.constant 0 : i32
      %dma_wait3A_88 = arith.constant 0 : i32
      %dma_wait3A_89 = tpu.memref_slice %arg2[%dma_wait3A_87, %dma_wait3A_88] : memref<20000x128xf32, #tpu.memory_space<hbm>> -> memref<20000x128xf32, #tpu.memory_space<hbm>>
      tpu.wait_indirect_dma semaphore(%arg11 : memref<!tpu.dma_semaphore, #tpu.memory_space<semaphore_mem>>) src(%dma_wait3A_89 : memref<20000x128xf32, #tpu.memory_space<hbm>>) dst(%dma_wait3A_83 : memref<128x128xf32, #tpu.memory_space<vmem>>)
      %run_scoped3A_90 = arith.constant 0 : i32
      "tpu.region"() ({
        %run_scoped3A_112 = tpu.sem_alloc : memref<!tpu.dma_semaphore, #tpu.memory_space<semaphore_mem>>
        %dma_start3A_113 = arith.constant 0 : i32
        %dma_start3A_114 = arith.constant 0 : i32
        %dma_start3A_115 = tpu.memref_slice %arg9[%run_scoped3A_90, %dma_start3A_113, %dma_start3A_114] : memref<2x128x128xf32, #tpu.memory_space<vmem>> -> memref<1x128x128xf32, #tpu.memory_space<vmem>>
        %dma_start3A_116 = tpu.memref_squeeze %dma_start3A_115 : memref<1x128x128xf32, #tpu.memory_space<vmem>> -> memref<128x128xf32, #tpu.memory_space<vmem>>
        %dma_start3A_117 = arith.constant 0 : i32
        %dma_start3A_118 = tpu.memref_slice %arg8[%mul3A_65, %dma_start3A_117] : memref<40x128xi32, #tpu.memory_space<vmem>> -> memref<1x128xi32, #tpu.memory_space<vmem>>
        %dma_start3A_119 = tpu.memref_squeeze %dma_start3A_118 : memref<1x128xi32, #tpu.memory_space<vmem>> -> memref<128xi32, #tpu.memory_space<vmem>>
        %dma_start3A_120 = arith.constant 0 : i32
        %dma_start3A_121 = arith.constant 0 : i32
        %dma_start3A_122 = tpu.memref_slice %arg10[%dma_start3A_120, %dma_start3A_121] : memref<10240x128xf32, #tpu.memory_space<vmem_shared>> -> memref<10240x128xf32, #tpu.memory_space<vmem_shared>>
        tpu.enqueue_indirect_dma source(%dma_start3A_116 : memref<128x128xf32, #tpu.memory_space<vmem>>) target(%dma_start3A_122 : memref<10240x128xf32, #tpu.memory_space<vmem_shared>>) offsets(%dma_start3A_119 : memref<128xi32, #tpu.memory_space<vmem>>) semaphore(%run_scoped3A_112 : memref<!tpu.dma_semaphore, #tpu.memory_space<semaphore_mem>>) {add = true}
        %dma_wait3A_123 = arith.constant 0 : i32
        %dma_wait3A_124 = arith.constant 0 : i32
        %dma_wait3A_125 = tpu.memref_slice %arg9[%run_scoped3A_90, %dma_wait3A_123, %dma_wait3A_124] : memref<2x128x128xf32, #tpu.memory_space<vmem>> -> memref<1x128x128xf32, #tpu.memory_space<vmem>>
        %dma_wait3A_126 = tpu.memref_squeeze %dma_wait3A_125 : memref<1x128x128xf32, #tpu.memory_space<vmem>> -> memref<128x128xf32, #tpu.memory_space<vmem>>
        %dma_wait3A_127 = arith.constant 0 : i32
        %dma_wait3A_128 = tpu.memref_slice %arg8[%mul3A_65, %dma_wait3A_127] : memref<40x128xi32, #tpu.memory_space<vmem>> -> memref<1x128xi32, #tpu.memory_space<vmem>>
        %dma_wait3A_129 = tpu.memref_squeeze %dma_wait3A_128 : memref<1x128xi32, #tpu.memory_space<vmem>> -> memref<128xi32, #tpu.memory_space<vmem>>
        %dma_wait3A_130 = arith.constant 0 : i32
        %dma_wait3A_131 = arith.constant 0 : i32
        %dma_wait3A_132 = tpu.memref_slice %arg10[%dma_wait3A_130, %dma_wait3A_131] : memref<10240x128xf32, #tpu.memory_space<vmem_shared>> -> memref<10240x128xf32, #tpu.memory_space<vmem_shared>>
        tpu.wait_indirect_dma semaphore(%run_scoped3A_112 : memref<!tpu.dma_semaphore, #tpu.memory_space<semaphore_mem>>) src(%dma_wait3A_126 : memref<128x128xf32, #tpu.memory_space<vmem>>) dst(%dma_wait3A_132 : memref<10240x128xf32, #tpu.memory_space<vmem_shared>>)
        tpu.yield
      }) : () -> ()
      %lt3A_91 = arith.constant 19 : i32
      %lt3A_92 = arith.cmpi slt, %scan3A_63, %lt3A_91 : i32
      %convert_element_type3A_93 = arith.extui %lt3A_92 : i1 to i32
      %cond3A_94 = arith.constant 0 : i32
      %cond3A_95 = arith.cmpi ne, %convert_element_type3A_93, %cond3A_94 : i32
      scf.if %cond3A_95 {
        %add3A_112 = arith.constant 2 : i32
        %add3A_113 = arith.addi %mul3A_65, %add3A_112 : i32
        %add3A_114 = arith.constant 0 : i32
        %add3A_115 = arith.addi %add3A_113, %add3A_114 : i32
        %dma_start3A_116 = arith.constant 0 : i32
        %dma_start3A_117 = arith.constant 0 : i32
        %dma_start3A_118 = arith.constant 0 : i32
        %dma_start3A_119 = tpu.memref_slice %arg9[%dma_start3A_116, %dma_start3A_117, %dma_start3A_118] : memref<2x128x128xf32, #tpu.memory_space<vmem>> -> memref<1x128x128xf32, #tpu.memory_space<vmem>>
        %dma_start3A_120 = tpu.memref_squeeze %dma_start3A_119 : memref<1x128x128xf32, #tpu.memory_space<vmem>> -> memref<128x128xf32, #tpu.memory_space<vmem>>
        %dma_start3A_121 = arith.constant 0 : i32
        %dma_start3A_122 = tpu.memref_slice %arg7[%add3A_115, %dma_start3A_121] : memref<40x128xi32, #tpu.memory_space<vmem>> -> memref<1x128xi32, #tpu.memory_space<vmem>>
        %dma_start3A_123 = tpu.memref_squeeze %dma_start3A_122 : memref<1x128xi32, #tpu.memory_space<vmem>> -> memref<128xi32, #tpu.memory_space<vmem>>
        %dma_start3A_124 = arith.constant 0 : i32
        %dma_start3A_125 = arith.constant 0 : i32
        %dma_start3A_126 = tpu.memref_slice %arg2[%dma_start3A_124, %dma_start3A_125] : memref<20000x128xf32, #tpu.memory_space<hbm>> -> memref<20000x128xf32, #tpu.memory_space<hbm>>
        tpu.enqueue_indirect_dma source(%dma_start3A_126 : memref<20000x128xf32, #tpu.memory_space<hbm>>) target(%dma_start3A_120 : memref<128x128xf32, #tpu.memory_space<vmem>>) offsets(%dma_start3A_123 : memref<128xi32, #tpu.memory_space<vmem>>) semaphore(%arg11 : memref<!tpu.dma_semaphore, #tpu.memory_space<semaphore_mem>>)
      } else {
      }
      %add3A_96 = arith.constant 1 : i32
      %add3A_97 = arith.addi %mul3A_65, %add3A_96 : i32
      %add3A_98 = arith.constant 0 : i32
      %add3A_99 = arith.addi %add3A_97, %add3A_98 : i32
      %dma_wait3A_100 = arith.constant 1 : i32
      %dma_wait3A_101 = arith.constant 0 : i32
      %dma_wait3A_102 = arith.constant 0 : i32
      %dma_wait3A_103 = tpu.memref_slice %arg9[%dma_wait3A_100, %dma_wait3A_101, %dma_wait3A_102] : memref<2x128x128xf32, #tpu.memory_space<vmem>> -> memref<1x128x128xf32, #tpu.memory_space<vmem>>
      %dma_wait3A_104 = tpu.memref_squeeze %dma_wait3A_103 : memref<1x128x128xf32, #tpu.memory_space<vmem>> -> memref<128x128xf32, #tpu.memory_space<vmem>>
      %dma_wait3A_105 = arith.constant 0 : i32
      %dma_wait3A_106 = tpu.memref_slice %arg7[%add3A_99, %dma_wait3A_105] : memref<40x128xi32, #tpu.memory_space<vmem>> -> memref<1x128xi32, #tpu.memory_space<vmem>>
      %dma_wait3A_107 = tpu.memref_squeeze %dma_wait3A_106 : memref<1x128xi32, #tpu.memory_space<vmem>> -> memref<128xi32, #tpu.memory_space<vmem>>
      %dma_wait3A_108 = arith.constant 0 : i32
      %dma_wait3A_109 = arith.constant 0 : i32
      %dma_wait3A_110 = tpu.memref_slice %arg2[%dma_wait3A_108, %dma_wait3A_109] : memref<20000x128xf32, #tpu.memory_space<hbm>> -> memref<20000x128xf32, #tpu.memory_space<hbm>>
      tpu.wait_indirect_dma semaphore(%arg12 : memref<!tpu.dma_semaphore, #tpu.memory_space<semaphore_mem>>) src(%dma_wait3A_110 : memref<20000x128xf32, #tpu.memory_space<hbm>>) dst(%dma_wait3A_104 : memref<128x128xf32, #tpu.memory_space<vmem>>)
      %run_scoped3A_111 = arith.constant 1 : i32
      "tpu.region"() ({
        %run_scoped3A_112 = tpu.sem_alloc : memref<!tpu.dma_semaphore, #tpu.memory_space<semaphore_mem>>
        %dma_start3A_113 = arith.constant 0 : i32
        %dma_start3A_114 = arith.constant 0 : i32
        %dma_start3A_115 = tpu.memref_slice %arg9[%run_scoped3A_111, %dma_start3A_113, %dma_start3A_114] : memref<2x128x128xf32, #tpu.memory_space<vmem>> -> memref<1x128x128xf32, #tpu.memory_space<vmem>>
        %dma_start3A_116 = tpu.memref_squeeze %dma_start3A_115 : memref<1x128x128xf32, #tpu.memory_space<vmem>> -> memref<128x128xf32, #tpu.memory_space<vmem>>
        %dma_start3A_117 = arith.constant 0 : i32
        %dma_start3A_118 = tpu.memref_slice %arg8[%add3A_99, %dma_start3A_117] : memref<40x128xi32, #tpu.memory_space<vmem>> -> memref<1x128xi32, #tpu.memory_space<vmem>>
        %dma_start3A_119 = tpu.memref_squeeze %dma_start3A_118 : memref<1x128xi32, #tpu.memory_space<vmem>> -> memref<128xi32, #tpu.memory_space<vmem>>
        %dma_start3A_120 = arith.constant 0 : i32
        %dma_start3A_121 = arith.constant 0 : i32
        %dma_start3A_122 = tpu.memref_slice %arg10[%dma_start3A_120, %dma_start3A_121] : memref<10240x128xf32, #tpu.memory_space<vmem_shared>> -> memref<10240x128xf32, #tpu.memory_space<vmem_shared>>
        tpu.enqueue_indirect_dma source(%dma_start3A_116 : memref<128x128xf32, #tpu.memory_space<vmem>>) target(%dma_start3A_122 : memref<10240x128xf32, #tpu.memory_space<vmem_shared>>) offsets(%dma_start3A_119 : memref<128xi32, #tpu.memory_space<vmem>>) semaphore(%run_scoped3A_112 : memref<!tpu.dma_semaphore, #tpu.memory_space<semaphore_mem>>) {add = true}
        %dma_wait3A_123 = arith.constant 0 : i32
        %dma_wait3A_124 = arith.constant 0 : i32
        %dma_wait3A_125 = tpu.memref_slice %arg9[%run_scoped3A_111, %dma_wait3A_123, %dma_wait3A_124] : memref<2x128x128xf32, #tpu.memory_space<vmem>> -> memref<1x128x128xf32, #tpu.memory_space<vmem>>
        %dma_wait3A_126 = tpu.memref_squeeze %dma_wait3A_125 : memref<1x128x128xf32, #tpu.memory_space<vmem>> -> memref<128x128xf32, #tpu.memory_space<vmem>>
        %dma_wait3A_127 = arith.constant 0 : i32
        %dma_wait3A_128 = tpu.memref_slice %arg8[%add3A_99, %dma_wait3A_127] : memref<40x128xi32, #tpu.memory_space<vmem>> -> memref<1x128xi32, #tpu.memory_space<vmem>>
        %dma_wait3A_129 = tpu.memref_squeeze %dma_wait3A_128 : memref<1x128xi32, #tpu.memory_space<vmem>> -> memref<128xi32, #tpu.memory_space<vmem>>
        %dma_wait3A_130 = arith.constant 0 : i32
        %dma_wait3A_131 = arith.constant 0 : i32
        %dma_wait3A_132 = tpu.memref_slice %arg10[%dma_wait3A_130, %dma_wait3A_131] : memref<10240x128xf32, #tpu.memory_space<vmem_shared>> -> memref<10240x128xf32, #tpu.memory_space<vmem_shared>>
        tpu.wait_indirect_dma semaphore(%run_scoped3A_112 : memref<!tpu.dma_semaphore, #tpu.memory_space<semaphore_mem>>) src(%dma_wait3A_126 : memref<128x128xf32, #tpu.memory_space<vmem>>) dst(%dma_wait3A_132 : memref<10240x128xf32, #tpu.memory_space<vmem_shared>>)
        tpu.yield
      }) : () -> ()
    }
    %scan3A_48 = arith.constant 20 : i32
    %barrier3A_49 = arith.constant 0 : index
    tpu.barrier barrier_id(%barrier3A_49)
    %mul3A_50 = arith.constant 640 : i32
    %mul3A_51 = arith.muli %arg1, %mul3A_50 : i32
    %multiple_of3A_52 = tpu.assume_multiple %mul3A_51, 8 : i32
    %mul3A_53 = arith.constant 10000 : i32
    %mul3A_54 = arith.muli %arg0, %mul3A_53 : i32
    %add3A_55 = arith.addi %mul3A_54, %multiple_of3A_52 : i32
    %multiple_of3A_56 = tpu.assume_multiple %add3A_55, 8 : i32
    %lt3A = arith.constant 15 : i32
    %lt3A_57 = arith.cmpi slt, %arg1, %lt3A : i32
    %convert_element_type3A = arith.extui %lt3A_57 : i1 to i32
    %cond3A = arith.constant 0 : i32
    %cond3A_58 = arith.cmpi ne, %convert_element_type3A, %cond3A : i32
    scf.if %cond3A_58 {
      "tpu.region"() ({
        %run_scoped3A_63 = tpu.sem_alloc : memref<!tpu.dma_semaphore, #tpu.memory_space<semaphore_mem>>
        %dma_start3A_64 = arith.constant 0 : i32
        %dma_start3A_65 = tpu.memref_slice %arg6[%multiple_of3A_56, %dma_start3A_64] : memref<20000x128xf32, #tpu.memory_space<hbm>> -> memref<640x128xf32, #tpu.memory_space<hbm>>
        %dma_start3A_66 = arith.constant 0 : i32
        %dma_start3A_67 = tpu.memref_slice %arg10[%multiple_of3A_52, %dma_start3A_66] : memref<10240x128xf32, #tpu.memory_space<vmem_shared>> -> memref<640x128xf32, #tpu.memory_space<vmem_shared>>
        tpu.enqueue_dma source(%dma_start3A_67 : memref<640x128xf32, #tpu.memory_space<vmem_shared>>) target(%dma_start3A_65 : memref<640x128xf32, #tpu.memory_space<hbm>>) target_semaphore(%run_scoped3A_63 : memref<!tpu.dma_semaphore, #tpu.memory_space<semaphore_mem>>)
        %dma_wait3A = arith.constant 0 : i32
        %dma_wait3A_68 = tpu.memref_slice %arg6[%multiple_of3A_56, %dma_wait3A] : memref<20000x128xf32, #tpu.memory_space<hbm>> -> memref<640x128xf32, #tpu.memory_space<hbm>>
        %dma_wait3A_69 = arith.constant 0 : i32
        %dma_wait3A_70 = tpu.memref_slice %arg10[%multiple_of3A_52, %dma_wait3A_69] : memref<10240x128xf32, #tpu.memory_space<vmem_shared>> -> memref<640x128xf32, #tpu.memory_space<vmem_shared>>
        tpu.wait_dma2 semaphore(%run_scoped3A_63 : memref<!tpu.dma_semaphore, #tpu.memory_space<semaphore_mem>>) src(%dma_wait3A_70 : memref<640x128xf32, #tpu.memory_space<vmem_shared>>) dst(%dma_wait3A_68 : memref<640x128xf32, #tpu.memory_space<hbm>>)
        tpu.yield
      }) : () -> ()
    } else {
    }
    %eq3A = arith.constant 15 : i32
    %eq3A_59 = arith.cmpi eq, %arg1, %eq3A : i32
    %convert_element_type3A_60 = arith.extui %eq3A_59 : i1 to i32
    %cond3A_61 = arith.constant 0 : i32
    %cond3A_62 = arith.cmpi ne, %convert_element_type3A_60, %cond3A_61 : i32
    scf.if %cond3A_62 {
      "tpu.region"() ({
        %run_scoped3A_63 = tpu.sem_alloc : memref<!tpu.dma_semaphore, #tpu.memory_space<semaphore_mem>>
        %dma_start3A_64 = arith.constant 0 : i32
        %dma_start3A_65 = tpu.memref_slice %arg6[%multiple_of3A_56, %dma_start3A_64] : memref<20000x128xf32, #tpu.memory_space<hbm>> -> memref<400x128xf32, #tpu.memory_space<hbm>>
        %dma_start3A_66 = arith.constant 0 : i32
        %dma_start3A_67 = tpu.memref_slice %arg10[%multiple_of3A_52, %dma_start3A_66] : memref<10240x128xf32, #tpu.memory_space<vmem_shared>> -> memref<400x128xf32, #tpu.memory_space<vmem_shared>>
        tpu.enqueue_dma source(%dma_start3A_67 : memref<400x128xf32, #tpu.memory_space<vmem_shared>>) target(%dma_start3A_65 : memref<400x128xf32, #tpu.memory_space<hbm>>) target_semaphore(%run_scoped3A_63 : memref<!tpu.dma_semaphore, #tpu.memory_space<semaphore_mem>>)
        %dma_wait3A = arith.constant 0 : i32
        %dma_wait3A_68 = tpu.memref_slice %arg6[%multiple_of3A_56, %dma_wait3A] : memref<20000x128xf32, #tpu.memory_space<hbm>> -> memref<400x128xf32, #tpu.memory_space<hbm>>
        %dma_wait3A_69 = arith.constant 0 : i32
        %dma_wait3A_70 = tpu.memref_slice %arg10[%multiple_of3A_52, %dma_wait3A_69] : memref<10240x128xf32, #tpu.memory_space<vmem_shared>> -> memref<400x128xf32, #tpu.memory_space<vmem_shared>>
        tpu.wait_dma2 semaphore(%run_scoped3A_63 : memref<!tpu.dma_semaphore, #tpu.memory_space<semaphore_mem>>) src(%dma_wait3A_70 : memref<400x128xf32, #tpu.memory_space<vmem_shared>>) dst(%dma_wait3A_68 : memref<400x128xf32, #tpu.memory_space<hbm>>)
        tpu.yield
      }) : () -> ()
    } else {
    }
    return
  }
}

#map = affine_map<(d0, d1) -> (0, 0)>
#map1 = affine_map<(d0, d1) -> (0, 0, 0, 0)>
#map2 = affine_map<(d0, d1) -> (0, 0, 0)>
module attributes {stable_mosaic.version = 14 : i64} {
  func.func @prop(%arg0: i32, %arg1: i32, %arg2: memref<20000x128xf32, #tpu.memory_space<hbm>>, %arg3: memref<2x16x80x128xi32, #tpu.memory_space<hbm>>, %arg4: memref<16x80x128xi32, #tpu.memory_space<hbm>>, %arg5: memref<128x128xf32, #tpu.memory_space<hbm>>, %arg6: memref<20000x128xf32, #tpu.memory_space<hbm>>, %arg7: memref<40x128xi32, #tpu.memory_space<vmem>>, %arg8: memref<40x128xi32, #tpu.memory_space<vmem>>, %arg9: memref<2x128x128xf32, #tpu.memory_space<vmem>>, %arg10: memref<10240x128xf32, #tpu.memory_space<vmem_shared>>, %arg11: memref<!tpu.dma_semaphore, #tpu.memory_space<semaphore_mem>>, %arg12: memref<!tpu.dma_semaphore, #tpu.memory_space<semaphore_mem>>) attributes {dimension_semantics = [#tpu.dimension_semantics<core_parallel>, #tpu.dimension_semantics<subcore_parallel>], iteration_bounds = array<i64: 2, 16>, scalar_prefetch = 0 : i64, scratch_operands = 6 : i64, tpu.core_type = #tpu.core_type<sc_vector_subcore>, window_params = [{transform_indices = #map}, {transform_indices = #map1}, {transform_indices = #map2}, {transform_indices = #map}, {transform_indices = #map}]} {
    "tpu.region"() ({
      %run_scoped3A_63 = tpu.sem_alloc : memref<!tpu.dma_semaphore, #tpu.memory_space<semaphore_mem>>
      %dma_start3A_64 = arith.constant 0 : i32
      %dma_start3A_65 = arith.constant 0 : i32
      %dma_start3A_66 = tpu.memref_slice %arg3[%arg0, %arg1, %dma_start3A_64, %dma_start3A_65] : memref<2x16x80x128xi32, #tpu.memory_space<hbm>> -> memref<1x1x40x128xi32, #tpu.memory_space<hbm>>
      %dma_start3A_67 = tpu.memref_squeeze %dma_start3A_66 : memref<1x1x40x128xi32, #tpu.memory_space<hbm>> -> memref<40x128xi32, #tpu.memory_space<hbm>>
      %dma_start3A_68 = arith.constant 0 : i32
      %dma_start3A_69 = arith.constant 0 : i32
      %dma_start3A_70 = tpu.memref_slice %arg3[%arg0, %arg1, %dma_start3A_68, %dma_start3A_69] : memref<2x16x80x128xi32, #tpu.memory_space<hbm>> -> memref<1x1x40x128xi32, #tpu.memory_space<hbm>>
      %dma_start3A_71 = tpu.memref_squeeze %dma_start3A_70 : memref<1x1x40x128xi32, #tpu.memory_space<hbm>> -> memref<40x128xi32, #tpu.memory_space<hbm>>
      tpu.enqueue_dma source(%dma_start3A_71 : memref<40x128xi32, #tpu.memory_space<hbm>>) target(%arg7 : memref<40x128xi32, #tpu.memory_space<vmem>>) target_semaphore(%run_scoped3A_63 : memref<!tpu.dma_semaphore, #tpu.memory_space<semaphore_mem>>)
      %dma_wait3A = arith.constant 0 : i32
      %dma_wait3A_72 = arith.constant 0 : i32
      %dma_wait3A_73 = tpu.memref_slice %arg3[%arg0, %arg1, %dma_wait3A, %dma_wait3A_72] : memref<2x16x80x128xi32, #tpu.memory_space<hbm>> -> memref<1x1x40x128xi32, #tpu.memory_space<hbm>>
      %dma_wait3A_74 = tpu.memref_squeeze %dma_wait3A_73 : memref<1x1x40x128xi32, #tpu.memory_space<hbm>> -> memref<40x128xi32, #tpu.memory_space<hbm>>
      %dma_wait3A_75 = arith.constant 0 : i32
      %dma_wait3A_76 = arith.constant 0 : i32
      %dma_wait3A_77 = tpu.memref_slice %arg3[%arg0, %arg1, %dma_wait3A_75, %dma_wait3A_76] : memref<2x16x80x128xi32, #tpu.memory_space<hbm>> -> memref<1x1x40x128xi32, #tpu.memory_space<hbm>>
      %dma_wait3A_78 = tpu.memref_squeeze %dma_wait3A_77 : memref<1x1x40x128xi32, #tpu.memory_space<hbm>> -> memref<40x128xi32, #tpu.memory_space<hbm>>
      tpu.wait_dma2 semaphore(%run_scoped3A_63 : memref<!tpu.dma_semaphore, #tpu.memory_space<semaphore_mem>>) src(%dma_wait3A_78 : memref<40x128xi32, #tpu.memory_space<hbm>>) dst(%arg7 : memref<40x128xi32, #tpu.memory_space<vmem>>)
      tpu.yield
    }) : () -> ()
    "tpu.region"() ({
      %run_scoped3A_63 = tpu.sem_alloc : memref<!tpu.dma_semaphore, #tpu.memory_space<semaphore_mem>>
      %dma_start3A_64 = arith.constant 0 : i32
      %dma_start3A_65 = arith.constant 0 : i32
      %dma_start3A_66 = tpu.memref_slice %arg4[%arg1, %dma_start3A_64, %dma_start3A_65] : memref<16x80x128xi32, #tpu.memory_space<hbm>> -> memref<1x40x128xi32, #tpu.memory_space<hbm>>
      %dma_start3A_67 = tpu.memref_squeeze %dma_start3A_66 : memref<1x40x128xi32, #tpu.memory_space<hbm>> -> memref<40x128xi32, #tpu.memory_space<hbm>>
      %dma_start3A_68 = arith.constant 0 : i32
      %dma_start3A_69 = arith.constant 0 : i32
      %dma_start3A_70 = tpu.memref_slice %arg4[%arg1, %dma_start3A_68, %dma_start3A_69] : memref<16x80x128xi32, #tpu.memory_space<hbm>> -> memref<1x40x128xi32, #tpu.memory_space<hbm>>
      %dma_start3A_71 = tpu.memref_squeeze %dma_start3A_70 : memref<1x40x128xi32, #tpu.memory_space<hbm>> -> memref<40x128xi32, #tpu.memory_space<hbm>>
      tpu.enqueue_dma source(%dma_start3A_71 : memref<40x128xi32, #tpu.memory_space<hbm>>) target(%arg8 : memref<40x128xi32, #tpu.memory_space<vmem>>) target_semaphore(%run_scoped3A_63 : memref<!tpu.dma_semaphore, #tpu.memory_space<semaphore_mem>>)
      %dma_wait3A = arith.constant 0 : i32
      %dma_wait3A_72 = arith.constant 0 : i32
      %dma_wait3A_73 = tpu.memref_slice %arg4[%arg1, %dma_wait3A, %dma_wait3A_72] : memref<16x80x128xi32, #tpu.memory_space<hbm>> -> memref<1x40x128xi32, #tpu.memory_space<hbm>>
      %dma_wait3A_74 = tpu.memref_squeeze %dma_wait3A_73 : memref<1x40x128xi32, #tpu.memory_space<hbm>> -> memref<40x128xi32, #tpu.memory_space<hbm>>
      %dma_wait3A_75 = arith.constant 0 : i32
      %dma_wait3A_76 = arith.constant 0 : i32
      %dma_wait3A_77 = tpu.memref_slice %arg4[%arg1, %dma_wait3A_75, %dma_wait3A_76] : memref<16x80x128xi32, #tpu.memory_space<hbm>> -> memref<1x40x128xi32, #tpu.memory_space<hbm>>
      %dma_wait3A_78 = tpu.memref_squeeze %dma_wait3A_77 : memref<1x40x128xi32, #tpu.memory_space<hbm>> -> memref<40x128xi32, #tpu.memory_space<hbm>>
      tpu.wait_dma2 semaphore(%run_scoped3A_63 : memref<!tpu.dma_semaphore, #tpu.memory_space<semaphore_mem>>) src(%dma_wait3A_78 : memref<40x128xi32, #tpu.memory_space<hbm>>) dst(%arg8 : memref<40x128xi32, #tpu.memory_space<vmem>>)
      tpu.yield
    }) : () -> ()
    %dma_start3A = arith.constant 0 : i32
    %dma_start3A_0 = arith.constant 0 : i32
    %dma_start3A_1 = arith.constant 0 : i32
    %dma_start3A_2 = arith.constant 0 : i32
    %dma_start3A_3 = tpu.memref_slice %arg9[%dma_start3A_0, %dma_start3A_1, %dma_start3A_2] : memref<2x128x128xf32, #tpu.memory_space<vmem>> -> memref<1x128x128xf32, #tpu.memory_space<vmem>>
    %dma_start3A_4 = tpu.memref_squeeze %dma_start3A_3 : memref<1x128x128xf32, #tpu.memory_space<vmem>> -> memref<128x128xf32, #tpu.memory_space<vmem>>
    %dma_start3A_5 = arith.constant 0 : i32
    %dma_start3A_6 = tpu.memref_slice %arg7[%dma_start3A, %dma_start3A_5] : memref<40x128xi32, #tpu.memory_space<vmem>> -> memref<1x128xi32, #tpu.memory_space<vmem>>
    %dma_start3A_7 = tpu.memref_squeeze %dma_start3A_6 : memref<1x128xi32, #tpu.memory_space<vmem>> -> memref<128xi32, #tpu.memory_space<vmem>>
    %dma_start3A_8 = arith.constant 0 : i32
    %dma_start3A_9 = arith.constant 0 : i32
    %dma_start3A_10 = tpu.memref_slice %arg2[%dma_start3A_8, %dma_start3A_9] : memref<20000x128xf32, #tpu.memory_space<hbm>> -> memref<20000x128xf32, #tpu.memory_space<hbm>>
    tpu.enqueue_indirect_dma source(%dma_start3A_10 : memref<20000x128xf32, #tpu.memory_space<hbm>>) target(%dma_start3A_4 : memref<128x128xf32, #tpu.memory_space<vmem>>) offsets(%dma_start3A_7 : memref<128xi32, #tpu.memory_space<vmem>>) semaphore(%arg11 : memref<!tpu.dma_semaphore, #tpu.memory_space<semaphore_mem>>)
    %run_scoped3A = arith.constant 1 : i32
    "tpu.region"() ({
      %run_scoped3A_63 = tpu.sem_alloc : memref<!tpu.dma_semaphore, #tpu.memory_space<semaphore_mem>>
      %dma_start3A_64 = arith.constant 0 : i32
      %dma_start3A_65 = arith.constant 0 : i32
      %dma_start3A_66 = tpu.memref_slice %arg9[%run_scoped3A, %dma_start3A_64, %dma_start3A_65] : memref<2x128x128xf32, #tpu.memory_space<vmem>> -> memref<1x128x128xf32, #tpu.memory_space<vmem>>
      %dma_start3A_67 = tpu.memref_squeeze %dma_start3A_66 : memref<1x128x128xf32, #tpu.memory_space<vmem>> -> memref<128x128xf32, #tpu.memory_space<vmem>>
      %dma_start3A_68 = arith.constant 0 : i32
      %dma_start3A_69 = arith.constant 0 : i32
      %dma_start3A_70 = tpu.memref_slice %arg5[%dma_start3A_68, %dma_start3A_69] : memref<128x128xf32, #tpu.memory_space<hbm>> -> memref<128x128xf32, #tpu.memory_space<hbm>>
      %dma_start3A_71 = arith.constant 0 : i32
      %dma_start3A_72 = arith.constant 0 : i32
      %dma_start3A_73 = tpu.memref_slice %arg9[%run_scoped3A, %dma_start3A_71, %dma_start3A_72] : memref<2x128x128xf32, #tpu.memory_space<vmem>> -> memref<1x128x128xf32, #tpu.memory_space<vmem>>
      %dma_start3A_74 = tpu.memref_squeeze %dma_start3A_73 : memref<1x128x128xf32, #tpu.memory_space<vmem>> -> memref<128x128xf32, #tpu.memory_space<vmem>>
      %dma_start3A_75 = arith.constant 0 : i32
      %dma_start3A_76 = arith.constant 0 : i32
      %dma_start3A_77 = tpu.memref_slice %arg5[%dma_start3A_75, %dma_start3A_76] : memref<128x128xf32, #tpu.memory_space<hbm>> -> memref<128x128xf32, #tpu.memory_space<hbm>>
      tpu.enqueue_dma source(%dma_start3A_77 : memref<128x128xf32, #tpu.memory_space<hbm>>) target(%dma_start3A_74 : memref<128x128xf32, #tpu.memory_space<vmem>>) target_semaphore(%run_scoped3A_63 : memref<!tpu.dma_semaphore, #tpu.memory_space<semaphore_mem>>)
      %dma_wait3A = arith.constant 0 : i32
      %dma_wait3A_78 = arith.constant 0 : i32
      %dma_wait3A_79 = tpu.memref_slice %arg9[%run_scoped3A, %dma_wait3A, %dma_wait3A_78] : memref<2x128x128xf32, #tpu.memory_space<vmem>> -> memref<1x128x128xf32, #tpu.memory_space<vmem>>
      %dma_wait3A_80 = tpu.memref_squeeze %dma_wait3A_79 : memref<1x128x128xf32, #tpu.memory_space<vmem>> -> memref<128x128xf32, #tpu.memory_space<vmem>>
      %dma_wait3A_81 = arith.constant 0 : i32
      %dma_wait3A_82 = arith.constant 0 : i32
      %dma_wait3A_83 = tpu.memref_slice %arg5[%dma_wait3A_81, %dma_wait3A_82] : memref<128x128xf32, #tpu.memory_space<hbm>> -> memref<128x128xf32, #tpu.memory_space<hbm>>
      %dma_wait3A_84 = arith.constant 0 : i32
      %dma_wait3A_85 = arith.constant 0 : i32
      %dma_wait3A_86 = tpu.memref_slice %arg9[%run_scoped3A, %dma_wait3A_84, %dma_wait3A_85] : memref<2x128x128xf32, #tpu.memory_space<vmem>> -> memref<1x128x128xf32, #tpu.memory_space<vmem>>
      %dma_wait3A_87 = tpu.memref_squeeze %dma_wait3A_86 : memref<1x128x128xf32, #tpu.memory_space<vmem>> -> memref<128x128xf32, #tpu.memory_space<vmem>>
      %dma_wait3A_88 = arith.constant 0 : i32
      %dma_wait3A_89 = arith.constant 0 : i32
      %dma_wait3A_90 = tpu.memref_slice %arg5[%dma_wait3A_88, %dma_wait3A_89] : memref<128x128xf32, #tpu.memory_space<hbm>> -> memref<128x128xf32, #tpu.memory_space<hbm>>
      tpu.wait_dma2 semaphore(%run_scoped3A_63 : memref<!tpu.dma_semaphore, #tpu.memory_space<semaphore_mem>>) src(%dma_wait3A_90 : memref<128x128xf32, #tpu.memory_space<hbm>>) dst(%dma_wait3A_87 : memref<128x128xf32, #tpu.memory_space<vmem>>)
      tpu.yield
    }) : () -> ()
    %mul3A = arith.constant 640 : i32
    %mul3A_11 = arith.muli %arg1, %mul3A : i32
    %multiple_of3A = tpu.assume_multiple %mul3A_11, 8 : i32
    %add3A = arith.constant 0 : i32
    %add3A_12 = arith.addi %multiple_of3A, %add3A : i32
    %run_scoped3A_13 = arith.constant 1 : i32
    "tpu.region"() ({
      %run_scoped3A_63 = tpu.sem_alloc : memref<!tpu.dma_semaphore, #tpu.memory_space<semaphore_mem>>
      %dma_start3A_64 = arith.constant 0 : i32
      %dma_start3A_65 = arith.constant 0 : i32
      %dma_start3A_66 = tpu.memref_slice %arg9[%run_scoped3A_13, %dma_start3A_64, %dma_start3A_65] : memref<2x128x128xf32, #tpu.memory_space<vmem>> -> memref<1x128x128xf32, #tpu.memory_space<vmem>>
      %dma_start3A_67 = tpu.memref_squeeze %dma_start3A_66 : memref<1x128x128xf32, #tpu.memory_space<vmem>> -> memref<128x128xf32, #tpu.memory_space<vmem>>
      %dma_start3A_68 = arith.constant 0 : i32
      %dma_start3A_69 = tpu.memref_slice %arg10[%add3A_12, %dma_start3A_68] : memref<10240x128xf32, #tpu.memory_space<vmem_shared>> -> memref<128x128xf32, #tpu.memory_space<vmem_shared>>
      %dma_start3A_70 = arith.constant 0 : i32
      %dma_start3A_71 = tpu.memref_slice %arg10[%add3A_12, %dma_start3A_70] : memref<10240x128xf32, #tpu.memory_space<vmem_shared>> -> memref<128x128xf32, #tpu.memory_space<vmem_shared>>
      %dma_start3A_72 = arith.constant 0 : i32
      %dma_start3A_73 = arith.constant 0 : i32
      %dma_start3A_74 = tpu.memref_slice %arg9[%run_scoped3A_13, %dma_start3A_72, %dma_start3A_73] : memref<2x128x128xf32, #tpu.memory_space<vmem>> -> memref<1x128x128xf32, #tpu.memory_space<vmem>>
      %dma_start3A_75 = tpu.memref_squeeze %dma_start3A_74 : memref<1x128x128xf32, #tpu.memory_space<vmem>> -> memref<128x128xf32, #tpu.memory_space<vmem>>
      tpu.enqueue_dma source(%dma_start3A_75 : memref<128x128xf32, #tpu.memory_space<vmem>>) target(%dma_start3A_71 : memref<128x128xf32, #tpu.memory_space<vmem_shared>>) target_semaphore(%run_scoped3A_63 : memref<!tpu.dma_semaphore, #tpu.memory_space<semaphore_mem>>)
      %dma_wait3A = arith.constant 0 : i32
      %dma_wait3A_76 = arith.constant 0 : i32
      %dma_wait3A_77 = tpu.memref_slice %arg9[%run_scoped3A_13, %dma_wait3A, %dma_wait3A_76] : memref<2x128x128xf32, #tpu.memory_space<vmem>> -> memref<1x128x128xf32, #tpu.memory_space<vmem>>
      %dma_wait3A_78 = tpu.memref_squeeze %dma_wait3A_77 : memref<1x128x128xf32, #tpu.memory_space<vmem>> -> memref<128x128xf32, #tpu.memory_space<vmem>>
      %dma_wait3A_79 = arith.constant 0 : i32
      %dma_wait3A_80 = tpu.memref_slice %arg10[%add3A_12, %dma_wait3A_79] : memref<10240x128xf32, #tpu.memory_space<vmem_shared>> -> memref<128x128xf32, #tpu.memory_space<vmem_shared>>
      %dma_wait3A_81 = arith.constant 0 : i32
      %dma_wait3A_82 = tpu.memref_slice %arg10[%add3A_12, %dma_wait3A_81] : memref<10240x128xf32, #tpu.memory_space<vmem_shared>> -> memref<128x128xf32, #tpu.memory_space<vmem_shared>>
      %dma_wait3A_83 = arith.constant 0 : i32
      %dma_wait3A_84 = arith.constant 0 : i32
      %dma_wait3A_85 = tpu.memref_slice %arg9[%run_scoped3A_13, %dma_wait3A_83, %dma_wait3A_84] : memref<2x128x128xf32, #tpu.memory_space<vmem>> -> memref<1x128x128xf32, #tpu.memory_space<vmem>>
      %dma_wait3A_86 = tpu.memref_squeeze %dma_wait3A_85 : memref<1x128x128xf32, #tpu.memory_space<vmem>> -> memref<128x128xf32, #tpu.memory_space<vmem>>
      tpu.wait_dma2 semaphore(%run_scoped3A_63 : memref<!tpu.dma_semaphore, #tpu.memory_space<semaphore_mem>>) src(%dma_wait3A_86 : memref<128x128xf32, #tpu.memory_space<vmem>>) dst(%dma_wait3A_82 : memref<128x128xf32, #tpu.memory_space<vmem_shared>>)
      tpu.yield
    }) : () -> ()
    %add3A_14 = arith.constant 128 : i32
    %add3A_15 = arith.addi %multiple_of3A, %add3A_14 : i32
    %run_scoped3A_16 = arith.constant 1 : i32
    "tpu.region"() ({
      %run_scoped3A_63 = tpu.sem_alloc : memref<!tpu.dma_semaphore, #tpu.memory_space<semaphore_mem>>
      %dma_start3A_64 = arith.constant 0 : i32
      %dma_start3A_65 = arith.constant 0 : i32
      %dma_start3A_66 = tpu.memref_slice %arg9[%run_scoped3A_16, %dma_start3A_64, %dma_start3A_65] : memref<2x128x128xf32, #tpu.memory_space<vmem>> -> memref<1x128x128xf32, #tpu.memory_space<vmem>>
      %dma_start3A_67 = tpu.memref_squeeze %dma_start3A_66 : memref<1x128x128xf32, #tpu.memory_space<vmem>> -> memref<128x128xf32, #tpu.memory_space<vmem>>
      %dma_start3A_68 = arith.constant 0 : i32
      %dma_start3A_69 = tpu.memref_slice %arg10[%add3A_15, %dma_start3A_68] : memref<10240x128xf32, #tpu.memory_space<vmem_shared>> -> memref<128x128xf32, #tpu.memory_space<vmem_shared>>
      %dma_start3A_70 = arith.constant 0 : i32
      %dma_start3A_71 = tpu.memref_slice %arg10[%add3A_15, %dma_start3A_70] : memref<10240x128xf32, #tpu.memory_space<vmem_shared>> -> memref<128x128xf32, #tpu.memory_space<vmem_shared>>
      %dma_start3A_72 = arith.constant 0 : i32
      %dma_start3A_73 = arith.constant 0 : i32
      %dma_start3A_74 = tpu.memref_slice %arg9[%run_scoped3A_16, %dma_start3A_72, %dma_start3A_73] : memref<2x128x128xf32, #tpu.memory_space<vmem>> -> memref<1x128x128xf32, #tpu.memory_space<vmem>>
      %dma_start3A_75 = tpu.memref_squeeze %dma_start3A_74 : memref<1x128x128xf32, #tpu.memory_space<vmem>> -> memref<128x128xf32, #tpu.memory_space<vmem>>
      tpu.enqueue_dma source(%dma_start3A_75 : memref<128x128xf32, #tpu.memory_space<vmem>>) target(%dma_start3A_71 : memref<128x128xf32, #tpu.memory_space<vmem_shared>>) target_semaphore(%run_scoped3A_63 : memref<!tpu.dma_semaphore, #tpu.memory_space<semaphore_mem>>)
      %dma_wait3A = arith.constant 0 : i32
      %dma_wait3A_76 = arith.constant 0 : i32
      %dma_wait3A_77 = tpu.memref_slice %arg9[%run_scoped3A_16, %dma_wait3A, %dma_wait3A_76] : memref<2x128x128xf32, #tpu.memory_space<vmem>> -> memref<1x128x128xf32, #tpu.memory_space<vmem>>
      %dma_wait3A_78 = tpu.memref_squeeze %dma_wait3A_77 : memref<1x128x128xf32, #tpu.memory_space<vmem>> -> memref<128x128xf32, #tpu.memory_space<vmem>>
      %dma_wait3A_79 = arith.constant 0 : i32
      %dma_wait3A_80 = tpu.memref_slice %arg10[%add3A_15, %dma_wait3A_79] : memref<10240x128xf32, #tpu.memory_space<vmem_shared>> -> memref<128x128xf32, #tpu.memory_space<vmem_shared>>
      %dma_wait3A_81 = arith.constant 0 : i32
      %dma_wait3A_82 = tpu.memref_slice %arg10[%add3A_15, %dma_wait3A_81] : memref<10240x128xf32, #tpu.memory_space<vmem_shared>> -> memref<128x128xf32, #tpu.memory_space<vmem_shared>>
      %dma_wait3A_83 = arith.constant 0 : i32
      %dma_wait3A_84 = arith.constant 0 : i32
      %dma_wait3A_85 = tpu.memref_slice %arg9[%run_scoped3A_16, %dma_wait3A_83, %dma_wait3A_84] : memref<2x128x128xf32, #tpu.memory_space<vmem>> -> memref<1x128x128xf32, #tpu.memory_space<vmem>>
      %dma_wait3A_86 = tpu.memref_squeeze %dma_wait3A_85 : memref<1x128x128xf32, #tpu.memory_space<vmem>> -> memref<128x128xf32, #tpu.memory_space<vmem>>
      tpu.wait_dma2 semaphore(%run_scoped3A_63 : memref<!tpu.dma_semaphore, #tpu.memory_space<semaphore_mem>>) src(%dma_wait3A_86 : memref<128x128xf32, #tpu.memory_space<vmem>>) dst(%dma_wait3A_82 : memref<128x128xf32, #tpu.memory_space<vmem_shared>>)
      tpu.yield
    }) : () -> ()
    %add3A_17 = arith.constant 256 : i32
    %add3A_18 = arith.addi %multiple_of3A, %add3A_17 : i32
    %run_scoped3A_19 = arith.constant 1 : i32
    "tpu.region"() ({
      %run_scoped3A_63 = tpu.sem_alloc : memref<!tpu.dma_semaphore, #tpu.memory_space<semaphore_mem>>
      %dma_start3A_64 = arith.constant 0 : i32
      %dma_start3A_65 = arith.constant 0 : i32
      %dma_start3A_66 = tpu.memref_slice %arg9[%run_scoped3A_19, %dma_start3A_64, %dma_start3A_65] : memref<2x128x128xf32, #tpu.memory_space<vmem>> -> memref<1x128x128xf32, #tpu.memory_space<vmem>>
      %dma_start3A_67 = tpu.memref_squeeze %dma_start3A_66 : memref<1x128x128xf32, #tpu.memory_space<vmem>> -> memref<128x128xf32, #tpu.memory_space<vmem>>
      %dma_start3A_68 = arith.constant 0 : i32
      %dma_start3A_69 = tpu.memref_slice %arg10[%add3A_18, %dma_start3A_68] : memref<10240x128xf32, #tpu.memory_space<vmem_shared>> -> memref<128x128xf32, #tpu.memory_space<vmem_shared>>
      %dma_start3A_70 = arith.constant 0 : i32
      %dma_start3A_71 = tpu.memref_slice %arg10[%add3A_18, %dma_start3A_70] : memref<10240x128xf32, #tpu.memory_space<vmem_shared>> -> memref<128x128xf32, #tpu.memory_space<vmem_shared>>
      %dma_start3A_72 = arith.constant 0 : i32
      %dma_start3A_73 = arith.constant 0 : i32
      %dma_start3A_74 = tpu.memref_slice %arg9[%run_scoped3A_19, %dma_start3A_72, %dma_start3A_73] : memref<2x128x128xf32, #tpu.memory_space<vmem>> -> memref<1x128x128xf32, #tpu.memory_space<vmem>>
      %dma_start3A_75 = tpu.memref_squeeze %dma_start3A_74 : memref<1x128x128xf32, #tpu.memory_space<vmem>> -> memref<128x128xf32, #tpu.memory_space<vmem>>
      tpu.enqueue_dma source(%dma_start3A_75 : memref<128x128xf32, #tpu.memory_space<vmem>>) target(%dma_start3A_71 : memref<128x128xf32, #tpu.memory_space<vmem_shared>>) target_semaphore(%run_scoped3A_63 : memref<!tpu.dma_semaphore, #tpu.memory_space<semaphore_mem>>)
      %dma_wait3A = arith.constant 0 : i32
      %dma_wait3A_76 = arith.constant 0 : i32
      %dma_wait3A_77 = tpu.memref_slice %arg9[%run_scoped3A_19, %dma_wait3A, %dma_wait3A_76] : memref<2x128x128xf32, #tpu.memory_space<vmem>> -> memref<1x128x128xf32, #tpu.memory_space<vmem>>
      %dma_wait3A_78 = tpu.memref_squeeze %dma_wait3A_77 : memref<1x128x128xf32, #tpu.memory_space<vmem>> -> memref<128x128xf32, #tpu.memory_space<vmem>>
      %dma_wait3A_79 = arith.constant 0 : i32
      %dma_wait3A_80 = tpu.memref_slice %arg10[%add3A_18, %dma_wait3A_79] : memref<10240x128xf32, #tpu.memory_space<vmem_shared>> -> memref<128x128xf32, #tpu.memory_space<vmem_shared>>
      %dma_wait3A_81 = arith.constant 0 : i32
      %dma_wait3A_82 = tpu.memref_slice %arg10[%add3A_18, %dma_wait3A_81] : memref<10240x128xf32, #tpu.memory_space<vmem_shared>> -> memref<128x128xf32, #tpu.memory_space<vmem_shared>>
      %dma_wait3A_83 = arith.constant 0 : i32
      %dma_wait3A_84 = arith.constant 0 : i32
      %dma_wait3A_85 = tpu.memref_slice %arg9[%run_scoped3A_19, %dma_wait3A_83, %dma_wait3A_84] : memref<2x128x128xf32, #tpu.memory_space<vmem>> -> memref<1x128x128xf32, #tpu.memory_space<vmem>>
      %dma_wait3A_86 = tpu.memref_squeeze %dma_wait3A_85 : memref<1x128x128xf32, #tpu.memory_space<vmem>> -> memref<128x128xf32, #tpu.memory_space<vmem>>
      tpu.wait_dma2 semaphore(%run_scoped3A_63 : memref<!tpu.dma_semaphore, #tpu.memory_space<semaphore_mem>>) src(%dma_wait3A_86 : memref<128x128xf32, #tpu.memory_space<vmem>>) dst(%dma_wait3A_82 : memref<128x128xf32, #tpu.memory_space<vmem_shared>>)
      tpu.yield
    }) : () -> ()
    %add3A_20 = arith.constant 384 : i32
    %add3A_21 = arith.addi %multiple_of3A, %add3A_20 : i32
    %run_scoped3A_22 = arith.constant 1 : i32
    "tpu.region"() ({
      %run_scoped3A_63 = tpu.sem_alloc : memref<!tpu.dma_semaphore, #tpu.memory_space<semaphore_mem>>
      %dma_start3A_64 = arith.constant 0 : i32
      %dma_start3A_65 = arith.constant 0 : i32
      %dma_start3A_66 = tpu.memref_slice %arg9[%run_scoped3A_22, %dma_start3A_64, %dma_start3A_65] : memref<2x128x128xf32, #tpu.memory_space<vmem>> -> memref<1x128x128xf32, #tpu.memory_space<vmem>>
      %dma_start3A_67 = tpu.memref_squeeze %dma_start3A_66 : memref<1x128x128xf32, #tpu.memory_space<vmem>> -> memref<128x128xf32, #tpu.memory_space<vmem>>
      %dma_start3A_68 = arith.constant 0 : i32
      %dma_start3A_69 = tpu.memref_slice %arg10[%add3A_21, %dma_start3A_68] : memref<10240x128xf32, #tpu.memory_space<vmem_shared>> -> memref<128x128xf32, #tpu.memory_space<vmem_shared>>
      %dma_start3A_70 = arith.constant 0 : i32
      %dma_start3A_71 = tpu.memref_slice %arg10[%add3A_21, %dma_start3A_70] : memref<10240x128xf32, #tpu.memory_space<vmem_shared>> -> memref<128x128xf32, #tpu.memory_space<vmem_shared>>
      %dma_start3A_72 = arith.constant 0 : i32
      %dma_start3A_73 = arith.constant 0 : i32
      %dma_start3A_74 = tpu.memref_slice %arg9[%run_scoped3A_22, %dma_start3A_72, %dma_start3A_73] : memref<2x128x128xf32, #tpu.memory_space<vmem>> -> memref<1x128x128xf32, #tpu.memory_space<vmem>>
      %dma_start3A_75 = tpu.memref_squeeze %dma_start3A_74 : memref<1x128x128xf32, #tpu.memory_space<vmem>> -> memref<128x128xf32, #tpu.memory_space<vmem>>
      tpu.enqueue_dma source(%dma_start3A_75 : memref<128x128xf32, #tpu.memory_space<vmem>>) target(%dma_start3A_71 : memref<128x128xf32, #tpu.memory_space<vmem_shared>>) target_semaphore(%run_scoped3A_63 : memref<!tpu.dma_semaphore, #tpu.memory_space<semaphore_mem>>)
      %dma_wait3A = arith.constant 0 : i32
      %dma_wait3A_76 = arith.constant 0 : i32
      %dma_wait3A_77 = tpu.memref_slice %arg9[%run_scoped3A_22, %dma_wait3A, %dma_wait3A_76] : memref<2x128x128xf32, #tpu.memory_space<vmem>> -> memref<1x128x128xf32, #tpu.memory_space<vmem>>
      %dma_wait3A_78 = tpu.memref_squeeze %dma_wait3A_77 : memref<1x128x128xf32, #tpu.memory_space<vmem>> -> memref<128x128xf32, #tpu.memory_space<vmem>>
      %dma_wait3A_79 = arith.constant 0 : i32
      %dma_wait3A_80 = tpu.memref_slice %arg10[%add3A_21, %dma_wait3A_79] : memref<10240x128xf32, #tpu.memory_space<vmem_shared>> -> memref<128x128xf32, #tpu.memory_space<vmem_shared>>
      %dma_wait3A_81 = arith.constant 0 : i32
      %dma_wait3A_82 = tpu.memref_slice %arg10[%add3A_21, %dma_wait3A_81] : memref<10240x128xf32, #tpu.memory_space<vmem_shared>> -> memref<128x128xf32, #tpu.memory_space<vmem_shared>>
      %dma_wait3A_83 = arith.constant 0 : i32
      %dma_wait3A_84 = arith.constant 0 : i32
      %dma_wait3A_85 = tpu.memref_slice %arg9[%run_scoped3A_22, %dma_wait3A_83, %dma_wait3A_84] : memref<2x128x128xf32, #tpu.memory_space<vmem>> -> memref<1x128x128xf32, #tpu.memory_space<vmem>>
      %dma_wait3A_86 = tpu.memref_squeeze %dma_wait3A_85 : memref<1x128x128xf32, #tpu.memory_space<vmem>> -> memref<128x128xf32, #tpu.memory_space<vmem>>
      tpu.wait_dma2 semaphore(%run_scoped3A_63 : memref<!tpu.dma_semaphore, #tpu.memory_space<semaphore_mem>>) src(%dma_wait3A_86 : memref<128x128xf32, #tpu.memory_space<vmem>>) dst(%dma_wait3A_82 : memref<128x128xf32, #tpu.memory_space<vmem_shared>>)
      tpu.yield
    }) : () -> ()
    %add3A_23 = arith.constant 512 : i32
    %add3A_24 = arith.addi %multiple_of3A, %add3A_23 : i32
    %run_scoped3A_25 = arith.constant 1 : i32
    "tpu.region"() ({
      %run_scoped3A_63 = tpu.sem_alloc : memref<!tpu.dma_semaphore, #tpu.memory_space<semaphore_mem>>
      %dma_start3A_64 = arith.constant 0 : i32
      %dma_start3A_65 = arith.constant 0 : i32
      %dma_start3A_66 = tpu.memref_slice %arg9[%run_scoped3A_25, %dma_start3A_64, %dma_start3A_65] : memref<2x128x128xf32, #tpu.memory_space<vmem>> -> memref<1x128x128xf32, #tpu.memory_space<vmem>>
      %dma_start3A_67 = tpu.memref_squeeze %dma_start3A_66 : memref<1x128x128xf32, #tpu.memory_space<vmem>> -> memref<128x128xf32, #tpu.memory_space<vmem>>
      %dma_start3A_68 = arith.constant 0 : i32
      %dma_start3A_69 = tpu.memref_slice %arg10[%add3A_24, %dma_start3A_68] : memref<10240x128xf32, #tpu.memory_space<vmem_shared>> -> memref<128x128xf32, #tpu.memory_space<vmem_shared>>
      %dma_start3A_70 = arith.constant 0 : i32
      %dma_start3A_71 = tpu.memref_slice %arg10[%add3A_24, %dma_start3A_70] : memref<10240x128xf32, #tpu.memory_space<vmem_shared>> -> memref<128x128xf32, #tpu.memory_space<vmem_shared>>
      %dma_start3A_72 = arith.constant 0 : i32
      %dma_start3A_73 = arith.constant 0 : i32
      %dma_start3A_74 = tpu.memref_slice %arg9[%run_scoped3A_25, %dma_start3A_72, %dma_start3A_73] : memref<2x128x128xf32, #tpu.memory_space<vmem>> -> memref<1x128x128xf32, #tpu.memory_space<vmem>>
      %dma_start3A_75 = tpu.memref_squeeze %dma_start3A_74 : memref<1x128x128xf32, #tpu.memory_space<vmem>> -> memref<128x128xf32, #tpu.memory_space<vmem>>
      tpu.enqueue_dma source(%dma_start3A_75 : memref<128x128xf32, #tpu.memory_space<vmem>>) target(%dma_start3A_71 : memref<128x128xf32, #tpu.memory_space<vmem_shared>>) target_semaphore(%run_scoped3A_63 : memref<!tpu.dma_semaphore, #tpu.memory_space<semaphore_mem>>)
      %dma_wait3A = arith.constant 0 : i32
      %dma_wait3A_76 = arith.constant 0 : i32
      %dma_wait3A_77 = tpu.memref_slice %arg9[%run_scoped3A_25, %dma_wait3A, %dma_wait3A_76] : memref<2x128x128xf32, #tpu.memory_space<vmem>> -> memref<1x128x128xf32, #tpu.memory_space<vmem>>
      %dma_wait3A_78 = tpu.memref_squeeze %dma_wait3A_77 : memref<1x128x128xf32, #tpu.memory_space<vmem>> -> memref<128x128xf32, #tpu.memory_space<vmem>>
      %dma_wait3A_79 = arith.constant 0 : i32
      %dma_wait3A_80 = tpu.memref_slice %arg10[%add3A_24, %dma_wait3A_79] : memref<10240x128xf32, #tpu.memory_space<vmem_shared>> -> memref<128x128xf32, #tpu.memory_space<vmem_shared>>
      %dma_wait3A_81 = arith.constant 0 : i32
      %dma_wait3A_82 = tpu.memref_slice %arg10[%add3A_24, %dma_wait3A_81] : memref<10240x128xf32, #tpu.memory_space<vmem_shared>> -> memref<128x128xf32, #tpu.memory_space<vmem_shared>>
      %dma_wait3A_83 = arith.constant 0 : i32
      %dma_wait3A_84 = arith.constant 0 : i32
      %dma_wait3A_85 = tpu.memref_slice %arg9[%run_scoped3A_25, %dma_wait3A_83, %dma_wait3A_84] : memref<2x128x128xf32, #tpu.memory_space<vmem>> -> memref<1x128x128xf32, #tpu.memory_space<vmem>>
      %dma_wait3A_86 = tpu.memref_squeeze %dma_wait3A_85 : memref<1x128x128xf32, #tpu.memory_space<vmem>> -> memref<128x128xf32, #tpu.memory_space<vmem>>
      tpu.wait_dma2 semaphore(%run_scoped3A_63 : memref<!tpu.dma_semaphore, #tpu.memory_space<semaphore_mem>>) src(%dma_wait3A_86 : memref<128x128xf32, #tpu.memory_space<vmem>>) dst(%dma_wait3A_82 : memref<128x128xf32, #tpu.memory_space<vmem_shared>>)
      tpu.yield
    }) : () -> ()
    %barrier3A = arith.constant 0 : index
    tpu.barrier barrier_id(%barrier3A)
    %scan3A = arith.constant 0 : i32
    %scan3A_26 = arith.constant 0 : i32
    %scan3A_27 = arith.constant 20 : i32
    %scan3A_28 = arith.addi %scan3A_26, %scan3A_27 : i32
    %scan3A_29 = arith.constant 1 : i32
    scf.for %scan3A_63 = %scan3A_26 to %scan3A_28 step %scan3A_29  : i32 {
      %mul3A_64 = arith.constant 2 : i32
      %mul3A_65 = arith.muli %scan3A_63, %mul3A_64 : i32
      %add3A_66 = arith.constant 2 : i32
      %add3A_67 = arith.addi %mul3A_65, %add3A_66 : i32
      %sub3A = arith.constant 1 : i32
      %sub3A_68 = arith.subi %add3A_67, %sub3A : i32
      %dma_start3A_69 = arith.constant 1 : i32
      %dma_start3A_70 = arith.constant 0 : i32
      %dma_start3A_71 = arith.constant 0 : i32
      %dma_start3A_72 = tpu.memref_slice %arg9[%dma_start3A_69, %dma_start3A_70, %dma_start3A_71] : memref<2x128x128xf32, #tpu.memory_space<vmem>> -> memref<1x128x128xf32, #tpu.memory_space<vmem>>
      %dma_start3A_73 = tpu.memref_squeeze %dma_start3A_72 : memref<1x128x128xf32, #tpu.memory_space<vmem>> -> memref<128x128xf32, #tpu.memory_space<vmem>>
      %dma_start3A_74 = arith.constant 0 : i32
      %dma_start3A_75 = tpu.memref_slice %arg7[%sub3A_68, %dma_start3A_74] : memref<40x128xi32, #tpu.memory_space<vmem>> -> memref<1x128xi32, #tpu.memory_space<vmem>>
      %dma_start3A_76 = tpu.memref_squeeze %dma_start3A_75 : memref<1x128xi32, #tpu.memory_space<vmem>> -> memref<128xi32, #tpu.memory_space<vmem>>
      %dma_start3A_77 = arith.constant 0 : i32
      %dma_start3A_78 = arith.constant 0 : i32
      %dma_start3A_79 = tpu.memref_slice %arg2[%dma_start3A_77, %dma_start3A_78] : memref<20000x128xf32, #tpu.memory_space<hbm>> -> memref<20000x128xf32, #tpu.memory_space<hbm>>
      tpu.enqueue_indirect_dma source(%dma_start3A_79 : memref<20000x128xf32, #tpu.memory_space<hbm>>) target(%dma_start3A_73 : memref<128x128xf32, #tpu.memory_space<vmem>>) offsets(%dma_start3A_76 : memref<128xi32, #tpu.memory_space<vmem>>) semaphore(%arg12 : memref<!tpu.dma_semaphore, #tpu.memory_space<semaphore_mem>>)
      %dma_wait3A = arith.constant 0 : i32
      %dma_wait3A_80 = arith.constant 0 : i32
      %dma_wait3A_81 = arith.constant 0 : i32
      %dma_wait3A_82 = tpu.memref_slice %arg9[%dma_wait3A, %dma_wait3A_80, %dma_wait3A_81] : memref<2x128x128xf32, #tpu.memory_space<vmem>> -> memref<1x128x128xf32, #tpu.memory_space<vmem>>
      %dma_wait3A_83 = tpu.memref_squeeze %dma_wait3A_82 : memref<1x128x128xf32, #tpu.memory_space<vmem>> -> memref<128x128xf32, #tpu.memory_space<vmem>>
      %dma_wait3A_84 = arith.constant 0 : i32
      %dma_wait3A_85 = tpu.memref_slice %arg7[%mul3A_65, %dma_wait3A_84] : memref<40x128xi32, #tpu.memory_space<vmem>> -> memref<1x128xi32, #tpu.memory_space<vmem>>
      %dma_wait3A_86 = tpu.memref_squeeze %dma_wait3A_85 : memref<1x128xi32, #tpu.memory_space<vmem>> -> memref<128xi32, #tpu.memory_space<vmem>>
      %dma_wait3A_87 = arith.constant 0 : i32
      %dma_wait3A_88 = arith.constant 0 : i32
      %dma_wait3A_89 = tpu.memref_slice %arg2[%dma_wait3A_87, %dma_wait3A_88] : memref<20000x128xf32, #tpu.memory_space<hbm>> -> memref<20000x128xf32, #tpu.memory_space<hbm>>
      tpu.wait_indirect_dma semaphore(%arg11 : memref<!tpu.dma_semaphore, #tpu.memory_space<semaphore_mem>>) src(%dma_wait3A_89 : memref<20000x128xf32, #tpu.memory_space<hbm>>) dst(%dma_wait3A_83 : memref<128x128xf32, #tpu.memory_space<vmem>>)
      %run_scoped3A_90 = arith.constant 0 : i32
      "tpu.region"() ({
        %run_scoped3A_112 = tpu.sem_alloc : memref<!tpu.dma_semaphore, #tpu.memory_space<semaphore_mem>>
        %dma_start3A_113 = arith.constant 0 : i32
        %dma_start3A_114 = arith.constant 0 : i32
        %dma_start3A_115 = tpu.memref_slice %arg9[%run_scoped3A_90, %dma_start3A_113, %dma_start3A_114] : memref<2x128x128xf32, #tpu.memory_space<vmem>> -> memref<1x128x128xf32, #tpu.memory_space<vmem>>
        %dma_start3A_116 = tpu.memref_squeeze %dma_start3A_115 : memref<1x128x128xf32, #tpu.memory_space<vmem>> -> memref<128x128xf32, #tpu.memory_space<vmem>>
        %dma_start3A_117 = arith.constant 0 : i32
        %dma_start3A_118 = tpu.memref_slice %arg8[%mul3A_65, %dma_start3A_117] : memref<40x128xi32, #tpu.memory_space<vmem>> -> memref<1x128xi32, #tpu.memory_space<vmem>>
        %dma_start3A_119 = tpu.memref_squeeze %dma_start3A_118 : memref<1x128xi32, #tpu.memory_space<vmem>> -> memref<128xi32, #tpu.memory_space<vmem>>
        %dma_start3A_120 = arith.constant 0 : i32
        %dma_start3A_121 = arith.constant 0 : i32
        %dma_start3A_122 = tpu.memref_slice %arg10[%dma_start3A_120, %dma_start3A_121] : memref<10240x128xf32, #tpu.memory_space<vmem_shared>> -> memref<10240x128xf32, #tpu.memory_space<vmem_shared>>
        tpu.enqueue_indirect_dma source(%dma_start3A_116 : memref<128x128xf32, #tpu.memory_space<vmem>>) target(%dma_start3A_122 : memref<10240x128xf32, #tpu.memory_space<vmem_shared>>) offsets(%dma_start3A_119 : memref<128xi32, #tpu.memory_space<vmem>>) semaphore(%run_scoped3A_112 : memref<!tpu.dma_semaphore, #tpu.memory_space<semaphore_mem>>) {add = true}
        %dma_wait3A_123 = arith.constant 0 : i32
        %dma_wait3A_124 = arith.constant 0 : i32
        %dma_wait3A_125 = tpu.memref_slice %arg9[%run_scoped3A_90, %dma_wait3A_123, %dma_wait3A_124] : memref<2x128x128xf32, #tpu.memory_space<vmem>> -> memref<1x128x128xf32, #tpu.memory_space<vmem>>
        %dma_wait3A_126 = tpu.memref_squeeze %dma_wait3A_125 : memref<1x128x128xf32, #tpu.memory_space<vmem>> -> memref<128x128xf32, #tpu.memory_space<vmem>>
        %dma_wait3A_127 = arith.constant 0 : i32
        %dma_wait3A_128 = tpu.memref_slice %arg8[%mul3A_65, %dma_wait3A_127] : memref<40x128xi32, #tpu.memory_space<vmem>> -> memref<1x128xi32, #tpu.memory_space<vmem>>
        %dma_wait3A_129 = tpu.memref_squeeze %dma_wait3A_128 : memref<1x128xi32, #tpu.memory_space<vmem>> -> memref<128xi32, #tpu.memory_space<vmem>>
        %dma_wait3A_130 = arith.constant 0 : i32
        %dma_wait3A_131 = arith.constant 0 : i32
        %dma_wait3A_132 = tpu.memref_slice %arg10[%dma_wait3A_130, %dma_wait3A_131] : memref<10240x128xf32, #tpu.memory_space<vmem_shared>> -> memref<10240x128xf32, #tpu.memory_space<vmem_shared>>
        tpu.wait_indirect_dma semaphore(%run_scoped3A_112 : memref<!tpu.dma_semaphore, #tpu.memory_space<semaphore_mem>>) src(%dma_wait3A_126 : memref<128x128xf32, #tpu.memory_space<vmem>>) dst(%dma_wait3A_132 : memref<10240x128xf32, #tpu.memory_space<vmem_shared>>)
        tpu.yield
      }) : () -> ()
      %lt3A_91 = arith.constant 19 : i32
      %lt3A_92 = arith.cmpi slt, %scan3A_63, %lt3A_91 : i32
      %convert_element_type3A_93 = arith.extui %lt3A_92 : i1 to i32
      %cond3A_94 = arith.constant 0 : i32
      %cond3A_95 = arith.cmpi ne, %convert_element_type3A_93, %cond3A_94 : i32
      scf.if %cond3A_95 {
        %add3A_112 = arith.constant 2 : i32
        %add3A_113 = arith.addi %mul3A_65, %add3A_112 : i32
        %add3A_114 = arith.constant 0 : i32
        %add3A_115 = arith.addi %add3A_113, %add3A_114 : i32
        %dma_start3A_116 = arith.constant 0 : i32
        %dma_start3A_117 = arith.constant 0 : i32
        %dma_start3A_118 = arith.constant 0 : i32
        %dma_start3A_119 = tpu.memref_slice %arg9[%dma_start3A_116, %dma_start3A_117, %dma_start3A_118] : memref<2x128x128xf32, #tpu.memory_space<vmem>> -> memref<1x128x128xf32, #tpu.memory_space<vmem>>
        %dma_start3A_120 = tpu.memref_squeeze %dma_start3A_119 : memref<1x128x128xf32, #tpu.memory_space<vmem>> -> memref<128x128xf32, #tpu.memory_space<vmem>>
        %dma_start3A_121 = arith.constant 0 : i32
        %dma_start3A_122 = tpu.memref_slice %arg7[%add3A_115, %dma_start3A_121] : memref<40x128xi32, #tpu.memory_space<vmem>> -> memref<1x128xi32, #tpu.memory_space<vmem>>
        %dma_start3A_123 = tpu.memref_squeeze %dma_start3A_122 : memref<1x128xi32, #tpu.memory_space<vmem>> -> memref<128xi32, #tpu.memory_space<vmem>>
        %dma_start3A_124 = arith.constant 0 : i32
        %dma_start3A_125 = arith.constant 0 : i32
        %dma_start3A_126 = tpu.memref_slice %arg2[%dma_start3A_124, %dma_start3A_125] : memref<20000x128xf32, #tpu.memory_space<hbm>> -> memref<20000x128xf32, #tpu.memory_space<hbm>>
        tpu.enqueue_indirect_dma source(%dma_start3A_126 : memref<20000x128xf32, #tpu.memory_space<hbm>>) target(%dma_start3A_120 : memref<128x128xf32, #tpu.memory_space<vmem>>) offsets(%dma_start3A_123 : memref<128xi32, #tpu.memory_space<vmem>>) semaphore(%arg11 : memref<!tpu.dma_semaphore, #tpu.memory_space<semaphore_mem>>)
      } else {
      }
      %add3A_96 = arith.constant 1 : i32
      %add3A_97 = arith.addi %mul3A_65, %add3A_96 : i32
      %add3A_98 = arith.constant 0 : i32
      %add3A_99 = arith.addi %add3A_97, %add3A_98 : i32
      %dma_wait3A_100 = arith.constant 1 : i32
      %dma_wait3A_101 = arith.constant 0 : i32
      %dma_wait3A_102 = arith.constant 0 : i32
      %dma_wait3A_103 = tpu.memref_slice %arg9[%dma_wait3A_100, %dma_wait3A_101, %dma_wait3A_102] : memref<2x128x128xf32, #tpu.memory_space<vmem>> -> memref<1x128x128xf32, #tpu.memory_space<vmem>>
      %dma_wait3A_104 = tpu.memref_squeeze %dma_wait3A_103 : memref<1x128x128xf32, #tpu.memory_space<vmem>> -> memref<128x128xf32, #tpu.memory_space<vmem>>
      %dma_wait3A_105 = arith.constant 0 : i32
      %dma_wait3A_106 = tpu.memref_slice %arg7[%add3A_99, %dma_wait3A_105] : memref<40x128xi32, #tpu.memory_space<vmem>> -> memref<1x128xi32, #tpu.memory_space<vmem>>
      %dma_wait3A_107 = tpu.memref_squeeze %dma_wait3A_106 : memref<1x128xi32, #tpu.memory_space<vmem>> -> memref<128xi32, #tpu.memory_space<vmem>>
      %dma_wait3A_108 = arith.constant 0 : i32
      %dma_wait3A_109 = arith.constant 0 : i32
      %dma_wait3A_110 = tpu.memref_slice %arg2[%dma_wait3A_108, %dma_wait3A_109] : memref<20000x128xf32, #tpu.memory_space<hbm>> -> memref<20000x128xf32, #tpu.memory_space<hbm>>
      tpu.wait_indirect_dma semaphore(%arg12 : memref<!tpu.dma_semaphore, #tpu.memory_space<semaphore_mem>>) src(%dma_wait3A_110 : memref<20000x128xf32, #tpu.memory_space<hbm>>) dst(%dma_wait3A_104 : memref<128x128xf32, #tpu.memory_space<vmem>>)
      %run_scoped3A_111 = arith.constant 1 : i32
      "tpu.region"() ({
        %run_scoped3A_112 = tpu.sem_alloc : memref<!tpu.dma_semaphore, #tpu.memory_space<semaphore_mem>>
        %dma_start3A_113 = arith.constant 0 : i32
        %dma_start3A_114 = arith.constant 0 : i32
        %dma_start3A_115 = tpu.memref_slice %arg9[%run_scoped3A_111, %dma_start3A_113, %dma_start3A_114] : memref<2x128x128xf32, #tpu.memory_space<vmem>> -> memref<1x128x128xf32, #tpu.memory_space<vmem>>
        %dma_start3A_116 = tpu.memref_squeeze %dma_start3A_115 : memref<1x128x128xf32, #tpu.memory_space<vmem>> -> memref<128x128xf32, #tpu.memory_space<vmem>>
        %dma_start3A_117 = arith.constant 0 : i32
        %dma_start3A_118 = tpu.memref_slice %arg8[%add3A_99, %dma_start3A_117] : memref<40x128xi32, #tpu.memory_space<vmem>> -> memref<1x128xi32, #tpu.memory_space<vmem>>
        %dma_start3A_119 = tpu.memref_squeeze %dma_start3A_118 : memref<1x128xi32, #tpu.memory_space<vmem>> -> memref<128xi32, #tpu.memory_space<vmem>>
        %dma_start3A_120 = arith.constant 0 : i32
        %dma_start3A_121 = arith.constant 0 : i32
        %dma_start3A_122 = tpu.memref_slice %arg10[%dma_start3A_120, %dma_start3A_121] : memref<10240x128xf32, #tpu.memory_space<vmem_shared>> -> memref<10240x128xf32, #tpu.memory_space<vmem_shared>>
        tpu.enqueue_indirect_dma source(%dma_start3A_116 : memref<128x128xf32, #tpu.memory_space<vmem>>) target(%dma_start3A_122 : memref<10240x128xf32, #tpu.memory_space<vmem_shared>>) offsets(%dma_start3A_119 : memref<128xi32, #tpu.memory_space<vmem>>) semaphore(%run_scoped3A_112 : memref<!tpu.dma_semaphore, #tpu.memory_space<semaphore_mem>>) {add = true}
        %dma_wait3A_123 = arith.constant 0 : i32
        %dma_wait3A_124 = arith.constant 0 : i32
        %dma_wait3A_125 = tpu.memref_slice %arg9[%run_scoped3A_111, %dma_wait3A_123, %dma_wait3A_124] : memref<2x128x128xf32, #tpu.memory_space<vmem>> -> memref<1x128x128xf32, #tpu.memory_space<vmem>>
        %dma_wait3A_126 = tpu.memref_squeeze %dma_wait3A_125 : memref<1x128x128xf32, #tpu.memory_space<vmem>> -> memref<128x128xf32, #tpu.memory_space<vmem>>
        %dma_wait3A_127 = arith.constant 0 : i32
        %dma_wait3A_128 = tpu.memref_slice %arg8[%add3A_99, %dma_wait3A_127] : memref<40x128xi32, #tpu.memory_space<vmem>> -> memref<1x128xi32, #tpu.memory_space<vmem>>
        %dma_wait3A_129 = tpu.memref_squeeze %dma_wait3A_128 : memref<1x128xi32, #tpu.memory_space<vmem>> -> memref<128xi32, #tpu.memory_space<vmem>>
        %dma_wait3A_130 = arith.constant 0 : i32
        %dma_wait3A_131 = arith.constant 0 : i32
        %dma_wait3A_132 = tpu.memref_slice %arg10[%dma_wait3A_130, %dma_wait3A_131] : memref<10240x128xf32, #tpu.memory_space<vmem_shared>> -> memref<10240x128xf32, #tpu.memory_space<vmem_shared>>
        tpu.wait_indirect_dma semaphore(%run_scoped3A_112 : memref<!tpu.dma_semaphore, #tpu.memory_space<semaphore_mem>>) src(%dma_wait3A_126 : memref<128x128xf32, #tpu.memory_space<vmem>>) dst(%dma_wait3A_132 : memref<10240x128xf32, #tpu.memory_space<vmem_shared>>)
        tpu.yield
      }) : () -> ()
    }
    %scan3A_30 = arith.constant 20 : i32
    "tpu.region"() ({
      %run_scoped3A_63 = tpu.sem_alloc : memref<!tpu.dma_semaphore, #tpu.memory_space<semaphore_mem>>
      %dma_start3A_64 = arith.constant 40 : i32
      %dma_start3A_65 = arith.constant 0 : i32
      %dma_start3A_66 = tpu.memref_slice %arg3[%arg0, %arg1, %dma_start3A_64, %dma_start3A_65] : memref<2x16x80x128xi32, #tpu.memory_space<hbm>> -> memref<1x1x40x128xi32, #tpu.memory_space<hbm>>
      %dma_start3A_67 = tpu.memref_squeeze %dma_start3A_66 : memref<1x1x40x128xi32, #tpu.memory_space<hbm>> -> memref<40x128xi32, #tpu.memory_space<hbm>>
      %dma_start3A_68 = arith.constant 40 : i32
      %dma_start3A_69 = arith.constant 0 : i32
      %dma_start3A_70 = tpu.memref_slice %arg3[%arg0, %arg1, %dma_start3A_68, %dma_start3A_69] : memref<2x16x80x128xi32, #tpu.memory_space<hbm>> -> memref<1x1x40x128xi32, #tpu.memory_space<hbm>>
      %dma_start3A_71 = tpu.memref_squeeze %dma_start3A_70 : memref<1x1x40x128xi32, #tpu.memory_space<hbm>> -> memref<40x128xi32, #tpu.memory_space<hbm>>
      tpu.enqueue_dma source(%dma_start3A_71 : memref<40x128xi32, #tpu.memory_space<hbm>>) target(%arg7 : memref<40x128xi32, #tpu.memory_space<vmem>>) target_semaphore(%run_scoped3A_63 : memref<!tpu.dma_semaphore, #tpu.memory_space<semaphore_mem>>)
      %dma_wait3A = arith.constant 40 : i32
      %dma_wait3A_72 = arith.constant 0 : i32
      %dma_wait3A_73 = tpu.memref_slice %arg3[%arg0, %arg1, %dma_wait3A, %dma_wait3A_72] : memref<2x16x80x128xi32, #tpu.memory_space<hbm>> -> memref<1x1x40x128xi32, #tpu.memory_space<hbm>>
      %dma_wait3A_74 = tpu.memref_squeeze %dma_wait3A_73 : memref<1x1x40x128xi32, #tpu.memory_space<hbm>> -> memref<40x128xi32, #tpu.memory_space<hbm>>
      %dma_wait3A_75 = arith.constant 40 : i32
      %dma_wait3A_76 = arith.constant 0 : i32
      %dma_wait3A_77 = tpu.memref_slice %arg3[%arg0, %arg1, %dma_wait3A_75, %dma_wait3A_76] : memref<2x16x80x128xi32, #tpu.memory_space<hbm>> -> memref<1x1x40x128xi32, #tpu.memory_space<hbm>>
      %dma_wait3A_78 = tpu.memref_squeeze %dma_wait3A_77 : memref<1x1x40x128xi32, #tpu.memory_space<hbm>> -> memref<40x128xi32, #tpu.memory_space<hbm>>
      tpu.wait_dma2 semaphore(%run_scoped3A_63 : memref<!tpu.dma_semaphore, #tpu.memory_space<semaphore_mem>>) src(%dma_wait3A_78 : memref<40x128xi32, #tpu.memory_space<hbm>>) dst(%arg7 : memref<40x128xi32, #tpu.memory_space<vmem>>)
      tpu.yield
    }) : () -> ()
    "tpu.region"() ({
      %run_scoped3A_63 = tpu.sem_alloc : memref<!tpu.dma_semaphore, #tpu.memory_space<semaphore_mem>>
      %dma_start3A_64 = arith.constant 40 : i32
      %dma_start3A_65 = arith.constant 0 : i32
      %dma_start3A_66 = tpu.memref_slice %arg4[%arg1, %dma_start3A_64, %dma_start3A_65] : memref<16x80x128xi32, #tpu.memory_space<hbm>> -> memref<1x40x128xi32, #tpu.memory_space<hbm>>
      %dma_start3A_67 = tpu.memref_squeeze %dma_start3A_66 : memref<1x40x128xi32, #tpu.memory_space<hbm>> -> memref<40x128xi32, #tpu.memory_space<hbm>>
      %dma_start3A_68 = arith.constant 40 : i32
      %dma_start3A_69 = arith.constant 0 : i32
      %dma_start3A_70 = tpu.memref_slice %arg4[%arg1, %dma_start3A_68, %dma_start3A_69] : memref<16x80x128xi32, #tpu.memory_space<hbm>> -> memref<1x40x128xi32, #tpu.memory_space<hbm>>
      %dma_start3A_71 = tpu.memref_squeeze %dma_start3A_70 : memref<1x40x128xi32, #tpu.memory_space<hbm>> -> memref<40x128xi32, #tpu.memory_space<hbm>>
      tpu.enqueue_dma source(%dma_start3A_71 : memref<40x128xi32, #tpu.memory_space<hbm>>) target(%arg8 : memref<40x128xi32, #tpu.memory_space<vmem>>) target_semaphore(%run_scoped3A_63 : memref<!tpu.dma_semaphore, #tpu.memory_space<semaphore_mem>>)
      %dma_wait3A = arith.constant 40 : i32
      %dma_wait3A_72 = arith.constant 0 : i32
      %dma_wait3A_73 = tpu.memref_slice %arg4[%arg1, %dma_wait3A, %dma_wait3A_72] : memref<16x80x128xi32, #tpu.memory_space<hbm>> -> memref<1x40x128xi32, #tpu.memory_space<hbm>>
      %dma_wait3A_74 = tpu.memref_squeeze %dma_wait3A_73 : memref<1x40x128xi32, #tpu.memory_space<hbm>> -> memref<40x128xi32, #tpu.memory_space<hbm>>
      %dma_wait3A_75 = arith.constant 40 : i32
      %dma_wait3A_76 = arith.constant 0 : i32
      %dma_wait3A_77 = tpu.memref_slice %arg4[%arg1, %dma_wait3A_75, %dma_wait3A_76] : memref<16x80x128xi32, #tpu.memory_space<hbm>> -> memref<1x40x128xi32, #tpu.memory_space<hbm>>
      %dma_wait3A_78 = tpu.memref_squeeze %dma_wait3A_77 : memref<1x40x128xi32, #tpu.memory_space<hbm>> -> memref<40x128xi32, #tpu.memory_space<hbm>>
      tpu.wait_dma2 semaphore(%run_scoped3A_63 : memref<!tpu.dma_semaphore, #tpu.memory_space<semaphore_mem>>) src(%dma_wait3A_78 : memref<40x128xi32, #tpu.memory_space<hbm>>) dst(%arg8 : memref<40x128xi32, #tpu.memory_space<vmem>>)
      tpu.yield
    }) : () -> ()
    %dma_start3A_31 = arith.constant 0 : i32
    %dma_start3A_32 = arith.constant 0 : i32
    %dma_start3A_33 = arith.constant 0 : i32
    %dma_start3A_34 = arith.constant 0 : i32
    %dma_start3A_35 = tpu.memref_slice %arg9[%dma_start3A_32, %dma_start3A_33, %dma_start3A_34] : memref<2x128x128xf32, #tpu.memory_space<vmem>> -> memref<1x128x128xf32, #tpu.memory_space<vmem>>
    %dma_start3A_36 = tpu.memref_squeeze %dma_start3A_35 : memref<1x128x128xf32, #tpu.memory_space<vmem>> -> memref<128x128xf32, #tpu.memory_space<vmem>>
    %dma_start3A_37 = arith.constant 0 : i32
    %dma_start3A_38 = tpu.memref_slice %arg7[%dma_start3A_31, %dma_start3A_37] : memref<40x128xi32, #tpu.memory_space<vmem>> -> memref<1x128xi32, #tpu.memory_space<vmem>>
    %dma_start3A_39 = tpu.memref_squeeze %dma_start3A_38 : memref<1x128xi32, #tpu.memory_space<vmem>> -> memref<128xi32, #tpu.memory_space<vmem>>
    %dma_start3A_40 = arith.constant 0 : i32
    %dma_start3A_41 = arith.constant 0 : i32
    %dma_start3A_42 = tpu.memref_slice %arg2[%dma_start3A_40, %dma_start3A_41] : memref<20000x128xf32, #tpu.memory_space<hbm>> -> memref<20000x128xf32, #tpu.memory_space<hbm>>
    tpu.enqueue_indirect_dma source(%dma_start3A_42 : memref<20000x128xf32, #tpu.memory_space<hbm>>) target(%dma_start3A_36 : memref<128x128xf32, #tpu.memory_space<vmem>>) offsets(%dma_start3A_39 : memref<128xi32, #tpu.memory_space<vmem>>) semaphore(%arg11 : memref<!tpu.dma_semaphore, #tpu.memory_space<semaphore_mem>>)
    %scan3A_43 = arith.constant 0 : i32
    %scan3A_44 = arith.constant 0 : i32
    %scan3A_45 = arith.constant 20 : i32
    %scan3A_46 = arith.addi %scan3A_44, %scan3A_45 : i32
    %scan3A_47 = arith.constant 1 : i32
    scf.for %scan3A_63 = %scan3A_44 to %scan3A_46 step %scan3A_47  : i32 {
      %mul3A_64 = arith.constant 2 : i32
      %mul3A_65 = arith.muli %scan3A_63, %mul3A_64 : i32
      %add3A_66 = arith.constant 2 : i32
      %add3A_67 = arith.addi %mul3A_65, %add3A_66 : i32
      %sub3A = arith.constant 1 : i32
      %sub3A_68 = arith.subi %add3A_67, %sub3A : i32
      %dma_start3A_69 = arith.constant 1 : i32
      %dma_start3A_70 = arith.constant 0 : i32
      %dma_start3A_71 = arith.constant 0 : i32
      %dma_start3A_72 = tpu.memref_slice %arg9[%dma_start3A_69, %dma_start3A_70, %dma_start3A_71] : memref<2x128x128xf32, #tpu.memory_space<vmem>> -> memref<1x128x128xf32, #tpu.memory_space<vmem>>
      %dma_start3A_73 = tpu.memref_squeeze %dma_start3A_72 : memref<1x128x128xf32, #tpu.memory_space<vmem>> -> memref<128x128xf32, #tpu.memory_space<vmem>>
      %dma_start3A_74 = arith.constant 0 : i32
      %dma_start3A_75 = tpu.memref_slice %arg7[%sub3A_68, %dma_start3A_74] : memref<40x128xi32, #tpu.memory_space<vmem>> -> memref<1x128xi32, #tpu.memory_space<vmem>>
      %dma_start3A_76 = tpu.memref_squeeze %dma_start3A_75 : memref<1x128xi32, #tpu.memory_space<vmem>> -> memref<128xi32, #tpu.memory_space<vmem>>
      %dma_start3A_77 = arith.constant 0 : i32
      %dma_start3A_78 = arith.constant 0 : i32
      %dma_start3A_79 = tpu.memref_slice %arg2[%dma_start3A_77, %dma_start3A_78] : memref<20000x128xf32, #tpu.memory_space<hbm>> -> memref<20000x128xf32, #tpu.memory_space<hbm>>
      tpu.enqueue_indirect_dma source(%dma_start3A_79 : memref<20000x128xf32, #tpu.memory_space<hbm>>) target(%dma_start3A_73 : memref<128x128xf32, #tpu.memory_space<vmem>>) offsets(%dma_start3A_76 : memref<128xi32, #tpu.memory_space<vmem>>) semaphore(%arg12 : memref<!tpu.dma_semaphore, #tpu.memory_space<semaphore_mem>>)
      %dma_wait3A = arith.constant 0 : i32
      %dma_wait3A_80 = arith.constant 0 : i32
      %dma_wait3A_81 = arith.constant 0 : i32
      %dma_wait3A_82 = tpu.memref_slice %arg9[%dma_wait3A, %dma_wait3A_80, %dma_wait3A_81] : memref<2x128x128xf32, #tpu.memory_space<vmem>> -> memref<1x128x128xf32, #tpu.memory_space<vmem>>
      %dma_wait3A_83 = tpu.memref_squeeze %dma_wait3A_82 : memref<1x128x128xf32, #tpu.memory_space<vmem>> -> memref<128x128xf32, #tpu.memory_space<vmem>>
      %dma_wait3A_84 = arith.constant 0 : i32
      %dma_wait3A_85 = tpu.memref_slice %arg7[%mul3A_65, %dma_wait3A_84] : memref<40x128xi32, #tpu.memory_space<vmem>> -> memref<1x128xi32, #tpu.memory_space<vmem>>
      %dma_wait3A_86 = tpu.memref_squeeze %dma_wait3A_85 : memref<1x128xi32, #tpu.memory_space<vmem>> -> memref<128xi32, #tpu.memory_space<vmem>>
      %dma_wait3A_87 = arith.constant 0 : i32
      %dma_wait3A_88 = arith.constant 0 : i32
      %dma_wait3A_89 = tpu.memref_slice %arg2[%dma_wait3A_87, %dma_wait3A_88] : memref<20000x128xf32, #tpu.memory_space<hbm>> -> memref<20000x128xf32, #tpu.memory_space<hbm>>
      tpu.wait_indirect_dma semaphore(%arg11 : memref<!tpu.dma_semaphore, #tpu.memory_space<semaphore_mem>>) src(%dma_wait3A_89 : memref<20000x128xf32, #tpu.memory_space<hbm>>) dst(%dma_wait3A_83 : memref<128x128xf32, #tpu.memory_space<vmem>>)
      %run_scoped3A_90 = arith.constant 0 : i32
      "tpu.region"() ({
        %run_scoped3A_112 = tpu.sem_alloc : memref<!tpu.dma_semaphore, #tpu.memory_space<semaphore_mem>>
        %dma_start3A_113 = arith.constant 0 : i32
        %dma_start3A_114 = arith.constant 0 : i32
        %dma_start3A_115 = tpu.memref_slice %arg9[%run_scoped3A_90, %dma_start3A_113, %dma_start3A_114] : memref<2x128x128xf32, #tpu.memory_space<vmem>> -> memref<1x128x128xf32, #tpu.memory_space<vmem>>
        %dma_start3A_116 = tpu.memref_squeeze %dma_start3A_115 : memref<1x128x128xf32, #tpu.memory_space<vmem>> -> memref<128x128xf32, #tpu.memory_space<vmem>>
        %dma_start3A_117 = arith.constant 0 : i32
        %dma_start3A_118 = tpu.memref_slice %arg8[%mul3A_65, %dma_start3A_117] : memref<40x128xi32, #tpu.memory_space<vmem>> -> memref<1x128xi32, #tpu.memory_space<vmem>>
        %dma_start3A_119 = tpu.memref_squeeze %dma_start3A_118 : memref<1x128xi32, #tpu.memory_space<vmem>> -> memref<128xi32, #tpu.memory_space<vmem>>
        %dma_start3A_120 = arith.constant 0 : i32
        %dma_start3A_121 = arith.constant 0 : i32
        %dma_start3A_122 = tpu.memref_slice %arg10[%dma_start3A_120, %dma_start3A_121] : memref<10240x128xf32, #tpu.memory_space<vmem_shared>> -> memref<10240x128xf32, #tpu.memory_space<vmem_shared>>
        tpu.enqueue_indirect_dma source(%dma_start3A_116 : memref<128x128xf32, #tpu.memory_space<vmem>>) target(%dma_start3A_122 : memref<10240x128xf32, #tpu.memory_space<vmem_shared>>) offsets(%dma_start3A_119 : memref<128xi32, #tpu.memory_space<vmem>>) semaphore(%run_scoped3A_112 : memref<!tpu.dma_semaphore, #tpu.memory_space<semaphore_mem>>) {add = true}
        %dma_wait3A_123 = arith.constant 0 : i32
        %dma_wait3A_124 = arith.constant 0 : i32
        %dma_wait3A_125 = tpu.memref_slice %arg9[%run_scoped3A_90, %dma_wait3A_123, %dma_wait3A_124] : memref<2x128x128xf32, #tpu.memory_space<vmem>> -> memref<1x128x128xf32, #tpu.memory_space<vmem>>
        %dma_wait3A_126 = tpu.memref_squeeze %dma_wait3A_125 : memref<1x128x128xf32, #tpu.memory_space<vmem>> -> memref<128x128xf32, #tpu.memory_space<vmem>>
        %dma_wait3A_127 = arith.constant 0 : i32
        %dma_wait3A_128 = tpu.memref_slice %arg8[%mul3A_65, %dma_wait3A_127] : memref<40x128xi32, #tpu.memory_space<vmem>> -> memref<1x128xi32, #tpu.memory_space<vmem>>
        %dma_wait3A_129 = tpu.memref_squeeze %dma_wait3A_128 : memref<1x128xi32, #tpu.memory_space<vmem>> -> memref<128xi32, #tpu.memory_space<vmem>>
        %dma_wait3A_130 = arith.constant 0 : i32
        %dma_wait3A_131 = arith.constant 0 : i32
        %dma_wait3A_132 = tpu.memref_slice %arg10[%dma_wait3A_130, %dma_wait3A_131] : memref<10240x128xf32, #tpu.memory_space<vmem_shared>> -> memref<10240x128xf32, #tpu.memory_space<vmem_shared>>
        tpu.wait_indirect_dma semaphore(%run_scoped3A_112 : memref<!tpu.dma_semaphore, #tpu.memory_space<semaphore_mem>>) src(%dma_wait3A_126 : memref<128x128xf32, #tpu.memory_space<vmem>>) dst(%dma_wait3A_132 : memref<10240x128xf32, #tpu.memory_space<vmem_shared>>)
        tpu.yield
      }) : () -> ()
      %lt3A_91 = arith.constant 19 : i32
      %lt3A_92 = arith.cmpi slt, %scan3A_63, %lt3A_91 : i32
      %convert_element_type3A_93 = arith.extui %lt3A_92 : i1 to i32
      %cond3A_94 = arith.constant 0 : i32
      %cond3A_95 = arith.cmpi ne, %convert_element_type3A_93, %cond3A_94 : i32
      scf.if %cond3A_95 {
        %add3A_112 = arith.constant 2 : i32
        %add3A_113 = arith.addi %mul3A_65, %add3A_112 : i32
        %add3A_114 = arith.constant 0 : i32
        %add3A_115 = arith.addi %add3A_113, %add3A_114 : i32
        %dma_start3A_116 = arith.constant 0 : i32
        %dma_start3A_117 = arith.constant 0 : i32
        %dma_start3A_118 = arith.constant 0 : i32
        %dma_start3A_119 = tpu.memref_slice %arg9[%dma_start3A_116, %dma_start3A_117, %dma_start3A_118] : memref<2x128x128xf32, #tpu.memory_space<vmem>> -> memref<1x128x128xf32, #tpu.memory_space<vmem>>
        %dma_start3A_120 = tpu.memref_squeeze %dma_start3A_119 : memref<1x128x128xf32, #tpu.memory_space<vmem>> -> memref<128x128xf32, #tpu.memory_space<vmem>>
        %dma_start3A_121 = arith.constant 0 : i32
        %dma_start3A_122 = tpu.memref_slice %arg7[%add3A_115, %dma_start3A_121] : memref<40x128xi32, #tpu.memory_space<vmem>> -> memref<1x128xi32, #tpu.memory_space<vmem>>
        %dma_start3A_123 = tpu.memref_squeeze %dma_start3A_122 : memref<1x128xi32, #tpu.memory_space<vmem>> -> memref<128xi32, #tpu.memory_space<vmem>>
        %dma_start3A_124 = arith.constant 0 : i32
        %dma_start3A_125 = arith.constant 0 : i32
        %dma_start3A_126 = tpu.memref_slice %arg2[%dma_start3A_124, %dma_start3A_125] : memref<20000x128xf32, #tpu.memory_space<hbm>> -> memref<20000x128xf32, #tpu.memory_space<hbm>>
        tpu.enqueue_indirect_dma source(%dma_start3A_126 : memref<20000x128xf32, #tpu.memory_space<hbm>>) target(%dma_start3A_120 : memref<128x128xf32, #tpu.memory_space<vmem>>) offsets(%dma_start3A_123 : memref<128xi32, #tpu.memory_space<vmem>>) semaphore(%arg11 : memref<!tpu.dma_semaphore, #tpu.memory_space<semaphore_mem>>)
      } else {
      }
      %add3A_96 = arith.constant 1 : i32
      %add3A_97 = arith.addi %mul3A_65, %add3A_96 : i32
      %add3A_98 = arith.constant 0 : i32
      %add3A_99 = arith.addi %add3A_97, %add3A_98 : i32
      %dma_wait3A_100 = arith.constant 1 : i32
      %dma_wait3A_101 = arith.constant 0 : i32
      %dma_wait3A_102 = arith.constant 0 : i32
      %dma_wait3A_103 = tpu.memref_slice %arg9[%dma_wait3A_100, %dma_wait3A_101, %dma_wait3A_102] : memref<2x128x128xf32, #tpu.memory_space<vmem>> -> memref<1x128x128xf32, #tpu.memory_space<vmem>>
      %dma_wait3A_104 = tpu.memref_squeeze %dma_wait3A_103 : memref<1x128x128xf32, #tpu.memory_space<vmem>> -> memref<128x128xf32, #tpu.memory_space<vmem>>
      %dma_wait3A_105 = arith.constant 0 : i32
      %dma_wait3A_106 = tpu.memref_slice %arg7[%add3A_99, %dma_wait3A_105] : memref<40x128xi32, #tpu.memory_space<vmem>> -> memref<1x128xi32, #tpu.memory_space<vmem>>
      %dma_wait3A_107 = tpu.memref_squeeze %dma_wait3A_106 : memref<1x128xi32, #tpu.memory_space<vmem>> -> memref<128xi32, #tpu.memory_space<vmem>>
      %dma_wait3A_108 = arith.constant 0 : i32
      %dma_wait3A_109 = arith.constant 0 : i32
      %dma_wait3A_110 = tpu.memref_slice %arg2[%dma_wait3A_108, %dma_wait3A_109] : memref<20000x128xf32, #tpu.memory_space<hbm>> -> memref<20000x128xf32, #tpu.memory_space<hbm>>
      tpu.wait_indirect_dma semaphore(%arg12 : memref<!tpu.dma_semaphore, #tpu.memory_space<semaphore_mem>>) src(%dma_wait3A_110 : memref<20000x128xf32, #tpu.memory_space<hbm>>) dst(%dma_wait3A_104 : memref<128x128xf32, #tpu.memory_space<vmem>>)
      %run_scoped3A_111 = arith.constant 1 : i32
      "tpu.region"() ({
        %run_scoped3A_112 = tpu.sem_alloc : memref<!tpu.dma_semaphore, #tpu.memory_space<semaphore_mem>>
        %dma_start3A_113 = arith.constant 0 : i32
        %dma_start3A_114 = arith.constant 0 : i32
        %dma_start3A_115 = tpu.memref_slice %arg9[%run_scoped3A_111, %dma_start3A_113, %dma_start3A_114] : memref<2x128x128xf32, #tpu.memory_space<vmem>> -> memref<1x128x128xf32, #tpu.memory_space<vmem>>
        %dma_start3A_116 = tpu.memref_squeeze %dma_start3A_115 : memref<1x128x128xf32, #tpu.memory_space<vmem>> -> memref<128x128xf32, #tpu.memory_space<vmem>>
        %dma_start3A_117 = arith.constant 0 : i32
        %dma_start3A_118 = tpu.memref_slice %arg8[%add3A_99, %dma_start3A_117] : memref<40x128xi32, #tpu.memory_space<vmem>> -> memref<1x128xi32, #tpu.memory_space<vmem>>
        %dma_start3A_119 = tpu.memref_squeeze %dma_start3A_118 : memref<1x128xi32, #tpu.memory_space<vmem>> -> memref<128xi32, #tpu.memory_space<vmem>>
        %dma_start3A_120 = arith.constant 0 : i32
        %dma_start3A_121 = arith.constant 0 : i32
        %dma_start3A_122 = tpu.memref_slice %arg10[%dma_start3A_120, %dma_start3A_121] : memref<10240x128xf32, #tpu.memory_space<vmem_shared>> -> memref<10240x128xf32, #tpu.memory_space<vmem_shared>>
        tpu.enqueue_indirect_dma source(%dma_start3A_116 : memref<128x128xf32, #tpu.memory_space<vmem>>) target(%dma_start3A_122 : memref<10240x128xf32, #tpu.memory_space<vmem_shared>>) offsets(%dma_start3A_119 : memref<128xi32, #tpu.memory_space<vmem>>) semaphore(%run_scoped3A_112 : memref<!tpu.dma_semaphore, #tpu.memory_space<semaphore_mem>>) {add = true}
        %dma_wait3A_123 = arith.constant 0 : i32
        %dma_wait3A_124 = arith.constant 0 : i32
        %dma_wait3A_125 = tpu.memref_slice %arg9[%run_scoped3A_111, %dma_wait3A_123, %dma_wait3A_124] : memref<2x128x128xf32, #tpu.memory_space<vmem>> -> memref<1x128x128xf32, #tpu.memory_space<vmem>>
        %dma_wait3A_126 = tpu.memref_squeeze %dma_wait3A_125 : memref<1x128x128xf32, #tpu.memory_space<vmem>> -> memref<128x128xf32, #tpu.memory_space<vmem>>
        %dma_wait3A_127 = arith.constant 0 : i32
        %dma_wait3A_128 = tpu.memref_slice %arg8[%add3A_99, %dma_wait3A_127] : memref<40x128xi32, #tpu.memory_space<vmem>> -> memref<1x128xi32, #tpu.memory_space<vmem>>
        %dma_wait3A_129 = tpu.memref_squeeze %dma_wait3A_128 : memref<1x128xi32, #tpu.memory_space<vmem>> -> memref<128xi32, #tpu.memory_space<vmem>>
        %dma_wait3A_130 = arith.constant 0 : i32
        %dma_wait3A_131 = arith.constant 0 : i32
        %dma_wait3A_132 = tpu.memref_slice %arg10[%dma_wait3A_130, %dma_wait3A_131] : memref<10240x128xf32, #tpu.memory_space<vmem_shared>> -> memref<10240x128xf32, #tpu.memory_space<vmem_shared>>
        tpu.wait_indirect_dma semaphore(%run_scoped3A_112 : memref<!tpu.dma_semaphore, #tpu.memory_space<semaphore_mem>>) src(%dma_wait3A_126 : memref<128x128xf32, #tpu.memory_space<vmem>>) dst(%dma_wait3A_132 : memref<10240x128xf32, #tpu.memory_space<vmem_shared>>)
        tpu.yield
      }) : () -> ()
    }
    %scan3A_48 = arith.constant 20 : i32
    %barrier3A_49 = arith.constant 0 : index
    tpu.barrier barrier_id(%barrier3A_49)
    %mul3A_50 = arith.constant 640 : i32
    %mul3A_51 = arith.muli %arg1, %mul3A_50 : i32
    %multiple_of3A_52 = tpu.assume_multiple %mul3A_51, 8 : i32
    %mul3A_53 = arith.constant 10000 : i32
    %mul3A_54 = arith.muli %arg0, %mul3A_53 : i32
    %add3A_55 = arith.addi %mul3A_54, %multiple_of3A_52 : i32
    %multiple_of3A_56 = tpu.assume_multiple %add3A_55, 8 : i32
    %lt3A = arith.constant 15 : i32
    %lt3A_57 = arith.cmpi slt, %arg1, %lt3A : i32
    %convert_element_type3A = arith.extui %lt3A_57 : i1 to i32
    %cond3A = arith.constant 0 : i32
    %cond3A_58 = arith.cmpi ne, %convert_element_type3A, %cond3A : i32
    scf.if %cond3A_58 {
      "tpu.region"() ({
        %run_scoped3A_63 = tpu.sem_alloc : memref<!tpu.dma_semaphore, #tpu.memory_space<semaphore_mem>>
        %dma_start3A_64 = arith.constant 0 : i32
        %dma_start3A_65 = tpu.memref_slice %arg6[%multiple_of3A_56, %dma_start3A_64] : memref<20000x128xf32, #tpu.memory_space<hbm>> -> memref<640x128xf32, #tpu.memory_space<hbm>>
        %dma_start3A_66 = arith.constant 0 : i32
        %dma_start3A_67 = tpu.memref_slice %arg10[%multiple_of3A_52, %dma_start3A_66] : memref<10240x128xf32, #tpu.memory_space<vmem_shared>> -> memref<640x128xf32, #tpu.memory_space<vmem_shared>>
        tpu.enqueue_dma source(%dma_start3A_67 : memref<640x128xf32, #tpu.memory_space<vmem_shared>>) target(%dma_start3A_65 : memref<640x128xf32, #tpu.memory_space<hbm>>) target_semaphore(%run_scoped3A_63 : memref<!tpu.dma_semaphore, #tpu.memory_space<semaphore_mem>>)
        %dma_wait3A = arith.constant 0 : i32
        %dma_wait3A_68 = tpu.memref_slice %arg6[%multiple_of3A_56, %dma_wait3A] : memref<20000x128xf32, #tpu.memory_space<hbm>> -> memref<640x128xf32, #tpu.memory_space<hbm>>
        %dma_wait3A_69 = arith.constant 0 : i32
        %dma_wait3A_70 = tpu.memref_slice %arg10[%multiple_of3A_52, %dma_wait3A_69] : memref<10240x128xf32, #tpu.memory_space<vmem_shared>> -> memref<640x128xf32, #tpu.memory_space<vmem_shared>>
        tpu.wait_dma2 semaphore(%run_scoped3A_63 : memref<!tpu.dma_semaphore, #tpu.memory_space<semaphore_mem>>) src(%dma_wait3A_70 : memref<640x128xf32, #tpu.memory_space<vmem_shared>>) dst(%dma_wait3A_68 : memref<640x128xf32, #tpu.memory_space<hbm>>)
        tpu.yield
      }) : () -> ()
    } else {
    }
    %eq3A = arith.constant 15 : i32
    %eq3A_59 = arith.cmpi eq, %arg1, %eq3A : i32
    %convert_element_type3A_60 = arith.extui %eq3A_59 : i1 to i32
    %cond3A_61 = arith.constant 0 : i32
    %cond3A_62 = arith.cmpi ne, %convert_element_type3A_60, %cond3A_61 : i32
    scf.if %cond3A_62 {
      "tpu.region"() ({
        %run_scoped3A_63 = tpu.sem_alloc : memref<!tpu.dma_semaphore, #tpu.memory_space<semaphore_mem>>
        %dma_start3A_64 = arith.constant 0 : i32
        %dma_start3A_65 = tpu.memref_slice %arg6[%multiple_of3A_56, %dma_start3A_64] : memref<20000x128xf32, #tpu.memory_space<hbm>> -> memref<400x128xf32, #tpu.memory_space<hbm>>
        %dma_start3A_66 = arith.constant 0 : i32
        %dma_start3A_67 = tpu.memref_slice %arg10[%multiple_of3A_52, %dma_start3A_66] : memref<10240x128xf32, #tpu.memory_space<vmem_shared>> -> memref<400x128xf32, #tpu.memory_space<vmem_shared>>
        tpu.enqueue_dma source(%dma_start3A_67 : memref<400x128xf32, #tpu.memory_space<vmem_shared>>) target(%dma_start3A_65 : memref<400x128xf32, #tpu.memory_space<hbm>>) target_semaphore(%run_scoped3A_63 : memref<!tpu.dma_semaphore, #tpu.memory_space<semaphore_mem>>)
        %dma_wait3A = arith.constant 0 : i32
        %dma_wait3A_68 = tpu.memref_slice %arg6[%multiple_of3A_56, %dma_wait3A] : memref<20000x128xf32, #tpu.memory_space<hbm>> -> memref<400x128xf32, #tpu.memory_space<hbm>>
        %dma_wait3A_69 = arith.constant 0 : i32
        %dma_wait3A_70 = tpu.memref_slice %arg10[%multiple_of3A_52, %dma_wait3A_69] : memref<10240x128xf32, #tpu.memory_space<vmem_shared>> -> memref<400x128xf32, #tpu.memory_space<vmem_shared>>
        tpu.wait_dma2 semaphore(%run_scoped3A_63 : memref<!tpu.dma_semaphore, #tpu.memory_space<semaphore_mem>>) src(%dma_wait3A_70 : memref<400x128xf32, #tpu.memory_space<vmem_shared>>) dst(%dma_wait3A_68 : memref<400x128xf32, #tpu.memory_space<hbm>>)
        tpu.yield
      }) : () -> ()
    } else {
    }
    return
  }
}

module attributes {stable_mosaic.version = 14 : i64} {
  func.func @_k2_body(%arg0: i32, %arg1: memref<2x1000x128xf32, #tpu.memory_space<vmem>>, %arg2: memref<1000x1xf32, #tpu.memory_space<vmem>>, %arg3: memref<2x1000x128xf32, #tpu.memory_space<vmem>>) attributes {dimension_semantics = [#tpu.dimension_semantics<arbitrary>], iteration_bounds = array<i64: 10>, scalar_prefetch = 0 : i64, scratch_operands = 0 : i64, tpu.core_type = #tpu.core_type<tc>, window_params = [{transform_indices = @transform_0, window_bounds = array<i64: 2, 1000, 128>}, {transform_indices = @transform_1, window_bounds = array<i64: 1000, 1>}, {transform_indices = @transform_2, window_bounds = array<i64: 2, 1000, 128>}]} {
    %get3A = arith.constant 0 : index
    %get3A_0 = arith.constant 0 : index
    %get3A_1 = vector.load %arg2[%get3A, %get3A_0] : memref<1000x1xf32, #tpu.memory_space<vmem>>, vector<1000x1xf32>
    %mul3A = arith.mulf %get3A_1, %get3A_1 : vector<1000x1xf32>
    %get3A_2 = arith.constant 0 : index
    %get3A_3 = arith.constant 0 : index
    %get3A_4 = arith.constant 0 : index
    %get3A_5 = vector.load %arg1[%get3A_2, %get3A_3, %get3A_4] : memref<2x1000x128xf32, #tpu.memory_space<vmem>>, vector<1x1000x128xf32>
    %get3A_6 = vector.shape_cast %get3A_5 : vector<1x1000x128xf32> to vector<1000x128xf32>
    %mul3A_7 = vector.broadcast %mul3A : vector<1000x1xf32> to vector<1000x128xf32>
    %mul3A_8 = arith.mulf %mul3A_7, %get3A_6 : vector<1000x128xf32>
    %swap3A = arith.constant 0 : index
    %swap3A_9 = arith.constant 0 : index
    %swap3A_10 = arith.constant 0 : index
    %swap3A_11 = vector.load %arg3[%swap3A, %swap3A_9, %swap3A_10] : memref<2x1000x128xf32, #tpu.memory_space<vmem>>, vector<1x1000x128xf32>
    %swap3A_12 = vector.shape_cast %swap3A_11 : vector<1x1000x128xf32> to vector<1000x128xf32>
    %swap3A_13 = vector.shape_cast %mul3A_8 : vector<1000x128xf32> to vector<1x1000x128xf32>
    tpu.vector_store %arg3[%swap3A, %swap3A_9, %swap3A_10], %swap3A_13 {strides = array<i32>} : memref<2x1000x128xf32, #tpu.memory_space<vmem>>, vector<1x1000x128xf32>,
    %get3A_14 = arith.constant 1 : index
    %get3A_15 = arith.constant 0 : index
    %get3A_16 = arith.constant 0 : index
    %get3A_17 = vector.load %arg1[%get3A_14, %get3A_15, %get3A_16] : memref<2x1000x128xf32, #tpu.memory_space<vmem>>, vector<1x1000x128xf32>
    %get3A_18 = vector.shape_cast %get3A_17 : vector<1x1000x128xf32> to vector<1000x128xf32>
    %mul3A_19 = vector.broadcast %mul3A : vector<1000x1xf32> to vector<1000x128xf32>
    %mul3A_20 = arith.mulf %mul3A_19, %get3A_18 : vector<1000x128xf32>
    %swap3A_21 = arith.constant 1 : index
    %swap3A_22 = arith.constant 0 : index
    %swap3A_23 = arith.constant 0 : index
    %swap3A_24 = vector.load %arg3[%swap3A_21, %swap3A_22, %swap3A_23] : memref<2x1000x128xf32, #tpu.memory_space<vmem>>, vector<1x1000x128xf32>
    %swap3A_25 = vector.shape_cast %swap3A_24 : vector<1x1000x128xf32> to vector<1000x128xf32>
    %swap3A_26 = vector.shape_cast %mul3A_20 : vector<1000x128xf32> to vector<1x1000x128xf32>
    tpu.vector_store %arg3[%swap3A_21, %swap3A_22, %swap3A_23], %swap3A_26 {strides = array<i32>} : memref<2x1000x128xf32, #tpu.memory_space<vmem>>, vector<1x1000x128xf32>,
    return
  }
  func.func @transform_0(%arg0: i32) -> (i32, i32, i32) {
    %c0_i32 = arith.constant 0 : i32
    %c0_i32_0 = arith.constant 0 : i32
    %c0_i32_1 = arith.constant 0 : i32
    return %c0_i32, %arg0, %c0_i32_0 : i32, i32, i32
  }
  func.func @transform_1(%arg0: i32) -> (i32, i32) {
    %c0_i32 = arith.constant 0 : i32
    %c0_i32_0 = arith.constant 0 : i32
    return %arg0, %c0_i32 : i32, i32
  }
  func.func @transform_2(%arg0: i32) -> (i32, i32, i32) {
    %c0_i32 = arith.constant 0 : i32
    %c0_i32_0 = arith.constant 0 : i32
    %c0_i32_1 = arith.constant 0 : i32
    return %c0_i32, %arg0, %c0_i32_0 : i32, i32, i32
  }
}

module attributes {stable_mosaic.version = 14 : i64} {
  func.func @_k1_body(%arg0: i32, %arg1: memref<2x1000x128xf32, #tpu.memory_space<vmem>>, %arg2: memref<1000x256xf32, #tpu.memory_space<vmem>>, %arg3: memref<1000x1xf32, #tpu.memory_space<vmem>>, %arg4: memref<2x1000x128xf32, #tpu.memory_space<vmem>>) attributes {dimension_semantics = [#tpu.dimension_semantics<arbitrary>], iteration_bounds = array<i64: 10>, scalar_prefetch = 0 : i64, scratch_operands = 0 : i64, tpu.core_type = #tpu.core_type<tc>, window_params = [{transform_indices = @transform_0, window_bounds = array<i64: 2, 1000, 128>}, {transform_indices = @transform_1, window_bounds = array<i64: 1000, 256>}, {transform_indices = @transform_2, window_bounds = array<i64: 1000, 1>}, {transform_indices = @transform_3, window_bounds = array<i64: 2, 1000, 128>}]} {
    %get3A = arith.constant 0 : index
    %get3A_0 = arith.constant 0 : index
    %get3A_1 = arith.constant 0 : index
    %get3A_2 = vector.load %arg1[%get3A, %get3A_0, %get3A_1] : memref<2x1000x128xf32, #tpu.memory_space<vmem>>, vector<1x1000x1xf32>
    %get3A_3 = vector.shape_cast %get3A_2 : vector<1x1000x1xf32> to vector<1000xf32>
    %get3A_4 = arith.constant 1 : index
    %get3A_5 = arith.constant 0 : index
    %get3A_6 = arith.constant 0 : index
    %get3A_7 = vector.load %arg1[%get3A_4, %get3A_5, %get3A_6] : memref<2x1000x128xf32, #tpu.memory_space<vmem>>, vector<1x1000x1xf32>
    %get3A_8 = vector.shape_cast %get3A_7 : vector<1x1000x1xf32> to vector<1000xf32>
    %add3A = arith.addf %get3A_3, %get3A_8 : vector<1000xf32>
    %gt3A = arith.constant 0.000000e+00 : f32
    %gt3A_9 = vector.broadcast %gt3A : f32 to vector<1000xf32>
    %gt3A_10 = arith.cmpf ogt, %add3A, %gt3A_9 : vector<1000xf32>
    %rsqrt3A = math.rsqrt %add3A : vector<1000xf32>
    %jit3A = arith.constant 0.000000e+00 : f32
    %broadcast_in_dim3A = vector.broadcast %jit3A : f32 to vector<1000xf32>
    %select_n3A = arith.select %gt3A_10, %rsqrt3A, %broadcast_in_dim3A : vector<1000xi1>, vector<1000xf32>
    %broadcast_in_dim3A_11 = vector.shape_cast %select_n3A : vector<1000xf32> to vector<1000x1xf32>
    %swap3A = arith.constant 0 : index
    %swap3A_12 = arith.constant 0 : index
    %swap3A_13 = vector.load %arg3[%swap3A, %swap3A_12] : memref<1000x1xf32, #tpu.memory_space<vmem>>, vector<1000x1xf32>
    tpu.vector_store %arg3[%swap3A, %swap3A_12], %broadcast_in_dim3A_11 {strides = array<i32>} : memref<1000x1xf32, #tpu.memory_space<vmem>>, vector<1000x1xf32>,
    %get3A_14 = arith.constant 0 : index
    %get3A_15 = arith.constant 0 : index
    %get3A_16 = vector.load %arg2[%get3A_14, %get3A_15] : memref<1000x256xf32, #tpu.memory_space<vmem>>, vector<1000x256xf32>
    %slice3A = vector.extract_strided_slice %get3A_16 {offsets = [0, 0], sizes = [1000, 128], strides = [1, 1]} : vector<1000x256xf32> to vector<1000x128xf32>
    %mul3A = vector.broadcast %broadcast_in_dim3A_11 : vector<1000x1xf32> to vector<1000x128xf32>
    %mul3A_17 = arith.mulf %mul3A, %slice3A : vector<1000x128xf32>
    %swap3A_18 = arith.constant 0 : index
    %swap3A_19 = arith.constant 0 : index
    %swap3A_20 = arith.constant 0 : index
    %swap3A_21 = vector.load %arg4[%swap3A_18, %swap3A_19, %swap3A_20] : memref<2x1000x128xf32, #tpu.memory_space<vmem>>, vector<1x1000x128xf32>
    %swap3A_22 = vector.shape_cast %swap3A_21 : vector<1x1000x128xf32> to vector<1000x128xf32>
    %swap3A_23 = vector.shape_cast %mul3A_17 : vector<1000x128xf32> to vector<1x1000x128xf32>
    tpu.vector_store %arg4[%swap3A_18, %swap3A_19, %swap3A_20], %swap3A_23 {strides = array<i32>} : memref<2x1000x128xf32, #tpu.memory_space<vmem>>, vector<1x1000x128xf32>,
    %slice3A_24 = vector.extract_strided_slice %get3A_16 {offsets = [0, 128], sizes = [1000, 128], strides = [1, 1]} : vector<1000x256xf32> to vector<1000x128xf32>
    %mul3A_25 = vector.broadcast %broadcast_in_dim3A_11 : vector<1000x1xf32> to vector<1000x128xf32>
    %mul3A_26 = arith.mulf %mul3A_25, %slice3A_24 : vector<1000x128xf32>
    %swap3A_27 = arith.constant 1 : index
    %swap3A_28 = arith.constant 0 : index
    %swap3A_29 = arith.constant 0 : index
    %swap3A_30 = vector.load %arg4[%swap3A_27, %swap3A_28, %swap3A_29] : memref<2x1000x128xf32, #tpu.memory_space<vmem>>, vector<1x1000x128xf32>
    %swap3A_31 = vector.shape_cast %swap3A_30 : vector<1x1000x128xf32> to vector<1000x128xf32>
    %swap3A_32 = vector.shape_cast %mul3A_26 : vector<1000x128xf32> to vector<1x1000x128xf32>
    tpu.vector_store %arg4[%swap3A_27, %swap3A_28, %swap3A_29], %swap3A_32 {strides = array<i32>} : memref<2x1000x128xf32, #tpu.memory_space<vmem>>, vector<1x1000x128xf32>,
    return
  }
  func.func @transform_0(%arg0: i32) -> (i32, i32, i32) {
    %c0_i32 = arith.constant 0 : i32
    %c0_i32_0 = arith.constant 0 : i32
    %c0_i32_1 = arith.constant 0 : i32
    return %c0_i32, %arg0, %c0_i32_0 : i32, i32, i32
  }
  func.func @transform_1(%arg0: i32) -> (i32, i32) {
    %c0_i32 = arith.constant 0 : i32
    %c0_i32_0 = arith.constant 0 : i32
    return %arg0, %c0_i32 : i32, i32
  }
  func.func @transform_2(%arg0: i32) -> (i32, i32) {
    %c0_i32 = arith.constant 0 : i32
    %c0_i32_0 = arith.constant 0 : i32
    return %arg0, %c0_i32 : i32, i32
  }
  func.func @transform_3(%arg0: i32) -> (i32, i32, i32) {
    %c0_i32 = arith.constant 0 : i32
    %c0_i32_0 = arith.constant 0 : i32
    %c0_i32_1 = arith.constant 0 : i32
    return %c0_i32, %arg0, %c0_i32_0 : i32, i32, i32
  }
}

module attributes {stable_mosaic.version = 14 : i64} {
  func.func @_k3_body(%arg0: i32, %arg1: memref<1000x256xf32, #tpu.memory_space<vmem>>, %arg2: memref<2x1000x128xf32, #tpu.memory_space<vmem>>, %arg3: memref<2x1000x128xf32, #tpu.memory_space<vmem>>, %arg4: memref<1000x1xf32, #tpu.memory_space<vmem>>, %arg5: memref<3x256x512xf32, #tpu.memory_space<vmem>>, %arg6: memref<1x512xf32, #tpu.memory_space<vmem>>, %arg7: memref<3x512x256xf32, #tpu.memory_space<vmem>>, %arg8: memref<1000x256xf32, #tpu.memory_space<vmem>>, %arg9: memref<2x1000x128xf32, #tpu.memory_space<vmem>>, %arg10: memref<2x1000x128xf32, #tpu.memory_space<vmem>>) attributes {dimension_semantics = [#tpu.dimension_semantics<arbitrary>], iteration_bounds = array<i64: 10>, scalar_prefetch = 0 : i64, scratch_operands = 0 : i64, tpu.core_type = #tpu.core_type<tc>, window_params = [{transform_indices = @transform_0, window_bounds = array<i64: 1000, 256>}, {transform_indices = @transform_1, window_bounds = array<i64: 2, 1000, 128>}, {transform_indices = @transform_2, window_bounds = array<i64: 2, 1000, 128>}, {transform_indices = @transform_3, window_bounds = array<i64: 1000, 1>}, {pipeline_mode = #tpu.pipeline_mode<synchronous>, transform_indices = @transform_4, window_bounds = array<i64: 3, 256, 512>}, {pipeline_mode = #tpu.pipeline_mode<synchronous>, transform_indices = @transform_5, window_bounds = array<i64: 1, 512>}, {pipeline_mode = #tpu.pipeline_mode<synchronous>, transform_indices = @transform_6, window_bounds = array<i64: 3, 512, 256>}, {transform_indices = @transform_7, window_bounds = array<i64: 1000, 256>}, {transform_indices = @transform_8, window_bounds = array<i64: 2, 1000, 128>}, {transform_indices = @transform_9, window_bounds = array<i64: 2, 1000, 128>}]} {
    %get3A = arith.constant 0 : index
    %get3A_0 = arith.constant 0 : index
    %get3A_1 = vector.load %arg4[%get3A, %get3A_0] : memref<1000x1xf32, #tpu.memory_space<vmem>>, vector<1000x1xf32>
    %get3A_2 = arith.constant 0 : index
    %get3A_3 = arith.constant 0 : index
    %get3A_4 = arith.constant 0 : index
    %get3A_5 = vector.load %arg2[%get3A_2, %get3A_3, %get3A_4] : memref<2x1000x128xf32, #tpu.memory_space<vmem>>, vector<1x1000x128xf32>
    %get3A_6 = vector.shape_cast %get3A_5 : vector<1x1000x128xf32> to vector<1000x128xf32>
    %get3A_7 = arith.constant 1 : index
    %get3A_8 = arith.constant 0 : index
    %get3A_9 = arith.constant 0 : index
    %get3A_10 = vector.load %arg2[%get3A_7, %get3A_8, %get3A_9] : memref<2x1000x128xf32, #tpu.memory_space<vmem>>, vector<1x1000x128xf32>
    %get3A_11 = vector.shape_cast %get3A_10 : vector<1x1000x128xf32> to vector<1000x128xf32>
    %concatenate3A = tpu.concatenate %get3A_6, %get3A_11 in 1 : vector<1000x128xf32>, vector<1000x128xf32> -> vector<1000x256xf32>
    %get3A_12 = arith.constant 0 : index
    %get3A_13 = arith.constant 0 : index
    %get3A_14 = arith.constant 0 : index
    %get3A_15 = vector.load %arg3[%get3A_12, %get3A_13, %get3A_14] : memref<2x1000x128xf32, #tpu.memory_space<vmem>>, vector<1x1000x128xf32>
    %get3A_16 = vector.shape_cast %get3A_15 : vector<1x1000x128xf32> to vector<1000x128xf32>
    %get3A_17 = arith.constant 1 : index
    %get3A_18 = arith.constant 0 : index
    %get3A_19 = arith.constant 0 : index
    %get3A_20 = vector.load %arg3[%get3A_17, %get3A_18, %get3A_19] : memref<2x1000x128xf32, #tpu.memory_space<vmem>>, vector<1x1000x128xf32>
    %get3A_21 = vector.shape_cast %get3A_20 : vector<1x1000x128xf32> to vector<1000x128xf32>
    %concatenate3A_22 = tpu.concatenate %get3A_16, %get3A_21 in 1 : vector<1000x128xf32>, vector<1000x128xf32> -> vector<1000x256xf32>
    %neg3A = arith.constant 0.000000e+00 : f32
    %neg3A_23 = vector.broadcast %neg3A : f32 to vector<1000x1xf32>
    %neg3A_24 = arith.subf %neg3A_23, %get3A_1 : vector<1000x1xf32>
    %mul3A = vector.broadcast %neg3A_24 : vector<1000x1xf32> to vector<1000x256xf32>
    %mul3A_25 = arith.mulf %mul3A, %concatenate3A : vector<1000x256xf32>
    %mul3A_26 = arith.constant 2.000000e+00 : f32
    %mul3A_27 = vector.broadcast %mul3A_26 : f32 to vector<1000x1xf32>
    %mul3A_28 = arith.mulf %mul3A_27, %get3A_1 : vector<1000x1xf32>
    %mul3A_29 = vector.broadcast %mul3A_28 : vector<1000x1xf32> to vector<1000x256xf32>
    %mul3A_30 = arith.mulf %mul3A_29, %concatenate3A_22 : vector<1000x256xf32>
    %get3A_31 = arith.constant 0 : index
    %get3A_32 = arith.constant 0 : index
    %get3A_33 = vector.load %arg1[%get3A_31, %get3A_32] : memref<1000x256xf32, #tpu.memory_space<vmem>>, vector<1000x256xf32>
    %get3A_34 = arith.constant 0 : index
    %get3A_35 = arith.constant 0 : index
    %get3A_36 = arith.constant 0 : index
    %get3A_37 = vector.load %arg5[%get3A_34, %get3A_35, %get3A_36] : memref<3x256x512xf32, #tpu.memory_space<vmem>>, vector<1x256x512xf32>
    %get3A_38 = vector.shape_cast %get3A_37 : vector<1x256x512xf32> to vector<256x512xf32>
    %get3A_39 = arith.constant 2 : index
    %get3A_40 = arith.constant 0 : index
    %get3A_41 = arith.constant 0 : index
    %get3A_42 = vector.load %arg5[%get3A_39, %get3A_40, %get3A_41] : memref<3x256x512xf32, #tpu.memory_space<vmem>>, vector<1x256x512xf32>
    %get3A_43 = vector.shape_cast %get3A_42 : vector<1x256x512xf32> to vector<256x512xf32>
    %sub3A = arith.subf %get3A_38, %get3A_43 : vector<256x512xf32>
    %dot_general3A = arith.constant dense<0.000000e+00> : vector<1000x512xf32>
    %dot_general3A_44 = tpu.matmul %get3A_33, %sub3A, %dot_general3A {dimension_numbers = #tpu.dot_dimension_numbers<[1], [0], [0], [1], [0, 0, 1, 1], [], []>, transpose_lhs_hint = false} : vector<1000x256xf32>, vector<256x512xf32>, vector<1000x512xf32> -> vector<1000x512xf32>
    %get3A_45 = arith.constant 1 : index
    %get3A_46 = arith.constant 0 : index
    %get3A_47 = arith.constant 0 : index
    %get3A_48 = vector.load %arg5[%get3A_45, %get3A_46, %get3A_47] : memref<3x256x512xf32, #tpu.memory_space<vmem>>, vector<1x256x512xf32>
    %get3A_49 = vector.shape_cast %get3A_48 : vector<1x256x512xf32> to vector<256x512xf32>
    %dot_general3A_50 = arith.constant dense<0.000000e+00> : vector<1000x512xf32>
    %dot_general3A_51 = tpu.matmul %mul3A_25, %get3A_49, %dot_general3A_50 {dimension_numbers = #tpu.dot_dimension_numbers<[1], [0], [0], [1], [0, 0, 1, 1], [], []>, transpose_lhs_hint = false} : vector<1000x256xf32>, vector<256x512xf32>, vector<1000x512xf32> -> vector<1000x512xf32>
    %add3A = arith.addf %dot_general3A_44, %dot_general3A_51 : vector<1000x512xf32>
    %get3A_52 = arith.constant 2 : index
    %get3A_53 = arith.constant 0 : index
    %get3A_54 = arith.constant 0 : index
    %get3A_55 = vector.load %arg5[%get3A_52, %get3A_53, %get3A_54] : memref<3x256x512xf32, #tpu.memory_space<vmem>>, vector<1x256x512xf32>
    %get3A_56 = vector.shape_cast %get3A_55 : vector<1x256x512xf32> to vector<256x512xf32>
    %dot_general3A_57 = arith.constant dense<0.000000e+00> : vector<1000x512xf32>
    %dot_general3A_58 = tpu.matmul %mul3A_30, %get3A_56, %dot_general3A_57 {dimension_numbers = #tpu.dot_dimension_numbers<[1], [0], [0], [1], [0, 0, 1, 1], [], []>, transpose_lhs_hint = false} : vector<1000x256xf32>, vector<256x512xf32>, vector<1000x512xf32> -> vector<1000x512xf32>
    %add3A_59 = arith.addf %add3A, %dot_general3A_58 : vector<1000x512xf32>
    %get3A_60 = arith.constant 0 : index
    %get3A_61 = arith.constant 0 : index
    %get3A_62 = vector.load %arg6[%get3A_60, %get3A_61] : memref<1x512xf32, #tpu.memory_space<vmem>>, vector<1x512xf32>
    %add3A_63 = vector.broadcast %get3A_62 : vector<1x512xf32> to vector<1000x512xf32>
    %add3A_64 = arith.addf %add3A_59, %add3A_63 : vector<1000x512xf32>
    %max3A = arith.constant 0.000000e+00 : f32
    %max3A_65 = vector.broadcast %max3A : f32 to vector<1000x512xf32>
    %max3A_66 = arith.maximumf %add3A_64, %max3A_65 : vector<1000x512xf32>
    %get3A_67 = arith.constant 0 : index
    %get3A_68 = arith.constant 0 : index
    %get3A_69 = arith.constant 0 : index
    %get3A_70 = vector.load %arg7[%get3A_67, %get3A_68, %get3A_69] : memref<3x512x256xf32, #tpu.memory_space<vmem>>, vector<1x512x256xf32>
    %get3A_71 = vector.shape_cast %get3A_70 : vector<1x512x256xf32> to vector<512x256xf32>
    %get3A_72 = arith.constant 2 : index
    %get3A_73 = arith.constant 0 : index
    %get3A_74 = arith.constant 0 : index
    %get3A_75 = vector.load %arg7[%get3A_72, %get3A_73, %get3A_74] : memref<3x512x256xf32, #tpu.memory_space<vmem>>, vector<1x512x256xf32>
    %get3A_76 = vector.shape_cast %get3A_75 : vector<1x512x256xf32> to vector<512x256xf32>
    %sub3A_77 = arith.subf %get3A_71, %get3A_76 : vector<512x256xf32>
    %dot_general3A_78 = arith.constant dense<0.000000e+00> : vector<1000x256xf32>
    %dot_general3A_79 = tpu.matmul %max3A_66, %sub3A_77, %dot_general3A_78 {dimension_numbers = #tpu.dot_dimension_numbers<[1], [0], [0], [1], [0, 0, 1, 1], [], []>, transpose_lhs_hint = false} : vector<1000x512xf32>, vector<512x256xf32>, vector<1000x256xf32> -> vector<1000x256xf32>
    %swap3A = arith.constant 0 : index
    %swap3A_80 = arith.constant 0 : index
    %swap3A_81 = vector.load %arg8[%swap3A, %swap3A_80] : memref<1000x256xf32, #tpu.memory_space<vmem>>, vector<1000x256xf32>
    tpu.vector_store %arg8[%swap3A, %swap3A_80], %dot_general3A_79 {strides = array<i32>} : memref<1000x256xf32, #tpu.memory_space<vmem>>, vector<1000x256xf32>,
    %get3A_82 = arith.constant 1 : index
    %get3A_83 = arith.constant 0 : index
    %get3A_84 = arith.constant 0 : index
    %get3A_85 = vector.load %arg7[%get3A_82, %get3A_83, %get3A_84] : memref<3x512x256xf32, #tpu.memory_space<vmem>>, vector<1x512x256xf32>
    %get3A_86 = vector.shape_cast %get3A_85 : vector<1x512x256xf32> to vector<512x256xf32>
    %dot_general3A_87 = arith.constant dense<0.000000e+00> : vector<1000x256xf32>
    %dot_general3A_88 = tpu.matmul %max3A_66, %get3A_86, %dot_general3A_87 {dimension_numbers = #tpu.dot_dimension_numbers<[1], [0], [0], [1], [0, 0, 1, 1], [], []>, transpose_lhs_hint = false} : vector<1000x512xf32>, vector<512x256xf32>, vector<1000x256xf32> -> vector<1000x256xf32>
    %get3A_89 = arith.constant 2 : index
    %get3A_90 = arith.constant 0 : index
    %get3A_91 = arith.constant 0 : index
    %get3A_92 = vector.load %arg7[%get3A_89, %get3A_90, %get3A_91] : memref<3x512x256xf32, #tpu.memory_space<vmem>>, vector<1x512x256xf32>
    %get3A_93 = vector.shape_cast %get3A_92 : vector<1x512x256xf32> to vector<512x256xf32>
    %dot_general3A_94 = arith.constant dense<0.000000e+00> : vector<1000x256xf32>
    %dot_general3A_95 = tpu.matmul %max3A_66, %get3A_93, %dot_general3A_94 {dimension_numbers = #tpu.dot_dimension_numbers<[1], [0], [0], [1], [0, 0, 1, 1], [], []>, transpose_lhs_hint = false} : vector<1000x512xf32>, vector<512x256xf32>, vector<1000x256xf32> -> vector<1000x256xf32>
    %slice3A = vector.extract_strided_slice %dot_general3A_88 {offsets = [0, 0], sizes = [1000, 128], strides = [1, 1]} : vector<1000x256xf32> to vector<1000x128xf32>
    %mul3A_96 = vector.broadcast %get3A_1 : vector<1000x1xf32> to vector<1000x128xf32>
    %mul3A_97 = arith.mulf %mul3A_96, %slice3A : vector<1000x128xf32>
    %swap3A_98 = arith.constant 0 : index
    %swap3A_99 = arith.constant 0 : index
    %swap3A_100 = arith.constant 0 : index
    %swap3A_101 = vector.load %arg9[%swap3A_98, %swap3A_99, %swap3A_100] : memref<2x1000x128xf32, #tpu.memory_space<vmem>>, vector<1x1000x128xf32>
    %swap3A_102 = vector.shape_cast %swap3A_101 : vector<1x1000x128xf32> to vector<1000x128xf32>
    %swap3A_103 = vector.shape_cast %mul3A_97 : vector<1000x128xf32> to vector<1x1000x128xf32>
    tpu.vector_store %arg9[%swap3A_98, %swap3A_99, %swap3A_100], %swap3A_103 {strides = array<i32>} : memref<2x1000x128xf32, #tpu.memory_space<vmem>>, vector<1x1000x128xf32>,
    %slice3A_104 = vector.extract_strided_slice %dot_general3A_88 {offsets = [0, 128], sizes = [1000, 128], strides = [1, 1]} : vector<1000x256xf32> to vector<1000x128xf32>
    %mul3A_105 = vector.broadcast %get3A_1 : vector<1000x1xf32> to vector<1000x128xf32>
    %mul3A_106 = arith.mulf %mul3A_105, %slice3A_104 : vector<1000x128xf32>
    %swap3A_107 = arith.constant 1 : index
    %swap3A_108 = arith.constant 0 : index
    %swap3A_109 = arith.constant 0 : index
    %swap3A_110 = vector.load %arg9[%swap3A_107, %swap3A_108, %swap3A_109] : memref<2x1000x128xf32, #tpu.memory_space<vmem>>, vector<1x1000x128xf32>
    %swap3A_111 = vector.shape_cast %swap3A_110 : vector<1x1000x128xf32> to vector<1000x128xf32>
    %swap3A_112 = vector.shape_cast %mul3A_106 : vector<1000x128xf32> to vector<1x1000x128xf32>
    tpu.vector_store %arg9[%swap3A_107, %swap3A_108, %swap3A_109], %swap3A_112 {strides = array<i32>} : memref<2x1000x128xf32, #tpu.memory_space<vmem>>, vector<1x1000x128xf32>,
    %slice3A_113 = vector.extract_strided_slice %dot_general3A_95 {offsets = [0, 0], sizes = [1000, 128], strides = [1, 1]} : vector<1000x256xf32> to vector<1000x128xf32>
    %mul3A_114 = vector.broadcast %get3A_1 : vector<1000x1xf32> to vector<1000x128xf32>
    %mul3A_115 = arith.mulf %mul3A_114, %slice3A_113 : vector<1000x128xf32>
    %swap3A_116 = arith.constant 0 : index
    %swap3A_117 = arith.constant 0 : index
    %swap3A_118 = arith.constant 0 : index
    %swap3A_119 = vector.load %arg10[%swap3A_116, %swap3A_117, %swap3A_118] : memref<2x1000x128xf32, #tpu.memory_space<vmem>>, vector<1x1000x128xf32>
    %swap3A_120 = vector.shape_cast %swap3A_119 : vector<1x1000x128xf32> to vector<1000x128xf32>
    %swap3A_121 = vector.shape_cast %mul3A_115 : vector<1000x128xf32> to vector<1x1000x128xf32>
    tpu.vector_store %arg10[%swap3A_116, %swap3A_117, %swap3A_118], %swap3A_121 {strides = array<i32>} : memref<2x1000x128xf32, #tpu.memory_space<vmem>>, vector<1x1000x128xf32>,
    %slice3A_122 = vector.extract_strided_slice %dot_general3A_95 {offsets = [0, 128], sizes = [1000, 128], strides = [1, 1]} : vector<1000x256xf32> to vector<1000x128xf32>
    %mul3A_123 = vector.broadcast %get3A_1 : vector<1000x1xf32> to vector<1000x128xf32>
    %mul3A_124 = arith.mulf %mul3A_123, %slice3A_122 : vector<1000x128xf32>
    %swap3A_125 = arith.constant 1 : index
    %swap3A_126 = arith.constant 0 : index
    %swap3A_127 = arith.constant 0 : index
    %swap3A_128 = vector.load %arg10[%swap3A_125, %swap3A_126, %swap3A_127] : memref<2x1000x128xf32, #tpu.memory_space<vmem>>, vector<1x1000x128xf32>
    %swap3A_129 = vector.shape_cast %swap3A_128 : vector<1x1000x128xf32> to vector<1000x128xf32>
    %swap3A_130 = vector.shape_cast %mul3A_124 : vector<1000x128xf32> to vector<1x1000x128xf32>
    tpu.vector_store %arg10[%swap3A_125, %swap3A_126, %swap3A_127], %swap3A_130 {strides = array<i32>} : memref<2x1000x128xf32, #tpu.memory_space<vmem>>, vector<1x1000x128xf32>,
    return
  }
  func.func @transform_0(%arg0: i32) -> (i32, i32) {
    %c0_i32 = arith.constant 0 : i32
    %c0_i32_0 = arith.constant 0 : i32
    return %arg0, %c0_i32 : i32, i32
  }
  func.func @transform_1(%arg0: i32) -> (i32, i32, i32) {
    %c0_i32 = arith.constant 0 : i32
    %c0_i32_0 = arith.constant 0 : i32
    %c0_i32_1 = arith.constant 0 : i32
    return %c0_i32, %arg0, %c0_i32_0 : i32, i32, i32
  }
  func.func @transform_2(%arg0: i32) -> (i32, i32, i32) {
    %c0_i32 = arith.constant 0 : i32
    %c0_i32_0 = arith.constant 0 : i32
    %c0_i32_1 = arith.constant 0 : i32
    return %c0_i32, %arg0, %c0_i32_0 : i32, i32, i32
  }
  func.func @transform_3(%arg0: i32) -> (i32, i32) {
    %c0_i32 = arith.constant 0 : i32
    %c0_i32_0 = arith.constant 0 : i32
    return %arg0, %c0_i32 : i32, i32
  }
  func.func @transform_4(%arg0: i32) -> (i32, i32, i32) {
    %c0_i32 = arith.constant 0 : i32
    %c0_i32_0 = arith.constant 0 : i32
    %c0_i32_1 = arith.constant 0 : i32
    %c0_i32_2 = arith.constant 0 : i32
    return %c0_i32, %c0_i32_0, %c0_i32_1 : i32, i32, i32
  }
  func.func @transform_5(%arg0: i32) -> (i32, i32) {
    %c0_i32 = arith.constant 0 : i32
    %c0_i32_0 = arith.constant 0 : i32
    %c0_i32_1 = arith.constant 0 : i32
    return %c0_i32, %c0_i32_0 : i32, i32
  }
  func.func @transform_6(%arg0: i32) -> (i32, i32, i32) {
    %c0_i32 = arith.constant 0 : i32
    %c0_i32_0 = arith.constant 0 : i32
    %c0_i32_1 = arith.constant 0 : i32
    %c0_i32_2 = arith.constant 0 : i32
    return %c0_i32, %c0_i32_0, %c0_i32_1 : i32, i32, i32
  }
  func.func @transform_7(%arg0: i32) -> (i32, i32) {
    %c0_i32 = arith.constant 0 : i32
    %c0_i32_0 = arith.constant 0 : i32
    return %arg0, %c0_i32 : i32, i32
  }
  func.func @transform_8(%arg0: i32) -> (i32, i32, i32) {
    %c0_i32 = arith.constant 0 : i32
    %c0_i32_0 = arith.constant 0 : i32
    %c0_i32_1 = arith.constant 0 : i32
    return %c0_i32, %arg0, %c0_i32_0 : i32, i32, i32
  }
  func.func @transform_9(%arg0: i32) -> (i32, i32, i32) {
    %c0_i32 = arith.constant 0 : i32
    %c0_i32_0 = arith.constant 0 : i32
    %c0_i32_1 = arith.constant 0 : i32
    return %c0_i32, %arg0, %c0_i32_0 : i32, i32, i32
  }
}

module attributes {stable_mosaic.version = 14 : i64} {
  func.func @_k5_body(%arg0: i32, %arg1: memref<2x1000x128xf32, #tpu.memory_space<vmem>>, %arg2: memref<2x1000x128xf32, #tpu.memory_space<vmem>>, %arg3: memref<1000x1xf32, #tpu.memory_space<vmem>>, %arg4: memref<2x1000x128xf32, #tpu.memory_space<vmem>>) attributes {dimension_semantics = [#tpu.dimension_semantics<arbitrary>], iteration_bounds = array<i64: 10>, scalar_prefetch = 0 : i64, scratch_operands = 0 : i64, tpu.core_type = #tpu.core_type<tc>, window_params = [{transform_indices = @transform_0, window_bounds = array<i64: 2, 1000, 128>}, {transform_indices = @transform_1, window_bounds = array<i64: 2, 1000, 128>}, {transform_indices = @transform_2, window_bounds = array<i64: 1000, 1>}, {transform_indices = @transform_3, window_bounds = array<i64: 2, 1000, 128>}]} {
    %get3A = arith.constant 0 : index
    %get3A_0 = arith.constant 0 : index
    %get3A_1 = vector.load %arg3[%get3A, %get3A_0] : memref<1000x1xf32, #tpu.memory_space<vmem>>, vector<1000x1xf32>
    %mul3A = arith.constant 2.000000e+00 : f32
    %mul3A_2 = vector.broadcast %mul3A : f32 to vector<1000x1xf32>
    %mul3A_3 = arith.mulf %mul3A_2, %get3A_1 : vector<1000x1xf32>
    %mul3A_4 = arith.mulf %mul3A_3, %get3A_1 : vector<1000x1xf32>
    %get3A_5 = arith.constant 0 : index
    %get3A_6 = arith.constant 0 : index
    %get3A_7 = arith.constant 0 : index
    %get3A_8 = vector.load %arg1[%get3A_5, %get3A_6, %get3A_7] : memref<2x1000x128xf32, #tpu.memory_space<vmem>>, vector<1x1000x128xf32>
    %get3A_9 = vector.shape_cast %get3A_8 : vector<1x1000x128xf32> to vector<1000x128xf32>
    %get3A_10 = arith.constant 0 : index
    %get3A_11 = arith.constant 0 : index
    %get3A_12 = arith.constant 0 : index
    %get3A_13 = vector.load %arg2[%get3A_10, %get3A_11, %get3A_12] : memref<2x1000x128xf32, #tpu.memory_space<vmem>>, vector<1x1000x128xf32>
    %get3A_14 = vector.shape_cast %get3A_13 : vector<1x1000x128xf32> to vector<1000x128xf32>
    %mul3A_15 = vector.broadcast %mul3A_4 : vector<1000x1xf32> to vector<1000x128xf32>
    %mul3A_16 = arith.mulf %mul3A_15, %get3A_14 : vector<1000x128xf32>
    %sub3A = arith.subf %get3A_9, %mul3A_16 : vector<1000x128xf32>
    %swap3A = arith.constant 0 : index
    %swap3A_17 = arith.constant 0 : index
    %swap3A_18 = arith.constant 0 : index
    %swap3A_19 = vector.load %arg4[%swap3A, %swap3A_17, %swap3A_18] : memref<2x1000x128xf32, #tpu.memory_space<vmem>>, vector<1x1000x128xf32>
    %swap3A_20 = vector.shape_cast %swap3A_19 : vector<1x1000x128xf32> to vector<1000x128xf32>
    %swap3A_21 = vector.shape_cast %sub3A : vector<1000x128xf32> to vector<1x1000x128xf32>
    tpu.vector_store %arg4[%swap3A, %swap3A_17, %swap3A_18], %swap3A_21 {strides = array<i32>} : memref<2x1000x128xf32, #tpu.memory_space<vmem>>, vector<1x1000x128xf32>,
    %get3A_22 = arith.constant 1 : index
    %get3A_23 = arith.constant 0 : index
    %get3A_24 = arith.constant 0 : index
    %get3A_25 = vector.load %arg1[%get3A_22, %get3A_23, %get3A_24] : memref<2x1000x128xf32, #tpu.memory_space<vmem>>, vector<1x1000x128xf32>
    %get3A_26 = vector.shape_cast %get3A_25 : vector<1x1000x128xf32> to vector<1000x128xf32>
    %get3A_27 = arith.constant 1 : index
    %get3A_28 = arith.constant 0 : index
    %get3A_29 = arith.constant 0 : index
    %get3A_30 = vector.load %arg2[%get3A_27, %get3A_28, %get3A_29] : memref<2x1000x128xf32, #tpu.memory_space<vmem>>, vector<1x1000x128xf32>
    %get3A_31 = vector.shape_cast %get3A_30 : vector<1x1000x128xf32> to vector<1000x128xf32>
    %mul3A_32 = vector.broadcast %mul3A_4 : vector<1000x1xf32> to vector<1000x128xf32>
    %mul3A_33 = arith.mulf %mul3A_32, %get3A_31 : vector<1000x128xf32>
    %sub3A_34 = arith.subf %get3A_26, %mul3A_33 : vector<1000x128xf32>
    %swap3A_35 = arith.constant 1 : index
    %swap3A_36 = arith.constant 0 : index
    %swap3A_37 = arith.constant 0 : index
    %swap3A_38 = vector.load %arg4[%swap3A_35, %swap3A_36, %swap3A_37] : memref<2x1000x128xf32, #tpu.memory_space<vmem>>, vector<1x1000x128xf32>
    %swap3A_39 = vector.shape_cast %swap3A_38 : vector<1x1000x128xf32> to vector<1000x128xf32>
    %swap3A_40 = vector.shape_cast %sub3A_34 : vector<1000x128xf32> to vector<1x1000x128xf32>
    tpu.vector_store %arg4[%swap3A_35, %swap3A_36, %swap3A_37], %swap3A_40 {strides = array<i32>} : memref<2x1000x128xf32, #tpu.memory_space<vmem>>, vector<1x1000x128xf32>,
    return
  }
  func.func @transform_0(%arg0: i32) -> (i32, i32, i32) {
    %c0_i32 = arith.constant 0 : i32
    %c0_i32_0 = arith.constant 0 : i32
    %c0_i32_1 = arith.constant 0 : i32
    return %c0_i32, %arg0, %c0_i32_0 : i32, i32, i32
  }
  func.func @transform_1(%arg0: i32) -> (i32, i32, i32) {
    %c0_i32 = arith.constant 0 : i32
    %c0_i32_0 = arith.constant 0 : i32
    %c0_i32_1 = arith.constant 0 : i32
    return %c0_i32, %arg0, %c0_i32_0 : i32, i32, i32
  }
  func.func @transform_2(%arg0: i32) -> (i32, i32) {
    %c0_i32 = arith.constant 0 : i32
    %c0_i32_0 = arith.constant 0 : i32
    return %arg0, %c0_i32 : i32, i32
  }
  func.func @transform_3(%arg0: i32) -> (i32, i32, i32) {
    %c0_i32 = arith.constant 0 : i32
    %c0_i32_0 = arith.constant 0 : i32
    %c0_i32_1 = arith.constant 0 : i32
    return %c0_i32, %arg0, %c0_i32_0 : i32, i32, i32
  }
}

module attributes {stable_mosaic.version = 14 : i64} {
  func.func @_k6_body(%arg0: i32, %arg1: memref<1000x256xf32, #tpu.memory_space<vmem>>, %arg2: memref<2x1000x128xf32, #tpu.memory_space<vmem>>, %arg3: memref<1000x1xf32, #tpu.memory_space<vmem>>, %arg4: memref<1x256xf32, #tpu.memory_space<vmem>>, %arg5: memref<1000x256xf32, #tpu.memory_space<vmem>>) attributes {dimension_semantics = [#tpu.dimension_semantics<arbitrary>], iteration_bounds = array<i64: 10>, scalar_prefetch = 0 : i64, scratch_operands = 0 : i64, tpu.core_type = #tpu.core_type<tc>, window_params = [{transform_indices = @transform_0, window_bounds = array<i64: 1000, 256>}, {transform_indices = @transform_1, window_bounds = array<i64: 2, 1000, 128>}, {transform_indices = @transform_2, window_bounds = array<i64: 1000, 1>}, {pipeline_mode = #tpu.pipeline_mode<synchronous>, transform_indices = @transform_3, window_bounds = array<i64: 1, 256>}, {transform_indices = @transform_4, window_bounds = array<i64: 1000, 256>}]} {
    %get3A = arith.constant 0 : index
    %get3A_0 = arith.constant 0 : index
    %get3A_1 = vector.load %arg3[%get3A, %get3A_0] : memref<1000x1xf32, #tpu.memory_space<vmem>>, vector<1000x1xf32>
    %get3A_2 = arith.constant 0 : index
    %get3A_3 = arith.constant 0 : index
    %get3A_4 = arith.constant 0 : index
    %get3A_5 = vector.load %arg2[%get3A_2, %get3A_3, %get3A_4] : memref<2x1000x128xf32, #tpu.memory_space<vmem>>, vector<1x1000x128xf32>
    %get3A_6 = vector.shape_cast %get3A_5 : vector<1x1000x128xf32> to vector<1000x128xf32>
    %get3A_7 = arith.constant 1 : index
    %get3A_8 = arith.constant 0 : index
    %get3A_9 = arith.constant 0 : index
    %get3A_10 = vector.load %arg2[%get3A_7, %get3A_8, %get3A_9] : memref<2x1000x128xf32, #tpu.memory_space<vmem>>, vector<1x1000x128xf32>
    %get3A_11 = vector.shape_cast %get3A_10 : vector<1x1000x128xf32> to vector<1000x128xf32>
    %concatenate3A = tpu.concatenate %get3A_6, %get3A_11 in 1 : vector<1000x128xf32>, vector<1000x128xf32> -> vector<1000x256xf32>
    %get3A_12 = arith.constant 0 : index
    %get3A_13 = arith.constant 0 : index
    %get3A_14 = vector.load %arg1[%get3A_12, %get3A_13] : memref<1000x256xf32, #tpu.memory_space<vmem>>, vector<1000x256xf32>
    %mul3A = vector.broadcast %get3A_1 : vector<1000x1xf32> to vector<1000x256xf32>
    %mul3A_15 = arith.mulf %mul3A, %concatenate3A : vector<1000x256xf32>
    %sub3A = arith.subf %get3A_14, %mul3A_15 : vector<1000x256xf32>
    %get3A_16 = arith.constant 0 : index
    %get3A_17 = arith.constant 0 : index
    %get3A_18 = vector.load %arg4[%get3A_16, %get3A_17] : memref<1x256xf32, #tpu.memory_space<vmem>>, vector<1x256xf32>
    %add3A = vector.broadcast %get3A_18 : vector<1x256xf32> to vector<1000x256xf32>
    %add3A_19 = arith.addf %sub3A, %add3A : vector<1000x256xf32>
    %reduce_max3A = arith.constant dense<0xFF800000> : vector<1000xf32>
    %reduce_max3A_20 = vector.multi_reduction <maximumf>, %add3A_19, %reduce_max3A [1] : vector<1000x256xf32> to vector<1000xf32>
    %broadcast_in_dim3A = vector.shape_cast %reduce_max3A_20 : vector<1000xf32> to vector<1000x1xf32>
    %sub3A_21 = vector.broadcast %broadcast_in_dim3A : vector<1000x1xf32> to vector<1000x256xf32>
    %sub3A_22 = arith.subf %add3A_19, %sub3A_21 : vector<1000x256xf32>
    %exp3A = math.exp %sub3A_22 : vector<1000x256xf32>
    %reduce_sum3A = arith.constant dense<0.000000e+00> : vector<1000xf32>
    %reduce_sum3A_23 = vector.multi_reduction <add>, %exp3A, %reduce_sum3A [1] : vector<1000x256xf32> to vector<1000xf32>
    %broadcast_in_dim3A_24 = vector.shape_cast %reduce_sum3A_23 : vector<1000xf32> to vector<1000x1xf32>
    %log3A = math.log %broadcast_in_dim3A_24 : vector<1000x1xf32>
    %sub3A_25 = vector.broadcast %broadcast_in_dim3A : vector<1000x1xf32> to vector<1000x256xf32>
    %sub3A_26 = arith.subf %add3A_19, %sub3A_25 : vector<1000x256xf32>
    %sub3A_27 = vector.broadcast %log3A : vector<1000x1xf32> to vector<1000x256xf32>
    %sub3A_28 = arith.subf %sub3A_26, %sub3A_27 : vector<1000x256xf32>
    %swap3A = arith.constant 0 : index
    %swap3A_29 = arith.constant 0 : index
    %swap3A_30 = vector.load %arg5[%swap3A, %swap3A_29] : memref<1000x256xf32, #tpu.memory_space<vmem>>, vector<1000x256xf32>
    tpu.vector_store %arg5[%swap3A, %swap3A_29], %sub3A_28 {strides = array<i32>} : memref<1000x256xf32, #tpu.memory_space<vmem>>, vector<1000x256xf32>,
    return
  }
  func.func @transform_0(%arg0: i32) -> (i32, i32) {
    %c0_i32 = arith.constant 0 : i32
    %c0_i32_0 = arith.constant 0 : i32
    return %arg0, %c0_i32 : i32, i32
  }
  func.func @transform_1(%arg0: i32) -> (i32, i32, i32) {
    %c0_i32 = arith.constant 0 : i32
    %c0_i32_0 = arith.constant 0 : i32
    %c0_i32_1 = arith.constant 0 : i32
    return %c0_i32, %arg0, %c0_i32_0 : i32, i32, i32
  }
  func.func @transform_2(%arg0: i32) -> (i32, i32) {
    %c0_i32 = arith.constant 0 : i32
    %c0_i32_0 = arith.constant 0 : i32
    return %arg0, %c0_i32 : i32, i32
  }
  func.func @transform_3(%arg0: i32) -> (i32, i32) {
    %c0_i32 = arith.constant 0 : i32
    %c0_i32_0 = arith.constant 0 : i32
    %c0_i32_1 = arith.constant 0 : i32
    return %c0_i32, %c0_i32_0 : i32, i32
  }
  func.func @transform_4(%arg0: i32) -> (i32, i32) {
    %c0_i32 = arith.constant 0 : i32
    %c0_i32_0 = arith.constant 0 : i32
    return %arg0, %c0_i32 : i32, i32
  }
}

</mosaic_0001>

<sc_bundles>
// kernel: kernel.12.cloned.1.call-start
scs
__scs_entry_jumppad:
0x0: {  	(pc) =	sbr.rel $0x88, $3  }
0x1: {  	(tag) =	ssettag $0x0;
	lr =	simm.s32 $0x1  }
0x2: {  	[smem:$0x3F9B] =	sst lr;
	_ =	strace $0xD0000000  }
0x3: {  	_ = 	snop  }
0x4: {  	_ = 	snop  }
0x5: {  	_ = 	snop  }
0x6: {  	_ = 	snop  }
0x7: {  	_ = 	snop  }
__scs_overlays_trampoline_lowered:
0x8: {  	[smem:$0x3FAA] =	sst s0  }
0x9: {  	[smem:$0x3FAB] =	sst s1  }
0xa: {  	[smem:$0x3FAC] =	sst s2  }
0xb: {  	[smem:$0x3FAD] =	sst s3  }
0xc: {  	[smem:$0x3FAE] =	sst s4  }
0xd: {  	[smem:$0x3FAF] =	sst s5  }
0xe: {  	[smem:$0x3FB0] =	sst s6  }
0xf: {  	[smem:$0x3FB1] =	sst s7  }
0x10: {  	[smem:$0x3FB2] =	sst s8  }
0x11: {  	[smem:$0x3FB3] =	sst s9;
	s0 =	simm.s32 @!p0 $0x0  }
0x12: {  	s1 =	sld [smem:$0x3F99];
	s0 =	simm.s32 @p0 $0x1  }
0x13: {  	[smem:$0x3FB4] =	sst s0;
	s0 =	simm.s32 @!p1 $0x0  }
0x14: {  	s2 =	sld [smem:$0x3F98];
	s0 =	simm.s32 @p1 $0x1  }
0x15: {  	[smem:$0x3FB5] =	sst s0;
	s0 =	simm.s32 @!p2 $0x0  }
0x16: {  	s3 =	sld [smem:$0x3FDB];
	s0 =	simm.s32 @p2 $0x1  }
0x17: {  	s4 =	simm.s32 $0x1BF5;
	[smem:$0x3FB7] =	sst s0  }
0x18: {  	s0 =	sld [smem:$0x3F9A];
	_ =	swait.ge [sflag:s4], $0x0  }
0x19: {  	s7 =	sld [smem:$0x3F9B]  }
0x1a: {  	s8 =	sadd.s32 $0xFFFFE003, lr  }
0x1b: {  	s9 =	sadd.s32 $0xFFFFFEF7, lr;
	s5 =	simm.s32 $0xFFFFFFFF;
	p2 =	slt.u32 s8, $0xFFFFF086  }
0x1c: {  	p1 =	slt.u32 s9, $0xF7A;
	s5 =	simm.s32 @!p2 $0x0  }
0x1d: {  	s5 =	simm.s32 @p1 $0x1;
	p0 =	seq.s32 s7, s2  }
0x1e: {  	s7 =	smul.u32 @!p0 $0xF7A, s2;
	p2 =	seq.s32 @!p0 s5, $0x0  }
0x1f: {  	s9 =	smul.u32 $0xF7A, s1;
	s8 =	simm.s32 @!p0 $0x1BF5;
	p2 =	por !p2, p0  }
0x20: {  	[sflag:s8] =	ssyncset.s32 @!p0 $0xFFFFF086;
	s6 =	sadd.s32 @!p0 s3, s7;
	s7 =	simm.s32 @!p0 $0x108  }
0x21: {  	s3 =	sadd.s32 s3, s9;
	s6 =	sadd.s32 @!p0 $0x88, s6;
	s7 =	simm.s32 @p2 $0x1082  }
0x22: {  	[simem:s7], [sflag:s8] =	dma.local @!p0 [hbm:s6], $0xF7A  }
0x23: {  	s9 =	sor.u32 $0xD0000000, s2;
	s6 =	simm.s32 $0x108;
	_ =	swait.ge @!p0 [sflag:s8], $0x0  }
0x24: {  	s3 =	sadd.s32 $0x88, s3;
	s6 =	simm.s32 @!p1 $0x1082;
	[sflag:s4] =	ssyncset.s32 $0xFFFFF086  }
0x25: {  	[simem:s6], [sflag:s4] =	dma.local [hbm:s3], $0xF7A  }
0x26: {  	[smem:$0x3F9B] =	sst s1;
	(tag) =	ssettag s2;
	_ =	strace s9  }
0x27: {  	s1 =	sld [smem:$0x3FAB]  }
0x28: {  	s2 =	sld [smem:$0x3FAC]  }
0x29: {  	s4 =	sld [smem:$0x3FAE]  }
0x2a: {  	p0 =	seq.s32 s5, $0x0;
	s5 =	sld [smem:$0x3FAF]  }
0x2b: {  	s6 =	sld [smem:$0x3FB0]  }
0x2c: {  	s7 =	sld [smem:$0x3FB1]  }
0x2d: {  	s3 =	simm.s32 $0x108;
	s8 =	sld [smem:$0x3FB2]  }
0x2e: {  	s3 =	simm.s32 @!p0 $0x1082;
	s9 =	sld [smem:$0x3FB3]  }
0x2f: {  	lr =	sadd.s32 s0, s3;
	s0 =	sld [smem:$0x3FAA]  }
0x30: {  	s3 =	sld [smem:$0x3FAD]  }
0x31: {  	[smem:$0x3FB6] =	sst s10  }
0x32: {  	s10 =	sld [smem:$0x3FB4];
	_ =	sdelay $0x3  }
0x33: {  	p0 =	seq.s32 s10, $0x1;
	s10 =	sld [smem:$0x3FB6];
	_ =	sdelay $0x3  }
0x34: {  	[smem:$0x3FB6] =	sst s10  }
0x35: {  	s10 =	sld [smem:$0x3FB5];
	_ =	sdelay $0x3  }
0x36: {  	p1 =	seq.s32 s10, $0x1;
	s10 =	sld [smem:$0x3FB6];
	_ =	sdelay $0x3  }
0x37: {  	[smem:$0x3FB6] =	sst s10  }
0x38: {  	s10 =	sld [smem:$0x3FB7]  }
0x39: {  	_ = 	snop;
	(pc) =	sbr.ind lr, $3  }
0x3a: {  	_ = 	snop  }
0x3b: {  	_ = 	snop  }
0x3c: {  	p2 =	seq.s32 s10, $0x1;
	s10 =	sld [smem:$0x3FB6]  }
0x3d: {  	_ =	shalt  }
0x3e: {  	_ =	shalt  }
0x3f: {  	_ =	shalt  }
0x40: {  	_ =	shalt  }
0x41: {  	_ =	shalt  }
0x42: {  	_ =	shalt  }
0x43: {  	_ =	shalt  }
0x44: {  	_ =	shalt  }
0x45: {  	_ =	shalt  }
0x46: {  	_ =	shalt  }
0x47: {  	_ =	shalt  }
0x48: {  	_ =	shalt  }
0x49: {  	_ =	shalt  }
0x4a: {  	_ =	shalt  }
0x4b: {  	_ =	shalt  }
0x4c: {  	_ =	shalt  }
0x4d: {  	_ =	shalt  }
0x4e: {  	_ =	shalt  }
0x4f: {  	_ =	shalt  }
0x50: {  	_ =	shalt  }
0x51: {  	_ =	shalt  }
0x52: {  	_ =	shalt  }
0x53: {  	_ =	shalt  }
0x54: {  	_ =	shalt  }
0x55: {  	_ =	shalt  }
0x56: {  	_ =	shalt  }
0x57: {  	_ =	shalt  }
0x58: {  	_ =	shalt  }
0x59: {  	_ =	shalt  }
0x5a: {  	_ =	shalt  }
0x5b: {  	_ =	shalt  }
0x5c: {  	_ =	shalt  }
0x5d: {  	_ =	shalt  }
0x5e: {  	_ =	shalt  }
0x5f: {  	_ =	shalt  }
0x60: {  	_ =	shalt  }
0x61: {  	_ =	shalt  }
0x62: {  	_ =	shalt  }
0x63: {  	_ =	shalt  }
0x64: {  	_ =	shalt  }
0x65: {  	_ =	shalt  }
0x66: {  	_ =	shalt  }
0x67: {  	_ =	shalt  }
0x68: {  	_ =	shalt  }
0x69: {  	_ =	shalt  }
0x6a: {  	_ =	shalt  }
0x6b: {  	_ =	shalt  }
0x6c: {  	_ =	shalt  }
0x6d: {  	_ =	shalt  }
0x6e: {  	_ =	shalt  }
0x6f: {  	_ =	shalt  }
0x70: {  	_ =	shalt  }
0x71: {  	_ =	shalt  }
0x72: {  	_ =	shalt  }
0x73: {  	_ =	shalt  }
0x74: {  	_ =	shalt  }
0x75: {  	_ =	shalt  }
0x76: {  	_ =	shalt  }
0x77: {  	_ =	shalt  }
0x78: {  	_ =	shalt  }
0x79: {  	_ =	shalt  }
0x7a: {  	_ =	shalt  }
0x7b: {  	_ =	shalt  }
0x7c: {  	_ =	shalt  }
0x7d: {  	_ =	shalt  }
0x7e: {  	_ =	shalt  }
0x7f: {  	_ =	shalt  }
0x80: {  	_ =	shalt  }
0x81: {  	_ =	shalt  }
0x82: {  	_ =	shalt  }
0x83: {  	_ =	shalt  }
0x84: {  	_ =	shalt  }
0x85: {  	_ =	shalt  }
0x86: {  	_ =	shalt  }
0x87: {  	_ =	shalt  }
.Lfunc_end0:
.L_simem_size_0:
called_computation_lowered:
.L_overlay_start_0:
0x88: {  	s2 =	sld [smem:$0x3FD9]  }
0x89: {  	s3 =	sld [smem:$0x3FFE];
	_ =	sdelay $0x1  }
0x8a: {  	s1 =	srdreg.scid  }
0x8b: {  	s0 =	sand.u32 $0x1, s1  }
0x8c: {  	s17 =	sshll.u32 s0, $0xA;
	s2 =	sadd.s32 s3, s2  }
0x8d: {  	s2 =	sadd.s32 s2, s17  }
0x8e: {  	[smem:$0x3FC2] =	sst s2  }
0x8f: {  	_ = 	snop  }
0x90: {  	s2 =	sld [smem:$0x3FD0];
	(tm) =	ssettm $0x1  }
0x91: {  	s18 =	sld [smem:$0x3FFB];
	_ =	sdelay $0x3  }
0x92: {  	_ =	strace s18  }
0x93: {  	s3 =	sld [smem:$0x3FFC];
	_ =	sdelay $0x3  }
0x94: {  	_ =	strace s3  }
0x95: {  	s3 =	sld [smem:$0x3FFD];
	_ =	sdelay $0x3  }
0x96: {  	_ =	strace s3  }
0x97: {  	_ =	strace $0x8FFFFFFF  }
0x98: {  	s19 =	sld [smem:$0x3FDB];
	_ =	sdelay $0x1  }
0x99: {  	s4 =	simm.s32 $_scs_section_size  }
0x9a: {  	s5 =	simm.s32 $_size__tile_overlayer_lowered;
	s6 =	simm.s32 $_tile_overlayer_lowered  }
0x9b: {  	s22 =	simm.s32 $0x1BFF;
	s21 =	sshll.u32 s6, $0x1;
	s3 =	sadd.s32 s4, s19  }
0x9c: {  	s7 =	simm.s32 $0x0;
	s20 =	sshll.u32 s5, $0x1;
	s5 =	sadd.s32 s21, s3  }
0x9d: {  	[timem:s7], [sflag:s22] =	dma.local [hbm:s5], s20  }
0x9e: {  	_ =	swait.ge [sflag:s22], s20  }
0x9f: {  	s4 =	ssub.s32 $0x0, s20;
	[sflag:s22] =	ssyncset.done $0x0  }
0xa0: {  	[sflag:s22] =	ssyncadd.s32 s4;
	_ =	sdelay $0x1  }
0xa1: {  	s23 =	simm.s32 $0x1B8B  }
0xa2: {  	_ =	swait.ge [sflag:s23], $0x1  }
0xa3: {  	[sflag:s23] =	ssyncset.done $0x0  }
0xa4: {  	s25 =	simm.s32 $0x1B8E;
	s24 =	sld [smem:$0x3FFE];
	[sflag:s23] =	ssyncadd.s32 $0xFFFFFFFF  }
0xa5: {  	s26 =	simm.s32 $execute0_lowered;
	[smem:$0x3FD2] =	sst s25  }
0xa6: {  	s5 =	sshll.u32 s26, $0x1;
	_ =	strace $0x80000046;
	[dreg:$0x1] =	wrdreg $0xFFFFFFFF  }
0xa7: {  	s28 =	simm.s32 $_size_execute0_lowered;
	s3 =	sadd.s32 s3, s5;
	[dreg:$0x0] =	wrdreg $0x0  }
0xa8: {  	s5 =	sshll.u32 s28, $0x1;
	[dreg:$0x2] =	wrdreg s3  }
0xa9: {  	[dreg:$0x3] =	wrdreg s5  }
0xaa: {  	[dreg:$0x4] =	wrdreg $0xC0  }
0xab: {  	_ =	task [dreg:s7], $0x5FFFF  }
0xac: {  	[dreg:$0x1] =	wrdreg $0xFFFFFFFF  }
0xad: {  	[dreg:$0x0] =	wrdreg $0x60  }
0xae: {  	[dreg:$0x2] =	wrdreg s24  }
0xaf: {  	[dreg:$0x3] =	wrdreg s2  }
0xb0: {  	[dreg:$0x4] =	wrdreg $0x54000  }
0xb1: {  	[dreg:$0x5] =	wrdreg $0x9  }
0xb2: {  	_ =	task.clear_ibuf [dreg:s7], $0x6FFFF;
	_ =	strace $0x90000046  }
0xb3: {  	s29 =	simm.s32 $0x9;
	_ =	strace $0x80000048  }
0xb4: {  	_ =	swait.ge [sflag:s29], $0x1  }
0xb5: {  	[sflag:s29] =	ssyncadd.s32 $0xFFFFFFFF  }
0xb6: {  	_ =	strace $0x90000048  }
0xb7: {  	_ =	sfence  }
0xb8: {  	s30 =	sld [smem:$0x0];
	_ =	sdelay $0x2  }
0xb9: {  	s31 =	sshll.u32 s1, $0xD;
	s1 =	sshrl.u32 s1, $0x2  }
0xba: {  	s3 =	sand.u32 $0x4000, s31;
	s1 =	sadd.s32 s1, s30  }
0xbb: {  	s0 =	sor.u32 s3, s0;
	s1 =	sshll.u32 s1, $0x11  }
0xbc: {  	s0 =	sor.u32 s1, s0  }
0xbd: {  	s0 =	sadd.s32 $0x8F2B, s0  }
0xbe: {  	[sflag:s0] =	ssyncadd.remote.s32 $0x1  }
0xbf: {  	_ =	sfence.sel $0xFFFF  }
0xc0: {  	[dreg:$0x0] =	wrdreg $0xFFFFFFFF;
	(pc) =	sbr.abs _section_cstart, $3  }
0xc1: {  	[dreg:$0x1] =	wrdreg $0xFFFFFFFF  }
0xc2: {  	_ =	task.clear_ibuf [dreg:s7], $0x2FFFF;
	_ =	strace $0x9FFFFFFF  }
0xc3: {  	(tm) =	ssettm $0x7FFFFFFF  }
tec
execute0_lowered:
.L_overlay_start_1:
0x0: {  	(tag) =	ssettag $0x1  }
0x1: {  	s5 =	rddreg [dreg:$0x0]  }
0x2: {  	s12 =	rddreg [dreg:$0x1]  }
0x3: {  	s0 =	srdreg.scid;
	s1 =	stileid.u32  }
0x4: {  	s2 =	rddreg [dreg:$0x2];
	s3 =	simm.s32 $0x0;
	s6 =	smul.u32 $0x1400, s1  }
0x5: {  	s15 =	simm.s32 $0x80;
	s21 =	simm.s32 $0x0;
	s7 =	smul.u32 $0x50000, s1  }
0x6: {  	s8 =	sand.u32 $0x1, s0;
	s0 =	rddreg [dreg:$0x3];
	s19 =	smul.u32 $0x2800, s1  }
0x7: {  	[smem:$0x7FF] =	sst s3;
	p0 =	seq.s32 s1, $0xF;
	s4 =	smul.u32 $0x14000, s8  }
0x8: {  	_ =	strace $0x80000047;
	s31 =	ssub.s32 $0x2, s8;
	s14 =	smul.u32 $0x27100, s8  }
0x9: {  	s10 =	sshrl.u32 s31, $0x1;
	s7 =	sshrl.u32 s7, $0x2;
	s4 =	sadd.s32 s6, s4  }
0xa: {  	s13 =	ssub.s32 s31, s10;
	s7 =	sadd.s32 s7, s2;
	s18 =	sadd.s32 s12, s14  }
0xb: {  	s14 =	simm.s32 $0x1400;
	s4 =	sshrl.u32 s4, $0x3;
	s8 =	sadd.s32 $0x4000, s7  }
0xc: {  	s10 =	sadd.s32 $0xC000, s7;
	s11 =	sadd.s32 $0x10000, s7;
	s12 =	smax.u32 s13, $0x1  }
0xd: {  	s13 =	simm.s32 $0x1;
	s16 =	sadd.s32 @p0 $0x25800, s18;
	s17 =	sshrl.u32 @p0 s7, $0x3  }
0xe: {  	s18 =	sadd.s32 @!p0 s19, s18;
	s19 =	sshll.u32 @!p0 s1, $0x6;
	s20 =	sshrl.u32 @!p0 s7, $0x3  }
0xf: {  	s9 =	sadd.s32 s4, s5;
	s4 =	sadd.s32 $0x8600, s5;
	s5 =	sadd.s32 $0x7E00, s5  }
0x10: {  	s19 =	sor.u32 @!p0 $0x1C01, s19;
	s6 =	sadd.s32 $0x2E00, s9;
	s9 =	sadd.s32 $0x8000, s7  }
.LBB2_1:
0x11: {  	[tilespmem:s3], [sflag:$0x1] =	stream.linear.gather [hbm4b:s6+s3], $0x1400, $0x38;
	[tilespmem:$0x19400] =	vst v63  }
0x12: {  	_ =	swait.ge [sflag:s13], $0x1400  }
0x13: {  	[sflag:s13] =	ssyncset.done $0x0  }
0x14: {  	[sflag:s13] =	ssyncadd.s32 $0xFFFFEC00  }
0x15: {  	[tilespmem:s14], [sflag:$0x1] =	stream.linear.gather [hbm4b:s5+s3], $0x4000, $0x38;
	[tilespmem:$0x19400] =	vst v63  }
0x16: {  	_ =	swait.ge [sflag:s13], $0x4000  }
0x17: {  	[sflag:s13] =	ssyncset.done $0x0  }
0x18: {  	[sflag:s13] =	ssyncadd.s32 $0xFFFFC000  }
0x19: {  	[spmem:s7] =	stream.linear.scatter [tilespmem:s14], [sflag:$0x1], $0x4000, $0x38;
	[tilespmem:$0x19400] =	vst v63  }
0x1a: {  	_ =	swait.ge [sflag:s13], $0x4000  }
0x1b: {  	[sflag:s13] =	ssyncset.done $0x0  }
0x1c: {  	[sflag:s13] =	ssyncadd.s32 $0xFFFFC000  }
0x1d: {  	[spmem:s8] =	stream.linear.scatter [tilespmem:s14], [sflag:$0x1], $0x4000, $0x38;
	[tilespmem:$0x19400] =	vst v63  }
0x1e: {  	_ =	swait.ge [sflag:s13], $0x4000  }
0x1f: {  	[sflag:s13] =	ssyncset.done $0x0  }
0x20: {  	[sflag:s13] =	ssyncadd.s32 $0xFFFFC000  }
0x21: {  	[spmem:s9] =	stream.linear.scatter [tilespmem:s14], [sflag:$0x1], $0x4000, $0x38;
	[tilespmem:$0x19400] =	vst v63  }
0x22: {  	_ =	swait.ge [sflag:s13], $0x4000  }
0x23: {  	[sflag:s13] =	ssyncset.done $0x0  }
0x24: {  	[sflag:s13] =	ssyncadd.s32 $0xFFFFC000  }
0x25: {  	[spmem:s10] =	stream.linear.scatter [tilespmem:s14], [sflag:$0x1], $0x4000, $0x38;
	[tilespmem:$0x19400] =	vst v63  }
0x26: {  	_ =	swait.ge [sflag:s13], $0x4000  }
0x27: {  	[sflag:s13] =	ssyncset.done $0x0  }
0x28: {  	[sflag:s13] =	ssyncadd.s32 $0xFFFFC000  }
0x29: {  	[spmem:s11] =	stream.linear.scatter [tilespmem:s14], [sflag:$0x1], $0x4000, $0x38;
	[tilespmem:$0x19400] =	vst v63  }
0x2a: {  	_ =	swait.ge [sflag:s13], $0x4000  }
0x2b: {  	[sflag:s13] =	ssyncset.done $0x0  }
0x2c: {  	[sflag:s13] =	ssyncadd.s32 $0xFFFFC000  }
0x2d: {  	[tilespmem:s14], [sflag:$0x1] =	stream.linear.gather [hbm4b:s4+s3], $0x4000, $0x38;
	[tilespmem:$0x19400] =	vst v63  }
0x2e: {  	_ =	swait.ge [sflag:s13], $0x4000  }
0x2f: {  	[sflag:s13] =	ssyncset.done $0x0  }
0x30: {  	[sflag:s13] =	ssyncadd.s32 $0xFFFFC000  }
0x31: {  	s22 =	simm.s32 $0x0;
	[bflag:$0x0] =	sbarrier.arrive $0xFFFF  }
0x32: {  	[spmem:s2] =	stream.indirect.scatter.add.f32 [tilespmem:s14], [sflag:$0x1], $0x80, s22, s15, $0xb8;
	[tilespmem:$0x19400] =	vst v63  }
0x33: {  	_ =	swait.ge [sflag:s13], $0x4000  }
0x34: {  	s22 =	simm.s32 $0x200;
	[sflag:s13] =	ssyncset.done $0x0  }
.LBB2_2:
0x35: {  	s23 =	sshra.s32 s22, $0x2;
	[sflag:s13] =	ssyncadd.s32 $0xFFFFC000;
	p1 =	sne.s32 s22, $0x4E00  }
0x36: {  	[spmem:s2] =	stream.indirect.scatter.add.f32 [tilespmem:s14], [sflag:$0x1], $0x80, s23, s15, $0xb8;
	[tilespmem:$0x19400] =	vst v63  }
.Ltmp0:
0x37: {  	_ = 	snop;
	(pc) =	sbr.rel @p1 .LBB2_2-.Ltmp0, $4  }
0x38: {  	_ = 	snop  }
0x39: {  	s22 =	sadd.s32 $0x200, s22  }
0x3a: {  	_ =	swait.ge [sflag:s13], $0x4000  }
0x3b: {  	[sflag:s13] =	ssyncset.done $0x0  }
0x3c: {  	[sflag:s13] =	ssyncadd.s32 $0xFFFFC000  }
0x3d: {  	s22 =	simm.s32 @p0 $0x1FC1;
	[bflag:$0x0] =	sbarrier.arrive $0xFFFF  }
0x3e: {  	[hbm:s16], [sflag:s22] =	dma.local @p0 [spmem:s17], $0x1900  }
0x3f: {  	s22 =	simm.s32 @p0 $0x1  }
0x40: {  	s21 =	sadd.s32 $0x1, s21;
	_ =	swait.ge @p0 [sflag:s22], $0x1900  }
0x41: {  	p1 =	sne.s32 s21, s12;
	[sflag:s22] =	ssyncset.done @p0 $0x0  }
.Ltmp1:
0x42: {  	[sflag:s22] =	ssyncadd.s32 @p0 $0xFFFFE700;
	s22 =	simm.s32 @!p0 $0x1;
	(pc) =	sbr.rel @p1 .LBB2_1-.Ltmp1, $4  }
0x43: {  	[hbm:s18], [sflag:s19] =	dma.local @!p0 [spmem:s20], $0x2800  }
0x44: {  	_ =	swait.ge @!p0 [sflag:s22], $0x2800  }
0x45: {  	[sflag:s22] =	ssyncset.done @!p0 $0x0  }
0x46: {  	[sflag:s22] =	ssyncadd.s32 @!p0 $0xFFFFD800  }
0x47: {  	_ =	sfence.sel $0x180000  }
0x48: {  	[bflag:$0x0] =	sbarrier.arrive $0xFFFF  }
0x49: {  	p0 =	sne.s32 s1, $0x0;
	_ =	strace $0x90000047  }
0x4a: {  	s0 =	sadd.s32 @!p0 $0x100000, s0;
	[bflag:$0x2] =	sbarrier.arrive $0xFFFF  }
0x4b: {  	[sflag:s0] =	ssyncadd.tile.s32 @!p0 $0x1;
	_ =	shalt  }
.Lfunc_end2:
_tile_overlayer_lowered:
.L_overlay_start_2:
0x4c: {  	(tag) =	ssettag $0x2  }
0x4d: {  	s0 =	rddreg [dreg:$0x0];
	s2 =	stileid.u32  }
0x4e: {  	s1 =	rddreg [dreg:$0x1];
	p0 =	sne.s32 s2, $0x0  }
0x4f: {  	s3 =	rddreg [dreg:$0x2];
	[bflag:$0x3] =	sbarrier.arrive $0xFFFF;
	s2 =	simm.s32 @!p0 $0x1C01  }
0x50: {  	[timem:s3], [sflag:s2] =	dma.local @!p0 [hbm:s0], s1  }
0x51: {  	s0 =	simm.s32 @!p0 $0x1  }
0x52: {  	_ =	swait.ge @!p0 [sflag:s0], s1  }
0x53: {  	s1 =	ssub.s32 @!p0 $0x0, s1;
	[sflag:s0] =	ssyncset.done @!p0 $0x0  }
0x54: {  	[sflag:s0] =	ssyncadd.s32 @!p0 s1  }
0x55: {  	[bflag:$0x3] =	sbarrier.arrive $0xFFFF  }
0x56: {  	_ =	shalt  }

// kernel: kernel.15.cloned.1.call-start
scs
__scs_entry_jumppad:
0x0: {  	(pc) =	sbr.rel $0x88, $3  }
0x1: {  	(tag) =	ssettag $0x0;
	lr =	simm.s32 $0x1  }
0x2: {  	[smem:$0x3F9B] =	sst lr;
	_ =	strace $0xD0000000  }
0x3: {  	_ = 	snop  }
0x4: {  	_ = 	snop  }
0x5: {  	_ = 	snop  }
0x6: {  	_ = 	snop  }
0x7: {  	_ = 	snop  }
__scs_overlays_trampoline_lowered:
0x8: {  	[smem:$0x3FAA] =	sst s0  }
0x9: {  	[smem:$0x3FAB] =	sst s1  }
0xa: {  	[smem:$0x3FAC] =	sst s2  }
0xb: {  	[smem:$0x3FAD] =	sst s3  }
0xc: {  	[smem:$0x3FAE] =	sst s4  }
0xd: {  	[smem:$0x3FAF] =	sst s5  }
0xe: {  	[smem:$0x3FB0] =	sst s6  }
0xf: {  	[smem:$0x3FB1] =	sst s7  }
0x10: {  	[smem:$0x3FB2] =	sst s8  }
0x11: {  	[smem:$0x3FB3] =	sst s9;
	s0 =	simm.s32 @!p0 $0x0  }
0x12: {  	s1 =	sld [smem:$0x3F99];
	s0 =	simm.s32 @p0 $0x1  }
0x13: {  	[smem:$0x3FB4] =	sst s0;
	s0 =	simm.s32 @!p1 $0x0  }
0x14: {  	s2 =	sld [smem:$0x3F98];
	s0 =	simm.s32 @p1 $0x1  }
0x15: {  	[smem:$0x3FB5] =	sst s0;
	s0 =	simm.s32 @!p2 $0x0  }
0x16: {  	s3 =	sld [smem:$0x3FDB];
	s0 =	simm.s32 @p2 $0x1  }
0x17: {  	s4 =	simm.s32 $0x1BF5;
	[smem:$0x3FB7] =	sst s0  }
0x18: {  	s0 =	sld [smem:$0x3F9A];
	_ =	swait.ge [sflag:s4], $0x0  }
0x19: {  	s7 =	sld [smem:$0x3F9B]  }
0x1a: {  	s8 =	sadd.s32 $0xFFFFE003, lr  }
0x1b: {  	s9 =	sadd.s32 $0xFFFFFEF7, lr;
	s5 =	simm.s32 $0xFFFFFFFF;
	p2 =	slt.u32 s8, $0xFFFFF086  }
0x1c: {  	p1 =	slt.u32 s9, $0xF7A;
	s5 =	simm.s32 @!p2 $0x0  }
0x1d: {  	s5 =	simm.s32 @p1 $0x1;
	p0 =	seq.s32 s7, s2  }
0x1e: {  	s7 =	smul.u32 @!p0 $0xF7A, s2;
	p2 =	seq.s32 @!p0 s5, $0x0  }
0x1f: {  	s9 =	smul.u32 $0xF7A, s1;
	s8 =	simm.s32 @!p0 $0x1BF5;
	p2 =	por !p2, p0  }
0x20: {  	[sflag:s8] =	ssyncset.s32 @!p0 $0xFFFFF086;
	s6 =	sadd.s32 @!p0 s3, s7;
	s7 =	simm.s32 @!p0 $0x108  }
0x21: {  	s3 =	sadd.s32 s3, s9;
	s6 =	sadd.s32 @!p0 $0x88, s6;
	s7 =	simm.s32 @p2 $0x1082  }
0x22: {  	[simem:s7], [sflag:s8] =	dma.local @!p0 [hbm:s6], $0xF7A  }
0x23: {  	s9 =	sor.u32 $0xD0000000, s2;
	s6 =	simm.s32 $0x108;
	_ =	swait.ge @!p0 [sflag:s8], $0x0  }
0x24: {  	s3 =	sadd.s32 $0x88, s3;
	s6 =	simm.s32 @!p1 $0x1082;
	[sflag:s4] =	ssyncset.s32 $0xFFFFF086  }
0x25: {  	[simem:s6], [sflag:s4] =	dma.local [hbm:s3], $0xF7A  }
0x26: {  	[smem:$0x3F9B] =	sst s1;
	(tag) =	ssettag s2;
	_ =	strace s9  }
0x27: {  	s1 =	sld [smem:$0x3FAB]  }
0x28: {  	s2 =	sld [smem:$0x3FAC]  }
0x29: {  	s4 =	sld [smem:$0x3FAE]  }
0x2a: {  	p0 =	seq.s32 s5, $0x0;
	s5 =	sld [smem:$0x3FAF]  }
0x2b: {  	s6 =	sld [smem:$0x3FB0]  }
0x2c: {  	s7 =	sld [smem:$0x3FB1]  }
0x2d: {  	s3 =	simm.s32 $0x108;
	s8 =	sld [smem:$0x3FB2]  }
0x2e: {  	s3 =	simm.s32 @!p0 $0x1082;
	s9 =	sld [smem:$0x3FB3]  }
0x2f: {  	lr =	sadd.s32 s0, s3;
	s0 =	sld [smem:$0x3FAA]  }
0x30: {  	s3 =	sld [smem:$0x3FAD]  }
0x31: {  	[smem:$0x3FB6] =	sst s10  }
0x32: {  	s10 =	sld [smem:$0x3FB4];
	_ =	sdelay $0x3  }
0x33: {  	p0 =	seq.s32 s10, $0x1;
	s10 =	sld [smem:$0x3FB6];
	_ =	sdelay $0x3  }
0x34: {  	[smem:$0x3FB6] =	sst s10  }
0x35: {  	s10 =	sld [smem:$0x3FB5];
	_ =	sdelay $0x3  }
0x36: {  	p1 =	seq.s32 s10, $0x1;
	s10 =	sld [smem:$0x3FB6];
	_ =	sdelay $0x3  }
0x37: {  	[smem:$0x3FB6] =	sst s10  }
0x38: {  	s10 =	sld [smem:$0x3FB7]  }
0x39: {  	_ = 	snop;
	(pc) =	sbr.ind lr, $3  }
0x3a: {  	_ = 	snop  }
0x3b: {  	_ = 	snop  }
0x3c: {  	p2 =	seq.s32 s10, $0x1;
	s10 =	sld [smem:$0x3FB6]  }
0x3d: {  	_ =	shalt  }
0x3e: {  	_ =	shalt  }
0x3f: {  	_ =	shalt  }
0x40: {  	_ =	shalt  }
0x41: {  	_ =	shalt  }
0x42: {  	_ =	shalt  }
0x43: {  	_ =	shalt  }
0x44: {  	_ =	shalt  }
0x45: {  	_ =	shalt  }
0x46: {  	_ =	shalt  }
0x47: {  	_ =	shalt  }
0x48: {  	_ =	shalt  }
0x49: {  	_ =	shalt  }
0x4a: {  	_ =	shalt  }
0x4b: {  	_ =	shalt  }
0x4c: {  	_ =	shalt  }
0x4d: {  	_ =	shalt  }
0x4e: {  	_ =	shalt  }
0x4f: {  	_ =	shalt  }
0x50: {  	_ =	shalt  }
0x51: {  	_ =	shalt  }
0x52: {  	_ =	shalt  }
0x53: {  	_ =	shalt  }
0x54: {  	_ =	shalt  }
0x55: {  	_ =	shalt  }
0x56: {  	_ =	shalt  }
0x57: {  	_ =	shalt  }
0x58: {  	_ =	shalt  }
0x59: {  	_ =	shalt  }
0x5a: {  	_ =	shalt  }
0x5b: {  	_ =	shalt  }
0x5c: {  	_ =	shalt  }
0x5d: {  	_ =	shalt  }
0x5e: {  	_ =	shalt  }
0x5f: {  	_ =	shalt  }
0x60: {  	_ =	shalt  }
0x61: {  	_ =	shalt  }
0x62: {  	_ =	shalt  }
0x63: {  	_ =	shalt  }
0x64: {  	_ =	shalt  }
0x65: {  	_ =	shalt  }
0x66: {  	_ =	shalt  }
0x67: {  	_ =	shalt  }
0x68: {  	_ =	shalt  }
0x69: {  	_ =	shalt  }
0x6a: {  	_ =	shalt  }
0x6b: {  	_ =	shalt  }
0x6c: {  	_ =	shalt  }
0x6d: {  	_ =	shalt  }
0x6e: {  	_ =	shalt  }
0x6f: {  	_ =	shalt  }
0x70: {  	_ =	shalt  }
0x71: {  	_ =	shalt  }
0x72: {  	_ =	shalt  }
0x73: {  	_ =	shalt  }
0x74: {  	_ =	shalt  }
0x75: {  	_ =	shalt  }
0x76: {  	_ =	shalt  }
0x77: {  	_ =	shalt  }
0x78: {  	_ =	shalt  }
0x79: {  	_ =	shalt  }
0x7a: {  	_ =	shalt  }
0x7b: {  	_ =	shalt  }
0x7c: {  	_ =	shalt  }
0x7d: {  	_ =	shalt  }
0x7e: {  	_ =	shalt  }
0x7f: {  	_ =	shalt  }
0x80: {  	_ =	shalt  }
0x81: {  	_ =	shalt  }
0x82: {  	_ =	shalt  }
0x83: {  	_ =	shalt  }
0x84: {  	_ =	shalt  }
0x85: {  	_ =	shalt  }
0x86: {  	_ =	shalt  }
0x87: {  	_ =	shalt  }
.Lfunc_end0:
.L_simem_size_0:
called_computation.1_lowered:
.L_overlay_start_0:
0x88: {  	s2 =	sld [smem:$0x3FD9]  }
0x89: {  	s3 =	sld [smem:$0x3FFE];
	_ =	sdelay $0x1  }
0x8a: {  	s1 =	srdreg.scid  }
0x8b: {  	s0 =	sand.u32 $0x1, s1  }
0x8c: {  	s17 =	sshll.u32 s0, $0xA;
	s2 =	sadd.s32 s3, s2  }
0x8d: {  	s2 =	sadd.s32 s2, s17  }
0x8e: {  	[smem:$0x3FC2] =	sst s2  }
0x8f: {  	_ = 	snop  }
0x90: {  	s2 =	sld [smem:$0x3FD0];
	(tm) =	ssettm $0x1  }
0x91: {  	s18 =	sld [smem:$0x3FFB];
	_ =	sdelay $0x3  }
0x92: {  	_ =	strace s18  }
0x93: {  	s3 =	sld [smem:$0x3FFC];
	_ =	sdelay $0x3  }
0x94: {  	_ =	strace s3  }
0x95: {  	s3 =	sld [smem:$0x3FFD];
	_ =	sdelay $0x3  }
0x96: {  	_ =	strace s3  }
0x97: {  	_ =	strace $0x8FFFFFFF  }
0x98: {  	s19 =	sld [smem:$0x3FDB];
	_ =	sdelay $0x1  }
0x99: {  	s4 =	simm.s32 $_scs_section_size  }
0x9a: {  	s5 =	simm.s32 $_size__tile_overlayer_lowered;
	s6 =	simm.s32 $_tile_overlayer_lowered  }
0x9b: {  	s22 =	simm.s32 $0x1BFF;
	s21 =	sshll.u32 s6, $0x1;
	s3 =	sadd.s32 s4, s19  }
0x9c: {  	s7 =	simm.s32 $0x0;
	s20 =	sshll.u32 s5, $0x1;
	s5 =	sadd.s32 s21, s3  }
0x9d: {  	[timem:s7], [sflag:s22] =	dma.local [hbm:s5], s20  }
0x9e: {  	_ =	swait.ge [sflag:s22], s20  }
0x9f: {  	s4 =	ssub.s32 $0x0, s20;
	[sflag:s22] =	ssyncset.done $0x0  }
0xa0: {  	[sflag:s22] =	ssyncadd.s32 s4;
	_ =	sdelay $0x1  }
0xa1: {  	s23 =	simm.s32 $0x1B8B  }
0xa2: {  	_ =	swait.ge [sflag:s23], $0x1  }
0xa3: {  	[sflag:s23] =	ssyncset.done $0x0  }
0xa4: {  	s25 =	simm.s32 $0x1B8E;
	s24 =	sld [smem:$0x3FFE];
	[sflag:s23] =	ssyncadd.s32 $0xFFFFFFFF  }
0xa5: {  	s26 =	simm.s32 $execute0_lowered;
	[smem:$0x3FD2] =	sst s25  }
0xa6: {  	s5 =	sshll.u32 s26, $0x1;
	_ =	strace $0x80000049;
	[dreg:$0x1] =	wrdreg $0xFFFFFFFF  }
0xa7: {  	s28 =	simm.s32 $_size_execute0_lowered;
	s3 =	sadd.s32 s3, s5;
	[dreg:$0x0] =	wrdreg $0x0  }
0xa8: {  	s5 =	sshll.u32 s28, $0x1;
	[dreg:$0x2] =	wrdreg s3  }
0xa9: {  	[dreg:$0x3] =	wrdreg s5  }
0xaa: {  	[dreg:$0x4] =	wrdreg $0xC0  }
0xab: {  	_ =	task [dreg:s7], $0x5FFFF  }
0xac: {  	[dreg:$0x1] =	wrdreg $0xFFFFFFFF  }
0xad: {  	[dreg:$0x0] =	wrdreg $0x60  }
0xae: {  	[dreg:$0x2] =	wrdreg s2  }
0xaf: {  	[dreg:$0x3] =	wrdreg s24  }
0xb0: {  	[dreg:$0x4] =	wrdreg $0xA8000  }
0xb1: {  	[dreg:$0x5] =	wrdreg $0x9  }
0xb2: {  	_ =	task.clear_ibuf [dreg:s7], $0x6FFFF;
	_ =	strace $0x90000049  }
0xb3: {  	s29 =	simm.s32 $0x9;
	_ =	strace $0x8000004B  }
0xb4: {  	_ =	swait.ge [sflag:s29], $0x1  }
0xb5: {  	[sflag:s29] =	ssyncadd.s32 $0xFFFFFFFF  }
0xb6: {  	_ =	strace $0x9000004B  }
0xb7: {  	_ =	sfence  }
0xb8: {  	s30 =	sld [smem:$0x0];
	_ =	sdelay $0x2  }
0xb9: {  	s31 =	sshll.u32 s1, $0xD;
	s1 =	sshrl.u32 s1, $0x2  }
0xba: {  	s3 =	sand.u32 $0x4000, s31;
	s1 =	sadd.s32 s1, s30  }
0xbb: {  	s0 =	sor.u32 s3, s0;
	s1 =	sshll.u32 s1, $0x11  }
0xbc: {  	s0 =	sor.u32 s1, s0  }
0xbd: {  	s0 =	sadd.s32 $0x8F2B, s0  }
0xbe: {  	[sflag:s0] =	ssyncadd.remote.s32 $0x1  }
0xbf: {  	_ =	sfence.sel $0xFFFF  }
0xc0: {  	[dreg:$0x0] =	wrdreg $0xFFFFFFFF;
	(pc) =	sbr.abs _section_cstart, $3  }
0xc1: {  	[dreg:$0x1] =	wrdreg $0xFFFFFFFF  }
0xc2: {  	_ =	task.clear_ibuf [dreg:s7], $0x2FFFF;
	_ =	strace $0x9FFFFFFF  }
0xc3: {  	(tm) =	ssettm $0x7FFFFFFF  }
tec
execute0_lowered:
.L_overlay_start_1:
0x0: {  	(tag) =	ssettag $0x1  }
0x1: {  	s1 =	rddreg [dreg:$0x0]  }
0x2: {  	s0 =	srdreg.scid;
	s6 =	rddreg [dreg:$0x1]  }
0x3: {  	s2 =	stileid.u32;
	s3 =	rddreg [dreg:$0x2]  }
0x4: {  	s4 =	simm.s32 $0x0;
	s17 =	simm.s32 $0x3;
	s18 =	simm.s32 $0x1400  }
0x5: {  	s19 =	simm.s32 $0x80;
	s20 =	simm.s32 $0x2800;
	s8 =	smul.u32 $0x2800, s2  }
0x6: {  	s21 =	simm.s32 $0x6800;
	s22 =	simm.s32 $0x1;
	s9 =	smul.u32 $0x280, s2  }
0x7: {  	s23 =	simm.s32 $0x2;
	s7 =	sand.u32 $0x1, s0;
	s29 =	smul.u32 $0x50000, s2  }
0x8: {  	s24 =	simm.s32 $0x1380;
	s28 =	simm.s32 $0x0;
	s5 =	smul.u32 $0x28000, s7  }
0x9: {  	[smem:$0x7FF] =	sst s4;
	p0 =	seq.s32 s2, $0xF;
	s10 =	smul.u32 $0x2710, s7  }
0xa: {  	_ =	strace $0x8000004A;
	s7 =	ssub.s32 $0x2, s7;
	s25 =	sshrl.u32 s8, $0x3  }
0xb: {  	s30 =	sshrl.u32 s7, $0x1;
	s31 =	sshrl.u32 s29, $0x2;
	s5 =	sadd.s32 s8, s5  }
0xc: {  	s14 =	sadd.s32 s25, s6;
	s26 =	sadd.s32 s9, s10;
	s16 =	ssub.s32 s7, s30  }
0xd: {  	s7 =	sadd.s32 s31, s3;
	s25 =	simm.s32 $0x2700;
	s5 =	sshrl.u32 s5, $0x3  }
0xe: {  	s8 =	sshll.u32 s26, $0x4;
	s9 =	sadd.s32 $0x4000, s7;
	s10 =	sadd.s32 $0x8000, s7  }
0xf: {  	s11 =	sadd.s32 $0xC000, s7;
	s12 =	sadd.s32 $0x10000, s7;
	s16 =	smax.u32 s16, $0x1  }
0x10: {  	s26 =	simm.s32 $0x2780;
	s13 =	sadd.s32 s5, s6;
	s5 =	sadd.s32 $0x7E00, s6  }
0x11: {  	s15 =	sadd.s32 s8, s6;
	s8 =	sadd.s32 $0x8E00, s14;
	s14 =	sadd.s32 $0x9080, s14  }
0x12: {  	s6 =	sadd.s32 $0xDE00, s13;
	s13 =	sadd.s32 $0xE080, s13;
	s15 =	sadd.s32 $0x17E00, s15  }
.LBB2_1:
0x13: {  	[tilespmem:s4], [sflag:$0x3] =	stream.linear.gather [hbm4b:s6+s4], $0x1400, $0x38;
	[tilespmem:$0x1E800] =	vst v63  }
0x14: {  	_ =	swait.ge [sflag:s17], $0x1400  }
0x15: {  	[sflag:s17] =	ssyncset.done $0x0  }
0x16: {  	[sflag:s17] =	ssyncadd.s32 $0xFFFFEC00  }
0x17: {  	[tilespmem:s18], [sflag:$0x3] =	stream.linear.gather [hbm4b:s8+s4], $0x1400, $0x38;
	[tilespmem:$0x1E800] =	vst v63  }
0x18: {  	_ =	swait.ge [sflag:s17], $0x1400  }
0x19: {  	[sflag:s17] =	ssyncset.done $0x0  }
0x1a: {  	[sflag:s17] =	ssyncadd.s32 $0xFFFFEC00  }
0x1b: {  	[tilespmem:s20], [sflag:$0x1] =	stream.indirect.gather [hbm4b:s1+s19], $0x80, s4, s19, $0xb8;
	[tilespmem:$0x1E800] =	vst v63  }
0x1c: {  	_ = 	snop  }
0x1d: {  	[tilespmem:s21], [sflag:$0x3] =	stream.linear.gather [hbm4b:s5+s4], $0x4000, $0x38;
	[tilespmem:$0x1E800] =	vst v63  }
0x1e: {  	_ =	swait.ge [sflag:s17], $0x4000  }
0x1f: {  	[sflag:s17] =	ssyncset.done $0x0  }
0x20: {  	[sflag:s17] =	ssyncadd.s32 $0xFFFFC000  }
0x21: {  	[spmem:s7] =	stream.linear.scatter [tilespmem:s21], [sflag:$0x3], $0x4000, $0x38;
	[tilespmem:$0x1E800] =	vst v63  }
0x22: {  	_ =	swait.ge [sflag:s17], $0x4000  }
0x23: {  	[sflag:s17] =	ssyncset.done $0x0  }
0x24: {  	[sflag:s17] =	ssyncadd.s32 $0xFFFFC000  }
0x25: {  	[spmem:s9] =	stream.linear.scatter [tilespmem:s21], [sflag:$0x3], $0x4000, $0x38;
	[tilespmem:$0x1E800] =	vst v63  }
0x26: {  	_ =	swait.ge [sflag:s17], $0x4000  }
0x27: {  	[sflag:s17] =	ssyncset.done $0x0  }
0x28: {  	[sflag:s17] =	ssyncadd.s32 $0xFFFFC000  }
0x29: {  	[spmem:s10] =	stream.linear.scatter [tilespmem:s21], [sflag:$0x3], $0x4000, $0x38;
	[tilespmem:$0x1E800] =	vst v63  }
0x2a: {  	_ =	swait.ge [sflag:s17], $0x4000  }
0x2b: {  	[sflag:s17] =	ssyncset.done $0x0  }
0x2c: {  	[sflag:s17] =	ssyncadd.s32 $0xFFFFC000  }
0x2d: {  	[spmem:s11] =	stream.linear.scatter [tilespmem:s21], [sflag:$0x3], $0x4000, $0x38;
	[tilespmem:$0x1E800] =	vst v63  }
0x2e: {  	_ =	swait.ge [sflag:s17], $0x4000  }
0x2f: {  	[sflag:s17] =	ssyncset.done $0x0  }
0x30: {  	[sflag:s17] =	ssyncadd.s32 $0xFFFFC000  }
0x31: {  	[spmem:s12] =	stream.linear.scatter [tilespmem:s21], [sflag:$0x3], $0x4000, $0x38;
	[tilespmem:$0x1E800] =	vst v63  }
0x32: {  	_ =	swait.ge [sflag:s17], $0x4000  }
0x33: {  	[sflag:s17] =	ssyncset.done $0x0  }
0x34: {  	[sflag:s17] =	ssyncadd.s32 $0xFFFFC000  }
0x35: {  	s29 =	simm.s32 $0x80;
	[bflag:$0x0] =	sbarrier.arrive $0xFFFF  }
0x36: {  	[tilespmem:s21], [sflag:$0x2] =	stream.indirect.gather [hbm4b:s1+s19], $0x80, s29, s19, $0xb8;
	[tilespmem:$0x1E800] =	vst v63  }
0x37: {  	_ =	swait.ge [sflag:s22], $0x4000  }
0x38: {  	[sflag:s22] =	ssyncset.done $0x0  }
0x39: {  	s29 =	simm.s32 $0x1400;
	[sflag:s22] =	ssyncadd.s32 $0xFFFFC000  }
0x3a: {  	[spmem:s3] =	stream.indirect.scatter.add.f32 [tilespmem:s20], [sflag:$0x3], $0x80, s29, s19, $0xb8;
	[tilespmem:$0x1E800] =	vst v63  }
0x3b: {  	_ =	swait.ge [sflag:s17], $0x4000  }
0x3c: {  	[sflag:s17] =	ssyncset.done $0x0  }
0x3d: {  	s29 =	simm.s32 $0x100;
	[sflag:s17] =	ssyncadd.s32 $0xFFFFC000  }
0x3e: {  	[tilespmem:s20], [sflag:$0x1] =	stream.indirect.gather [hbm4b:s1+s19], $0x80, s29, s19, $0xb8;
	[tilespmem:$0x1E800] =	vst v63  }
0x3f: {  	_ =	swait.ge [sflag:s23], $0x4000  }
0x40: {  	[sflag:s23] =	ssyncset.done $0x0  }
0x41: {  	s29 =	simm.s32 $0x1480;
	[sflag:s23] =	ssyncadd.s32 $0xFFFFC000  }
0x42: {  	[spmem:s3] =	stream.indirect.scatter.add.f32 [tilespmem:s21], [sflag:$0x3], $0x80, s29, s19, $0xb8;
	[tilespmem:$0x1E800] =	vst v63  }
0x43: {  	_ =	swait.ge [sflag:s17], $0x4000  }
0x44: {  	s30 =	simm.s32 $0x800;
	s29 =	simm.s32 $0x100;
	[sflag:s17] =	ssyncset.done $0x0  }
.LBB2_2:
0x45: {  	s31 =	sadd.s32 $0x80, s29  }
0x46: {  	[sflag:s17] =	ssyncadd.s32 $0xFFFFC000;
	s2 =	smov.u32 s30;
	s0 =	sadd.s32 $0x400, s30  }
0x47: {  	[tilespmem:s21], [sflag:$0x2] =	stream.indirect.gather [hbm4b:s1+s19], $0x80, s31, s19, $0xb8;
	[tilespmem:$0x1E800] =	vst v63  }
0x48: {  	p1 =	sne.s32 s30, $0x4800;
	_ =	swait.ge [sflag:s22], $0x4000  }
0x49: {  	[sflag:s22] =	ssyncset.done $0x0  }
0x4a: {  	s30 =	sadd.s32 $0x1400, s29;
	[sflag:s22] =	ssyncadd.s32 $0xFFFFC000  }
0x4b: {  	[spmem:s3] =	stream.indirect.scatter.add.f32 [tilespmem:s20], [sflag:$0x3], $0x80, s30, s19, $0xb8;
	[tilespmem:$0x1E800] =	vst v63  }
0x4c: {  	_ =	swait.ge [sflag:s17], $0x4000  }
0x4d: {  	[sflag:s17] =	ssyncset.done $0x0  }
0x4e: {  	s30 =	sadd.s32 $0x100, s29;
	[sflag:s17] =	ssyncadd.s32 $0xFFFFC000  }
0x4f: {  	[tilespmem:s20], [sflag:$0x1] =	stream.indirect.gather [hbm4b:s1+s19], $0x80, s30, s19, $0xb8;
	[tilespmem:$0x1E800] =	vst v63  }
0x50: {  	_ =	swait.ge [sflag:s23], $0x4000  }
.Ltmp0:
0x51: {  	[sflag:s23] =	ssyncset.done $0x0;
	(pc) =	sbr.rel @p1 .LBB2_2-.Ltmp0, $4  }
0x52: {  	s29 =	sadd.s32 $0x1480, s29;
	[sflag:s23] =	ssyncadd.s32 $0xFFFFC000  }
0x53: {  	[spmem:s3] =	stream.indirect.scatter.add.f32 [tilespmem:s21], [sflag:$0x3], $0x80, s29, s19, $0xb8;
	[tilespmem:$0x1E800] =	vst v63  }
0x54: {  	_ =	swait.ge [sflag:s17], $0x4000  }
0x55: {  	s30 =	smov.u32 s0;
	s29 =	sshra.s32 s2, $0x2;
	[sflag:s17] =	ssyncset.done $0x0  }
0x56: {  	s0 =	sadd.s32 $0x80, s29;
	[sflag:s17] =	ssyncadd.s32 $0xFFFFC000  }
0x57: {  	[tilespmem:s21], [sflag:$0x2] =	stream.indirect.gather [hbm4b:s1+s19], $0x80, s0, s19, $0xb8;
	[tilespmem:$0x1E800] =	vst v63  }
0x58: {  	_ =	swait.ge [sflag:s22], $0x4000  }
0x59: {  	[sflag:s22] =	ssyncset.done $0x0  }
0x5a: {  	s2 =	sadd.s32 $0x1400, s29;
	[sflag:s22] =	ssyncadd.s32 $0xFFFFC000  }
0x5b: {  	[spmem:s3] =	stream.indirect.scatter.add.f32 [tilespmem:s20], [sflag:$0x3], $0x80, s2, s19, $0xb8;
	[tilespmem:$0x1E800] =	vst v63  }
0x5c: {  	_ =	swait.ge [sflag:s17], $0x4000  }
0x5d: {  	[sflag:s17] =	ssyncset.done $0x0  }
0x5e: {  	s31 =	sadd.s32 $0x100, s29;
	[sflag:s17] =	ssyncadd.s32 $0xFFFFC000  }
0x5f: {  	[tilespmem:s20], [sflag:$0x1] =	stream.indirect.gather [hbm4b:s1+s19], $0x80, s31, s19, $0xb8;
	[tilespmem:$0x1E800] =	vst v63  }
0x60: {  	_ =	swait.ge [sflag:s23], $0x4000  }
0x61: {  	[sflag:s23] =	ssyncset.done $0x0  }
0x62: {  	s2 =	sadd.s32 $0x1480, s29;
	[sflag:s23] =	ssyncadd.s32 $0xFFFFC000  }
0x63: {  	[spmem:s3] =	stream.indirect.scatter.add.f32 [tilespmem:s21], [sflag:$0x3], $0x80, s2, s19, $0xb8;
	[tilespmem:$0x1E800] =	vst v63  }
0x64: {  	_ =	swait.ge [sflag:s17], $0x4000  }
0x65: {  	[sflag:s17] =	ssyncset.done $0x0  }
0x66: {  	[sflag:s17] =	ssyncadd.s32 $0xFFFFC000  }
0x67: {  	[tilespmem:s21], [sflag:$0x2] =	stream.indirect.gather [hbm4b:s1+s19], $0x80, s24, s19, $0xb8;
	[tilespmem:$0x1E800] =	vst v63  }
0x68: {  	_ =	swait.ge [sflag:s22], $0x4000  }
0x69: {  	[sflag:s22] =	ssyncset.done $0x0  }
0x6a: {  	[sflag:s22] =	ssyncadd.s32 $0xFFFFC000  }
0x6b: {  	[spmem:s3] =	stream.indirect.scatter.add.f32 [tilespmem:s20], [sflag:$0x3], $0x80, s25, s19, $0xb8;
	[tilespmem:$0x1E800] =	vst v63  }
0x6c: {  	_ =	swait.ge [sflag:s17], $0x4000  }
0x6d: {  	[sflag:s17] =	ssyncset.done $0x0  }
0x6e: {  	[sflag:s17] =	ssyncadd.s32 $0xFFFFC000  }
0x6f: {  	_ =	swait.ge [sflag:s23], $0x4000  }
0x70: {  	[sflag:s23] =	ssyncset.done $0x0  }
0x71: {  	[sflag:s23] =	ssyncadd.s32 $0xFFFFC000  }
0x72: {  	[spmem:s3] =	stream.indirect.scatter.add.f32 [tilespmem:s21], [sflag:$0x3], $0x80, s26, s19, $0xb8;
	[tilespmem:$0x1E800] =	vst v63  }
0x73: {  	_ =	swait.ge [sflag:s17], $0x4000  }
0x74: {  	[sflag:s17] =	ssyncset.done $0x0  }
0x75: {  	s31 =	simm.s32 $0x0;
	[sflag:s17] =	ssyncadd.s32 $0xFFFFC000  }
0x76: {  	[tilespmem:s31], [sflag:$0x3] =	stream.linear.gather [hbm4b:s13+s31], $0x1400, $0x38;
	[tilespmem:$0x1E800] =	vst v63  }
0x77: {  	_ =	swait.ge [sflag:s17], $0x1400  }
0x78: {  	[sflag:s17] =	ssyncset.done $0x0  }
0x79: {  	[sflag:s17] =	ssyncadd.s32 $0xFFFFEC00  }
0x7a: {  	[tilespmem:s18], [sflag:$0x3] =	stream.linear.gather [hbm4b:s14+s31], $0x1400, $0x38;
	[tilespmem:$0x1E800] =	vst v63  }
0x7b: {  	_ =	swait.ge [sflag:s17], $0x1400  }
0x7c: {  	[sflag:s17] =	ssyncset.done $0x0  }
0x7d: {  	[sflag:s17] =	ssyncadd.s32 $0xFFFFEC00  }
0x7e: {  	[tilespmem:s20], [sflag:$0x1] =	stream.indirect.gather [hbm4b:s1+s19], $0x80, s31, s19, $0xb8;
	[tilespmem:$0x1E800] =	vst v63  }
0x7f: {  	s2 =	simm.s32 $0x80  }
0x80: {  	[tilespmem:s21], [sflag:$0x2] =	stream.indirect.gather [hbm4b:s1+s19], $0x80, s2, s19, $0xb8;
	[tilespmem:$0x1E800] =	vst v63  }
0x81: {  	_ =	swait.ge [sflag:s22], $0x4000  }
0x82: {  	[sflag:s22] =	ssyncset.done $0x0  }
0x83: {  	s31 =	simm.s32 $0x1400;
	[sflag:s22] =	ssyncadd.s32 $0xFFFFC000  }
0x84: {  	[spmem:s3] =	stream.indirect.scatter.add.f32 [tilespmem:s20], [sflag:$0x3], $0x80, s31, s19, $0xb8;
	[tilespmem:$0x1E800] =	vst v63  }
0x85: {  	_ =	swait.ge [sflag:s17], $0x4000  }
0x86: {  	[sflag:s17] =	ssyncset.done $0x0  }
0x87: {  	s2 =	simm.s32 $0x100;
	[sflag:s17] =	ssyncadd.s32 $0xFFFFC000  }
0x88: {  	[tilespmem:s20], [sflag:$0x1] =	stream.indirect.gather [hbm4b:s1+s19], $0x80, s2, s19, $0xb8;
	[tilespmem:$0x1E800] =	vst v63  }
0x89: {  	_ =	swait.ge [sflag:s23], $0x4000  }
0x8a: {  	[sflag:s23] =	ssyncset.done $0x0  }
0x8b: {  	s31 =	simm.s32 $0x1480;
	[sflag:s23] =	ssyncadd.s32 $0xFFFFC000  }
0x8c: {  	[spmem:s3] =	stream.indirect.scatter.add.f32 [tilespmem:s21], [sflag:$0x3], $0x80, s31, s19, $0xb8;
	[tilespmem:$0x1E800] =	vst v63  }
0x8d: {  	_ =	swait.ge [sflag:s17], $0x4000  }
0x8e: {  	s30 =	simm.s32 $0x800;
	s29 =	simm.s32 $0x100;
	[sflag:s17] =	ssyncset.done $0x0  }
.LBB2_4:
0x8f: {  	s0 =	sadd.s32 $0x80, s29  }
0x90: {  	[sflag:s17] =	ssyncadd.s32 $0xFFFFC000;
	s2 =	smov.u32 s30;
	s31 =	sadd.s32 $0x400, s30  }
0x91: {  	[tilespmem:s21], [sflag:$0x2] =	stream.indirect.gather [hbm4b:s1+s19], $0x80, s0, s19, $0xb8;
	[tilespmem:$0x1E800] =	vst v63  }
0x92: {  	p1 =	sne.s32 s30, $0x4800;
	_ =	swait.ge [sflag:s22], $0x4000  }
0x93: {  	[sflag:s22] =	ssyncset.done $0x0  }
0x94: {  	s0 =	sadd.s32 $0x1400, s29;
	[sflag:s22] =	ssyncadd.s32 $0xFFFFC000  }
0x95: {  	[spmem:s3] =	stream.indirect.scatter.add.f32 [tilespmem:s20], [sflag:$0x3], $0x80, s0, s19, $0xb8;
	[tilespmem:$0x1E800] =	vst v63  }
0x96: {  	_ =	swait.ge [sflag:s17], $0x4000  }
0x97: {  	[sflag:s17] =	ssyncset.done $0x0  }
0x98: {  	s0 =	sadd.s32 $0x100, s29;
	[sflag:s17] =	ssyncadd.s32 $0xFFFFC000  }
0x99: {  	[tilespmem:s20], [sflag:$0x1] =	stream.indirect.gather [hbm4b:s1+s19], $0x80, s0, s19, $0xb8;
	[tilespmem:$0x1E800] =	vst v63  }
0x9a: {  	_ =	swait.ge [sflag:s23], $0x4000  }
.Ltmp1:
0x9b: {  	[sflag:s23] =	ssyncset.done $0x0;
	(pc) =	sbr.rel @p1 .LBB2_4-.Ltmp1, $4  }
0x9c: {  	s0 =	sadd.s32 $0x1480, s29;
	[sflag:s23] =	ssyncadd.s32 $0xFFFFC000  }
0x9d: {  	[spmem:s3] =	stream.indirect.scatter.add.f32 [tilespmem:s21], [sflag:$0x3], $0x80, s0, s19, $0xb8;
	[tilespmem:$0x1E800] =	vst v63  }
0x9e: {  	_ =	swait.ge [sflag:s17], $0x4000  }
0x9f: {  	s30 =	smov.u32 s31;
	s29 =	sshra.s32 s2, $0x2;
	[sflag:s17] =	ssyncset.done $0x0  }
0xa0: {  	s0 =	sadd.s32 $0x80, s29;
	[sflag:s17] =	ssyncadd.s32 $0xFFFFC000  }
0xa1: {  	[tilespmem:s21], [sflag:$0x2] =	stream.indirect.gather [hbm4b:s1+s19], $0x80, s0, s19, $0xb8;
	[tilespmem:$0x1E800] =	vst v63  }
0xa2: {  	_ =	swait.ge [sflag:s22], $0x4000  }
0xa3: {  	[sflag:s22] =	ssyncset.done $0x0  }
0xa4: {  	s2 =	sadd.s32 $0x1400, s29;
	[sflag:s22] =	ssyncadd.s32 $0xFFFFC000  }
0xa5: {  	[spmem:s3] =	stream.indirect.scatter.add.f32 [tilespmem:s20], [sflag:$0x3], $0x80, s2, s19, $0xb8;
	[tilespmem:$0x1E800] =	vst v63  }
0xa6: {  	_ =	swait.ge [sflag:s17], $0x4000  }
0xa7: {  	[sflag:s17] =	ssyncset.done $0x0  }
0xa8: {  	s30 =	sadd.s32 $0x100, s29;
	[sflag:s17] =	ssyncadd.s32 $0xFFFFC000  }
0xa9: {  	[tilespmem:s20], [sflag:$0x1] =	stream.indirect.gather [hbm4b:s1+s19], $0x80, s30, s19, $0xb8;
	[tilespmem:$0x1E800] =	vst v63  }
0xaa: {  	_ =	swait.ge [sflag:s23], $0x4000  }
0xab: {  	[sflag:s23] =	ssyncset.done $0x0  }
0xac: {  	s31 =	sadd.s32 $0x1480, s29;
	[sflag:s23] =	ssyncadd.s32 $0xFFFFC000  }
0xad: {  	[spmem:s3] =	stream.indirect.scatter.add.f32 [tilespmem:s21], [sflag:$0x3], $0x80, s31, s19, $0xb8;
	[tilespmem:$0x1E800] =	vst v63  }
0xae: {  	_ =	swait.ge [sflag:s17], $0x4000  }
0xaf: {  	[sflag:s17] =	ssyncset.done $0x0  }
0xb0: {  	[sflag:s17] =	ssyncadd.s32 $0xFFFFC000  }
0xb1: {  	[tilespmem:s21], [sflag:$0x2] =	stream.indirect.gather [hbm4b:s1+s19], $0x80, s24, s19, $0xb8;
	[tilespmem:$0x1E800] =	vst v63  }
0xb2: {  	_ =	swait.ge [sflag:s22], $0x4000  }
0xb3: {  	[sflag:s22] =	ssyncset.done $0x0  }
0xb4: {  	[sflag:s22] =	ssyncadd.s32 $0xFFFFC000  }
0xb5: {  	[spmem:s3] =	stream.indirect.scatter.add.f32 [tilespmem:s20], [sflag:$0x3], $0x80, s25, s19, $0xb8;
	[tilespmem:$0x1E800] =	vst v63  }
0xb6: {  	_ =	swait.ge [sflag:s17], $0x4000  }
0xb7: {  	[sflag:s17] =	ssyncset.done $0x0  }
0xb8: {  	[sflag:s17] =	ssyncadd.s32 $0xFFFFC000  }
0xb9: {  	_ =	swait.ge [sflag:s23], $0x4000  }
0xba: {  	[sflag:s23] =	ssyncset.done $0x0  }
0xbb: {  	[sflag:s23] =	ssyncadd.s32 $0xFFFFC000  }
0xbc: {  	[spmem:s3] =	stream.indirect.scatter.add.f32 [tilespmem:s21], [sflag:$0x3], $0x80, s26, s19, $0xb8;
	[tilespmem:$0x1E800] =	vst v63  }
0xbd: {  	_ =	swait.ge [sflag:s17], $0x4000  }
0xbe: {  	[sflag:s17] =	ssyncset.done $0x0  }
0xbf: {  	[sflag:s17] =	ssyncadd.s32 $0xFFFFC000  }
0xc0: {  	s0 =	sshrl.u32 @p0 s7, $0x3;
	s2 =	simm.s32 @p0 $0x1FC3;
	[bflag:$0x0] =	sbarrier.arrive $0xFFFF  }
0xc1: {  	[hbm:s15], [sflag:s2] =	dma.local @p0 [spmem:s0], $0x1900  }
0xc2: {  	s0 =	simm.s32 @p0 $0x3  }
0xc3: {  	s28 =	sadd.s32 $0x1, s28;
	s2 =	stileid.u32;
	_ =	swait.ge @p0 [sflag:s0], $0x1900  }
0xc4: {  	p1 =	sne.s32 s28, s16;
	s2 =	sshll.u32 @!p0 s2, $0x6;
	[sflag:s0] =	ssyncset.done @p0 $0x0  }
0xc5: {  	[sflag:s0] =	ssyncadd.s32 @p0 $0xFFFFE700;
	s0 =	sor.u32 @!p0 $0x1C03, s2;
	s2 =	sshrl.u32 @!p0 s7, $0x3  }
0xc6: {  	[hbm:s15], [sflag:s0] =	dma.local @!p0 [spmem:s2], $0x2800  }
.Ltmp2:
0xc7: {  	_ = 	snop;
	(pc) =	sbr.rel @p1 .LBB2_1-.Ltmp2, $4  }
0xc8: {  	s0 =	simm.s32 @!p0 $0x3  }
0xc9: {  	_ =	swait.ge @!p0 [sflag:s0], $0x2800  }
0xca: {  	[sflag:s0] =	ssyncset.done @!p0 $0x0  }
0xcb: {  	[sflag:s0] =	ssyncadd.s32 @!p0 $0xFFFFD800  }
0xcc: {  	_ =	sfence.sel $0x180000  }
0xcd: {  	[bflag:$0x0] =	sbarrier.arrive $0xFFFF  }
0xce: {  	_ =	strace $0x9000004A  }
0xcf: {  	s0 =	stileid.u32;
	[bflag:$0x2] =	sbarrier.arrive $0xFFFF  }
0xd0: {  	p0 =	sne.s32 s0, $0x0;
	s0 =	rddreg [dreg:$0x3]  }
0xd1: {  	s0 =	sadd.s32 @!p0 $0x100000, s0  }
0xd2: {  	[sflag:s0] =	ssyncadd.tile.s32 @!p0 $0x1;
	_ =	shalt  }
.Lfunc_end2:
_tile_overlayer_lowered:
.L_overlay_start_2:
0xd3: {  	(tag) =	ssettag $0x2  }
0xd4: {  	s0 =	rddreg [dreg:$0x0];
	s2 =	stileid.u32  }
0xd5: {  	s1 =	rddreg [dreg:$0x1];
	p0 =	sne.s32 s2, $0x0  }
0xd6: {  	s3 =	rddreg [dreg:$0x2];
	[bflag:$0x3] =	sbarrier.arrive $0xFFFF;
	s2 =	simm.s32 @!p0 $0x1C03  }
0xd7: {  	[timem:s3], [sflag:s2] =	dma.local @!p0 [hbm:s0], s1  }
0xd8: {  	s0 =	simm.s32 @!p0 $0x3  }
0xd9: {  	_ =	swait.ge @!p0 [sflag:s0], s1  }
0xda: {  	s1 =	ssub.s32 @!p0 $0x0, s1;
	[sflag:s0] =	ssyncset.done @!p0 $0x0  }
0xdb: {  	[sflag:s0] =	ssyncadd.s32 @!p0 s1  }
0xdc: {  	[bflag:$0x3] =	sbarrier.arrive $0xFFFF  }
0xdd: {  	_ =	shalt  }

// kernel: kernel.18.cloned.1.call-start
scs
__scs_entry_jumppad:
0x0: {  	(pc) =	sbr.rel $0x88, $3  }
0x1: {  	(tag) =	ssettag $0x0;
	lr =	simm.s32 $0x1  }
0x2: {  	[smem:$0x3F9B] =	sst lr;
	_ =	strace $0xD0000000  }
0x3: {  	_ = 	snop  }
0x4: {  	_ = 	snop  }
0x5: {  	_ = 	snop  }
0x6: {  	_ = 	snop  }
0x7: {  	_ = 	snop  }
__scs_overlays_trampoline_lowered:
0x8: {  	[smem:$0x3FAA] =	sst s0  }
0x9: {  	[smem:$0x3FAB] =	sst s1  }
0xa: {  	[smem:$0x3FAC] =	sst s2  }
0xb: {  	[smem:$0x3FAD] =	sst s3  }
0xc: {  	[smem:$0x3FAE] =	sst s4  }
0xd: {  	[smem:$0x3FAF] =	sst s5  }
0xe: {  	[smem:$0x3FB0] =	sst s6  }
0xf: {  	[smem:$0x3FB1] =	sst s7  }
0x10: {  	[smem:$0x3FB2] =	sst s8  }
0x11: {  	[smem:$0x3FB3] =	sst s9;
	s0 =	simm.s32 @!p0 $0x0  }
0x12: {  	s1 =	sld [smem:$0x3F99];
	s0 =	simm.s32 @p0 $0x1  }
0x13: {  	[smem:$0x3FB4] =	sst s0;
	s0 =	simm.s32 @!p1 $0x0  }
0x14: {  	s2 =	sld [smem:$0x3F98];
	s0 =	simm.s32 @p1 $0x1  }
0x15: {  	[smem:$0x3FB5] =	sst s0;
	s0 =	simm.s32 @!p2 $0x0  }
0x16: {  	s3 =	sld [smem:$0x3FDB];
	s0 =	simm.s32 @p2 $0x1  }
0x17: {  	s4 =	simm.s32 $0x1BF5;
	[smem:$0x3FB7] =	sst s0  }
0x18: {  	s0 =	sld [smem:$0x3F9A];
	_ =	swait.ge [sflag:s4], $0x0  }
0x19: {  	s7 =	sld [smem:$0x3F9B]  }
0x1a: {  	s8 =	sadd.s32 $0xFFFFE003, lr  }
0x1b: {  	s9 =	sadd.s32 $0xFFFFFEF7, lr;
	s5 =	simm.s32 $0xFFFFFFFF;
	p2 =	slt.u32 s8, $0xFFFFF086  }
0x1c: {  	p1 =	slt.u32 s9, $0xF7A;
	s5 =	simm.s32 @!p2 $0x0  }
0x1d: {  	s5 =	simm.s32 @p1 $0x1;
	p0 =	seq.s32 s7, s2  }
0x1e: {  	s7 =	smul.u32 @!p0 $0xF7A, s2;
	p2 =	seq.s32 @!p0 s5, $0x0  }
0x1f: {  	s9 =	smul.u32 $0xF7A, s1;
	s8 =	simm.s32 @!p0 $0x1BF5;
	p2 =	por !p2, p0  }
0x20: {  	[sflag:s8] =	ssyncset.s32 @!p0 $0xFFFFF086;
	s6 =	sadd.s32 @!p0 s3, s7;
	s7 =	simm.s32 @!p0 $0x108  }
0x21: {  	s3 =	sadd.s32 s3, s9;
	s6 =	sadd.s32 @!p0 $0x88, s6;
	s7 =	simm.s32 @p2 $0x1082  }
0x22: {  	[simem:s7], [sflag:s8] =	dma.local @!p0 [hbm:s6], $0xF7A  }
0x23: {  	s9 =	sor.u32 $0xD0000000, s2;
	s6 =	simm.s32 $0x108;
	_ =	swait.ge @!p0 [sflag:s8], $0x0  }
0x24: {  	s3 =	sadd.s32 $0x88, s3;
	s6 =	simm.s32 @!p1 $0x1082;
	[sflag:s4] =	ssyncset.s32 $0xFFFFF086  }
0x25: {  	[simem:s6], [sflag:s4] =	dma.local [hbm:s3], $0xF7A  }
0x26: {  	[smem:$0x3F9B] =	sst s1;
	(tag) =	ssettag s2;
	_ =	strace s9  }
0x27: {  	s1 =	sld [smem:$0x3FAB]  }
0x28: {  	s2 =	sld [smem:$0x3FAC]  }
0x29: {  	s4 =	sld [smem:$0x3FAE]  }
0x2a: {  	p0 =	seq.s32 s5, $0x0;
	s5 =	sld [smem:$0x3FAF]  }
0x2b: {  	s6 =	sld [smem:$0x3FB0]  }
0x2c: {  	s7 =	sld [smem:$0x3FB1]  }
0x2d: {  	s3 =	simm.s32 $0x108;
	s8 =	sld [smem:$0x3FB2]  }
0x2e: {  	s3 =	simm.s32 @!p0 $0x1082;
	s9 =	sld [smem:$0x3FB3]  }
0x2f: {  	lr =	sadd.s32 s0, s3;
	s0 =	sld [smem:$0x3FAA]  }
0x30: {  	s3 =	sld [smem:$0x3FAD]  }
0x31: {  	[smem:$0x3FB6] =	sst s10  }
0x32: {  	s10 =	sld [smem:$0x3FB4];
	_ =	sdelay $0x3  }
0x33: {  	p0 =	seq.s32 s10, $0x1;
	s10 =	sld [smem:$0x3FB6];
	_ =	sdelay $0x3  }
0x34: {  	[smem:$0x3FB6] =	sst s10  }
0x35: {  	s10 =	sld [smem:$0x3FB5];
	_ =	sdelay $0x3  }
0x36: {  	p1 =	seq.s32 s10, $0x1;
	s10 =	sld [smem:$0x3FB6];
	_ =	sdelay $0x3  }
0x37: {  	[smem:$0x3FB6] =	sst s10  }
0x38: {  	s10 =	sld [smem:$0x3FB7]  }
0x39: {  	_ = 	snop;
	(pc) =	sbr.ind lr, $3  }
0x3a: {  	_ = 	snop  }
0x3b: {  	_ = 	snop  }
0x3c: {  	p2 =	seq.s32 s10, $0x1;
	s10 =	sld [smem:$0x3FB6]  }
0x3d: {  	_ =	shalt  }
0x3e: {  	_ =	shalt  }
0x3f: {  	_ =	shalt  }
0x40: {  	_ =	shalt  }
0x41: {  	_ =	shalt  }
0x42: {  	_ =	shalt  }
0x43: {  	_ =	shalt  }
0x44: {  	_ =	shalt  }
0x45: {  	_ =	shalt  }
0x46: {  	_ =	shalt  }
0x47: {  	_ =	shalt  }
0x48: {  	_ =	shalt  }
0x49: {  	_ =	shalt  }
0x4a: {  	_ =	shalt  }
0x4b: {  	_ =	shalt  }
0x4c: {  	_ =	shalt  }
0x4d: {  	_ =	shalt  }
0x4e: {  	_ =	shalt  }
0x4f: {  	_ =	shalt  }
0x50: {  	_ =	shalt  }
0x51: {  	_ =	shalt  }
0x52: {  	_ =	shalt  }
0x53: {  	_ =	shalt  }
0x54: {  	_ =	shalt  }
0x55: {  	_ =	shalt  }
0x56: {  	_ =	shalt  }
0x57: {  	_ =	shalt  }
0x58: {  	_ =	shalt  }
0x59: {  	_ =	shalt  }
0x5a: {  	_ =	shalt  }
0x5b: {  	_ =	shalt  }
0x5c: {  	_ =	shalt  }
0x5d: {  	_ =	shalt  }
0x5e: {  	_ =	shalt  }
0x5f: {  	_ =	shalt  }
0x60: {  	_ =	shalt  }
0x61: {  	_ =	shalt  }
0x62: {  	_ =	shalt  }
0x63: {  	_ =	shalt  }
0x64: {  	_ =	shalt  }
0x65: {  	_ =	shalt  }
0x66: {  	_ =	shalt  }
0x67: {  	_ =	shalt  }
0x68: {  	_ =	shalt  }
0x69: {  	_ =	shalt  }
0x6a: {  	_ =	shalt  }
0x6b: {  	_ =	shalt  }
0x6c: {  	_ =	shalt  }
0x6d: {  	_ =	shalt  }
0x6e: {  	_ =	shalt  }
0x6f: {  	_ =	shalt  }
0x70: {  	_ =	shalt  }
0x71: {  	_ =	shalt  }
0x72: {  	_ =	shalt  }
0x73: {  	_ =	shalt  }
0x74: {  	_ =	shalt  }
0x75: {  	_ =	shalt  }
0x76: {  	_ =	shalt  }
0x77: {  	_ =	shalt  }
0x78: {  	_ =	shalt  }
0x79: {  	_ =	shalt  }
0x7a: {  	_ =	shalt  }
0x7b: {  	_ =	shalt  }
0x7c: {  	_ =	shalt  }
0x7d: {  	_ =	shalt  }
0x7e: {  	_ =	shalt  }
0x7f: {  	_ =	shalt  }
0x80: {  	_ =	shalt  }
0x81: {  	_ =	shalt  }
0x82: {  	_ =	shalt  }
0x83: {  	_ =	shalt  }
0x84: {  	_ =	shalt  }
0x85: {  	_ =	shalt  }
0x86: {  	_ =	shalt  }
0x87: {  	_ =	shalt  }
.Lfunc_end0:
.L_simem_size_0:
called_computation.2_lowered:
.L_overlay_start_0:
0x88: {  	s2 =	sld [smem:$0x3FD9]  }
0x89: {  	s3 =	sld [smem:$0x3FFE];
	_ =	sdelay $0x1  }
0x8a: {  	s1 =	srdreg.scid  }
0x8b: {  	s0 =	sand.u32 $0x1, s1  }
0x8c: {  	s17 =	sshll.u32 s0, $0xA;
	s2 =	sadd.s32 s3, s2  }
0x8d: {  	s2 =	sadd.s32 s2, s17  }
0x8e: {  	[smem:$0x3FC2] =	sst s2  }
0x8f: {  	_ = 	snop  }
0x90: {  	s2 =	sld [smem:$0x3FD0];
	(tm) =	ssettm $0x1  }
0x91: {  	s18 =	sld [smem:$0x3FFB];
	_ =	sdelay $0x3  }
0x92: {  	_ =	strace s18  }
0x93: {  	s3 =	sld [smem:$0x3FFC];
	_ =	sdelay $0x3  }
0x94: {  	_ =	strace s3  }
0x95: {  	s3 =	sld [smem:$0x3FFD];
	_ =	sdelay $0x3  }
0x96: {  	_ =	strace s3  }
0x97: {  	_ =	strace $0x8FFFFFFF  }
0x98: {  	s19 =	sld [smem:$0x3FDB];
	_ =	sdelay $0x1  }
0x99: {  	s4 =	simm.s32 $_scs_section_size  }
0x9a: {  	s5 =	simm.s32 $_size__tile_overlayer_lowered;
	s6 =	simm.s32 $_tile_overlayer_lowered  }
0x9b: {  	s22 =	simm.s32 $0x1BFF;
	s21 =	sshll.u32 s6, $0x1;
	s3 =	sadd.s32 s4, s19  }
0x9c: {  	s7 =	simm.s32 $0x0;
	s20 =	sshll.u32 s5, $0x1;
	s5 =	sadd.s32 s21, s3  }
0x9d: {  	[timem:s7], [sflag:s22] =	dma.local [hbm:s5], s20  }
0x9e: {  	_ =	swait.ge [sflag:s22], s20  }
0x9f: {  	s4 =	ssub.s32 $0x0, s20;
	[sflag:s22] =	ssyncset.done $0x0  }
0xa0: {  	[sflag:s22] =	ssyncadd.s32 s4;
	_ =	sdelay $0x1  }
0xa1: {  	s23 =	simm.s32 $0x1B8B  }
0xa2: {  	_ =	swait.ge [sflag:s23], $0x1  }
0xa3: {  	[sflag:s23] =	ssyncset.done $0x0  }
0xa4: {  	s25 =	simm.s32 $0x1B8E;
	s24 =	sld [smem:$0x3FFE];
	[sflag:s23] =	ssyncadd.s32 $0xFFFFFFFF  }
0xa5: {  	s26 =	simm.s32 $execute0_lowered;
	[smem:$0x3FD2] =	sst s25  }
0xa6: {  	s5 =	sshll.u32 s26, $0x1;
	_ =	strace $0x8000004C;
	[dreg:$0x1] =	wrdreg $0xFFFFFFFF  }
0xa7: {  	s28 =	simm.s32 $_size_execute0_lowered;
	s3 =	sadd.s32 s3, s5;
	[dreg:$0x0] =	wrdreg $0x0  }
0xa8: {  	s5 =	sshll.u32 s28, $0x1;
	[dreg:$0x2] =	wrdreg s3  }
0xa9: {  	[dreg:$0x3] =	wrdreg s5  }
0xaa: {  	[dreg:$0x4] =	wrdreg $0xC0  }
0xab: {  	_ =	task [dreg:s7], $0x5FFFF  }
0xac: {  	[dreg:$0x1] =	wrdreg $0xFFFFFFFF  }
0xad: {  	[dreg:$0x0] =	wrdreg $0x60  }
0xae: {  	[dreg:$0x2] =	wrdreg s2  }
0xaf: {  	[dreg:$0x3] =	wrdreg s24  }
0xb0: {  	[dreg:$0x4] =	wrdreg $0xA8000  }
0xb1: {  	[dreg:$0x5] =	wrdreg $0x9  }
0xb2: {  	_ =	task.clear_ibuf [dreg:s7], $0x6FFFF;
	_ =	strace $0x9000004C  }
0xb3: {  	s29 =	simm.s32 $0x9;
	_ =	strace $0x8000004E  }
0xb4: {  	_ =	swait.ge [sflag:s29], $0x1  }
0xb5: {  	[sflag:s29] =	ssyncadd.s32 $0xFFFFFFFF  }
0xb6: {  	_ =	strace $0x9000004E  }
0xb7: {  	_ =	sfence  }
0xb8: {  	s30 =	sld [smem:$0x0];
	_ =	sdelay $0x2  }
0xb9: {  	s31 =	sshll.u32 s1, $0xD;
	s1 =	sshrl.u32 s1, $0x2  }
0xba: {  	s3 =	sand.u32 $0x4000, s31;
	s1 =	sadd.s32 s1, s30  }
0xbb: {  	s0 =	sor.u32 s3, s0;
	s1 =	sshll.u32 s1, $0x11  }
0xbc: {  	s0 =	sor.u32 s1, s0  }
0xbd: {  	s0 =	sadd.s32 $0x8F2B, s0  }
0xbe: {  	[sflag:s0] =	ssyncadd.remote.s32 $0x1  }
0xbf: {  	_ =	sfence.sel $0xFFFF  }
0xc0: {  	[dreg:$0x0] =	wrdreg $0xFFFFFFFF;
	(pc) =	sbr.abs _section_cstart, $3  }
0xc1: {  	[dreg:$0x1] =	wrdreg $0xFFFFFFFF  }
0xc2: {  	_ =	task.clear_ibuf [dreg:s7], $0x2FFFF;
	_ =	strace $0x9FFFFFFF  }
0xc3: {  	(tm) =	ssettm $0x7FFFFFFF  }
tec
execute0_lowered:
.L_overlay_start_1:
0x0: {  	(tag) =	ssettag $0x1  }
0x1: {  	s1 =	rddreg [dreg:$0x0]  }
0x2: {  	s0 =	srdreg.scid;
	s6 =	rddreg [dreg:$0x1]  }
0x3: {  	s2 =	stileid.u32;
	s3 =	rddreg [dreg:$0x2]  }
0x4: {  	s4 =	simm.s32 $0x0;
	s17 =	simm.s32 $0x3;
	s18 =	simm.s32 $0x1400  }
0x5: {  	s19 =	simm.s32 $0x80;
	s20 =	simm.s32 $0x2800;
	s8 =	smul.u32 $0x2800, s2  }
0x6: {  	s21 =	simm.s32 $0x6800;
	s22 =	simm.s32 $0x1;
	s9 =	smul.u32 $0x280, s2  }
0x7: {  	s23 =	simm.s32 $0x2;
	s7 =	sand.u32 $0x1, s0;
	s29 =	smul.u32 $0x50000, s2  }
0x8: {  	s24 =	simm.s32 $0x1380;
	s28 =	simm.s32 $0x0;
	s5 =	smul.u32 $0x28000, s7  }
0x9: {  	[smem:$0x7FF] =	sst s4;
	p0 =	seq.s32 s2, $0xF;
	s10 =	smul.u32 $0x2710, s7  }
0xa: {  	_ =	strace $0x8000004D;
	s7 =	ssub.s32 $0x2, s7;
	s25 =	sshrl.u32 s8, $0x3  }
0xb: {  	s30 =	sshrl.u32 s7, $0x1;
	s31 =	sshrl.u32 s29, $0x2;
	s5 =	sadd.s32 s8, s5  }
0xc: {  	s14 =	sadd.s32 s25, s6;
	s26 =	sadd.s32 s9, s10;
	s16 =	ssub.s32 s7, s30  }
0xd: {  	s7 =	sadd.s32 s31, s3;
	s25 =	simm.s32 $0x2700;
	s5 =	sshrl.u32 s5, $0x3  }
0xe: {  	s8 =	sshll.u32 s26, $0x4;
	s9 =	sadd.s32 $0x4000, s7;
	s10 =	sadd.s32 $0x8000, s7  }
0xf: {  	s11 =	sadd.s32 $0xC000, s7;
	s12 =	sadd.s32 $0x10000, s7;
	s16 =	smax.u32 s16, $0x1  }
0x10: {  	s26 =	simm.s32 $0x2780;
	s13 =	sadd.s32 s5, s6;
	s5 =	sadd.s32 $0x7E00, s6  }
0x11: {  	s15 =	sadd.s32 s8, s6;
	s8 =	sadd.s32 $0x8E00, s14;
	s14 =	sadd.s32 $0x9080, s14  }
0x12: {  	s6 =	sadd.s32 $0xDE00, s13;
	s13 =	sadd.s32 $0xE080, s13;
	s15 =	sadd.s32 $0x66000, s15  }
.LBB2_1:
0x13: {  	[tilespmem:s4], [sflag:$0x3] =	stream.linear.gather [hbm4b:s6+s4], $0x1400, $0x38;
	[tilespmem:$0x1E800] =	vst v63  }
0x14: {  	_ =	swait.ge [sflag:s17], $0x1400  }
0x15: {  	[sflag:s17] =	ssyncset.done $0x0  }
0x16: {  	[sflag:s17] =	ssyncadd.s32 $0xFFFFEC00  }
0x17: {  	[tilespmem:s18], [sflag:$0x3] =	stream.linear.gather [hbm4b:s8+s4], $0x1400, $0x38;
	[tilespmem:$0x1E800] =	vst v63  }
0x18: {  	_ =	swait.ge [sflag:s17], $0x1400  }
0x19: {  	[sflag:s17] =	ssyncset.done $0x0  }
0x1a: {  	[sflag:s17] =	ssyncadd.s32 $0xFFFFEC00  }
0x1b: {  	[tilespmem:s20], [sflag:$0x1] =	stream.indirect.gather [hbm4b:s1+s19], $0x80, s4, s19, $0xb8;
	[tilespmem:$0x1E800] =	vst v63  }
0x1c: {  	_ = 	snop  }
0x1d: {  	[tilespmem:s21], [sflag:$0x3] =	stream.linear.gather [hbm4b:s5+s4], $0x4000, $0x38;
	[tilespmem:$0x1E800] =	vst v63  }
0x1e: {  	_ =	swait.ge [sflag:s17], $0x4000  }
0x1f: {  	[sflag:s17] =	ssyncset.done $0x0  }
0x20: {  	[sflag:s17] =	ssyncadd.s32 $0xFFFFC000  }
0x21: {  	[spmem:s7] =	stream.linear.scatter [tilespmem:s21], [sflag:$0x3], $0x4000, $0x38;
	[tilespmem:$0x1E800] =	vst v63  }
0x22: {  	_ =	swait.ge [sflag:s17], $0x4000  }
0x23: {  	[sflag:s17] =	ssyncset.done $0x0  }
0x24: {  	[sflag:s17] =	ssyncadd.s32 $0xFFFFC000  }
0x25: {  	[spmem:s9] =	stream.linear.scatter [tilespmem:s21], [sflag:$0x3], $0x4000, $0x38;
	[tilespmem:$0x1E800] =	vst v63  }
0x26: {  	_ =	swait.ge [sflag:s17], $0x4000  }
0x27: {  	[sflag:s17] =	ssyncset.done $0x0  }
0x28: {  	[sflag:s17] =	ssyncadd.s32 $0xFFFFC000  }
0x29: {  	[spmem:s10] =	stream.linear.scatter [tilespmem:s21], [sflag:$0x3], $0x4000, $0x38;
	[tilespmem:$0x1E800] =	vst v63  }
0x2a: {  	_ =	swait.ge [sflag:s17], $0x4000  }
0x2b: {  	[sflag:s17] =	ssyncset.done $0x0  }
0x2c: {  	[sflag:s17] =	ssyncadd.s32 $0xFFFFC000  }
0x2d: {  	[spmem:s11] =	stream.linear.scatter [tilespmem:s21], [sflag:$0x3], $0x4000, $0x38;
	[tilespmem:$0x1E800] =	vst v63  }
0x2e: {  	_ =	swait.ge [sflag:s17], $0x4000  }
0x2f: {  	[sflag:s17] =	ssyncset.done $0x0  }
0x30: {  	[sflag:s17] =	ssyncadd.s32 $0xFFFFC000  }
0x31: {  	[spmem:s12] =	stream.linear.scatter [tilespmem:s21], [sflag:$0x3], $0x4000, $0x38;
	[tilespmem:$0x1E800] =	vst v63  }
0x32: {  	_ =	swait.ge [sflag:s17], $0x4000  }
0x33: {  	[sflag:s17] =	ssyncset.done $0x0  }
0x34: {  	[sflag:s17] =	ssyncadd.s32 $0xFFFFC000  }
0x35: {  	s29 =	simm.s32 $0x80;
	[bflag:$0x0] =	sbarrier.arrive $0xFFFF  }
0x36: {  	[tilespmem:s21], [sflag:$0x2] =	stream.indirect.gather [hbm4b:s1+s19], $0x80, s29, s19, $0xb8;
	[tilespmem:$0x1E800] =	vst v63  }
0x37: {  	_ =	swait.ge [sflag:s22], $0x4000  }
0x38: {  	[sflag:s22] =	ssyncset.done $0x0  }
0x39: {  	s29 =	simm.s32 $0x1400;
	[sflag:s22] =	ssyncadd.s32 $0xFFFFC000  }
0x3a: {  	[spmem:s3] =	stream.indirect.scatter.add.f32 [tilespmem:s20], [sflag:$0x3], $0x80, s29, s19, $0xb8;
	[tilespmem:$0x1E800] =	vst v63  }
0x3b: {  	_ =	swait.ge [sflag:s17], $0x4000  }
0x3c: {  	[sflag:s17] =	ssyncset.done $0x0  }
0x3d: {  	s29 =	simm.s32 $0x100;
	[sflag:s17] =	ssyncadd.s32 $0xFFFFC000  }
0x3e: {  	[tilespmem:s20], [sflag:$0x1] =	stream.indirect.gather [hbm4b:s1+s19], $0x80, s29, s19, $0xb8;
	[tilespmem:$0x1E800] =	vst v63  }
0x3f: {  	_ =	swait.ge [sflag:s23], $0x4000  }
0x40: {  	[sflag:s23] =	ssyncset.done $0x0  }
0x41: {  	s29 =	simm.s32 $0x1480;
	[sflag:s23] =	ssyncadd.s32 $0xFFFFC000  }
0x42: {  	[spmem:s3] =	stream.indirect.scatter.add.f32 [tilespmem:s21], [sflag:$0x3], $0x80, s29, s19, $0xb8;
	[tilespmem:$0x1E800] =	vst v63  }
0x43: {  	_ =	swait.ge [sflag:s17], $0x4000  }
0x44: {  	s30 =	simm.s32 $0x800;
	s29 =	simm.s32 $0x100;
	[sflag:s17] =	ssyncset.done $0x0  }
.LBB2_2:
0x45: {  	s31 =	sadd.s32 $0x80, s29  }
0x46: {  	[sflag:s17] =	ssyncadd.s32 $0xFFFFC000;
	s2 =	smov.u32 s30;
	s0 =	sadd.s32 $0x400, s30  }
0x47: {  	[tilespmem:s21], [sflag:$0x2] =	stream.indirect.gather [hbm4b:s1+s19], $0x80, s31, s19, $0xb8;
	[tilespmem:$0x1E800] =	vst v63  }
0x48: {  	p1 =	sne.s32 s30, $0x4800;
	_ =	swait.ge [sflag:s22], $0x4000  }
0x49: {  	[sflag:s22] =	ssyncset.done $0x0  }
0x4a: {  	s30 =	sadd.s32 $0x1400, s29;
	[sflag:s22] =	ssyncadd.s32 $0xFFFFC000  }
0x4b: {  	[spmem:s3] =	stream.indirect.scatter.add.f32 [tilespmem:s20], [sflag:$0x3], $0x80, s30, s19, $0xb8;
	[tilespmem:$0x1E800] =	vst v63  }
0x4c: {  	_ =	swait.ge [sflag:s17], $0x4000  }
0x4d: {  	[sflag:s17] =	ssyncset.done $0x0  }
0x4e: {  	s30 =	sadd.s32 $0x100, s29;
	[sflag:s17] =	ssyncadd.s32 $0xFFFFC000  }
0x4f: {  	[tilespmem:s20], [sflag:$0x1] =	stream.indirect.gather [hbm4b:s1+s19], $0x80, s30, s19, $0xb8;
	[tilespmem:$0x1E800] =	vst v63  }
0x50: {  	_ =	swait.ge [sflag:s23], $0x4000  }
.Ltmp0:
0x51: {  	[sflag:s23] =	ssyncset.done $0x0;
	(pc) =	sbr.rel @p1 .LBB2_2-.Ltmp0, $4  }
0x52: {  	s29 =	sadd.s32 $0x1480, s29;
	[sflag:s23] =	ssyncadd.s32 $0xFFFFC000  }
0x53: {  	[spmem:s3] =	stream.indirect.scatter.add.f32 [tilespmem:s21], [sflag:$0x3], $0x80, s29, s19, $0xb8;
	[tilespmem:$0x1E800] =	vst v63  }
0x54: {  	_ =	swait.ge [sflag:s17], $0x4000  }
0x55: {  	s30 =	smov.u32 s0;
	s29 =	sshra.s32 s2, $0x2;
	[sflag:s17] =	ssyncset.done $0x0  }
0x56: {  	s0 =	sadd.s32 $0x80, s29;
	[sflag:s17] =	ssyncadd.s32 $0xFFFFC000  }
0x57: {  	[tilespmem:s21], [sflag:$0x2] =	stream.indirect.gather [hbm4b:s1+s19], $0x80, s0, s19, $0xb8;
	[tilespmem:$0x1E800] =	vst v63  }
0x58: {  	_ =	swait.ge [sflag:s22], $0x4000  }
0x59: {  	[sflag:s22] =	ssyncset.done $0x0  }
0x5a: {  	s2 =	sadd.s32 $0x1400, s29;
	[sflag:s22] =	ssyncadd.s32 $0xFFFFC000  }
0x5b: {  	[spmem:s3] =	stream.indirect.scatter.add.f32 [tilespmem:s20], [sflag:$0x3], $0x80, s2, s19, $0xb8;
	[tilespmem:$0x1E800] =	vst v63  }
0x5c: {  	_ =	swait.ge [sflag:s17], $0x4000  }
0x5d: {  	[sflag:s17] =	ssyncset.done $0x0  }
0x5e: {  	s31 =	sadd.s32 $0x100, s29;
	[sflag:s17] =	ssyncadd.s32 $0xFFFFC000  }
0x5f: {  	[tilespmem:s20], [sflag:$0x1] =	stream.indirect.gather [hbm4b:s1+s19], $0x80, s31, s19, $0xb8;
	[tilespmem:$0x1E800] =	vst v63  }
0x60: {  	_ =	swait.ge [sflag:s23], $0x4000  }
0x61: {  	[sflag:s23] =	ssyncset.done $0x0  }
0x62: {  	s2 =	sadd.s32 $0x1480, s29;
	[sflag:s23] =	ssyncadd.s32 $0xFFFFC000  }
0x63: {  	[spmem:s3] =	stream.indirect.scatter.add.f32 [tilespmem:s21], [sflag:$0x3], $0x80, s2, s19, $0xb8;
	[tilespmem:$0x1E800] =	vst v63  }
0x64: {  	_ =	swait.ge [sflag:s17], $0x4000  }
0x65: {  	[sflag:s17] =	ssyncset.done $0x0  }
0x66: {  	[sflag:s17] =	ssyncadd.s32 $0xFFFFC000  }
0x67: {  	[tilespmem:s21], [sflag:$0x2] =	stream.indirect.gather [hbm4b:s1+s19], $0x80, s24, s19, $0xb8;
	[tilespmem:$0x1E800] =	vst v63  }
0x68: {  	_ =	swait.ge [sflag:s22], $0x4000  }
0x69: {  	[sflag:s22] =	ssyncset.done $0x0  }
0x6a: {  	[sflag:s22] =	ssyncadd.s32 $0xFFFFC000  }
0x6b: {  	[spmem:s3] =	stream.indirect.scatter.add.f32 [tilespmem:s20], [sflag:$0x3], $0x80, s25, s19, $0xb8;
	[tilespmem:$0x1E800] =	vst v63  }
0x6c: {  	_ =	swait.ge [sflag:s17], $0x4000  }
0x6d: {  	[sflag:s17] =	ssyncset.done $0x0  }
0x6e: {  	[sflag:s17] =	ssyncadd.s32 $0xFFFFC000  }
0x6f: {  	_ =	swait.ge [sflag:s23], $0x4000  }
0x70: {  	[sflag:s23] =	ssyncset.done $0x0  }
0x71: {  	[sflag:s23] =	ssyncadd.s32 $0xFFFFC000  }
0x72: {  	[spmem:s3] =	stream.indirect.scatter.add.f32 [tilespmem:s21], [sflag:$0x3], $0x80, s26, s19, $0xb8;
	[tilespmem:$0x1E800] =	vst v63  }
0x73: {  	_ =	swait.ge [sflag:s17], $0x4000  }
0x74: {  	[sflag:s17] =	ssyncset.done $0x0  }
0x75: {  	s31 =	simm.s32 $0x0;
	[sflag:s17] =	ssyncadd.s32 $0xFFFFC000  }
0x76: {  	[tilespmem:s31], [sflag:$0x3] =	stream.linear.gather [hbm4b:s13+s31], $0x1400, $0x38;
	[tilespmem:$0x1E800] =	vst v63  }
0x77: {  	_ =	swait.ge [sflag:s17], $0x1400  }
0x78: {  	[sflag:s17] =	ssyncset.done $0x0  }
0x79: {  	[sflag:s17] =	ssyncadd.s32 $0xFFFFEC00  }
0x7a: {  	[tilespmem:s18], [sflag:$0x3] =	stream.linear.gather [hbm4b:s14+s31], $0x1400, $0x38;
	[tilespmem:$0x1E800] =	vst v63  }
0x7b: {  	_ =	swait.ge [sflag:s17], $0x1400  }
0x7c: {  	[sflag:s17] =	ssyncset.done $0x0  }
0x7d: {  	[sflag:s17] =	ssyncadd.s32 $0xFFFFEC00  }
0x7e: {  	[tilespmem:s20], [sflag:$0x1] =	stream.indirect.gather [hbm4b:s1+s19], $0x80, s31, s19, $0xb8;
	[tilespmem:$0x1E800] =	vst v63  }
0x7f: {  	s2 =	simm.s32 $0x80  }
0x80: {  	[tilespmem:s21], [sflag:$0x2] =	stream.indirect.gather [hbm4b:s1+s19], $0x80, s2, s19, $0xb8;
	[tilespmem:$0x1E800] =	vst v63  }
0x81: {  	_ =	swait.ge [sflag:s22], $0x4000  }
0x82: {  	[sflag:s22] =	ssyncset.done $0x0  }
0x83: {  	s31 =	simm.s32 $0x1400;
	[sflag:s22] =	ssyncadd.s32 $0xFFFFC000  }
0x84: {  	[spmem:s3] =	stream.indirect.scatter.add.f32 [tilespmem:s20], [sflag:$0x3], $0x80, s31, s19, $0xb8;
	[tilespmem:$0x1E800] =	vst v63  }
0x85: {  	_ =	swait.ge [sflag:s17], $0x4000  }
0x86: {  	[sflag:s17] =	ssyncset.done $0x0  }
0x87: {  	s2 =	simm.s32 $0x100;
	[sflag:s17] =	ssyncadd.s32 $0xFFFFC000  }
0x88: {  	[tilespmem:s20], [sflag:$0x1] =	stream.indirect.gather [hbm4b:s1+s19], $0x80, s2, s19, $0xb8;
	[tilespmem:$0x1E800] =	vst v63  }
0x89: {  	_ =	swait.ge [sflag:s23], $0x4000  }
0x8a: {  	[sflag:s23] =	ssyncset.done $0x0  }
0x8b: {  	s31 =	simm.s32 $0x1480;
	[sflag:s23] =	ssyncadd.s32 $0xFFFFC000  }
0x8c: {  	[spmem:s3] =	stream.indirect.scatter.add.f32 [tilespmem:s21], [sflag:$0x3], $0x80, s31, s19, $0xb8;
	[tilespmem:$0x1E800] =	vst v63  }
0x8d: {  	_ =	swait.ge [sflag:s17], $0x4000  }
0x8e: {  	s30 =	simm.s32 $0x800;
	s29 =	simm.s32 $0x100;
	[sflag:s17] =	ssyncset.done $0x0  }
.LBB2_4:
0x8f: {  	s0 =	sadd.s32 $0x80, s29  }
0x90: {  	[sflag:s17] =	ssyncadd.s32 $0xFFFFC000;
	s2 =	smov.u32 s30;
	s31 =	sadd.s32 $0x400, s30  }
0x91: {  	[tilespmem:s21], [sflag:$0x2] =	stream.indirect.gather [hbm4b:s1+s19], $0x80, s0, s19, $0xb8;
	[tilespmem:$0x1E800] =	vst v63  }
0x92: {  	p1 =	sne.s32 s30, $0x4800;
	_ =	swait.ge [sflag:s22], $0x4000  }
0x93: {  	[sflag:s22] =	ssyncset.done $0x0  }
0x94: {  	s0 =	sadd.s32 $0x1400, s29;
	[sflag:s22] =	ssyncadd.s32 $0xFFFFC000  }
0x95: {  	[spmem:s3] =	stream.indirect.scatter.add.f32 [tilespmem:s20], [sflag:$0x3], $0x80, s0, s19, $0xb8;
	[tilespmem:$0x1E800] =	vst v63  }
0x96: {  	_ =	swait.ge [sflag:s17], $0x4000  }
0x97: {  	[sflag:s17] =	ssyncset.done $0x0  }
0x98: {  	s0 =	sadd.s32 $0x100, s29;
	[sflag:s17] =	ssyncadd.s32 $0xFFFFC000  }
0x99: {  	[tilespmem:s20], [sflag:$0x1] =	stream.indirect.gather [hbm4b:s1+s19], $0x80, s0, s19, $0xb8;
	[tilespmem:$0x1E800] =	vst v63  }
0x9a: {  	_ =	swait.ge [sflag:s23], $0x4000  }
.Ltmp1:
0x9b: {  	[sflag:s23] =	ssyncset.done $0x0;
	(pc) =	sbr.rel @p1 .LBB2_4-.Ltmp1, $4  }
0x9c: {  	s0 =	sadd.s32 $0x1480, s29;
	[sflag:s23] =	ssyncadd.s32 $0xFFFFC000  }
0x9d: {  	[spmem:s3] =	stream.indirect.scatter.add.f32 [tilespmem:s21], [sflag:$0x3], $0x80, s0, s19, $0xb8;
	[tilespmem:$0x1E800] =	vst v63  }
0x9e: {  	_ =	swait.ge [sflag:s17], $0x4000  }
0x9f: {  	s30 =	smov.u32 s31;
	s29 =	sshra.s32 s2, $0x2;
	[sflag:s17] =	ssyncset.done $0x0  }
0xa0: {  	s0 =	sadd.s32 $0x80, s29;
	[sflag:s17] =	ssyncadd.s32 $0xFFFFC000  }
0xa1: {  	[tilespmem:s21], [sflag:$0x2] =	stream.indirect.gather [hbm4b:s1+s19], $0x80, s0, s19, $0xb8;
	[tilespmem:$0x1E800] =	vst v63  }
0xa2: {  	_ =	swait.ge [sflag:s22], $0x4000  }
0xa3: {  	[sflag:s22] =	ssyncset.done $0x0  }
0xa4: {  	s2 =	sadd.s32 $0x1400, s29;
	[sflag:s22] =	ssyncadd.s32 $0xFFFFC000  }
0xa5: {  	[spmem:s3] =	stream.indirect.scatter.add.f32 [tilespmem:s20], [sflag:$0x3], $0x80, s2, s19, $0xb8;
	[tilespmem:$0x1E800] =	vst v63  }
0xa6: {  	_ =	swait.ge [sflag:s17], $0x4000  }
0xa7: {  	[sflag:s17] =	ssyncset.done $0x0  }
0xa8: {  	s30 =	sadd.s32 $0x100, s29;
	[sflag:s17] =	ssyncadd.s32 $0xFFFFC000  }
0xa9: {  	[tilespmem:s20], [sflag:$0x1] =	stream.indirect.gather [hbm4b:s1+s19], $0x80, s30, s19, $0xb8;
	[tilespmem:$0x1E800] =	vst v63  }
0xaa: {  	_ =	swait.ge [sflag:s23], $0x4000  }
0xab: {  	[sflag:s23] =	ssyncset.done $0x0  }
0xac: {  	s31 =	sadd.s32 $0x1480, s29;
	[sflag:s23] =	ssyncadd.s32 $0xFFFFC000  }
0xad: {  	[spmem:s3] =	stream.indirect.scatter.add.f32 [tilespmem:s21], [sflag:$0x3], $0x80, s31, s19, $0xb8;
	[tilespmem:$0x1E800] =	vst v63  }
0xae: {  	_ =	swait.ge [sflag:s17], $0x4000  }
0xaf: {  	[sflag:s17] =	ssyncset.done $0x0  }
0xb0: {  	[sflag:s17] =	ssyncadd.s32 $0xFFFFC000  }
0xb1: {  	[tilespmem:s21], [sflag:$0x2] =	stream.indirect.gather [hbm4b:s1+s19], $0x80, s24, s19, $0xb8;
	[tilespmem:$0x1E800] =	vst v63  }
0xb2: {  	_ =	swait.ge [sflag:s22], $0x4000  }
0xb3: {  	[sflag:s22] =	ssyncset.done $0x0  }
0xb4: {  	[sflag:s22] =	ssyncadd.s32 $0xFFFFC000  }
0xb5: {  	[spmem:s3] =	stream.indirect.scatter.add.f32 [tilespmem:s20], [sflag:$0x3], $0x80, s25, s19, $0xb8;
	[tilespmem:$0x1E800] =	vst v63  }
0xb6: {  	_ =	swait.ge [sflag:s17], $0x4000  }
0xb7: {  	[sflag:s17] =	ssyncset.done $0x0  }
0xb8: {  	[sflag:s17] =	ssyncadd.s32 $0xFFFFC000  }
0xb9: {  	_ =	swait.ge [sflag:s23], $0x4000  }
0xba: {  	[sflag:s23] =	ssyncset.done $0x0  }
0xbb: {  	[sflag:s23] =	ssyncadd.s32 $0xFFFFC000  }
0xbc: {  	[spmem:s3] =	stream.indirect.scatter.add.f32 [tilespmem:s21], [sflag:$0x3], $0x80, s26, s19, $0xb8;
	[tilespmem:$0x1E800] =	vst v63  }
0xbd: {  	_ =	swait.ge [sflag:s17], $0x4000  }
0xbe: {  	[sflag:s17] =	ssyncset.done $0x0  }
0xbf: {  	[sflag:s17] =	ssyncadd.s32 $0xFFFFC000  }
0xc0: {  	s0 =	sshrl.u32 @p0 s7, $0x3;
	s2 =	simm.s32 @p0 $0x1FC3;
	[bflag:$0x0] =	sbarrier.arrive $0xFFFF  }
0xc1: {  	[hbm:s15], [sflag:s2] =	dma.local @p0 [spmem:s0], $0x1900  }
0xc2: {  	s0 =	simm.s32 @p0 $0x3  }
0xc3: {  	s28 =	sadd.s32 $0x1, s28;
	s2 =	stileid.u32;
	_ =	swait.ge @p0 [sflag:s0], $0x1900  }
0xc4: {  	p1 =	sne.s32 s28, s16;
	s2 =	sshll.u32 @!p0 s2, $0x6;
	[sflag:s0] =	ssyncset.done @p0 $0x0  }
0xc5: {  	[sflag:s0] =	ssyncadd.s32 @p0 $0xFFFFE700;
	s0 =	sor.u32 @!p0 $0x1C03, s2;
	s2 =	sshrl.u32 @!p0 s7, $0x3  }
0xc6: {  	[hbm:s15], [sflag:s0] =	dma.local @!p0 [spmem:s2], $0x2800  }
.Ltmp2:
0xc7: {  	_ = 	snop;
	(pc) =	sbr.rel @p1 .LBB2_1-.Ltmp2, $4  }
0xc8: {  	s0 =	simm.s32 @!p0 $0x3  }
0xc9: {  	_ =	swait.ge @!p0 [sflag:s0], $0x2800  }
0xca: {  	[sflag:s0] =	ssyncset.done @!p0 $0x0  }
0xcb: {  	[sflag:s0] =	ssyncadd.s32 @!p0 $0xFFFFD800  }
0xcc: {  	_ =	sfence.sel $0x180000  }
0xcd: {  	[bflag:$0x0] =	sbarrier.arrive $0xFFFF  }
0xce: {  	_ =	strace $0x9000004D  }
0xcf: {  	s0 =	stileid.u32;
	[bflag:$0x2] =	sbarrier.arrive $0xFFFF  }
0xd0: {  	p0 =	sne.s32 s0, $0x0;
	s0 =	rddreg [dreg:$0x3]  }
0xd1: {  	s0 =	sadd.s32 @!p0 $0x100000, s0  }
0xd2: {  	[sflag:s0] =	ssyncadd.tile.s32 @!p0 $0x1;
	_ =	shalt  }
.Lfunc_end2:
_tile_overlayer_lowered:
.L_overlay_start_2:
0xd3: {  	(tag) =	ssettag $0x2  }
0xd4: {  	s0 =	rddreg [dreg:$0x0];
	s2 =	stileid.u32  }
0xd5: {  	s1 =	rddreg [dreg:$0x1];
	p0 =	sne.s32 s2, $0x0  }
0xd6: {  	s3 =	rddreg [dreg:$0x2];
	[bflag:$0x3] =	sbarrier.arrive $0xFFFF;
	s2 =	simm.s32 @!p0 $0x1C03  }
0xd7: {  	[timem:s3], [sflag:s2] =	dma.local @!p0 [hbm:s0], s1  }
0xd8: {  	s0 =	simm.s32 @!p0 $0x3  }
0xd9: {  	_ =	swait.ge @!p0 [sflag:s0], s1  }
0xda: {  	s1 =	ssub.s32 @!p0 $0x0, s1;
	[sflag:s0] =	ssyncset.done @!p0 $0x0  }
0xdb: {  	[sflag:s0] =	ssyncadd.s32 @!p0 s1  }
0xdc: {  	[bflag:$0x3] =	sbarrier.arrive $0xFFFF  }
0xdd: {  	_ =	shalt  }

// kernel: kernel.21.cloned.1.call-start
scs
__scs_entry_jumppad:
0x0: {  	(pc) =	sbr.rel $0x88, $3  }
0x1: {  	(tag) =	ssettag $0x0;
	lr =	simm.s32 $0x1  }
0x2: {  	[smem:$0x3F9B] =	sst lr;
	_ =	strace $0xD0000000  }
0x3: {  	_ = 	snop  }
0x4: {  	_ = 	snop  }
0x5: {  	_ = 	snop  }
0x6: {  	_ = 	snop  }
0x7: {  	_ = 	snop  }
__scs_overlays_trampoline_lowered:
0x8: {  	[smem:$0x3FAA] =	sst s0  }
0x9: {  	[smem:$0x3FAB] =	sst s1  }
0xa: {  	[smem:$0x3FAC] =	sst s2  }
0xb: {  	[smem:$0x3FAD] =	sst s3  }
0xc: {  	[smem:$0x3FAE] =	sst s4  }
0xd: {  	[smem:$0x3FAF] =	sst s5  }
0xe: {  	[smem:$0x3FB0] =	sst s6  }
0xf: {  	[smem:$0x3FB1] =	sst s7  }
0x10: {  	[smem:$0x3FB2] =	sst s8  }
0x11: {  	[smem:$0x3FB3] =	sst s9;
	s0 =	simm.s32 @!p0 $0x0  }
0x12: {  	s1 =	sld [smem:$0x3F99];
	s0 =	simm.s32 @p0 $0x1  }
0x13: {  	[smem:$0x3FB4] =	sst s0;
	s0 =	simm.s32 @!p1 $0x0  }
0x14: {  	s2 =	sld [smem:$0x3F98];
	s0 =	simm.s32 @p1 $0x1  }
0x15: {  	[smem:$0x3FB5] =	sst s0;
	s0 =	simm.s32 @!p2 $0x0  }
0x16: {  	s3 =	sld [smem:$0x3FDB];
	s0 =	simm.s32 @p2 $0x1  }
0x17: {  	s4 =	simm.s32 $0x1BF5;
	[smem:$0x3FB7] =	sst s0  }
0x18: {  	s0 =	sld [smem:$0x3F9A];
	_ =	swait.ge [sflag:s4], $0x0  }
0x19: {  	s7 =	sld [smem:$0x3F9B]  }
0x1a: {  	s8 =	sadd.s32 $0xFFFFE003, lr  }
0x1b: {  	s9 =	sadd.s32 $0xFFFFFEF7, lr;
	s5 =	simm.s32 $0xFFFFFFFF;
	p2 =	slt.u32 s8, $0xFFFFF086  }
0x1c: {  	p1 =	slt.u32 s9, $0xF7A;
	s5 =	simm.s32 @!p2 $0x0  }
0x1d: {  	s5 =	simm.s32 @p1 $0x1;
	p0 =	seq.s32 s7, s2  }
0x1e: {  	s7 =	smul.u32 @!p0 $0xF7A, s2;
	p2 =	seq.s32 @!p0 s5, $0x0  }
0x1f: {  	s9 =	smul.u32 $0xF7A, s1;
	s8 =	simm.s32 @!p0 $0x1BF5;
	p2 =	por !p2, p0  }
0x20: {  	[sflag:s8] =	ssyncset.s32 @!p0 $0xFFFFF086;
	s6 =	sadd.s32 @!p0 s3, s7;
	s7 =	simm.s32 @!p0 $0x108  }
0x21: {  	s3 =	sadd.s32 s3, s9;
	s6 =	sadd.s32 @!p0 $0x88, s6;
	s7 =	simm.s32 @p2 $0x1082  }
0x22: {  	[simem:s7], [sflag:s8] =	dma.local @!p0 [hbm:s6], $0xF7A  }
0x23: {  	s9 =	sor.u32 $0xD0000000, s2;
	s6 =	simm.s32 $0x108;
	_ =	swait.ge @!p0 [sflag:s8], $0x0  }
0x24: {  	s3 =	sadd.s32 $0x88, s3;
	s6 =	simm.s32 @!p1 $0x1082;
	[sflag:s4] =	ssyncset.s32 $0xFFFFF086  }
0x25: {  	[simem:s6], [sflag:s4] =	dma.local [hbm:s3], $0xF7A  }
0x26: {  	[smem:$0x3F9B] =	sst s1;
	(tag) =	ssettag s2;
	_ =	strace s9  }
0x27: {  	s1 =	sld [smem:$0x3FAB]  }
0x28: {  	s2 =	sld [smem:$0x3FAC]  }
0x29: {  	s4 =	sld [smem:$0x3FAE]  }
0x2a: {  	p0 =	seq.s32 s5, $0x0;
	s5 =	sld [smem:$0x3FAF]  }
0x2b: {  	s6 =	sld [smem:$0x3FB0]  }
0x2c: {  	s7 =	sld [smem:$0x3FB1]  }
0x2d: {  	s3 =	simm.s32 $0x108;
	s8 =	sld [smem:$0x3FB2]  }
0x2e: {  	s3 =	simm.s32 @!p0 $0x1082;
	s9 =	sld [smem:$0x3FB3]  }
0x2f: {  	lr =	sadd.s32 s0, s3;
	s0 =	sld [smem:$0x3FAA]  }
0x30: {  	s3 =	sld [smem:$0x3FAD]  }
0x31: {  	[smem:$0x3FB6] =	sst s10  }
0x32: {  	s10 =	sld [smem:$0x3FB4];
	_ =	sdelay $0x3  }
0x33: {  	p0 =	seq.s32 s10, $0x1;
	s10 =	sld [smem:$0x3FB6];
	_ =	sdelay $0x3  }
0x34: {  	[smem:$0x3FB6] =	sst s10  }
0x35: {  	s10 =	sld [smem:$0x3FB5];
	_ =	sdelay $0x3  }
0x36: {  	p1 =	seq.s32 s10, $0x1;
	s10 =	sld [smem:$0x3FB6];
	_ =	sdelay $0x3  }
0x37: {  	[smem:$0x3FB6] =	sst s10  }
0x38: {  	s10 =	sld [smem:$0x3FB7]  }
0x39: {  	_ = 	snop;
	(pc) =	sbr.ind lr, $3  }
0x3a: {  	_ = 	snop  }
0x3b: {  	_ = 	snop  }
0x3c: {  	p2 =	seq.s32 s10, $0x1;
	s10 =	sld [smem:$0x3FB6]  }
0x3d: {  	_ =	shalt  }
0x3e: {  	_ =	shalt  }
0x3f: {  	_ =	shalt  }
0x40: {  	_ =	shalt  }
0x41: {  	_ =	shalt  }
0x42: {  	_ =	shalt  }
0x43: {  	_ =	shalt  }
0x44: {  	_ =	shalt  }
0x45: {  	_ =	shalt  }
0x46: {  	_ =	shalt  }
0x47: {  	_ =	shalt  }
0x48: {  	_ =	shalt  }
0x49: {  	_ =	shalt  }
0x4a: {  	_ =	shalt  }
0x4b: {  	_ =	shalt  }
0x4c: {  	_ =	shalt  }
0x4d: {  	_ =	shalt  }
0x4e: {  	_ =	shalt  }
0x4f: {  	_ =	shalt  }
0x50: {  	_ =	shalt  }
0x51: {  	_ =	shalt  }
0x52: {  	_ =	shalt  }
0x53: {  	_ =	shalt  }
0x54: {  	_ =	shalt  }
0x55: {  	_ =	shalt  }
0x56: {  	_ =	shalt  }
0x57: {  	_ =	shalt  }
0x58: {  	_ =	shalt  }
0x59: {  	_ =	shalt  }
0x5a: {  	_ =	shalt  }
0x5b: {  	_ =	shalt  }
0x5c: {  	_ =	shalt  }
0x5d: {  	_ =	shalt  }
0x5e: {  	_ =	shalt  }
0x5f: {  	_ =	shalt  }
0x60: {  	_ =	shalt  }
0x61: {  	_ =	shalt  }
0x62: {  	_ =	shalt  }
0x63: {  	_ =	shalt  }
0x64: {  	_ =	shalt  }
0x65: {  	_ =	shalt  }
0x66: {  	_ =	shalt  }
0x67: {  	_ =	shalt  }
0x68: {  	_ =	shalt  }
0x69: {  	_ =	shalt  }
0x6a: {  	_ =	shalt  }
0x6b: {  	_ =	shalt  }
0x6c: {  	_ =	shalt  }
0x6d: {  	_ =	shalt  }
0x6e: {  	_ =	shalt  }
0x6f: {  	_ =	shalt  }
0x70: {  	_ =	shalt  }
0x71: {  	_ =	shalt  }
0x72: {  	_ =	shalt  }
0x73: {  	_ =	shalt  }
0x74: {  	_ =	shalt  }
0x75: {  	_ =	shalt  }
0x76: {  	_ =	shalt  }
0x77: {  	_ =	shalt  }
0x78: {  	_ =	shalt  }
0x79: {  	_ =	shalt  }
0x7a: {  	_ =	shalt  }
0x7b: {  	_ =	shalt  }
0x7c: {  	_ =	shalt  }
0x7d: {  	_ =	shalt  }
0x7e: {  	_ =	shalt  }
0x7f: {  	_ =	shalt  }
0x80: {  	_ =	shalt  }
0x81: {  	_ =	shalt  }
0x82: {  	_ =	shalt  }
0x83: {  	_ =	shalt  }
0x84: {  	_ =	shalt  }
0x85: {  	_ =	shalt  }
0x86: {  	_ =	shalt  }
0x87: {  	_ =	shalt  }
.Lfunc_end0:
.L_simem_size_0:
called_computation.3_lowered:
.L_overlay_start_0:
0x88: {  	s2 =	sld [smem:$0x3FD9]  }
0x89: {  	s3 =	sld [smem:$0x3FFE];
	_ =	sdelay $0x1  }
0x8a: {  	s1 =	srdreg.scid  }
0x8b: {  	s0 =	sand.u32 $0x1, s1  }
0x8c: {  	s16 =	sshll.u32 s0, $0xA;
	s2 =	sadd.s32 s3, s2  }
0x8d: {  	s2 =	sadd.s32 s2, s16  }
0x8e: {  	[smem:$0x3FC2] =	sst s2  }
0x8f: {  	_ = 	snop  }
0x90: {  	(tm) =	ssettm $0x1  }
0x91: {  	s17 =	sld [smem:$0x3FFB];
	_ =	sdelay $0x3  }
0x92: {  	_ =	strace s17  }
0x93: {  	s2 =	sld [smem:$0x3FFC];
	_ =	sdelay $0x3  }
0x94: {  	_ =	strace s2  }
0x95: {  	s2 =	sld [smem:$0x3FFD];
	_ =	sdelay $0x3  }
0x96: {  	_ =	strace s2  }
0x97: {  	_ =	strace $0x8FFFFFFF  }
0x98: {  	s18 =	sld [smem:$0x3FDB];
	_ =	sdelay $0x1  }
0x99: {  	s19 =	simm.s32 $_scs_section_size  }
0x9a: {  	s4 =	simm.s32 $_size__tile_overlayer_lowered;
	s5 =	simm.s32 $_tile_overlayer_lowered  }
0x9b: {  	s22 =	simm.s32 $0x1BFF;
	s21 =	sshll.u32 s5, $0x1;
	s2 =	sadd.s32 s19, s18  }
0x9c: {  	s6 =	simm.s32 $0x0;
	s20 =	sshll.u32 s4, $0x1;
	s4 =	sadd.s32 s21, s2  }
0x9d: {  	[timem:s6], [sflag:s22] =	dma.local [hbm:s4], s20  }
0x9e: {  	_ =	swait.ge [sflag:s22], s20  }
0x9f: {  	s3 =	ssub.s32 $0x0, s20;
	[sflag:s22] =	ssyncset.done $0x0  }
0xa0: {  	[sflag:s22] =	ssyncadd.s32 s3;
	_ =	sdelay $0x1  }
0xa1: {  	s23 =	simm.s32 $0x1B8B  }
0xa2: {  	_ =	swait.ge [sflag:s23], $0x1  }
0xa3: {  	[sflag:s23] =	ssyncset.done $0x0  }
0xa4: {  	s25 =	simm.s32 $0x1B8E;
	s24 =	sld [smem:$0x3FFE];
	[sflag:s23] =	ssyncadd.s32 $0xFFFFFFFF  }
0xa5: {  	s26 =	simm.s32 $execute0_lowered;
	[smem:$0x3FD2] =	sst s25  }
0xa6: {  	s4 =	sshll.u32 s26, $0x1;
	_ =	strace $0x8000004F;
	[dreg:$0x1] =	wrdreg $0xFFFFFFFF  }
0xa7: {  	s28 =	simm.s32 $_size_execute0_lowered;
	s2 =	sadd.s32 s2, s4;
	[dreg:$0x0] =	wrdreg $0x0  }
0xa8: {  	s4 =	sshll.u32 s28, $0x1;
	[dreg:$0x2] =	wrdreg s2  }
0xa9: {  	[dreg:$0x3] =	wrdreg s4  }
0xaa: {  	[dreg:$0x4] =	wrdreg $0xC0  }
0xab: {  	_ =	task [dreg:s6], $0x5FFFF  }
0xac: {  	[dreg:$0x1] =	wrdreg $0xFFFFFFFF  }
0xad: {  	[dreg:$0x0] =	wrdreg $0x60  }
0xae: {  	[dreg:$0x2] =	wrdreg s24  }
0xaf: {  	[dreg:$0x3] =	wrdreg $0xA8000  }
0xb0: {  	[dreg:$0x4] =	wrdreg $0x9  }
0xb1: {  	_ =	task.clear_ibuf [dreg:s6], $0x5FFFF;
	_ =	strace $0x9000004F  }
0xb2: {  	s29 =	simm.s32 $0x9;
	_ =	strace $0x80000051  }
0xb3: {  	_ =	swait.ge [sflag:s29], $0x1  }
0xb4: {  	[sflag:s29] =	ssyncadd.s32 $0xFFFFFFFF  }
0xb5: {  	_ =	strace $0x90000051  }
0xb6: {  	_ =	sfence  }
0xb7: {  	s30 =	sld [smem:$0x0];
	_ =	sdelay $0x2  }
0xb8: {  	s31 =	sshll.u32 s1, $0xD;
	s1 =	sshrl.u32 s1, $0x2  }
0xb9: {  	s3 =	sand.u32 $0x4000, s31;
	s1 =	sadd.s32 s1, s30  }
0xba: {  	s0 =	sor.u32 s3, s0;
	s1 =	sshll.u32 s1, $0x11  }
0xbb: {  	s0 =	sor.u32 s1, s0  }
0xbc: {  	s0 =	sadd.s32 $0x8F2B, s0  }
0xbd: {  	[sflag:s0] =	ssyncadd.remote.s32 $0x1  }
0xbe: {  	_ =	sfence.sel $0xFFFF  }
0xbf: {  	[dreg:$0x0] =	wrdreg $0xFFFFFFFF;
	(pc) =	sbr.abs _section_cstart, $3  }
0xc0: {  	[dreg:$0x1] =	wrdreg $0xFFFFFFFF  }
0xc1: {  	_ =	task.clear_ibuf [dreg:s6], $0x2FFFF;
	_ =	strace $0x9FFFFFFF  }
0xc2: {  	(tm) =	ssettm $0x7FFFFFFF  }
0xc3: {  	_ =	shalt  }
tec
execute0_lowered:
.L_overlay_start_1:
0x0: {  	(tag) =	ssettag $0x1  }
0x1: {  	s0 =	srdreg.scid;
	s6 =	rddreg [dreg:$0x0]  }
0x2: {  	s26 =	stileid.u32;
	s2 =	rddreg [dreg:$0x1];
	s3 =	simm.s32 $0x0  }
0x3: {  	s17 =	simm.s32 $0x3;
	s18 =	simm.s32 $0x1400;
	s19 =	simm.s32 $0x80  }
0x4: {  	s20 =	simm.s32 $0x2800;
	s21 =	simm.s32 $0x6800;
	s22 =	simm.s32 $0x1  }
0x5: {  	s23 =	simm.s32 $0x2;
	s24 =	simm.s32 $0x1380;
	s5 =	smul.u32 $0x2800, s26  }
0x6: {  	s25 =	simm.s32 $0x2700;
	s28 =	simm.s32 $0x0;
	s8 =	smul.u32 $0x280, s26  }
0x7: {  	s7 =	sand.u32 $0x1, s0;
	[smem:$0x7FF] =	sst s3;
	s29 =	smul.u32 $0x50000, s26  }
0x8: {  	p0 =	seq.s32 s26, $0xF;
	s26 =	simm.s32 $0x2780;
	s4 =	smul.u32 $0x28000, s7  }
0x9: {  	_ =	strace $0x80000050;
	s10 =	smul.u32 $0x2710, s7;
	s7 =	ssub.s32 $0x2, s7  }
0xa: {  	s30 =	sshrl.u32 s7, $0x1;
	s31 =	sshrl.u32 s29, $0x2;
	s4 =	sadd.s32 s5, s4  }
0xb: {  	s5 =	sshrl.u32 s5, $0x3;
	s8 =	sadd.s32 s8, s10;
	s16 =	ssub.s32 s7, s30  }
0xc: {  	s7 =	sadd.s32 s31, s2;
	s9 =	sshrl.u32 s4, $0x3;
	s4 =	sadd.s32 $0xB4200, s6  }
0xd: {  	s14 =	sadd.s32 s5, s6;
	s5 =	sadd.s32 $0x7E00, s6;
	s8 =	sshll.u32 s8, $0x4  }
0xe: {  	s10 =	sadd.s32 $0x8000, s7;
	s11 =	sadd.s32 $0xC000, s7;
	s12 =	sadd.s32 $0x10000, s7  }
0xf: {  	s16 =	smax.u32 s16, $0x1;
	s13 =	sadd.s32 s9, s6;
	s15 =	sadd.s32 s8, s6  }
0x10: {  	s8 =	sadd.s32 $0x8E00, s14;
	s9 =	sadd.s32 $0x4000, s7;
	s14 =	sadd.s32 $0x9080, s14  }
0x11: {  	s6 =	sadd.s32 $0xDE00, s13;
	s13 =	sadd.s32 $0xE080, s13;
	s15 =	sadd.s32 $0x66000, s15  }
.LBB2_1:
0x12: {  	[tilespmem:s3], [sflag:$0x3] =	stream.linear.gather [hbm4b:s6+s3], $0x1400, $0x38;
	[tilespmem:$0x1E800] =	vst v63  }
0x13: {  	_ =	swait.ge [sflag:s17], $0x1400  }
0x14: {  	[sflag:s17] =	ssyncset.done $0x0  }
0x15: {  	[sflag:s17] =	ssyncadd.s32 $0xFFFFEC00  }
0x16: {  	[tilespmem:s18], [sflag:$0x3] =	stream.linear.gather [hbm4b:s8+s3], $0x1400, $0x38;
	[tilespmem:$0x1E800] =	vst v63  }
0x17: {  	_ =	swait.ge [sflag:s17], $0x1400  }
0x18: {  	[sflag:s17] =	ssyncset.done $0x0  }
0x19: {  	[sflag:s17] =	ssyncadd.s32 $0xFFFFEC00  }
0x1a: {  	[tilespmem:s20], [sflag:$0x1] =	stream.indirect.gather [hbm4b:s4+s19], $0x80, s3, s19, $0xb8;
	[tilespmem:$0x1E800] =	vst v63  }
0x1b: {  	_ = 	snop  }
0x1c: {  	[tilespmem:s21], [sflag:$0x3] =	stream.linear.gather [hbm4b:s5+s3], $0x4000, $0x38;
	[tilespmem:$0x1E800] =	vst v63  }
0x1d: {  	_ =	swait.ge [sflag:s17], $0x4000  }
0x1e: {  	[sflag:s17] =	ssyncset.done $0x0  }
0x1f: {  	[sflag:s17] =	ssyncadd.s32 $0xFFFFC000  }
0x20: {  	[spmem:s7] =	stream.linear.scatter [tilespmem:s21], [sflag:$0x3], $0x4000, $0x38;
	[tilespmem:$0x1E800] =	vst v63  }
0x21: {  	_ =	swait.ge [sflag:s17], $0x4000  }
0x22: {  	[sflag:s17] =	ssyncset.done $0x0  }
0x23: {  	[sflag:s17] =	ssyncadd.s32 $0xFFFFC000  }
0x24: {  	[spmem:s9] =	stream.linear.scatter [tilespmem:s21], [sflag:$0x3], $0x4000, $0x38;
	[tilespmem:$0x1E800] =	vst v63  }
0x25: {  	_ =	swait.ge [sflag:s17], $0x4000  }
0x26: {  	[sflag:s17] =	ssyncset.done $0x0  }
0x27: {  	[sflag:s17] =	ssyncadd.s32 $0xFFFFC000  }
0x28: {  	[spmem:s10] =	stream.linear.scatter [tilespmem:s21], [sflag:$0x3], $0x4000, $0x38;
	[tilespmem:$0x1E800] =	vst v63  }
0x29: {  	_ =	swait.ge [sflag:s17], $0x4000  }
0x2a: {  	[sflag:s17] =	ssyncset.done $0x0  }
0x2b: {  	[sflag:s17] =	ssyncadd.s32 $0xFFFFC000  }
0x2c: {  	[spmem:s11] =	stream.linear.scatter [tilespmem:s21], [sflag:$0x3], $0x4000, $0x38;
	[tilespmem:$0x1E800] =	vst v63  }
0x2d: {  	_ =	swait.ge [sflag:s17], $0x4000  }
0x2e: {  	[sflag:s17] =	ssyncset.done $0x0  }
0x2f: {  	[sflag:s17] =	ssyncadd.s32 $0xFFFFC000  }
0x30: {  	[spmem:s12] =	stream.linear.scatter [tilespmem:s21], [sflag:$0x3], $0x4000, $0x38;
	[tilespmem:$0x1E800] =	vst v63  }
0x31: {  	_ =	swait.ge [sflag:s17], $0x4000  }
0x32: {  	[sflag:s17] =	ssyncset.done $0x0  }
0x33: {  	[sflag:s17] =	ssyncadd.s32 $0xFFFFC000  }
0x34: {  	s29 =	simm.s32 $0x80;
	[bflag:$0x0] =	sbarrier.arrive $0xFFFF  }
0x35: {  	[tilespmem:s21], [sflag:$0x2] =	stream.indirect.gather [hbm4b:s4+s19], $0x80, s29, s19, $0xb8;
	[tilespmem:$0x1E800] =	vst v63  }
0x36: {  	_ =	swait.ge [sflag:s22], $0x4000  }
0x37: {  	[sflag:s22] =	ssyncset.done $0x0  }
0x38: {  	s29 =	simm.s32 $0x1400;
	[sflag:s22] =	ssyncadd.s32 $0xFFFFC000  }
0x39: {  	[spmem:s2] =	stream.indirect.scatter.add.f32 [tilespmem:s20], [sflag:$0x3], $0x80, s29, s19, $0xb8;
	[tilespmem:$0x1E800] =	vst v63  }
0x3a: {  	_ =	swait.ge [sflag:s17], $0x4000  }
0x3b: {  	[sflag:s17] =	ssyncset.done $0x0  }
0x3c: {  	s29 =	simm.s32 $0x100;
	[sflag:s17] =	ssyncadd.s32 $0xFFFFC000  }
0x3d: {  	[tilespmem:s20], [sflag:$0x1] =	stream.indirect.gather [hbm4b:s4+s19], $0x80, s29, s19, $0xb8;
	[tilespmem:$0x1E800] =	vst v63  }
0x3e: {  	_ =	swait.ge [sflag:s23], $0x4000  }
0x3f: {  	[sflag:s23] =	ssyncset.done $0x0  }
0x40: {  	s29 =	simm.s32 $0x1480;
	[sflag:s23] =	ssyncadd.s32 $0xFFFFC000  }
0x41: {  	[spmem:s2] =	stream.indirect.scatter.add.f32 [tilespmem:s21], [sflag:$0x3], $0x80, s29, s19, $0xb8;
	[tilespmem:$0x1E800] =	vst v63  }
0x42: {  	_ =	swait.ge [sflag:s17], $0x4000  }
0x43: {  	s30 =	simm.s32 $0x800;
	s29 =	simm.s32 $0x100;
	[sflag:s17] =	ssyncset.done $0x0  }
.LBB2_2:
0x44: {  	s31 =	sadd.s32 $0x80, s29  }
0x45: {  	[sflag:s17] =	ssyncadd.s32 $0xFFFFC000;
	s1 =	smov.u32 s30;
	s0 =	sadd.s32 $0x400, s30  }
0x46: {  	[tilespmem:s21], [sflag:$0x2] =	stream.indirect.gather [hbm4b:s4+s19], $0x80, s31, s19, $0xb8;
	[tilespmem:$0x1E800] =	vst v63  }
0x47: {  	p1 =	sne.s32 s30, $0x4800;
	_ =	swait.ge [sflag:s22], $0x4000  }
0x48: {  	[sflag:s22] =	ssyncset.done $0x0  }
0x49: {  	s30 =	sadd.s32 $0x1400, s29;
	[sflag:s22] =	ssyncadd.s32 $0xFFFFC000  }
0x4a: {  	[spmem:s2] =	stream.indirect.scatter.add.f32 [tilespmem:s20], [sflag:$0x3], $0x80, s30, s19, $0xb8;
	[tilespmem:$0x1E800] =	vst v63  }
0x4b: {  	_ =	swait.ge [sflag:s17], $0x4000  }
0x4c: {  	[sflag:s17] =	ssyncset.done $0x0  }
0x4d: {  	s30 =	sadd.s32 $0x100, s29;
	[sflag:s17] =	ssyncadd.s32 $0xFFFFC000  }
0x4e: {  	[tilespmem:s20], [sflag:$0x1] =	stream.indirect.gather [hbm4b:s4+s19], $0x80, s30, s19, $0xb8;
	[tilespmem:$0x1E800] =	vst v63  }
0x4f: {  	_ =	swait.ge [sflag:s23], $0x4000  }
.Ltmp0:
0x50: {  	[sflag:s23] =	ssyncset.done $0x0;
	(pc) =	sbr.rel @p1 .LBB2_2-.Ltmp0, $4  }
0x51: {  	s29 =	sadd.s32 $0x1480, s29;
	[sflag:s23] =	ssyncadd.s32 $0xFFFFC000  }
0x52: {  	[spmem:s2] =	stream.indirect.scatter.add.f32 [tilespmem:s21], [sflag:$0x3], $0x80, s29, s19, $0xb8;
	[tilespmem:$0x1E800] =	vst v63  }
0x53: {  	_ =	swait.ge [sflag:s17], $0x4000  }
0x54: {  	s30 =	smov.u32 s0;
	s29 =	sshra.s32 s1, $0x2;
	[sflag:s17] =	ssyncset.done $0x0  }
0x55: {  	s0 =	sadd.s32 $0x80, s29;
	[sflag:s17] =	ssyncadd.s32 $0xFFFFC000  }
0x56: {  	[tilespmem:s21], [sflag:$0x2] =	stream.indirect.gather [hbm4b:s4+s19], $0x80, s0, s19, $0xb8;
	[tilespmem:$0x1E800] =	vst v63  }
0x57: {  	_ =	swait.ge [sflag:s22], $0x4000  }
0x58: {  	[sflag:s22] =	ssyncset.done $0x0  }
0x59: {  	s1 =	sadd.s32 $0x1400, s29;
	[sflag:s22] =	ssyncadd.s32 $0xFFFFC000  }
0x5a: {  	[spmem:s2] =	stream.indirect.scatter.add.f32 [tilespmem:s20], [sflag:$0x3], $0x80, s1, s19, $0xb8;
	[tilespmem:$0x1E800] =	vst v63  }
0x5b: {  	_ =	swait.ge [sflag:s17], $0x4000  }
0x5c: {  	[sflag:s17] =	ssyncset.done $0x0  }
0x5d: {  	s31 =	sadd.s32 $0x100, s29;
	[sflag:s17] =	ssyncadd.s32 $0xFFFFC000  }
0x5e: {  	[tilespmem:s20], [sflag:$0x1] =	stream.indirect.gather [hbm4b:s4+s19], $0x80, s31, s19, $0xb8;
	[tilespmem:$0x1E800] =	vst v63  }
0x5f: {  	_ =	swait.ge [sflag:s23], $0x4000  }
0x60: {  	[sflag:s23] =	ssyncset.done $0x0  }
0x61: {  	s1 =	sadd.s32 $0x1480, s29;
	[sflag:s23] =	ssyncadd.s32 $0xFFFFC000  }
0x62: {  	[spmem:s2] =	stream.indirect.scatter.add.f32 [tilespmem:s21], [sflag:$0x3], $0x80, s1, s19, $0xb8;
	[tilespmem:$0x1E800] =	vst v63  }
0x63: {  	_ =	swait.ge [sflag:s17], $0x4000  }
0x64: {  	[sflag:s17] =	ssyncset.done $0x0  }
0x65: {  	[sflag:s17] =	ssyncadd.s32 $0xFFFFC000  }
0x66: {  	[tilespmem:s21], [sflag:$0x2] =	stream.indirect.gather [hbm4b:s4+s19], $0x80, s24, s19, $0xb8;
	[tilespmem:$0x1E800] =	vst v63  }
0x67: {  	_ =	swait.ge [sflag:s22], $0x4000  }
0x68: {  	[sflag:s22] =	ssyncset.done $0x0  }
0x69: {  	[sflag:s22] =	ssyncadd.s32 $0xFFFFC000  }
0x6a: {  	[spmem:s2] =	stream.indirect.scatter.add.f32 [tilespmem:s20], [sflag:$0x3], $0x80, s25, s19, $0xb8;
	[tilespmem:$0x1E800] =	vst v63  }
0x6b: {  	_ =	swait.ge [sflag:s17], $0x4000  }
0x6c: {  	[sflag:s17] =	ssyncset.done $0x0  }
0x6d: {  	[sflag:s17] =	ssyncadd.s32 $0xFFFFC000  }
0x6e: {  	_ =	swait.ge [sflag:s23], $0x4000  }
0x6f: {  	[sflag:s23] =	ssyncset.done $0x0  }
0x70: {  	[sflag:s23] =	ssyncadd.s32 $0xFFFFC000  }
0x71: {  	[spmem:s2] =	stream.indirect.scatter.add.f32 [tilespmem:s21], [sflag:$0x3], $0x80, s26, s19, $0xb8;
	[tilespmem:$0x1E800] =	vst v63  }
0x72: {  	_ =	swait.ge [sflag:s17], $0x4000  }
0x73: {  	[sflag:s17] =	ssyncset.done $0x0  }
0x74: {  	s31 =	simm.s32 $0x0;
	[sflag:s17] =	ssyncadd.s32 $0xFFFFC000  }
0x75: {  	[tilespmem:s31], [sflag:$0x3] =	stream.linear.gather [hbm4b:s13+s31], $0x1400, $0x38;
	[tilespmem:$0x1E800] =	vst v63  }
0x76: {  	_ =	swait.ge [sflag:s17], $0x1400  }
0x77: {  	[sflag:s17] =	ssyncset.done $0x0  }
0x78: {  	[sflag:s17] =	ssyncadd.s32 $0xFFFFEC00  }
0x79: {  	[tilespmem:s18], [sflag:$0x3] =	stream.linear.gather [hbm4b:s14+s31], $0x1400, $0x38;
	[tilespmem:$0x1E800] =	vst v63  }
0x7a: {  	_ =	swait.ge [sflag:s17], $0x1400  }
0x7b: {  	[sflag:s17] =	ssyncset.done $0x0  }
0x7c: {  	[sflag:s17] =	ssyncadd.s32 $0xFFFFEC00  }
0x7d: {  	[tilespmem:s20], [sflag:$0x1] =	stream.indirect.gather [hbm4b:s4+s19], $0x80, s31, s19, $0xb8;
	[tilespmem:$0x1E800] =	vst v63  }
0x7e: {  	s1 =	simm.s32 $0x80  }
0x7f: {  	[tilespmem:s21], [sflag:$0x2] =	stream.indirect.gather [hbm4b:s4+s19], $0x80, s1, s19, $0xb8;
	[tilespmem:$0x1E800] =	vst v63  }
0x80: {  	_ =	swait.ge [sflag:s22], $0x4000  }
0x81: {  	[sflag:s22] =	ssyncset.done $0x0  }
0x82: {  	s31 =	simm.s32 $0x1400;
	[sflag:s22] =	ssyncadd.s32 $0xFFFFC000  }
0x83: {  	[spmem:s2] =	stream.indirect.scatter.add.f32 [tilespmem:s20], [sflag:$0x3], $0x80, s31, s19, $0xb8;
	[tilespmem:$0x1E800] =	vst v63  }
0x84: {  	_ =	swait.ge [sflag:s17], $0x4000  }
0x85: {  	[sflag:s17] =	ssyncset.done $0x0  }
0x86: {  	s1 =	simm.s32 $0x100;
	[sflag:s17] =	ssyncadd.s32 $0xFFFFC000  }
0x87: {  	[tilespmem:s20], [sflag:$0x1] =	stream.indirect.gather [hbm4b:s4+s19], $0x80, s1, s19, $0xb8;
	[tilespmem:$0x1E800] =	vst v63  }
0x88: {  	_ =	swait.ge [sflag:s23], $0x4000  }
0x89: {  	[sflag:s23] =	ssyncset.done $0x0  }
0x8a: {  	s31 =	simm.s32 $0x1480;
	[sflag:s23] =	ssyncadd.s32 $0xFFFFC000  }
0x8b: {  	[spmem:s2] =	stream.indirect.scatter.add.f32 [tilespmem:s21], [sflag:$0x3], $0x80, s31, s19, $0xb8;
	[tilespmem:$0x1E800] =	vst v63  }
0x8c: {  	_ =	swait.ge [sflag:s17], $0x4000  }
0x8d: {  	s30 =	simm.s32 $0x800;
	s29 =	simm.s32 $0x100;
	[sflag:s17] =	ssyncset.done $0x0  }
.LBB2_4:
0x8e: {  	s0 =	sadd.s32 $0x80, s29  }
0x8f: {  	[sflag:s17] =	ssyncadd.s32 $0xFFFFC000;
	s1 =	smov.u32 s30;
	s31 =	sadd.s32 $0x400, s30  }
0x90: {  	[tilespmem:s21], [sflag:$0x2] =	stream.indirect.gather [hbm4b:s4+s19], $0x80, s0, s19, $0xb8;
	[tilespmem:$0x1E800] =	vst v63  }
0x91: {  	p1 =	sne.s32 s30, $0x4800;
	_ =	swait.ge [sflag:s22], $0x4000  }
0x92: {  	[sflag:s22] =	ssyncset.done $0x0  }
0x93: {  	s0 =	sadd.s32 $0x1400, s29;
	[sflag:s22] =	ssyncadd.s32 $0xFFFFC000  }
0x94: {  	[spmem:s2] =	stream.indirect.scatter.add.f32 [tilespmem:s20], [sflag:$0x3], $0x80, s0, s19, $0xb8;
	[tilespmem:$0x1E800] =	vst v63  }
0x95: {  	_ =	swait.ge [sflag:s17], $0x4000  }
0x96: {  	[sflag:s17] =	ssyncset.done $0x0  }
0x97: {  	s0 =	sadd.s32 $0x100, s29;
	[sflag:s17] =	ssyncadd.s32 $0xFFFFC000  }
0x98: {  	[tilespmem:s20], [sflag:$0x1] =	stream.indirect.gather [hbm4b:s4+s19], $0x80, s0, s19, $0xb8;
	[tilespmem:$0x1E800] =	vst v63  }
0x99: {  	_ =	swait.ge [sflag:s23], $0x4000  }
.Ltmp1:
0x9a: {  	[sflag:s23] =	ssyncset.done $0x0;
	(pc) =	sbr.rel @p1 .LBB2_4-.Ltmp1, $4  }
0x9b: {  	s0 =	sadd.s32 $0x1480, s29;
	[sflag:s23] =	ssyncadd.s32 $0xFFFFC000  }
0x9c: {  	[spmem:s2] =	stream.indirect.scatter.add.f32 [tilespmem:s21], [sflag:$0x3], $0x80, s0, s19, $0xb8;
	[tilespmem:$0x1E800] =	vst v63  }
0x9d: {  	_ =	swait.ge [sflag:s17], $0x4000  }
0x9e: {  	s30 =	smov.u32 s31;
	s29 =	sshra.s32 s1, $0x2;
	[sflag:s17] =	ssyncset.done $0x0  }
0x9f: {  	s0 =	sadd.s32 $0x80, s29;
	[sflag:s17] =	ssyncadd.s32 $0xFFFFC000  }
0xa0: {  	[tilespmem:s21], [sflag:$0x2] =	stream.indirect.gather [hbm4b:s4+s19], $0x80, s0, s19, $0xb8;
	[tilespmem:$0x1E800] =	vst v63  }
0xa1: {  	_ =	swait.ge [sflag:s22], $0x4000  }
0xa2: {  	[sflag:s22] =	ssyncset.done $0x0  }
0xa3: {  	s1 =	sadd.s32 $0x1400, s29;
	[sflag:s22] =	ssyncadd.s32 $0xFFFFC000  }
0xa4: {  	[spmem:s2] =	stream.indirect.scatter.add.f32 [tilespmem:s20], [sflag:$0x3], $0x80, s1, s19, $0xb8;
	[tilespmem:$0x1E800] =	vst v63  }
0xa5: {  	_ =	swait.ge [sflag:s17], $0x4000  }
0xa6: {  	[sflag:s17] =	ssyncset.done $0x0  }
0xa7: {  	s30 =	sadd.s32 $0x100, s29;
	[sflag:s17] =	ssyncadd.s32 $0xFFFFC000  }
0xa8: {  	[tilespmem:s20], [sflag:$0x1] =	stream.indirect.gather [hbm4b:s4+s19], $0x80, s30, s19, $0xb8;
	[tilespmem:$0x1E800] =	vst v63  }
0xa9: {  	_ =	swait.ge [sflag:s23], $0x4000  }
0xaa: {  	[sflag:s23] =	ssyncset.done $0x0  }
0xab: {  	s31 =	sadd.s32 $0x1480, s29;
	[sflag:s23] =	ssyncadd.s32 $0xFFFFC000  }
0xac: {  	[spmem:s2] =	stream.indirect.scatter.add.f32 [tilespmem:s21], [sflag:$0x3], $0x80, s31, s19, $0xb8;
	[tilespmem:$0x1E800] =	vst v63  }
0xad: {  	_ =	swait.ge [sflag:s17], $0x4000  }
0xae: {  	[sflag:s17] =	ssyncset.done $0x0  }
0xaf: {  	[sflag:s17] =	ssyncadd.s32 $0xFFFFC000  }
0xb0: {  	[tilespmem:s21], [sflag:$0x2] =	stream.indirect.gather [hbm4b:s4+s19], $0x80, s24, s19, $0xb8;
	[tilespmem:$0x1E800] =	vst v63  }
0xb1: {  	_ =	swait.ge [sflag:s22], $0x4000  }
0xb2: {  	[sflag:s22] =	ssyncset.done $0x0  }
0xb3: {  	[sflag:s22] =	ssyncadd.s32 $0xFFFFC000  }
0xb4: {  	[spmem:s2] =	stream.indirect.scatter.add.f32 [tilespmem:s20], [sflag:$0x3], $0x80, s25, s19, $0xb8;
	[tilespmem:$0x1E800] =	vst v63  }
0xb5: {  	_ =	swait.ge [sflag:s17], $0x4000  }
0xb6: {  	[sflag:s17] =	ssyncset.done $0x0  }
0xb7: {  	[sflag:s17] =	ssyncadd.s32 $0xFFFFC000  }
0xb8: {  	_ =	swait.ge [sflag:s23], $0x4000  }
0xb9: {  	[sflag:s23] =	ssyncset.done $0x0  }
0xba: {  	[sflag:s23] =	ssyncadd.s32 $0xFFFFC000  }
0xbb: {  	[spmem:s2] =	stream.indirect.scatter.add.f32 [tilespmem:s21], [sflag:$0x3], $0x80, s26, s19, $0xb8;
	[tilespmem:$0x1E800] =	vst v63  }
0xbc: {  	_ =	swait.ge [sflag:s17], $0x4000  }
0xbd: {  	[sflag:s17] =	ssyncset.done $0x0  }
0xbe: {  	[sflag:s17] =	ssyncadd.s32 $0xFFFFC000  }
0xbf: {  	s0 =	sshrl.u32 @p0 s7, $0x3;
	s1 =	simm.s32 @p0 $0x1FC3;
	[bflag:$0x0] =	sbarrier.arrive $0xFFFF  }
0xc0: {  	[hbm:s15], [sflag:s1] =	dma.local @p0 [spmem:s0], $0x1900  }
0xc1: {  	s0 =	simm.s32 @p0 $0x3  }
0xc2: {  	s28 =	sadd.s32 $0x1, s28;
	s1 =	stileid.u32;
	_ =	swait.ge @p0 [sflag:s0], $0x1900  }
0xc3: {  	p1 =	sne.s32 s28, s16;
	s1 =	sshll.u32 @!p0 s1, $0x6;
	[sflag:s0] =	ssyncset.done @p0 $0x0  }
0xc4: {  	[sflag:s0] =	ssyncadd.s32 @p0 $0xFFFFE700;
	s0 =	sor.u32 @!p0 $0x1C03, s1;
	s1 =	sshrl.u32 @!p0 s7, $0x3  }
0xc5: {  	[hbm:s15], [sflag:s0] =	dma.local @!p0 [spmem:s1], $0x2800  }
.Ltmp2:
0xc6: {  	_ = 	snop;
	(pc) =	sbr.rel @p1 .LBB2_1-.Ltmp2, $4  }
0xc7: {  	s0 =	simm.s32 @!p0 $0x3  }
0xc8: {  	_ =	swait.ge @!p0 [sflag:s0], $0x2800  }
0xc9: {  	[sflag:s0] =	ssyncset.done @!p0 $0x0  }
0xca: {  	[sflag:s0] =	ssyncadd.s32 @!p0 $0xFFFFD800  }
0xcb: {  	_ =	sfence.sel $0x180000  }
0xcc: {  	[bflag:$0x0] =	sbarrier.arrive $0xFFFF  }
0xcd: {  	_ =	strace $0x90000050  }
0xce: {  	s0 =	stileid.u32;
	[bflag:$0x2] =	sbarrier.arrive $0xFFFF  }
0xcf: {  	p0 =	sne.s32 s0, $0x0;
	s0 =	rddreg [dreg:$0x2]  }
0xd0: {  	s0 =	sadd.s32 @!p0 $0x100000, s0  }
0xd1: {  	[sflag:s0] =	ssyncadd.tile.s32 @!p0 $0x1;
	_ =	shalt  }
.Lfunc_end2:
_tile_overlayer_lowered:
.L_overlay_start_2:
0xd2: {  	(tag) =	ssettag $0x2  }
0xd3: {  	s0 =	rddreg [dreg:$0x0];
	s2 =	stileid.u32  }
0xd4: {  	s1 =	rddreg [dreg:$0x1];
	p0 =	sne.s32 s2, $0x0  }
0xd5: {  	s3 =	rddreg [dreg:$0x2];
	[bflag:$0x3] =	sbarrier.arrive $0xFFFF;
	s2 =	simm.s32 @!p0 $0x1C03  }
0xd6: {  	[timem:s3], [sflag:s2] =	dma.local @!p0 [hbm:s0], s1  }
0xd7: {  	s0 =	simm.s32 @!p0 $0x3  }
0xd8: {  	_ =	swait.ge @!p0 [sflag:s0], s1  }
0xd9: {  	s1 =	ssub.s32 @!p0 $0x0, s1;
	[sflag:s0] =	ssyncset.done @!p0 $0x0  }
0xda: {  	[sflag:s0] =	ssyncadd.s32 @!p0 s1  }
0xdb: {  	[bflag:$0x3] =	sbarrier.arrive $0xFFFF  }
0xdc: {  	_ =	shalt  }

// kernel: kernel.24.cloned.1.call-start
scs
__scs_entry_jumppad:
0x0: {  	(pc) =	sbr.rel $0x88, $3  }
0x1: {  	(tag) =	ssettag $0x0;
	lr =	simm.s32 $0x1  }
0x2: {  	[smem:$0x3F9B] =	sst lr;
	_ =	strace $0xD0000000  }
0x3: {  	_ = 	snop  }
0x4: {  	_ = 	snop  }
0x5: {  	_ = 	snop  }
0x6: {  	_ = 	snop  }
0x7: {  	_ = 	snop  }
__scs_overlays_trampoline_lowered:
0x8: {  	[smem:$0x3FAA] =	sst s0  }
0x9: {  	[smem:$0x3FAB] =	sst s1  }
0xa: {  	[smem:$0x3FAC] =	sst s2  }
0xb: {  	[smem:$0x3FAD] =	sst s3  }
0xc: {  	[smem:$0x3FAE] =	sst s4  }
0xd: {  	[smem:$0x3FAF] =	sst s5  }
0xe: {  	[smem:$0x3FB0] =	sst s6  }
0xf: {  	[smem:$0x3FB1] =	sst s7  }
0x10: {  	[smem:$0x3FB2] =	sst s8  }
0x11: {  	[smem:$0x3FB3] =	sst s9;
	s0 =	simm.s32 @!p0 $0x0  }
0x12: {  	s1 =	sld [smem:$0x3F99];
	s0 =	simm.s32 @p0 $0x1  }
0x13: {  	[smem:$0x3FB4] =	sst s0;
	s0 =	simm.s32 @!p1 $0x0  }
0x14: {  	s2 =	sld [smem:$0x3F98];
	s0 =	simm.s32 @p1 $0x1  }
0x15: {  	[smem:$0x3FB5] =	sst s0;
	s0 =	simm.s32 @!p2 $0x0  }
0x16: {  	s3 =	sld [smem:$0x3FDB];
	s0 =	simm.s32 @p2 $0x1  }
0x17: {  	s4 =	simm.s32 $0x1BF5;
	[smem:$0x3FB7] =	sst s0  }
0x18: {  	s0 =	sld [smem:$0x3F9A];
	_ =	swait.ge [sflag:s4], $0x0  }
0x19: {  	s7 =	sld [smem:$0x3F9B]  }
0x1a: {  	s8 =	sadd.s32 $0xFFFFE003, lr  }
0x1b: {  	s9 =	sadd.s32 $0xFFFFFEF7, lr;
	s5 =	simm.s32 $0xFFFFFFFF;
	p2 =	slt.u32 s8, $0xFFFFF086  }
0x1c: {  	p1 =	slt.u32 s9, $0xF7A;
	s5 =	simm.s32 @!p2 $0x0  }
0x1d: {  	s5 =	simm.s32 @p1 $0x1;
	p0 =	seq.s32 s7, s2  }
0x1e: {  	s7 =	smul.u32 @!p0 $0xF7A, s2;
	p2 =	seq.s32 @!p0 s5, $0x0  }
0x1f: {  	s9 =	smul.u32 $0xF7A, s1;
	s8 =	simm.s32 @!p0 $0x1BF5;
	p2 =	por !p2, p0  }
0x20: {  	[sflag:s8] =	ssyncset.s32 @!p0 $0xFFFFF086;
	s6 =	sadd.s32 @!p0 s3, s7;
	s7 =	simm.s32 @!p0 $0x108  }
0x21: {  	s3 =	sadd.s32 s3, s9;
	s6 =	sadd.s32 @!p0 $0x88, s6;
	s7 =	simm.s32 @p2 $0x1082  }
0x22: {  	[simem:s7], [sflag:s8] =	dma.local @!p0 [hbm:s6], $0xF7A  }
0x23: {  	s9 =	sor.u32 $0xD0000000, s2;
	s6 =	simm.s32 $0x108;
	_ =	swait.ge @!p0 [sflag:s8], $0x0  }
0x24: {  	s3 =	sadd.s32 $0x88, s3;
	s6 =	simm.s32 @!p1 $0x1082;
	[sflag:s4] =	ssyncset.s32 $0xFFFFF086  }
0x25: {  	[simem:s6], [sflag:s4] =	dma.local [hbm:s3], $0xF7A  }
0x26: {  	[smem:$0x3F9B] =	sst s1;
	(tag) =	ssettag s2;
	_ =	strace s9  }
0x27: {  	s1 =	sld [smem:$0x3FAB]  }
0x28: {  	s2 =	sld [smem:$0x3FAC]  }
0x29: {  	s4 =	sld [smem:$0x3FAE]  }
0x2a: {  	p0 =	seq.s32 s5, $0x0;
	s5 =	sld [smem:$0x3FAF]  }
0x2b: {  	s6 =	sld [smem:$0x3FB0]  }
0x2c: {  	s7 =	sld [smem:$0x3FB1]  }
0x2d: {  	s3 =	simm.s32 $0x108;
	s8 =	sld [smem:$0x3FB2]  }
0x2e: {  	s3 =	simm.s32 @!p0 $0x1082;
	s9 =	sld [smem:$0x3FB3]  }
0x2f: {  	lr =	sadd.s32 s0, s3;
	s0 =	sld [smem:$0x3FAA]  }
0x30: {  	s3 =	sld [smem:$0x3FAD]  }
0x31: {  	[smem:$0x3FB6] =	sst s10  }
0x32: {  	s10 =	sld [smem:$0x3FB4];
	_ =	sdelay $0x3  }
0x33: {  	p0 =	seq.s32 s10, $0x1;
	s10 =	sld [smem:$0x3FB6];
	_ =	sdelay $0x3  }
0x34: {  	[smem:$0x3FB6] =	sst s10  }
0x35: {  	s10 =	sld [smem:$0x3FB5];
	_ =	sdelay $0x3  }
0x36: {  	p1 =	seq.s32 s10, $0x1;
	s10 =	sld [smem:$0x3FB6];
	_ =	sdelay $0x3  }
0x37: {  	[smem:$0x3FB6] =	sst s10  }
0x38: {  	s10 =	sld [smem:$0x3FB7]  }
0x39: {  	_ = 	snop;
	(pc) =	sbr.ind lr, $3  }
0x3a: {  	_ = 	snop  }
0x3b: {  	_ = 	snop  }
0x3c: {  	p2 =	seq.s32 s10, $0x1;
	s10 =	sld [smem:$0x3FB6]  }
0x3d: {  	_ =	shalt  }
0x3e: {  	_ =	shalt  }
0x3f: {  	_ =	shalt  }
0x40: {  	_ =	shalt  }
0x41: {  	_ =	shalt  }
0x42: {  	_ =	shalt  }
0x43: {  	_ =	shalt  }
0x44: {  	_ =	shalt  }
0x45: {  	_ =	shalt  }
0x46: {  	_ =	shalt  }
0x47: {  	_ =	shalt  }
0x48: {  	_ =	shalt  }
0x49: {  	_ =	shalt  }
0x4a: {  	_ =	shalt  }
0x4b: {  	_ =	shalt  }
0x4c: {  	_ =	shalt  }
0x4d: {  	_ =	shalt  }
0x4e: {  	_ =	shalt  }
0x4f: {  	_ =	shalt  }
0x50: {  	_ =	shalt  }
0x51: {  	_ =	shalt  }
0x52: {  	_ =	shalt  }
0x53: {  	_ =	shalt  }
0x54: {  	_ =	shalt  }
0x55: {  	_ =	shalt  }
0x56: {  	_ =	shalt  }
0x57: {  	_ =	shalt  }
0x58: {  	_ =	shalt  }
0x59: {  	_ =	shalt  }
0x5a: {  	_ =	shalt  }
0x5b: {  	_ =	shalt  }
0x5c: {  	_ =	shalt  }
0x5d: {  	_ =	shalt  }
0x5e: {  	_ =	shalt  }
0x5f: {  	_ =	shalt  }
0x60: {  	_ =	shalt  }
0x61: {  	_ =	shalt  }
0x62: {  	_ =	shalt  }
0x63: {  	_ =	shalt  }
0x64: {  	_ =	shalt  }
0x65: {  	_ =	shalt  }
0x66: {  	_ =	shalt  }
0x67: {  	_ =	shalt  }
0x68: {  	_ =	shalt  }
0x69: {  	_ =	shalt  }
0x6a: {  	_ =	shalt  }
0x6b: {  	_ =	shalt  }
0x6c: {  	_ =	shalt  }
0x6d: {  	_ =	shalt  }
0x6e: {  	_ =	shalt  }
0x6f: {  	_ =	shalt  }
0x70: {  	_ =	shalt  }
0x71: {  	_ =	shalt  }
0x72: {  	_ =	shalt  }
0x73: {  	_ =	shalt  }
0x74: {  	_ =	shalt  }
0x75: {  	_ =	shalt  }
0x76: {  	_ =	shalt  }
0x77: {  	_ =	shalt  }
0x78: {  	_ =	shalt  }
0x79: {  	_ =	shalt  }
0x7a: {  	_ =	shalt  }
0x7b: {  	_ =	shalt  }
0x7c: {  	_ =	shalt  }
0x7d: {  	_ =	shalt  }
0x7e: {  	_ =	shalt  }
0x7f: {  	_ =	shalt  }
0x80: {  	_ =	shalt  }
0x81: {  	_ =	shalt  }
0x82: {  	_ =	shalt  }
0x83: {  	_ =	shalt  }
0x84: {  	_ =	shalt  }
0x85: {  	_ =	shalt  }
0x86: {  	_ =	shalt  }
0x87: {  	_ =	shalt  }
.Lfunc_end0:
.L_simem_size_0:
called_computation.4_lowered:
.L_overlay_start_0:
0x88: {  	s2 =	sld [smem:$0x3FD9]  }
0x89: {  	s3 =	sld [smem:$0x3FFE];
	_ =	sdelay $0x1  }
0x8a: {  	s1 =	srdreg.scid  }
0x8b: {  	s0 =	sand.u32 $0x1, s1  }
0x8c: {  	s17 =	sshll.u32 s0, $0xA;
	s2 =	sadd.s32 s3, s2  }
0x8d: {  	s2 =	sadd.s32 s2, s17  }
0x8e: {  	[smem:$0x3FC2] =	sst s2  }
0x8f: {  	_ = 	snop  }
0x90: {  	s2 =	sld [smem:$0x3FD0];
	(tm) =	ssettm $0x1  }
0x91: {  	s18 =	sld [smem:$0x3FFB];
	_ =	sdelay $0x3  }
0x92: {  	_ =	strace s18  }
0x93: {  	s3 =	sld [smem:$0x3FFC];
	_ =	sdelay $0x3  }
0x94: {  	_ =	strace s3  }
0x95: {  	s3 =	sld [smem:$0x3FFD];
	_ =	sdelay $0x3  }
0x96: {  	_ =	strace s3  }
0x97: {  	_ =	strace $0x8FFFFFFF  }
0x98: {  	s19 =	sld [smem:$0x3FDB];
	_ =	sdelay $0x1  }
0x99: {  	s4 =	simm.s32 $_scs_section_size  }
0x9a: {  	s5 =	simm.s32 $_size__tile_overlayer_lowered;
	s6 =	simm.s32 $_tile_overlayer_lowered  }
0x9b: {  	s22 =	simm.s32 $0x1BFF;
	s21 =	sshll.u32 s6, $0x1;
	s3 =	sadd.s32 s4, s19  }
0x9c: {  	s7 =	simm.s32 $0x0;
	s20 =	sshll.u32 s5, $0x1;
	s5 =	sadd.s32 s21, s3  }
0x9d: {  	[timem:s7], [sflag:s22] =	dma.local [hbm:s5], s20  }
0x9e: {  	_ =	swait.ge [sflag:s22], s20  }
0x9f: {  	s4 =	ssub.s32 $0x0, s20;
	[sflag:s22] =	ssyncset.done $0x0  }
0xa0: {  	[sflag:s22] =	ssyncadd.s32 s4;
	_ =	sdelay $0x1  }
0xa1: {  	s23 =	simm.s32 $0x1B8B  }
0xa2: {  	_ =	swait.ge [sflag:s23], $0x1  }
0xa3: {  	[sflag:s23] =	ssyncset.done $0x0  }
0xa4: {  	s25 =	simm.s32 $0x1B8E;
	s24 =	sld [smem:$0x3FFE];
	[sflag:s23] =	ssyncadd.s32 $0xFFFFFFFF  }
0xa5: {  	s26 =	simm.s32 $execute0_lowered;
	[smem:$0x3FD2] =	sst s25  }
0xa6: {  	s5 =	sshll.u32 s26, $0x1;
	_ =	strace $0x80000052;
	[dreg:$0x1] =	wrdreg $0xFFFFFFFF  }
0xa7: {  	s28 =	simm.s32 $_size_execute0_lowered;
	s3 =	sadd.s32 s3, s5;
	[dreg:$0x0] =	wrdreg $0x0  }
0xa8: {  	s5 =	sshll.u32 s28, $0x1;
	[dreg:$0x2] =	wrdreg s3  }
0xa9: {  	[dreg:$0x3] =	wrdreg s5  }
0xaa: {  	[dreg:$0x4] =	wrdreg $0xC0  }
0xab: {  	_ =	task [dreg:s7], $0x5FFFF  }
0xac: {  	[dreg:$0x1] =	wrdreg $0xFFFFFFFF  }
0xad: {  	[dreg:$0x0] =	wrdreg $0x60  }
0xae: {  	[dreg:$0x2] =	wrdreg s2  }
0xaf: {  	[dreg:$0x3] =	wrdreg s24  }
0xb0: {  	[dreg:$0x4] =	wrdreg $0xA8000  }
0xb1: {  	[dreg:$0x5] =	wrdreg $0x9  }
0xb2: {  	_ =	task.clear_ibuf [dreg:s7], $0x6FFFF;
	_ =	strace $0x90000052  }
0xb3: {  	s29 =	simm.s32 $0x9;
	_ =	strace $0x80000054  }
0xb4: {  	_ =	swait.ge [sflag:s29], $0x1  }
0xb5: {  	[sflag:s29] =	ssyncadd.s32 $0xFFFFFFFF  }
0xb6: {  	_ =	strace $0x90000054  }
0xb7: {  	_ =	sfence  }
0xb8: {  	s30 =	sld [smem:$0x0];
	_ =	sdelay $0x2  }
0xb9: {  	s31 =	sshll.u32 s1, $0xD;
	s1 =	sshrl.u32 s1, $0x2  }
0xba: {  	s3 =	sand.u32 $0x4000, s31;
	s1 =	sadd.s32 s1, s30  }
0xbb: {  	s0 =	sor.u32 s3, s0;
	s1 =	sshll.u32 s1, $0x11  }
0xbc: {  	s0 =	sor.u32 s1, s0  }
0xbd: {  	s0 =	sadd.s32 $0x8F2B, s0  }
0xbe: {  	[sflag:s0] =	ssyncadd.remote.s32 $0x1  }
0xbf: {  	_ =	sfence.sel $0xFFFF  }
0xc0: {  	[dreg:$0x0] =	wrdreg $0xFFFFFFFF;
	(pc) =	sbr.abs _section_cstart, $3  }
0xc1: {  	[dreg:$0x1] =	wrdreg $0xFFFFFFFF  }
0xc2: {  	_ =	task.clear_ibuf [dreg:s7], $0x2FFFF;
	_ =	strace $0x9FFFFFFF  }
0xc3: {  	(tm) =	ssettm $0x7FFFFFFF  }
tec
execute0_lowered:
.L_overlay_start_1:
0x0: {  	(tag) =	ssettag $0x1  }
0x1: {  	s1 =	rddreg [dreg:$0x0]  }
0x2: {  	s0 =	srdreg.scid;
	s6 =	rddreg [dreg:$0x1]  }
0x3: {  	s2 =	stileid.u32;
	s3 =	rddreg [dreg:$0x2]  }
0x4: {  	s4 =	simm.s32 $0x0;
	s17 =	simm.s32 $0x3;
	s18 =	simm.s32 $0x1400  }
0x5: {  	s19 =	simm.s32 $0x80;
	s20 =	simm.s32 $0x2800;
	s8 =	smul.u32 $0x2800, s2  }
0x6: {  	s21 =	simm.s32 $0x6800;
	s22 =	simm.s32 $0x1;
	s9 =	smul.u32 $0x280, s2  }
0x7: {  	s23 =	simm.s32 $0x2;
	s7 =	sand.u32 $0x1, s0;
	s29 =	smul.u32 $0x50000, s2  }
0x8: {  	s24 =	simm.s32 $0x1380;
	s28 =	simm.s32 $0x0;
	s5 =	smul.u32 $0x28000, s7  }
0x9: {  	[smem:$0x7FF] =	sst s4;
	p0 =	seq.s32 s2, $0xF;
	s10 =	smul.u32 $0x2710, s7  }
0xa: {  	_ =	strace $0x80000053;
	s7 =	ssub.s32 $0x2, s7;
	s25 =	sshrl.u32 s8, $0x3  }
0xb: {  	s30 =	sshrl.u32 s7, $0x1;
	s31 =	sshrl.u32 s29, $0x2;
	s5 =	sadd.s32 s8, s5  }
0xc: {  	s14 =	sadd.s32 s25, s6;
	s26 =	sadd.s32 s9, s10;
	s16 =	ssub.s32 s7, s30  }
0xd: {  	s7 =	sadd.s32 s31, s3;
	s25 =	simm.s32 $0x2700;
	s5 =	sshrl.u32 s5, $0x3  }
0xe: {  	s8 =	sshll.u32 s26, $0x4;
	s9 =	sadd.s32 $0x4000, s7;
	s10 =	sadd.s32 $0x8000, s7  }
0xf: {  	s11 =	sadd.s32 $0xC000, s7;
	s12 =	sadd.s32 $0x10000, s7;
	s16 =	smax.u32 s16, $0x1  }
0x10: {  	s26 =	simm.s32 $0x2780;
	s13 =	sadd.s32 s5, s6;
	s5 =	sadd.s32 $0x7E00, s6  }
0x11: {  	s15 =	sadd.s32 s8, s6;
	s8 =	sadd.s32 $0x8E00, s14;
	s14 =	sadd.s32 $0x9080, s14  }
0x12: {  	s6 =	sadd.s32 $0xDE00, s13;
	s13 =	sadd.s32 $0xE080, s13;
	s15 =	sadd.s32 $0x66000, s15  }
.LBB2_1:
0x13: {  	[tilespmem:s4], [sflag:$0x3] =	stream.linear.gather [hbm4b:s6+s4], $0x1400, $0x38;
	[tilespmem:$0x1E800] =	vst v63  }
0x14: {  	_ =	swait.ge [sflag:s17], $0x1400  }
0x15: {  	[sflag:s17] =	ssyncset.done $0x0  }
0x16: {  	[sflag:s17] =	ssyncadd.s32 $0xFFFFEC00  }
0x17: {  	[tilespmem:s18], [sflag:$0x3] =	stream.linear.gather [hbm4b:s8+s4], $0x1400, $0x38;
	[tilespmem:$0x1E800] =	vst v63  }
0x18: {  	_ =	swait.ge [sflag:s17], $0x1400  }
0x19: {  	[sflag:s17] =	ssyncset.done $0x0  }
0x1a: {  	[sflag:s17] =	ssyncadd.s32 $0xFFFFEC00  }
0x1b: {  	[tilespmem:s20], [sflag:$0x1] =	stream.indirect.gather [hbm4b:s1+s19], $0x80, s4, s19, $0xb8;
	[tilespmem:$0x1E800] =	vst v63  }
0x1c: {  	_ = 	snop  }
0x1d: {  	[tilespmem:s21], [sflag:$0x3] =	stream.linear.gather [hbm4b:s5+s4], $0x4000, $0x38;
	[tilespmem:$0x1E800] =	vst v63  }
0x1e: {  	_ =	swait.ge [sflag:s17], $0x4000  }
0x1f: {  	[sflag:s17] =	ssyncset.done $0x0  }
0x20: {  	[sflag:s17] =	ssyncadd.s32 $0xFFFFC000  }
0x21: {  	[spmem:s7] =	stream.linear.scatter [tilespmem:s21], [sflag:$0x3], $0x4000, $0x38;
	[tilespmem:$0x1E800] =	vst v63  }
0x22: {  	_ =	swait.ge [sflag:s17], $0x4000  }
0x23: {  	[sflag:s17] =	ssyncset.done $0x0  }
0x24: {  	[sflag:s17] =	ssyncadd.s32 $0xFFFFC000  }
0x25: {  	[spmem:s9] =	stream.linear.scatter [tilespmem:s21], [sflag:$0x3], $0x4000, $0x38;
	[tilespmem:$0x1E800] =	vst v63  }
0x26: {  	_ =	swait.ge [sflag:s17], $0x4000  }
0x27: {  	[sflag:s17] =	ssyncset.done $0x0  }
0x28: {  	[sflag:s17] =	ssyncadd.s32 $0xFFFFC000  }
0x29: {  	[spmem:s10] =	stream.linear.scatter [tilespmem:s21], [sflag:$0x3], $0x4000, $0x38;
	[tilespmem:$0x1E800] =	vst v63  }
0x2a: {  	_ =	swait.ge [sflag:s17], $0x4000  }
0x2b: {  	[sflag:s17] =	ssyncset.done $0x0  }
0x2c: {  	[sflag:s17] =	ssyncadd.s32 $0xFFFFC000  }
0x2d: {  	[spmem:s11] =	stream.linear.scatter [tilespmem:s21], [sflag:$0x3], $0x4000, $0x38;
	[tilespmem:$0x1E800] =	vst v63  }
0x2e: {  	_ =	swait.ge [sflag:s17], $0x4000  }
0x2f: {  	[sflag:s17] =	ssyncset.done $0x0  }
0x30: {  	[sflag:s17] =	ssyncadd.s32 $0xFFFFC000  }
0x31: {  	[spmem:s12] =	stream.linear.scatter [tilespmem:s21], [sflag:$0x3], $0x4000, $0x38;
	[tilespmem:$0x1E800] =	vst v63  }
0x32: {  	_ =	swait.ge [sflag:s17], $0x4000  }
0x33: {  	[sflag:s17] =	ssyncset.done $0x0  }
0x34: {  	[sflag:s17] =	ssyncadd.s32 $0xFFFFC000  }
0x35: {  	s29 =	simm.s32 $0x80;
	[bflag:$0x0] =	sbarrier.arrive $0xFFFF  }
0x36: {  	[tilespmem:s21], [sflag:$0x2] =	stream.indirect.gather [hbm4b:s1+s19], $0x80, s29, s19, $0xb8;
	[tilespmem:$0x1E800] =	vst v63  }
0x37: {  	_ =	swait.ge [sflag:s22], $0x4000  }
0x38: {  	[sflag:s22] =	ssyncset.done $0x0  }
0x39: {  	s29 =	simm.s32 $0x1400;
	[sflag:s22] =	ssyncadd.s32 $0xFFFFC000  }
0x3a: {  	[spmem:s3] =	stream.indirect.scatter.add.f32 [tilespmem:s20], [sflag:$0x3], $0x80, s29, s19, $0xb8;
	[tilespmem:$0x1E800] =	vst v63  }
0x3b: {  	_ =	swait.ge [sflag:s17], $0x4000  }
0x3c: {  	[sflag:s17] =	ssyncset.done $0x0  }
0x3d: {  	s29 =	simm.s32 $0x100;
	[sflag:s17] =	ssyncadd.s32 $0xFFFFC000  }
0x3e: {  	[tilespmem:s20], [sflag:$0x1] =	stream.indirect.gather [hbm4b:s1+s19], $0x80, s29, s19, $0xb8;
	[tilespmem:$0x1E800] =	vst v63  }
0x3f: {  	_ =	swait.ge [sflag:s23], $0x4000  }
0x40: {  	[sflag:s23] =	ssyncset.done $0x0  }
0x41: {  	s29 =	simm.s32 $0x1480;
	[sflag:s23] =	ssyncadd.s32 $0xFFFFC000  }
0x42: {  	[spmem:s3] =	stream.indirect.scatter.add.f32 [tilespmem:s21], [sflag:$0x3], $0x80, s29, s19, $0xb8;
	[tilespmem:$0x1E800] =	vst v63  }
0x43: {  	_ =	swait.ge [sflag:s17], $0x4000  }
0x44: {  	s30 =	simm.s32 $0x800;
	s29 =	simm.s32 $0x100;
	[sflag:s17] =	ssyncset.done $0x0  }
.LBB2_2:
0x45: {  	s31 =	sadd.s32 $0x80, s29  }
0x46: {  	[sflag:s17] =	ssyncadd.s32 $0xFFFFC000;
	s2 =	smov.u32 s30;
	s0 =	sadd.s32 $0x400, s30  }
0x47: {  	[tilespmem:s21], [sflag:$0x2] =	stream.indirect.gather [hbm4b:s1+s19], $0x80, s31, s19, $0xb8;
	[tilespmem:$0x1E800] =	vst v63  }
0x48: {  	p1 =	sne.s32 s30, $0x4800;
	_ =	swait.ge [sflag:s22], $0x4000  }
0x49: {  	[sflag:s22] =	ssyncset.done $0x0  }
0x4a: {  	s30 =	sadd.s32 $0x1400, s29;
	[sflag:s22] =	ssyncadd.s32 $0xFFFFC000  }
0x4b: {  	[spmem:s3] =	stream.indirect.scatter.add.f32 [tilespmem:s20], [sflag:$0x3], $0x80, s30, s19, $0xb8;
	[tilespmem:$0x1E800] =	vst v63  }
0x4c: {  	_ =	swait.ge [sflag:s17], $0x4000  }
0x4d: {  	[sflag:s17] =	ssyncset.done $0x0  }
0x4e: {  	s30 =	sadd.s32 $0x100, s29;
	[sflag:s17] =	ssyncadd.s32 $0xFFFFC000  }
0x4f: {  	[tilespmem:s20], [sflag:$0x1] =	stream.indirect.gather [hbm4b:s1+s19], $0x80, s30, s19, $0xb8;
	[tilespmem:$0x1E800] =	vst v63  }
0x50: {  	_ =	swait.ge [sflag:s23], $0x4000  }
.Ltmp0:
0x51: {  	[sflag:s23] =	ssyncset.done $0x0;
	(pc) =	sbr.rel @p1 .LBB2_2-.Ltmp0, $4  }
0x52: {  	s29 =	sadd.s32 $0x1480, s29;
	[sflag:s23] =	ssyncadd.s32 $0xFFFFC000  }
0x53: {  	[spmem:s3] =	stream.indirect.scatter.add.f32 [tilespmem:s21], [sflag:$0x3], $0x80, s29, s19, $0xb8;
	[tilespmem:$0x1E800] =	vst v63  }
0x54: {  	_ =	swait.ge [sflag:s17], $0x4000  }
0x55: {  	s30 =	smov.u32 s0;
	s29 =	sshra.s32 s2, $0x2;
	[sflag:s17] =	ssyncset.done $0x0  }
0x56: {  	s0 =	sadd.s32 $0x80, s29;
	[sflag:s17] =	ssyncadd.s32 $0xFFFFC000  }
0x57: {  	[tilespmem:s21], [sflag:$0x2] =	stream.indirect.gather [hbm4b:s1+s19], $0x80, s0, s19, $0xb8;
	[tilespmem:$0x1E800] =	vst v63  }
0x58: {  	_ =	swait.ge [sflag:s22], $0x4000  }
0x59: {  	[sflag:s22] =	ssyncset.done $0x0  }
0x5a: {  	s2 =	sadd.s32 $0x1400, s29;
	[sflag:s22] =	ssyncadd.s32 $0xFFFFC000  }
0x5b: {  	[spmem:s3] =	stream.indirect.scatter.add.f32 [tilespmem:s20], [sflag:$0x3], $0x80, s2, s19, $0xb8;
	[tilespmem:$0x1E800] =	vst v63  }
0x5c: {  	_ =	swait.ge [sflag:s17], $0x4000  }
0x5d: {  	[sflag:s17] =	ssyncset.done $0x0  }
0x5e: {  	s31 =	sadd.s32 $0x100, s29;
	[sflag:s17] =	ssyncadd.s32 $0xFFFFC000  }
0x5f: {  	[tilespmem:s20], [sflag:$0x1] =	stream.indirect.gather [hbm4b:s1+s19], $0x80, s31, s19, $0xb8;
	[tilespmem:$0x1E800] =	vst v63  }
0x60: {  	_ =	swait.ge [sflag:s23], $0x4000  }
0x61: {  	[sflag:s23] =	ssyncset.done $0x0  }
0x62: {  	s2 =	sadd.s32 $0x1480, s29;
	[sflag:s23] =	ssyncadd.s32 $0xFFFFC000  }
0x63: {  	[spmem:s3] =	stream.indirect.scatter.add.f32 [tilespmem:s21], [sflag:$0x3], $0x80, s2, s19, $0xb8;
	[tilespmem:$0x1E800] =	vst v63  }
0x64: {  	_ =	swait.ge [sflag:s17], $0x4000  }
0x65: {  	[sflag:s17] =	ssyncset.done $0x0  }
0x66: {  	[sflag:s17] =	ssyncadd.s32 $0xFFFFC000  }
0x67: {  	[tilespmem:s21], [sflag:$0x2] =	stream.indirect.gather [hbm4b:s1+s19], $0x80, s24, s19, $0xb8;
	[tilespmem:$0x1E800] =	vst v63  }
0x68: {  	_ =	swait.ge [sflag:s22], $0x4000  }
0x69: {  	[sflag:s22] =	ssyncset.done $0x0  }
0x6a: {  	[sflag:s22] =	ssyncadd.s32 $0xFFFFC000  }
0x6b: {  	[spmem:s3] =	stream.indirect.scatter.add.f32 [tilespmem:s20], [sflag:$0x3], $0x80, s25, s19, $0xb8;
	[tilespmem:$0x1E800] =	vst v63  }
0x6c: {  	_ =	swait.ge [sflag:s17], $0x4000  }
0x6d: {  	[sflag:s17] =	ssyncset.done $0x0  }
0x6e: {  	[sflag:s17] =	ssyncadd.s32 $0xFFFFC000  }
0x6f: {  	_ =	swait.ge [sflag:s23], $0x4000  }
0x70: {  	[sflag:s23] =	ssyncset.done $0x0  }
0x71: {  	[sflag:s23] =	ssyncadd.s32 $0xFFFFC000  }
0x72: {  	[spmem:s3] =	stream.indirect.scatter.add.f32 [tilespmem:s21], [sflag:$0x3], $0x80, s26, s19, $0xb8;
	[tilespmem:$0x1E800] =	vst v63  }
0x73: {  	_ =	swait.ge [sflag:s17], $0x4000  }
0x74: {  	[sflag:s17] =	ssyncset.done $0x0  }
0x75: {  	s31 =	simm.s32 $0x0;
	[sflag:s17] =	ssyncadd.s32 $0xFFFFC000  }
0x76: {  	[tilespmem:s31], [sflag:$0x3] =	stream.linear.gather [hbm4b:s13+s31], $0x1400, $0x38;
	[tilespmem:$0x1E800] =	vst v63  }
0x77: {  	_ =	swait.ge [sflag:s17], $0x1400  }
0x78: {  	[sflag:s17] =	ssyncset.done $0x0  }
0x79: {  	[sflag:s17] =	ssyncadd.s32 $0xFFFFEC00  }
0x7a: {  	[tilespmem:s18], [sflag:$0x3] =	stream.linear.gather [hbm4b:s14+s31], $0x1400, $0x38;
	[tilespmem:$0x1E800] =	vst v63  }
0x7b: {  	_ =	swait.ge [sflag:s17], $0x1400  }
0x7c: {  	[sflag:s17] =	ssyncset.done $0x0  }
0x7d: {  	[sflag:s17] =	ssyncadd.s32 $0xFFFFEC00  }
0x7e: {  	[tilespmem:s20], [sflag:$0x1] =	stream.indirect.gather [hbm4b:s1+s19], $0x80, s31, s19, $0xb8;
	[tilespmem:$0x1E800] =	vst v63  }
0x7f: {  	s2 =	simm.s32 $0x80  }
0x80: {  	[tilespmem:s21], [sflag:$0x2] =	stream.indirect.gather [hbm4b:s1+s19], $0x80, s2, s19, $0xb8;
	[tilespmem:$0x1E800] =	vst v63  }
0x81: {  	_ =	swait.ge [sflag:s22], $0x4000  }
0x82: {  	[sflag:s22] =	ssyncset.done $0x0  }
0x83: {  	s31 =	simm.s32 $0x1400;
	[sflag:s22] =	ssyncadd.s32 $0xFFFFC000  }
0x84: {  	[spmem:s3] =	stream.indirect.scatter.add.f32 [tilespmem:s20], [sflag:$0x3], $0x80, s31, s19, $0xb8;
	[tilespmem:$0x1E800] =	vst v63  }
0x85: {  	_ =	swait.ge [sflag:s17], $0x4000  }
0x86: {  	[sflag:s17] =	ssyncset.done $0x0  }
0x87: {  	s2 =	simm.s32 $0x100;
	[sflag:s17] =	ssyncadd.s32 $0xFFFFC000  }
0x88: {  	[tilespmem:s20], [sflag:$0x1] =	stream.indirect.gather [hbm4b:s1+s19], $0x80, s2, s19, $0xb8;
	[tilespmem:$0x1E800] =	vst v63  }
0x89: {  	_ =	swait.ge [sflag:s23], $0x4000  }
0x8a: {  	[sflag:s23] =	ssyncset.done $0x0  }
0x8b: {  	s31 =	simm.s32 $0x1480;
	[sflag:s23] =	ssyncadd.s32 $0xFFFFC000  }
0x8c: {  	[spmem:s3] =	stream.indirect.scatter.add.f32 [tilespmem:s21], [sflag:$0x3], $0x80, s31, s19, $0xb8;
	[tilespmem:$0x1E800] =	vst v63  }
0x8d: {  	_ =	swait.ge [sflag:s17], $0x4000  }
0x8e: {  	s30 =	simm.s32 $0x800;
	s29 =	simm.s32 $0x100;
	[sflag:s17] =	ssyncset.done $0x0  }
.LBB2_4:
0x8f: {  	s0 =	sadd.s32 $0x80, s29  }
0x90: {  	[sflag:s17] =	ssyncadd.s32 $0xFFFFC000;
	s2 =	smov.u32 s30;
	s31 =	sadd.s32 $0x400, s30  }
0x91: {  	[tilespmem:s21], [sflag:$0x2] =	stream.indirect.gather [hbm4b:s1+s19], $0x80, s0, s19, $0xb8;
	[tilespmem:$0x1E800] =	vst v63  }
0x92: {  	p1 =	sne.s32 s30, $0x4800;
	_ =	swait.ge [sflag:s22], $0x4000  }
0x93: {  	[sflag:s22] =	ssyncset.done $0x0  }
0x94: {  	s0 =	sadd.s32 $0x1400, s29;
	[sflag:s22] =	ssyncadd.s32 $0xFFFFC000  }
0x95: {  	[spmem:s3] =	stream.indirect.scatter.add.f32 [tilespmem:s20], [sflag:$0x3], $0x80, s0, s19, $0xb8;
	[tilespmem:$0x1E800] =	vst v63  }
0x96: {  	_ =	swait.ge [sflag:s17], $0x4000  }
0x97: {  	[sflag:s17] =	ssyncset.done $0x0  }
0x98: {  	s0 =	sadd.s32 $0x100, s29;
	[sflag:s17] =	ssyncadd.s32 $0xFFFFC000  }
0x99: {  	[tilespmem:s20], [sflag:$0x1] =	stream.indirect.gather [hbm4b:s1+s19], $0x80, s0, s19, $0xb8;
	[tilespmem:$0x1E800] =	vst v63  }
0x9a: {  	_ =	swait.ge [sflag:s23], $0x4000  }
.Ltmp1:
0x9b: {  	[sflag:s23] =	ssyncset.done $0x0;
	(pc) =	sbr.rel @p1 .LBB2_4-.Ltmp1, $4  }
0x9c: {  	s0 =	sadd.s32 $0x1480, s29;
	[sflag:s23] =	ssyncadd.s32 $0xFFFFC000  }
0x9d: {  	[spmem:s3] =	stream.indirect.scatter.add.f32 [tilespmem:s21], [sflag:$0x3], $0x80, s0, s19, $0xb8;
	[tilespmem:$0x1E800] =	vst v63  }
0x9e: {  	_ =	swait.ge [sflag:s17], $0x4000  }
0x9f: {  	s30 =	smov.u32 s31;
	s29 =	sshra.s32 s2, $0x2;
	[sflag:s17] =	ssyncset.done $0x0  }
0xa0: {  	s0 =	sadd.s32 $0x80, s29;
	[sflag:s17] =	ssyncadd.s32 $0xFFFFC000  }
0xa1: {  	[tilespmem:s21], [sflag:$0x2] =	stream.indirect.gather [hbm4b:s1+s19], $0x80, s0, s19, $0xb8;
	[tilespmem:$0x1E800] =	vst v63  }
0xa2: {  	_ =	swait.ge [sflag:s22], $0x4000  }
0xa3: {  	[sflag:s22] =	ssyncset.done $0x0  }
0xa4: {  	s2 =	sadd.s32 $0x1400, s29;
	[sflag:s22] =	ssyncadd.s32 $0xFFFFC000  }
0xa5: {  	[spmem:s3] =	stream.indirect.scatter.add.f32 [tilespmem:s20], [sflag:$0x3], $0x80, s2, s19, $0xb8;
	[tilespmem:$0x1E800] =	vst v63  }
0xa6: {  	_ =	swait.ge [sflag:s17], $0x4000  }
0xa7: {  	[sflag:s17] =	ssyncset.done $0x0  }
0xa8: {  	s30 =	sadd.s32 $0x100, s29;
	[sflag:s17] =	ssyncadd.s32 $0xFFFFC000  }
0xa9: {  	[tilespmem:s20], [sflag:$0x1] =	stream.indirect.gather [hbm4b:s1+s19], $0x80, s30, s19, $0xb8;
	[tilespmem:$0x1E800] =	vst v63  }
0xaa: {  	_ =	swait.ge [sflag:s23], $0x4000  }
0xab: {  	[sflag:s23] =	ssyncset.done $0x0  }
0xac: {  	s31 =	sadd.s32 $0x1480, s29;
	[sflag:s23] =	ssyncadd.s32 $0xFFFFC000  }
0xad: {  	[spmem:s3] =	stream.indirect.scatter.add.f32 [tilespmem:s21], [sflag:$0x3], $0x80, s31, s19, $0xb8;
	[tilespmem:$0x1E800] =	vst v63  }
0xae: {  	_ =	swait.ge [sflag:s17], $0x4000  }
0xaf: {  	[sflag:s17] =	ssyncset.done $0x0  }
0xb0: {  	[sflag:s17] =	ssyncadd.s32 $0xFFFFC000  }
0xb1: {  	[tilespmem:s21], [sflag:$0x2] =	stream.indirect.gather [hbm4b:s1+s19], $0x80, s24, s19, $0xb8;
	[tilespmem:$0x1E800] =	vst v63  }
0xb2: {  	_ =	swait.ge [sflag:s22], $0x4000  }
0xb3: {  	[sflag:s22] =	ssyncset.done $0x0  }
0xb4: {  	[sflag:s22] =	ssyncadd.s32 $0xFFFFC000  }
0xb5: {  	[spmem:s3] =	stream.indirect.scatter.add.f32 [tilespmem:s20], [sflag:$0x3], $0x80, s25, s19, $0xb8;
	[tilespmem:$0x1E800] =	vst v63  }
0xb6: {  	_ =	swait.ge [sflag:s17], $0x4000  }
0xb7: {  	[sflag:s17] =	ssyncset.done $0x0  }
0xb8: {  	[sflag:s17] =	ssyncadd.s32 $0xFFFFC000  }
0xb9: {  	_ =	swait.ge [sflag:s23], $0x4000  }
0xba: {  	[sflag:s23] =	ssyncset.done $0x0  }
0xbb: {  	[sflag:s23] =	ssyncadd.s32 $0xFFFFC000  }
0xbc: {  	[spmem:s3] =	stream.indirect.scatter.add.f32 [tilespmem:s21], [sflag:$0x3], $0x80, s26, s19, $0xb8;
	[tilespmem:$0x1E800] =	vst v63  }
0xbd: {  	_ =	swait.ge [sflag:s17], $0x4000  }
0xbe: {  	[sflag:s17] =	ssyncset.done $0x0  }
0xbf: {  	[sflag:s17] =	ssyncadd.s32 $0xFFFFC000  }
0xc0: {  	s0 =	sshrl.u32 @p0 s7, $0x3;
	s2 =	simm.s32 @p0 $0x1FC3;
	[bflag:$0x0] =	sbarrier.arrive $0xFFFF  }
0xc1: {  	[hbm:s15], [sflag:s2] =	dma.local @p0 [spmem:s0], $0x1900  }
0xc2: {  	s0 =	simm.s32 @p0 $0x3  }
0xc3: {  	s28 =	sadd.s32 $0x1, s28;
	s2 =	stileid.u32;
	_ =	swait.ge @p0 [sflag:s0], $0x1900  }
0xc4: {  	p1 =	sne.s32 s28, s16;
	s2 =	sshll.u32 @!p0 s2, $0x6;
	[sflag:s0] =	ssyncset.done @p0 $0x0  }
0xc5: {  	[sflag:s0] =	ssyncadd.s32 @p0 $0xFFFFE700;
	s0 =	sor.u32 @!p0 $0x1C03, s2;
	s2 =	sshrl.u32 @!p0 s7, $0x3  }
0xc6: {  	[hbm:s15], [sflag:s0] =	dma.local @!p0 [spmem:s2], $0x2800  }
.Ltmp2:
0xc7: {  	_ = 	snop;
	(pc) =	sbr.rel @p1 .LBB2_1-.Ltmp2, $4  }
0xc8: {  	s0 =	simm.s32 @!p0 $0x3  }
0xc9: {  	_ =	swait.ge @!p0 [sflag:s0], $0x2800  }
0xca: {  	[sflag:s0] =	ssyncset.done @!p0 $0x0  }
0xcb: {  	[sflag:s0] =	ssyncadd.s32 @!p0 $0xFFFFD800  }
0xcc: {  	_ =	sfence.sel $0x180000  }
0xcd: {  	[bflag:$0x0] =	sbarrier.arrive $0xFFFF  }
0xce: {  	_ =	strace $0x90000053  }
0xcf: {  	s0 =	stileid.u32;
	[bflag:$0x2] =	sbarrier.arrive $0xFFFF  }
0xd0: {  	p0 =	sne.s32 s0, $0x0;
	s0 =	rddreg [dreg:$0x3]  }
0xd1: {  	s0 =	sadd.s32 @!p0 $0x100000, s0  }
0xd2: {  	[sflag:s0] =	ssyncadd.tile.s32 @!p0 $0x1;
	_ =	shalt  }
.Lfunc_end2:
_tile_overlayer_lowered:
.L_overlay_start_2:
0xd3: {  	(tag) =	ssettag $0x2  }
0xd4: {  	s0 =	rddreg [dreg:$0x0];
	s2 =	stileid.u32  }
0xd5: {  	s1 =	rddreg [dreg:$0x1];
	p0 =	sne.s32 s2, $0x0  }
0xd6: {  	s3 =	rddreg [dreg:$0x2];
	[bflag:$0x3] =	sbarrier.arrive $0xFFFF;
	s2 =	simm.s32 @!p0 $0x1C03  }
0xd7: {  	[timem:s3], [sflag:s2] =	dma.local @!p0 [hbm:s0], s1  }
0xd8: {  	s0 =	simm.s32 @!p0 $0x3  }
0xd9: {  	_ =	swait.ge @!p0 [sflag:s0], s1  }
0xda: {  	s1 =	ssub.s32 @!p0 $0x0, s1;
	[sflag:s0] =	ssyncset.done @!p0 $0x0  }
0xdb: {  	[sflag:s0] =	ssyncadd.s32 @!p0 s1  }
0xdc: {  	[bflag:$0x3] =	sbarrier.arrive $0xFFFF  }
0xdd: {  	_ =	shalt  }

</sc_bundles>
